<compile_context>
chip_gen: v7x
topology: tpu7x:2x2x1
jax: 0.10.2.dev20260603
libtpu: 0.0.44.dev20260713+nightly
codegen_flags: <defaults>
</compile_context>

<pallas_src>
import functools

import jax
import jax.numpy as jnp
from jax import lax
from jax.experimental import pallas as pl
from jax.experimental.pallas import tpu as pltpu
from jax.experimental.pallas import tpu_sc as plsc

_NC = 2
_NS = 16
_NW = _NC * _NS
_L = 16


def _make_rowgather(R, V, B, rows_per_w, chunk, unroll):
    n_chunks = B // chunk
    mesh = plsc.VectorSubcoreMesh(core_axis_name="c", subcore_axis_name="s")

    @functools.partial(
        pl.kernel,
        mesh=mesh,
        compiler_params=pltpu.CompilerParams(
            use_tc_tiling_on_sc=True, needs_layout_passes=False),
        out_type=jax.ShapeDtypeStruct((R, B), jnp.float32),
        scratch_types=[
            pltpu.VMEM((V,), jnp.float32),
            pltpu.VMEM((B,), jnp.int32),
            pltpu.VMEM((chunk,), jnp.float32),
            pltpu.VMEM((chunk,), jnp.float32),
            pltpu.SemaphoreType.DMA,
            pltpu.SemaphoreType.DMA,
            pltpu.SemaphoreType.DMA,
            pltpu.SemaphoreType.DMA,
        ],
    )
    def rowgather_kernel(table_hbm, idx_hbm, out_hbm,
                         row_v, idx_v, res_a, res_b, sem_row, sem_idx,
                         sem_oa, sem_ob):
        wid = lax.axis_index("s") * _NC + lax.axis_index("c")
        base = wid * rows_per_w
        res_bufs = (res_a, res_b)
        out_sems = (sem_oa, sem_ob)
        pending = [None, None]

        for t in range(rows_per_w):
            j = base + t
            f = lax.shift_right_logical(j, 4)
            row_cp = pltpu.async_copy(table_hbm.at[j], row_v, sem_row)
            if t == 0:
                pltpu.async_copy(idx_hbm.at[f], idx_v, sem_idx).wait()
            else:
                f_prev = lax.shift_right_logical(j - 1, 4)

                @pl.when(f != f_prev)
                def _():
                    pltpu.async_copy(idx_hbm.at[f], idx_v, sem_idx).wait()

            row_cp.wait()

            for c in range(n_chunks):
                b = (t * n_chunks + c) & 1
                res_v = res_bufs[b]
                if pending[b] is not None:
                    pending[b].wait()

                @plsc.parallel_loop(0, chunk // _L, unroll=unroll)
                def _(g, _c=c, _res=res_v):
                    s = pl.ds(g * _L, _L)
                    si = pl.ds(_c * chunk + g * _L, _L)
                    _res[s] = plsc.load_gather(row_v, [idx_v[si]])

                pending[b] = pltpu.async_copy(
                    res_v, out_hbm.at[j, pl.ds(c * chunk, chunk)], out_sems[b])

        for pcp in pending:
            if pcp is not None:
                pcp.wait()

    return rowgather_kernel


def kernel(category_inputs, tables):
    B, F = category_inputs.shape
    _, V, D = tables.shape
    R = F * D

    table_rows = tables.transpose(0, 2, 1).reshape(R, V)
    idx_t = category_inputs.T

    out_t = _make_rowgather(R, V, B, R // _NW, 4096, 8)(table_rows, idx_t)
    return out_t.T

# --- scband reference (transcript-rebuilt; emitter-appended) ---
"""Pipeline reference for scband-feature-extractor-15255723835556 (READ-ONLY COPY).

The authoritative reference and input builder live on the scoring server;
editing this copy changes nothing except your own understanding.
"""

import jax, jax.numpy as jnp
import numpy as np

NUM_FIELDS = 26
VOCAB = 100000
DIM = 16
BATCH = 16384


def setup_inputs(seed: int = 0) -> dict:
    key = jax.random.key(seed)
    k_idx, k_tab = jax.random.split(key)
    category_inputs = jax.random.randint(k_idx, (BATCH, NUM_FIELDS), 0, VOCAB, dtype=jnp.int32)
    # 26 embedding tables, all (VOCAB, DIM); stacked into one array of shape (NUM_FIELDS, VOCAB, DIM)
    tables = jax.random.normal(k_tab, (NUM_FIELDS, VOCAB, DIM), dtype=jnp.float32) * 0.02
    return {"category_inputs": category_inputs, "tables": tables}


def reference(category_inputs, tables):
    # Faithful translation: per-field embedding lookup, then concat along feature dim
    h = [jnp.take(tables[i], category_inputs[:, i], axis=0) for i in range(NUM_FIELDS)]
    h = jnp.concatenate(h, axis=1)
    return h

if __name__ == "__main__":
    import jax
    _d = setup_inputs()
    print(jax.jit(kernel)(*tuple(_d.values())))

</pallas_src>

<mosaic_0001>
#map = affine_map<(d0, d1) -> (0, 0)>
module attributes {stable_mosaic.version = 14 : i64} {
  func.func @rowgather_kernel(%arg0: i32, %arg1: i32, %arg2: memref<416x100000xf32, #tpu.memory_space<hbm>>, %arg3: memref<26x16384xi32, #tpu.memory_space<hbm>>, %arg4: memref<416x16384xf32, #tpu.memory_space<hbm>>, %arg5: memref<100000xf32, #tpu.memory_space<vmem>>, %arg6: memref<16384xi32, #tpu.memory_space<vmem>>, %arg7: memref<4096xf32, #tpu.memory_space<vmem>>, %arg8: memref<4096xf32, #tpu.memory_space<vmem>>, %arg9: memref<!tpu.dma_semaphore, #tpu.memory_space<semaphore_mem>>, %arg10: memref<!tpu.dma_semaphore, #tpu.memory_space<semaphore_mem>>, %arg11: memref<!tpu.dma_semaphore, #tpu.memory_space<semaphore_mem>>, %arg12: memref<!tpu.dma_semaphore, #tpu.memory_space<semaphore_mem>>) attributes {dimension_semantics = [#tpu.dimension_semantics<core_parallel>, #tpu.dimension_semantics<subcore_parallel>], iteration_bounds = array<i64: 2, 16>, scalar_prefetch = 0 : i64, scratch_operands = 8 : i64, tpu.core_type = #tpu.core_type<sc_vector_subcore>, window_params = [{transform_indices = #map}, {transform_indices = #map}, {transform_indices = #map}]} {
    %mul3A = arith.constant 2 : i32
    %mul3A_0 = arith.muli %arg1, %mul3A : i32
    %add3A = arith.addi %mul3A_0, %arg0 : i32
    %mul3A_1 = arith.constant 13 : i32
    %mul3A_2 = arith.muli %add3A, %mul3A_1 : i32
    %add3A_3 = arith.constant 0 : i32
    %add3A_4 = arith.addi %mul3A_2, %add3A_3 : i32
    %shift_right_logical3A = arith.constant 4 : i32
    %shift_right_logical3A_5 = arith.shrui %add3A_4, %shift_right_logical3A : i32
    %dma_start3A = arith.constant 0 : i32
    %dma_start3A_6 = tpu.memref_slice %arg2[%add3A_4, %dma_start3A] : memref<416x100000xf32, #tpu.memory_space<hbm>> -> memref<1x100000xf32, #tpu.memory_space<hbm>>
    %dma_start3A_7 = tpu.memref_squeeze %dma_start3A_6 : memref<1x100000xf32, #tpu.memory_space<hbm>> -> memref<100000xf32, #tpu.memory_space<hbm>>
    %dma_start3A_8 = arith.constant 0 : i32
    %dma_start3A_9 = tpu.memref_slice %arg2[%add3A_4, %dma_start3A_8] : memref<416x100000xf32, #tpu.memory_space<hbm>> -> memref<1x100000xf32, #tpu.memory_space<hbm>>
    %dma_start3A_10 = tpu.memref_squeeze %dma_start3A_9 : memref<1x100000xf32, #tpu.memory_space<hbm>> -> memref<100000xf32, #tpu.memory_space<hbm>>
    tpu.enqueue_dma source(%dma_start3A_10 : memref<100000xf32, #tpu.memory_space<hbm>>) target(%arg5 : memref<100000xf32, #tpu.memory_space<vmem>>) target_semaphore(%arg9 : memref<!tpu.dma_semaphore, #tpu.memory_space<semaphore_mem>>)
    %dma_start3A_11 = arith.constant 0 : i32
    %dma_start3A_12 = tpu.memref_slice %arg3[%shift_right_logical3A_5, %dma_start3A_11] : memref<26x16384xi32, #tpu.memory_space<hbm>> -> memref<1x16384xi32, #tpu.memory_space<hbm>>
    %dma_start3A_13 = tpu.memref_squeeze %dma_start3A_12 : memref<1x16384xi32, #tpu.memory_space<hbm>> -> memref<16384xi32, #tpu.memory_space<hbm>>
    %dma_start3A_14 = arith.constant 0 : i32
    %dma_start3A_15 = tpu.memref_slice %arg3[%shift_right_logical3A_5, %dma_start3A_14] : memref<26x16384xi32, #tpu.memory_space<hbm>> -> memref<1x16384xi32, #tpu.memory_space<hbm>>
    %dma_start3A_16 = tpu.memref_squeeze %dma_start3A_15 : memref<1x16384xi32, #tpu.memory_space<hbm>> -> memref<16384xi32, #tpu.memory_space<hbm>>
    tpu.enqueue_dma source(%dma_start3A_16 : memref<16384xi32, #tpu.memory_space<hbm>>) target(%arg6 : memref<16384xi32, #tpu.memory_space<vmem>>) target_semaphore(%arg10 : memref<!tpu.dma_semaphore, #tpu.memory_space<semaphore_mem>>)
    %dma_wait3A = arith.constant 0 : i32
    %dma_wait3A_17 = tpu.memref_slice %arg3[%shift_right_logical3A_5, %dma_wait3A] : memref<26x16384xi32, #tpu.memory_space<hbm>> -> memref<1x16384xi32, #tpu.memory_space<hbm>>
    %dma_wait3A_18 = tpu.memref_squeeze %dma_wait3A_17 : memref<1x16384xi32, #tpu.memory_space<hbm>> -> memref<16384xi32, #tpu.memory_space<hbm>>
    %dma_wait3A_19 = arith.constant 0 : i32
    %dma_wait3A_20 = tpu.memref_slice %arg3[%shift_right_logical3A_5, %dma_wait3A_19] : memref<26x16384xi32, #tpu.memory_space<hbm>> -> memref<1x16384xi32, #tpu.memory_space<hbm>>
    %dma_wait3A_21 = tpu.memref_squeeze %dma_wait3A_20 : memref<1x16384xi32, #tpu.memory_space<hbm>> -> memref<16384xi32, #tpu.memory_space<hbm>>
    tpu.wait_dma2 semaphore(%arg10 : memref<!tpu.dma_semaphore, #tpu.memory_space<semaphore_mem>>) src(%dma_wait3A_21 : memref<16384xi32, #tpu.memory_space<hbm>>) dst(%arg6 : memref<16384xi32, #tpu.memory_space<vmem>>)
    %dma_wait3A_22 = arith.constant 0 : i32
    %dma_wait3A_23 = tpu.memref_slice %arg2[%add3A_4, %dma_wait3A_22] : memref<416x100000xf32, #tpu.memory_space<hbm>> -> memref<1x100000xf32, #tpu.memory_space<hbm>>
    %dma_wait3A_24 = tpu.memref_squeeze %dma_wait3A_23 : memref<1x100000xf32, #tpu.memory_space<hbm>> -> memref<100000xf32, #tpu.memory_space<hbm>>
    %dma_wait3A_25 = arith.constant 0 : i32
    %dma_wait3A_26 = tpu.memref_slice %arg2[%add3A_4, %dma_wait3A_25] : memref<416x100000xf32, #tpu.memory_space<hbm>> -> memref<1x100000xf32, #tpu.memory_space<hbm>>
    %dma_wait3A_27 = tpu.memref_squeeze %dma_wait3A_26 : memref<1x100000xf32, #tpu.memory_space<hbm>> -> memref<100000xf32, #tpu.memory_space<hbm>>
    tpu.wait_dma2 semaphore(%arg9 : memref<!tpu.dma_semaphore, #tpu.memory_space<semaphore_mem>>) src(%dma_wait3A_27 : memref<100000xf32, #tpu.memory_space<hbm>>) dst(%arg5 : memref<100000xf32, #tpu.memory_space<vmem>>)
    %parallel_loop3A = arith.constant 0 : i32
    %parallel_loop3A_28 = arith.constant 256 : i32
    %parallel_loop3A_29 = arith.constant 1 : i32
    scf.for %parallel_loop3A_1091 = %parallel_loop3A to %parallel_loop3A_28 step %parallel_loop3A_29  : i32 {
      %parallel_loop3A_1092 = arith.constant 16 : i32
      %parallel_loop3A_1093 = arith.muli %parallel_loop3A_1091, %parallel_loop3A_1092 : i32
      %parallel_loop3A_1094 = arith.constant 16 : i32
      %parallel_loop3A_1095 = arith.muli %parallel_loop3A_1091, %parallel_loop3A_1094 : i32
      %parallel_loop3A_1096 = arith.constant 0 : i32
      %parallel_loop3A_1097 = arith.addi %parallel_loop3A_1096, %parallel_loop3A_1095 : i32
      %parallel_loop3A_1098 = arith.index_cast %parallel_loop3A_1097 : i32 to index
      %parallel_loop3A_1099 = tpu.vector_load %arg6[%parallel_loop3A_1098] {strides = array<i32>} : memref<16384xi32, #tpu.memory_space<vmem>>, vector<16xi32>,
      %parallel_loop3A_1100 = tpu.vector_load_idx %arg5[%parallel_loop3A_1099] : memref<100000xf32, #tpu.memory_space<vmem>>[vector<16xi32>], vector<16xf32>,
      %parallel_loop3A_1101 = arith.index_cast %parallel_loop3A_1093 : i32 to index
      %parallel_loop3A_1102 = tpu.vector_load %arg7[%parallel_loop3A_1101] {strides = array<i32>} : memref<4096xf32, #tpu.memory_space<vmem>>, vector<16xf32>,
      tpu.vector_store %arg7[%parallel_loop3A_1101], %parallel_loop3A_1100 {strides = array<i32>} : memref<4096xf32, #tpu.memory_space<vmem>>, vector<16xf32>,
    } {sc.loop_unroll_factor = 8 : i64, sc.parallel_access}
    %dma_start3A_30 = arith.constant 0 : i32
    %dma_start3A_31 = tpu.memref_slice %arg4[%add3A_4, %dma_start3A_30] : memref<416x16384xf32, #tpu.memory_space<hbm>> -> memref<1x4096xf32, #tpu.memory_space<hbm>>
    %dma_start3A_32 = tpu.memref_squeeze %dma_start3A_31 : memref<1x4096xf32, #tpu.memory_space<hbm>> -> memref<4096xf32, #tpu.memory_space<hbm>>
    %dma_start3A_33 = arith.constant 0 : i32
    %dma_start3A_34 = tpu.memref_slice %arg4[%add3A_4, %dma_start3A_33] : memref<416x16384xf32, #tpu.memory_space<hbm>> -> memref<1x4096xf32, #tpu.memory_space<hbm>>
    %dma_start3A_35 = tpu.memref_squeeze %dma_start3A_34 : memref<1x4096xf32, #tpu.memory_space<hbm>> -> memref<4096xf32, #tpu.memory_space<hbm>>
    tpu.enqueue_dma source(%arg7 : memref<4096xf32, #tpu.memory_space<vmem>>) target(%dma_start3A_35 : memref<4096xf32, #tpu.memory_space<hbm>>) target_semaphore(%arg11 : memref<!tpu.dma_semaphore, #tpu.memory_space<semaphore_mem>>)
    %parallel_loop3A_36 = arith.constant 0 : i32
    %parallel_loop3A_37 = arith.constant 256 : i32
    %parallel_loop3A_38 = arith.constant 1 : i32
    scf.for %parallel_loop3A_1091 = %parallel_loop3A_36 to %parallel_loop3A_37 step %parallel_loop3A_38  : i32 {
      %parallel_loop3A_1092 = arith.constant 16 : i32
      %parallel_loop3A_1093 = arith.muli %parallel_loop3A_1091, %parallel_loop3A_1092 : i32
      %parallel_loop3A_1094 = arith.constant 16 : i32
      %parallel_loop3A_1095 = arith.muli %parallel_loop3A_1091, %parallel_loop3A_1094 : i32
      %parallel_loop3A_1096 = arith.constant 4096 : i32
      %parallel_loop3A_1097 = arith.addi %parallel_loop3A_1096, %parallel_loop3A_1095 : i32
      %parallel_loop3A_1098 = arith.index_cast %parallel_loop3A_1097 : i32 to index
      %parallel_loop3A_1099 = tpu.vector_load %arg6[%parallel_loop3A_1098] {strides = array<i32>} : memref<16384xi32, #tpu.memory_space<vmem>>, vector<16xi32>,
      %parallel_loop3A_1100 = tpu.vector_load_idx %arg5[%parallel_loop3A_1099] : memref<100000xf32, #tpu.memory_space<vmem>>[vector<16xi32>], vector<16xf32>,
      %parallel_loop3A_1101 = arith.index_cast %parallel_loop3A_1093 : i32 to index
      %parallel_loop3A_1102 = tpu.vector_load %arg8[%parallel_loop3A_1101] {strides = array<i32>} : memref<4096xf32, #tpu.memory_space<vmem>>, vector<16xf32>,
      tpu.vector_store %arg8[%parallel_loop3A_1101], %parallel_loop3A_1100 {strides = array<i32>} : memref<4096xf32, #tpu.memory_space<vmem>>, vector<16xf32>,
    } {sc.loop_unroll_factor = 8 : i64, sc.parallel_access}
    %dma_start3A_39 = arith.constant 4096 : i32
    %dma_start3A_40 = tpu.memref_slice %arg4[%add3A_4, %dma_start3A_39] : memref<416x16384xf32, #tpu.memory_space<hbm>> -> memref<1x4096xf32, #tpu.memory_space<hbm>>
    %dma_start3A_41 = tpu.memref_squeeze %dma_start3A_40 : memref<1x4096xf32, #tpu.memory_space<hbm>> -> memref<4096xf32, #tpu.memory_space<hbm>>
    %dma_start3A_42 = arith.constant 4096 : i32
    %dma_start3A_43 = tpu.memref_slice %arg4[%add3A_4, %dma_start3A_42] : memref<416x16384xf32, #tpu.memory_space<hbm>> -> memref<1x4096xf32, #tpu.memory_space<hbm>>
    %dma_start3A_44 = tpu.memref_squeeze %dma_start3A_43 : memref<1x4096xf32, #tpu.memory_space<hbm>> -> memref<4096xf32, #tpu.memory_space<hbm>>
    tpu.enqueue_dma source(%arg8 : memref<4096xf32, #tpu.memory_space<vmem>>) target(%dma_start3A_44 : memref<4096xf32, #tpu.memory_space<hbm>>) target_semaphore(%arg12 : memref<!tpu.dma_semaphore, #tpu.memory_space<semaphore_mem>>)
    %dma_wait3A_45 = arith.constant 0 : i32
    %dma_wait3A_46 = tpu.memref_slice %arg4[%add3A_4, %dma_wait3A_45] : memref<416x16384xf32, #tpu.memory_space<hbm>> -> memref<1x4096xf32, #tpu.memory_space<hbm>>
    %dma_wait3A_47 = tpu.memref_squeeze %dma_wait3A_46 : memref<1x4096xf32, #tpu.memory_space<hbm>> -> memref<4096xf32, #tpu.memory_space<hbm>>
    %dma_wait3A_48 = arith.constant 0 : i32
    %dma_wait3A_49 = tpu.memref_slice %arg4[%add3A_4, %dma_wait3A_48] : memref<416x16384xf32, #tpu.memory_space<hbm>> -> memref<1x4096xf32, #tpu.memory_space<hbm>>
    %dma_wait3A_50 = tpu.memref_squeeze %dma_wait3A_49 : memref<1x4096xf32, #tpu.memory_space<hbm>> -> memref<4096xf32, #tpu.memory_space<hbm>>
    tpu.wait_dma2 semaphore(%arg11 : memref<!tpu.dma_semaphore, #tpu.memory_space<semaphore_mem>>) src(%arg7 : memref<4096xf32, #tpu.memory_space<vmem>>) dst(%dma_wait3A_50 : memref<4096xf32, #tpu.memory_space<hbm>>)
    %parallel_loop3A_51 = arith.constant 0 : i32
    %parallel_loop3A_52 = arith.constant 256 : i32
    %parallel_loop3A_53 = arith.constant 1 : i32
    scf.for %parallel_loop3A_1091 = %parallel_loop3A_51 to %parallel_loop3A_52 step %parallel_loop3A_53  : i32 {
      %parallel_loop3A_1092 = arith.constant 16 : i32
      %parallel_loop3A_1093 = arith.muli %parallel_loop3A_1091, %parallel_loop3A_1092 : i32
      %parallel_loop3A_1094 = arith.constant 16 : i32
      %parallel_loop3A_1095 = arith.muli %parallel_loop3A_1091, %parallel_loop3A_1094 : i32
      %parallel_loop3A_1096 = arith.constant 8192 : i32
      %parallel_loop3A_1097 = arith.addi %parallel_loop3A_1096, %parallel_loop3A_1095 : i32
      %parallel_loop3A_1098 = arith.index_cast %parallel_loop3A_1097 : i32 to index
      %parallel_loop3A_1099 = tpu.vector_load %arg6[%parallel_loop3A_1098] {strides = array<i32>} : memref<16384xi32, #tpu.memory_space<vmem>>, vector<16xi32>,
      %parallel_loop3A_1100 = tpu.vector_load_idx %arg5[%parallel_loop3A_1099] : memref<100000xf32, #tpu.memory_space<vmem>>[vector<16xi32>], vector<16xf32>,
      %parallel_loop3A_1101 = arith.index_cast %parallel_loop3A_1093 : i32 to index
      %parallel_loop3A_1102 = tpu.vector_load %arg7[%parallel_loop3A_1101] {strides = array<i32>} : memref<4096xf32, #tpu.memory_space<vmem>>, vector<16xf32>,
      tpu.vector_store %arg7[%parallel_loop3A_1101], %parallel_loop3A_1100 {strides = array<i32>} : memref<4096xf32, #tpu.memory_space<vmem>>, vector<16xf32>,
    } {sc.loop_unroll_factor = 8 : i64, sc.parallel_access}
    %dma_start3A_54 = arith.constant 8192 : i32
    %dma_start3A_55 = tpu.memref_slice %arg4[%add3A_4, %dma_start3A_54] : memref<416x16384xf32, #tpu.memory_space<hbm>> -> memref<1x4096xf32, #tpu.memory_space<hbm>>
    %dma_start3A_56 = tpu.memref_squeeze %dma_start3A_55 : memref<1x4096xf32, #tpu.memory_space<hbm>> -> memref<4096xf32, #tpu.memory_space<hbm>>
    %dma_start3A_57 = arith.constant 8192 : i32
    %dma_start3A_58 = tpu.memref_slice %arg4[%add3A_4, %dma_start3A_57] : memref<416x16384xf32, #tpu.memory_space<hbm>> -> memref<1x4096xf32, #tpu.memory_space<hbm>>
    %dma_start3A_59 = tpu.memref_squeeze %dma_start3A_58 : memref<1x4096xf32, #tpu.memory_space<hbm>> -> memref<4096xf32, #tpu.memory_space<hbm>>
    tpu.enqueue_dma source(%arg7 : memref<4096xf32, #tpu.memory_space<vmem>>) target(%dma_start3A_59 : memref<4096xf32, #tpu.memory_space<hbm>>) target_semaphore(%arg11 : memref<!tpu.dma_semaphore, #tpu.memory_space<semaphore_mem>>)
    %dma_wait3A_60 = arith.constant 4096 : i32
    %dma_wait3A_61 = tpu.memref_slice %arg4[%add3A_4, %dma_wait3A_60] : memref<416x16384xf32, #tpu.memory_space<hbm>> -> memref<1x4096xf32, #tpu.memory_space<hbm>>
    %dma_wait3A_62 = tpu.memref_squeeze %dma_wait3A_61 : memref<1x4096xf32, #tpu.memory_space<hbm>> -> memref<4096xf32, #tpu.memory_space<hbm>>
    %dma_wait3A_63 = arith.constant 4096 : i32
    %dma_wait3A_64 = tpu.memref_slice %arg4[%add3A_4, %dma_wait3A_63] : memref<416x16384xf32, #tpu.memory_space<hbm>> -> memref<1x4096xf32, #tpu.memory_space<hbm>>
    %dma_wait3A_65 = tpu.memref_squeeze %dma_wait3A_64 : memref<1x4096xf32, #tpu.memory_space<hbm>> -> memref<4096xf32, #tpu.memory_space<hbm>>
    tpu.wait_dma2 semaphore(%arg12 : memref<!tpu.dma_semaphore, #tpu.memory_space<semaphore_mem>>) src(%arg8 : memref<4096xf32, #tpu.memory_space<vmem>>) dst(%dma_wait3A_65 : memref<4096xf32, #tpu.memory_space<hbm>>)
    %parallel_loop3A_66 = arith.constant 0 : i32
    %parallel_loop3A_67 = arith.constant 256 : i32
    %parallel_loop3A_68 = arith.constant 1 : i32
    scf.for %parallel_loop3A_1091 = %parallel_loop3A_66 to %parallel_loop3A_67 step %parallel_loop3A_68  : i32 {
      %parallel_loop3A_1092 = arith.constant 16 : i32
      %parallel_loop3A_1093 = arith.muli %parallel_loop3A_1091, %parallel_loop3A_1092 : i32
      %parallel_loop3A_1094 = arith.constant 16 : i32
      %parallel_loop3A_1095 = arith.muli %parallel_loop3A_1091, %parallel_loop3A_1094 : i32
      %parallel_loop3A_1096 = arith.constant 12288 : i32
      %parallel_loop3A_1097 = arith.addi %parallel_loop3A_1096, %parallel_loop3A_1095 : i32
      %parallel_loop3A_1098 = arith.index_cast %parallel_loop3A_1097 : i32 to index
      %parallel_loop3A_1099 = tpu.vector_load %arg6[%parallel_loop3A_1098] {strides = array<i32>} : memref<16384xi32, #tpu.memory_space<vmem>>, vector<16xi32>,
      %parallel_loop3A_1100 = tpu.vector_load_idx %arg5[%parallel_loop3A_1099] : memref<100000xf32, #tpu.memory_space<vmem>>[vector<16xi32>], vector<16xf32>,
      %parallel_loop3A_1101 = arith.index_cast %parallel_loop3A_1093 : i32 to index
      %parallel_loop3A_1102 = tpu.vector_load %arg8[%parallel_loop3A_1101] {strides = array<i32>} : memref<4096xf32, #tpu.memory_space<vmem>>, vector<16xf32>,
      tpu.vector_store %arg8[%parallel_loop3A_1101], %parallel_loop3A_1100 {strides = array<i32>} : memref<4096xf32, #tpu.memory_space<vmem>>, vector<16xf32>,
    } {sc.loop_unroll_factor = 8 : i64, sc.parallel_access}
    %dma_start3A_69 = arith.constant 12288 : i32
    %dma_start3A_70 = tpu.memref_slice %arg4[%add3A_4, %dma_start3A_69] : memref<416x16384xf32, #tpu.memory_space<hbm>> -> memref<1x4096xf32, #tpu.memory_space<hbm>>
    %dma_start3A_71 = tpu.memref_squeeze %dma_start3A_70 : memref<1x4096xf32, #tpu.memory_space<hbm>> -> memref<4096xf32, #tpu.memory_space<hbm>>
    %dma_start3A_72 = arith.constant 12288 : i32
    %dma_start3A_73 = tpu.memref_slice %arg4[%add3A_4, %dma_start3A_72] : memref<416x16384xf32, #tpu.memory_space<hbm>> -> memref<1x4096xf32, #tpu.memory_space<hbm>>
    %dma_start3A_74 = tpu.memref_squeeze %dma_start3A_73 : memref<1x4096xf32, #tpu.memory_space<hbm>> -> memref<4096xf32, #tpu.memory_space<hbm>>
    tpu.enqueue_dma source(%arg8 : memref<4096xf32, #tpu.memory_space<vmem>>) target(%dma_start3A_74 : memref<4096xf32, #tpu.memory_space<hbm>>) target_semaphore(%arg12 : memref<!tpu.dma_semaphore, #tpu.memory_space<semaphore_mem>>)
    %add3A_75 = arith.constant 1 : i32
    %add3A_76 = arith.addi %mul3A_2, %add3A_75 : i32
    %shift_right_logical3A_77 = arith.constant 4 : i32
    %shift_right_logical3A_78 = arith.shrui %add3A_76, %shift_right_logical3A_77 : i32
    %dma_start3A_79 = arith.constant 0 : i32
    %dma_start3A_80 = tpu.memref_slice %arg2[%add3A_76, %dma_start3A_79] : memref<416x100000xf32, #tpu.memory_space<hbm>> -> memref<1x100000xf32, #tpu.memory_space<hbm>>
    %dma_start3A_81 = tpu.memref_squeeze %dma_start3A_80 : memref<1x100000xf32, #tpu.memory_space<hbm>> -> memref<100000xf32, #tpu.memory_space<hbm>>
    %dma_start3A_82 = arith.constant 0 : i32
    %dma_start3A_83 = tpu.memref_slice %arg2[%add3A_76, %dma_start3A_82] : memref<416x100000xf32, #tpu.memory_space<hbm>> -> memref<1x100000xf32, #tpu.memory_space<hbm>>
    %dma_start3A_84 = tpu.memref_squeeze %dma_start3A_83 : memref<1x100000xf32, #tpu.memory_space<hbm>> -> memref<100000xf32, #tpu.memory_space<hbm>>
    tpu.enqueue_dma source(%dma_start3A_84 : memref<100000xf32, #tpu.memory_space<hbm>>) target(%arg5 : memref<100000xf32, #tpu.memory_space<vmem>>) target_semaphore(%arg9 : memref<!tpu.dma_semaphore, #tpu.memory_space<semaphore_mem>>)
    %sub3A = arith.constant 1 : i32
    %sub3A_85 = arith.subi %add3A_76, %sub3A : i32
    %shift_right_logical3A_86 = arith.constant 4 : i32
    %shift_right_logical3A_87 = arith.shrui %sub3A_85, %shift_right_logical3A_86 : i32
    %ne3A = arith.cmpi ne, %shift_right_logical3A_78, %shift_right_logical3A_87 : i32
    %convert_element_type3A = arith.extui %ne3A : i1 to i32
    %cond3A = arith.constant 0 : i32
    %cond3A_88 = arith.cmpi ne, %convert_element_type3A, %cond3A : i32
    scf.if %cond3A_88 {
      %dma_start3A_1091 = arith.constant 0 : i32
      %dma_start3A_1092 = tpu.memref_slice %arg3[%shift_right_logical3A_78, %dma_start3A_1091] : memref<26x16384xi32, #tpu.memory_space<hbm>> -> memref<1x16384xi32, #tpu.memory_space<hbm>>
      %dma_start3A_1093 = tpu.memref_squeeze %dma_start3A_1092 : memref<1x16384xi32, #tpu.memory_space<hbm>> -> memref<16384xi32, #tpu.memory_space<hbm>>
      %dma_start3A_1094 = arith.constant 0 : i32
      %dma_start3A_1095 = tpu.memref_slice %arg3[%shift_right_logical3A_78, %dma_start3A_1094] : memref<26x16384xi32, #tpu.memory_space<hbm>> -> memref<1x16384xi32, #tpu.memory_space<hbm>>
      %dma_start3A_1096 = tpu.memref_squeeze %dma_start3A_1095 : memref<1x16384xi32, #tpu.memory_space<hbm>> -> memref<16384xi32, #tpu.memory_space<hbm>>
      tpu.enqueue_dma source(%dma_start3A_1096 : memref<16384xi32, #tpu.memory_space<hbm>>) target(%arg6 : memref<16384xi32, #tpu.memory_space<vmem>>) target_semaphore(%arg10 : memref<!tpu.dma_semaphore, #tpu.memory_space<semaphore_mem>>)
      %dma_wait3A_1097 = arith.constant 0 : i32
      %dma_wait3A_1098 = tpu.memref_slice %arg3[%shift_right_logical3A_78, %dma_wait3A_1097] : memref<26x16384xi32, #tpu.memory_space<hbm>> -> memref<1x16384xi32, #tpu.memory_space<hbm>>
      %dma_wait3A_1099 = tpu.memref_squeeze %dma_wait3A_1098 : memref<1x16384xi32, #tpu.memory_space<hbm>> -> memref<16384xi32, #tpu.memory_space<hbm>>
      %dma_wait3A_1100 = arith.constant 0 : i32
      %dma_wait3A_1101 = tpu.memref_slice %arg3[%shift_right_logical3A_78, %dma_wait3A_1100] : memref<26x16384xi32, #tpu.memory_space<hbm>> -> memref<1x16384xi32, #tpu.memory_space<hbm>>
      %dma_wait3A_1102 = tpu.memref_squeeze %dma_wait3A_1101 : memref<1x16384xi32, #tpu.memory_space<hbm>> -> memref<16384xi32, #tpu.memory_space<hbm>>
      tpu.wait_dma2 semaphore(%arg10 : memref<!tpu.dma_semaphore, #tpu.memory_space<semaphore_mem>>) src(%dma_wait3A_1102 : memref<16384xi32, #tpu.memory_space<hbm>>) dst(%arg6 : memref<16384xi32, #tpu.memory_space<vmem>>)
    } else {
    }
    %dma_wait3A_89 = arith.constant 0 : i32
    %dma_wait3A_90 = tpu.memref_slice %arg2[%add3A_76, %dma_wait3A_89] : memref<416x100000xf32, #tpu.memory_space<hbm>> -> memref<1x100000xf32, #tpu.memory_space<hbm>>
    %dma_wait3A_91 = tpu.memref_squeeze %dma_wait3A_90 : memref<1x100000xf32, #tpu.memory_space<hbm>> -> memref<100000xf32, #tpu.memory_space<hbm>>
    %dma_wait3A_92 = arith.constant 0 : i32
    %dma_wait3A_93 = tpu.memref_slice %arg2[%add3A_76, %dma_wait3A_92] : memref<416x100000xf32, #tpu.memory_space<hbm>> -> memref<1x100000xf32, #tpu.memory_space<hbm>>
    %dma_wait3A_94 = tpu.memref_squeeze %dma_wait3A_93 : memref<1x100000xf32, #tpu.memory_space<hbm>> -> memref<100000xf32, #tpu.memory_space<hbm>>
    tpu.wait_dma2 semaphore(%arg9 : memref<!tpu.dma_semaphore, #tpu.memory_space<semaphore_mem>>) src(%dma_wait3A_94 : memref<100000xf32, #tpu.memory_space<hbm>>) dst(%arg5 : memref<100000xf32, #tpu.memory_space<vmem>>)
    %dma_wait3A_95 = arith.constant 8192 : i32
    %dma_wait3A_96 = tpu.memref_slice %arg4[%add3A_4, %dma_wait3A_95] : memref<416x16384xf32, #tpu.memory_space<hbm>> -> memref<1x4096xf32, #tpu.memory_space<hbm>>
    %dma_wait3A_97 = tpu.memref_squeeze %dma_wait3A_96 : memref<1x4096xf32, #tpu.memory_space<hbm>> -> memref<4096xf32, #tpu.memory_space<hbm>>
    %dma_wait3A_98 = arith.constant 8192 : i32
    %dma_wait3A_99 = tpu.memref_slice %arg4[%add3A_4, %dma_wait3A_98] : memref<416x16384xf32, #tpu.memory_space<hbm>> -> memref<1x4096xf32, #tpu.memory_space<hbm>>
    %dma_wait3A_100 = tpu.memref_squeeze %dma_wait3A_99 : memref<1x4096xf32, #tpu.memory_space<hbm>> -> memref<4096xf32, #tpu.memory_space<hbm>>
    tpu.wait_dma2 semaphore(%arg11 : memref<!tpu.dma_semaphore, #tpu.memory_space<semaphore_mem>>) src(%arg7 : memref<4096xf32, #tpu.memory_space<vmem>>) dst(%dma_wait3A_100 : memref<4096xf32, #tpu.memory_space<hbm>>)
    %parallel_loop3A_101 = arith.constant 0 : i32
    %parallel_loop3A_102 = arith.constant 256 : i32
    %parallel_loop3A_103 = arith.constant 1 : i32
    scf.for %parallel_loop3A_1091 = %parallel_loop3A_101 to %parallel_loop3A_102 step %parallel_loop3A_103  : i32 {
      %parallel_loop3A_1092 = arith.constant 16 : i32
      %parallel_loop3A_1093 = arith.muli %parallel_loop3A_1091, %parallel_loop3A_1092 : i32
      %parallel_loop3A_1094 = arith.constant 16 : i32
      %parallel_loop3A_1095 = arith.muli %parallel_loop3A_1091, %parallel_loop3A_1094 : i32
      %parallel_loop3A_1096 = arith.constant 0 : i32
      %parallel_loop3A_1097 = arith.addi %parallel_loop3A_1096, %parallel_loop3A_1095 : i32
      %parallel_loop3A_1098 = arith.index_cast %parallel_loop3A_1097 : i32 to index
      %parallel_loop3A_1099 = tpu.vector_load %arg6[%parallel_loop3A_1098] {strides = array<i32>} : memref<16384xi32, #tpu.memory_space<vmem>>, vector<16xi32>,
      %parallel_loop3A_1100 = tpu.vector_load_idx %arg5[%parallel_loop3A_1099] : memref<100000xf32, #tpu.memory_space<vmem>>[vector<16xi32>], vector<16xf32>,
      %parallel_loop3A_1101 = arith.index_cast %parallel_loop3A_1093 : i32 to index
      %parallel_loop3A_1102 = tpu.vector_load %arg7[%parallel_loop3A_1101] {strides = array<i32>} : memref<4096xf32, #tpu.memory_space<vmem>>, vector<16xf32>,
      tpu.vector_store %arg7[%parallel_loop3A_1101], %parallel_loop3A_1100 {strides = array<i32>} : memref<4096xf32, #tpu.memory_space<vmem>>, vector<16xf32>,
    } {sc.loop_unroll_factor = 8 : i64, sc.parallel_access}
    %dma_start3A_104 = arith.constant 0 : i32
    %dma_start3A_105 = tpu.memref_slice %arg4[%add3A_76, %dma_start3A_104] : memref<416x16384xf32, #tpu.memory_space<hbm>> -> memref<1x4096xf32, #tpu.memory_space<hbm>>
    %dma_start3A_106 = tpu.memref_squeeze %dma_start3A_105 : memref<1x4096xf32, #tpu.memory_space<hbm>> -> memref<4096xf32, #tpu.memory_space<hbm>>
    %dma_start3A_107 = arith.constant 0 : i32
    %dma_start3A_108 = tpu.memref_slice %arg4[%add3A_76, %dma_start3A_107] : memref<416x16384xf32, #tpu.memory_space<hbm>> -> memref<1x4096xf32, #tpu.memory_space<hbm>>
    %dma_start3A_109 = tpu.memref_squeeze %dma_start3A_108 : memref<1x4096xf32, #tpu.memory_space<hbm>> -> memref<4096xf32, #tpu.memory_space<hbm>>
    tpu.enqueue_dma source(%arg7 : memref<4096xf32, #tpu.memory_space<vmem>>) target(%dma_start3A_109 : memref<4096xf32, #tpu.memory_space<hbm>>) target_semaphore(%arg11 : memref<!tpu.dma_semaphore, #tpu.memory_space<semaphore_mem>>)
    %dma_wait3A_110 = arith.constant 12288 : i32
    %dma_wait3A_111 = tpu.memref_slice %arg4[%add3A_4, %dma_wait3A_110] : memref<416x16384xf32, #tpu.memory_space<hbm>> -> memref<1x4096xf32, #tpu.memory_space<hbm>>
    %dma_wait3A_112 = tpu.memref_squeeze %dma_wait3A_111 : memref<1x4096xf32, #tpu.memory_space<hbm>> -> memref<4096xf32, #tpu.memory_space<hbm>>
    %dma_wait3A_113 = arith.constant 12288 : i32
    %dma_wait3A_114 = tpu.memref_slice %arg4[%add3A_4, %dma_wait3A_113] : memref<416x16384xf32, #tpu.memory_space<hbm>> -> memref<1x4096xf32, #tpu.memory_space<hbm>>
    %dma_wait3A_115 = tpu.memref_squeeze %dma_wait3A_114 : memref<1x4096xf32, #tpu.memory_space<hbm>> -> memref<4096xf32, #tpu.memory_space<hbm>>
    tpu.wait_dma2 semaphore(%arg12 : memref<!tpu.dma_semaphore, #tpu.memory_space<semaphore_mem>>) src(%arg8 : memref<4096xf32, #tpu.memory_space<vmem>>) dst(%dma_wait3A_115 : memref<4096xf32, #tpu.memory_space<hbm>>)
    %parallel_loop3A_116 = arith.constant 0 : i32
    %parallel_loop3A_117 = arith.constant 256 : i32
    %parallel_loop3A_118 = arith.constant 1 : i32
    scf.for %parallel_loop3A_1091 = %parallel_loop3A_116 to %parallel_loop3A_117 step %parallel_loop3A_118  : i32 {
      %parallel_loop3A_1092 = arith.constant 16 : i32
      %parallel_loop3A_1093 = arith.muli %parallel_loop3A_1091, %parallel_loop3A_1092 : i32
      %parallel_loop3A_1094 = arith.constant 16 : i32
      %parallel_loop3A_1095 = arith.muli %parallel_loop3A_1091, %parallel_loop3A_1094 : i32
      %parallel_loop3A_1096 = arith.constant 4096 : i32
      %parallel_loop3A_1097 = arith.addi %parallel_loop3A_1096, %parallel_loop3A_1095 : i32
      %parallel_loop3A_1098 = arith.index_cast %parallel_loop3A_1097 : i32 to index
      %parallel_loop3A_1099 = tpu.vector_load %arg6[%parallel_loop3A_1098] {strides = array<i32>} : memref<16384xi32, #tpu.memory_space<vmem>>, vector<16xi32>,
      %parallel_loop3A_1100 = tpu.vector_load_idx %arg5[%parallel_loop3A_1099] : memref<100000xf32, #tpu.memory_space<vmem>>[vector<16xi32>], vector<16xf32>,
      %parallel_loop3A_1101 = arith.index_cast %parallel_loop3A_1093 : i32 to index
      %parallel_loop3A_1102 = tpu.vector_load %arg8[%parallel_loop3A_1101] {strides = array<i32>} : memref<4096xf32, #tpu.memory_space<vmem>>, vector<16xf32>,
      tpu.vector_store %arg8[%parallel_loop3A_1101], %parallel_loop3A_1100 {strides = array<i32>} : memref<4096xf32, #tpu.memory_space<vmem>>, vector<16xf32>,
    } {sc.loop_unroll_factor = 8 : i64, sc.parallel_access}
    %dma_start3A_119 = arith.constant 4096 : i32
    %dma_start3A_120 = tpu.memref_slice %arg4[%add3A_76, %dma_start3A_119] : memref<416x16384xf32, #tpu.memory_space<hbm>> -> memref<1x4096xf32, #tpu.memory_space<hbm>>
    %dma_start3A_121 = tpu.memref_squeeze %dma_start3A_120 : memref<1x4096xf32, #tpu.memory_space<hbm>> -> memref<4096xf32, #tpu.memory_space<hbm>>
    %dma_start3A_122 = arith.constant 4096 : i32
    %dma_start3A_123 = tpu.memref_slice %arg4[%add3A_76, %dma_start3A_122] : memref<416x16384xf32, #tpu.memory_space<hbm>> -> memref<1x4096xf32, #tpu.memory_space<hbm>>
    %dma_start3A_124 = tpu.memref_squeeze %dma_start3A_123 : memref<1x4096xf32, #tpu.memory_space<hbm>> -> memref<4096xf32, #tpu.memory_space<hbm>>
    tpu.enqueue_dma source(%arg8 : memref<4096xf32, #tpu.memory_space<vmem>>) target(%dma_start3A_124 : memref<4096xf32, #tpu.memory_space<hbm>>) target_semaphore(%arg12 : memref<!tpu.dma_semaphore, #tpu.memory_space<semaphore_mem>>)
    %dma_wait3A_125 = arith.constant 0 : i32
    %dma_wait3A_126 = tpu.memref_slice %arg4[%add3A_76, %dma_wait3A_125] : memref<416x16384xf32, #tpu.memory_space<hbm>> -> memref<1x4096xf32, #tpu.memory_space<hbm>>
    %dma_wait3A_127 = tpu.memref_squeeze %dma_wait3A_126 : memref<1x4096xf32, #tpu.memory_space<hbm>> -> memref<4096xf32, #tpu.memory_space<hbm>>
    %dma_wait3A_128 = arith.constant 0 : i32
    %dma_wait3A_129 = tpu.memref_slice %arg4[%add3A_76, %dma_wait3A_128] : memref<416x16384xf32, #tpu.memory_space<hbm>> -> memref<1x4096xf32, #tpu.memory_space<hbm>>
    %dma_wait3A_130 = tpu.memref_squeeze %dma_wait3A_129 : memref<1x4096xf32, #tpu.memory_space<hbm>> -> memref<4096xf32, #tpu.memory_space<hbm>>
    tpu.wait_dma2 semaphore(%arg11 : memref<!tpu.dma_semaphore, #tpu.memory_space<semaphore_mem>>) src(%arg7 : memref<4096xf32, #tpu.memory_space<vmem>>) dst(%dma_wait3A_130 : memref<4096xf32, #tpu.memory_space<hbm>>)
    %parallel_loop3A_131 = arith.constant 0 : i32
    %parallel_loop3A_132 = arith.constant 256 : i32
    %parallel_loop3A_133 = arith.constant 1 : i32
    scf.for %parallel_loop3A_1091 = %parallel_loop3A_131 to %parallel_loop3A_132 step %parallel_loop3A_133  : i32 {
      %parallel_loop3A_1092 = arith.constant 16 : i32
      %parallel_loop3A_1093 = arith.muli %parallel_loop3A_1091, %parallel_loop3A_1092 : i32
      %parallel_loop3A_1094 = arith.constant 16 : i32
      %parallel_loop3A_1095 = arith.muli %parallel_loop3A_1091, %parallel_loop3A_1094 : i32
      %parallel_loop3A_1096 = arith.constant 8192 : i32
      %parallel_loop3A_1097 = arith.addi %parallel_loop3A_1096, %parallel_loop3A_1095 : i32
      %parallel_loop3A_1098 = arith.index_cast %parallel_loop3A_1097 : i32 to index
      %parallel_loop3A_1099 = tpu.vector_load %arg6[%parallel_loop3A_1098] {strides = array<i32>} : memref<16384xi32, #tpu.memory_space<vmem>>, vector<16xi32>,
      %parallel_loop3A_1100 = tpu.vector_load_idx %arg5[%parallel_loop3A_1099] : memref<100000xf32, #tpu.memory_space<vmem>>[vector<16xi32>], vector<16xf32>,
      %parallel_loop3A_1101 = arith.index_cast %parallel_loop3A_1093 : i32 to index
      %parallel_loop3A_1102 = tpu.vector_load %arg7[%parallel_loop3A_1101] {strides = array<i32>} : memref<4096xf32, #tpu.memory_space<vmem>>, vector<16xf32>,
      tpu.vector_store %arg7[%parallel_loop3A_1101], %parallel_loop3A_1100 {strides = array<i32>} : memref<4096xf32, #tpu.memory_space<vmem>>, vector<16xf32>,
    } {sc.loop_unroll_factor = 8 : i64, sc.parallel_access}
    %dma_start3A_134 = arith.constant 8192 : i32
    %dma_start3A_135 = tpu.memref_slice %arg4[%add3A_76, %dma_start3A_134] : memref<416x16384xf32, #tpu.memory_space<hbm>> -> memref<1x4096xf32, #tpu.memory_space<hbm>>
    %dma_start3A_136 = tpu.memref_squeeze %dma_start3A_135 : memref<1x4096xf32, #tpu.memory_space<hbm>> -> memref<4096xf32, #tpu.memory_space<hbm>>
    %dma_start3A_137 = arith.constant 8192 : i32
    %dma_start3A_138 = tpu.memref_slice %arg4[%add3A_76, %dma_start3A_137] : memref<416x16384xf32, #tpu.memory_space<hbm>> -> memref<1x4096xf32, #tpu.memory_space<hbm>>
    %dma_start3A_139 = tpu.memref_squeeze %dma_start3A_138 : memref<1x4096xf32, #tpu.memory_space<hbm>> -> memref<4096xf32, #tpu.memory_space<hbm>>
    tpu.enqueue_dma source(%arg7 : memref<4096xf32, #tpu.memory_space<vmem>>) target(%dma_start3A_139 : memref<4096xf32, #tpu.memory_space<hbm>>) target_semaphore(%arg11 : memref<!tpu.dma_semaphore, #tpu.memory_space<semaphore_mem>>)
    %dma_wait3A_140 = arith.constant 4096 : i32
    %dma_wait3A_141 = tpu.memref_slice %arg4[%add3A_76, %dma_wait3A_140] : memref<416x16384xf32, #tpu.memory_space<hbm>> -> memref<1x4096xf32, #tpu.memory_space<hbm>>
    %dma_wait3A_142 = tpu.memref_squeeze %dma_wait3A_141 : memref<1x4096xf32, #tpu.memory_space<hbm>> -> memref<4096xf32, #tpu.memory_space<hbm>>
    %dma_wait3A_143 = arith.constant 4096 : i32
    %dma_wait3A_144 = tpu.memref_slice %arg4[%add3A_76, %dma_wait3A_143] : memref<416x16384xf32, #tpu.memory_space<hbm>> -> memref<1x4096xf32, #tpu.memory_space<hbm>>
    %dma_wait3A_145 = tpu.memref_squeeze %dma_wait3A_144 : memref<1x4096xf32, #tpu.memory_space<hbm>> -> memref<4096xf32, #tpu.memory_space<hbm>>
    tpu.wait_dma2 semaphore(%arg12 : memref<!tpu.dma_semaphore, #tpu.memory_space<semaphore_mem>>) src(%arg8 : memref<4096xf32, #tpu.memory_space<vmem>>) dst(%dma_wait3A_145 : memref<4096xf32, #tpu.memory_space<hbm>>)
    %parallel_loop3A_146 = arith.constant 0 : i32
    %parallel_loop3A_147 = arith.constant 256 : i32
    %parallel_loop3A_148 = arith.constant 1 : i32
    scf.for %parallel_loop3A_1091 = %parallel_loop3A_146 to %parallel_loop3A_147 step %parallel_loop3A_148  : i32 {
      %parallel_loop3A_1092 = arith.constant 16 : i32
      %parallel_loop3A_1093 = arith.muli %parallel_loop3A_1091, %parallel_loop3A_1092 : i32
      %parallel_loop3A_1094 = arith.constant 16 : i32
      %parallel_loop3A_1095 = arith.muli %parallel_loop3A_1091, %parallel_loop3A_1094 : i32
      %parallel_loop3A_1096 = arith.constant 12288 : i32
      %parallel_loop3A_1097 = arith.addi %parallel_loop3A_1096, %parallel_loop3A_1095 : i32
      %parallel_loop3A_1098 = arith.index_cast %parallel_loop3A_1097 : i32 to index
      %parallel_loop3A_1099 = tpu.vector_load %arg6[%parallel_loop3A_1098] {strides = array<i32>} : memref<16384xi32, #tpu.memory_space<vmem>>, vector<16xi32>,
      %parallel_loop3A_1100 = tpu.vector_load_idx %arg5[%parallel_loop3A_1099] : memref<100000xf32, #tpu.memory_space<vmem>>[vector<16xi32>], vector<16xf32>,
      %parallel_loop3A_1101 = arith.index_cast %parallel_loop3A_1093 : i32 to index
      %parallel_loop3A_1102 = tpu.vector_load %arg8[%parallel_loop3A_1101] {strides = array<i32>} : memref<4096xf32, #tpu.memory_space<vmem>>, vector<16xf32>,
      tpu.vector_store %arg8[%parallel_loop3A_1101], %parallel_loop3A_1100 {strides = array<i32>} : memref<4096xf32, #tpu.memory_space<vmem>>, vector<16xf32>,
    } {sc.loop_unroll_factor = 8 : i64, sc.parallel_access}
    %dma_start3A_149 = arith.constant 12288 : i32
    %dma_start3A_150 = tpu.memref_slice %arg4[%add3A_76, %dma_start3A_149] : memref<416x16384xf32, #tpu.memory_space<hbm>> -> memref<1x4096xf32, #tpu.memory_space<hbm>>
    %dma_start3A_151 = tpu.memref_squeeze %dma_start3A_150 : memref<1x4096xf32, #tpu.memory_space<hbm>> -> memref<4096xf32, #tpu.memory_space<hbm>>
    %dma_start3A_152 = arith.constant 12288 : i32
    %dma_start3A_153 = tpu.memref_slice %arg4[%add3A_76, %dma_start3A_152] : memref<416x16384xf32, #tpu.memory_space<hbm>> -> memref<1x4096xf32, #tpu.memory_space<hbm>>
    %dma_start3A_154 = tpu.memref_squeeze %dma_start3A_153 : memref<1x4096xf32, #tpu.memory_space<hbm>> -> memref<4096xf32, #tpu.memory_space<hbm>>
    tpu.enqueue_dma source(%arg8 : memref<4096xf32, #tpu.memory_space<vmem>>) target(%dma_start3A_154 : memref<4096xf32, #tpu.memory_space<hbm>>) target_semaphore(%arg12 : memref<!tpu.dma_semaphore, #tpu.memory_space<semaphore_mem>>)
    %add3A_155 = arith.constant 2 : i32
    %add3A_156 = arith.addi %mul3A_2, %add3A_155 : i32
    %shift_right_logical3A_157 = arith.constant 4 : i32
    %shift_right_logical3A_158 = arith.shrui %add3A_156, %shift_right_logical3A_157 : i32
    %dma_start3A_159 = arith.constant 0 : i32
    %dma_start3A_160 = tpu.memref_slice %arg2[%add3A_156, %dma_start3A_159] : memref<416x100000xf32, #tpu.memory_space<hbm>> -> memref<1x100000xf32, #tpu.memory_space<hbm>>
    %dma_start3A_161 = tpu.memref_squeeze %dma_start3A_160 : memref<1x100000xf32, #tpu.memory_space<hbm>> -> memref<100000xf32, #tpu.memory_space<hbm>>
    %dma_start3A_162 = arith.constant 0 : i32
    %dma_start3A_163 = tpu.memref_slice %arg2[%add3A_156, %dma_start3A_162] : memref<416x100000xf32, #tpu.memory_space<hbm>> -> memref<1x100000xf32, #tpu.memory_space<hbm>>
    %dma_start3A_164 = tpu.memref_squeeze %dma_start3A_163 : memref<1x100000xf32, #tpu.memory_space<hbm>> -> memref<100000xf32, #tpu.memory_space<hbm>>
    tpu.enqueue_dma source(%dma_start3A_164 : memref<100000xf32, #tpu.memory_space<hbm>>) target(%arg5 : memref<100000xf32, #tpu.memory_space<vmem>>) target_semaphore(%arg9 : memref<!tpu.dma_semaphore, #tpu.memory_space<semaphore_mem>>)
    %sub3A_165 = arith.constant 1 : i32
    %sub3A_166 = arith.subi %add3A_156, %sub3A_165 : i32
    %shift_right_logical3A_167 = arith.constant 4 : i32
    %shift_right_logical3A_168 = arith.shrui %sub3A_166, %shift_right_logical3A_167 : i32
    %ne3A_169 = arith.cmpi ne, %shift_right_logical3A_158, %shift_right_logical3A_168 : i32
    %convert_element_type3A_170 = arith.extui %ne3A_169 : i1 to i32
    %cond3A_171 = arith.constant 0 : i32
    %cond3A_172 = arith.cmpi ne, %convert_element_type3A_170, %cond3A_171 : i32
    scf.if %cond3A_172 {
      %dma_start3A_1091 = arith.constant 0 : i32
      %dma_start3A_1092 = tpu.memref_slice %arg3[%shift_right_logical3A_158, %dma_start3A_1091] : memref<26x16384xi32, #tpu.memory_space<hbm>> -> memref<1x16384xi32, #tpu.memory_space<hbm>>
      %dma_start3A_1093 = tpu.memref_squeeze %dma_start3A_1092 : memref<1x16384xi32, #tpu.memory_space<hbm>> -> memref<16384xi32, #tpu.memory_space<hbm>>
      %dma_start3A_1094 = arith.constant 0 : i32
      %dma_start3A_1095 = tpu.memref_slice %arg3[%shift_right_logical3A_158, %dma_start3A_1094] : memref<26x16384xi32, #tpu.memory_space<hbm>> -> memref<1x16384xi32, #tpu.memory_space<hbm>>
      %dma_start3A_1096 = tpu.memref_squeeze %dma_start3A_1095 : memref<1x16384xi32, #tpu.memory_space<hbm>> -> memref<16384xi32, #tpu.memory_space<hbm>>
      tpu.enqueue_dma source(%dma_start3A_1096 : memref<16384xi32, #tpu.memory_space<hbm>>) target(%arg6 : memref<16384xi32, #tpu.memory_space<vmem>>) target_semaphore(%arg10 : memref<!tpu.dma_semaphore, #tpu.memory_space<semaphore_mem>>)
      %dma_wait3A_1097 = arith.constant 0 : i32
      %dma_wait3A_1098 = tpu.memref_slice %arg3[%shift_right_logical3A_158, %dma_wait3A_1097] : memref<26x16384xi32, #tpu.memory_space<hbm>> -> memref<1x16384xi32, #tpu.memory_space<hbm>>
      %dma_wait3A_1099 = tpu.memref_squeeze %dma_wait3A_1098 : memref<1x16384xi32, #tpu.memory_space<hbm>> -> memref<16384xi32, #tpu.memory_space<hbm>>
      %dma_wait3A_1100 = arith.constant 0 : i32
      %dma_wait3A_1101 = tpu.memref_slice %arg3[%shift_right_logical3A_158, %dma_wait3A_1100] : memref<26x16384xi32, #tpu.memory_space<hbm>> -> memref<1x16384xi32, #tpu.memory_space<hbm>>
      %dma_wait3A_1102 = tpu.memref_squeeze %dma_wait3A_1101 : memref<1x16384xi32, #tpu.memory_space<hbm>> -> memref<16384xi32, #tpu.memory_space<hbm>>
      tpu.wait_dma2 semaphore(%arg10 : memref<!tpu.dma_semaphore, #tpu.memory_space<semaphore_mem>>) src(%dma_wait3A_1102 : memref<16384xi32, #tpu.memory_space<hbm>>) dst(%arg6 : memref<16384xi32, #tpu.memory_space<vmem>>)
    } else {
    }
    %dma_wait3A_173 = arith.constant 0 : i32
    %dma_wait3A_174 = tpu.memref_slice %arg2[%add3A_156, %dma_wait3A_173] : memref<416x100000xf32, #tpu.memory_space<hbm>> -> memref<1x100000xf32, #tpu.memory_space<hbm>>
    %dma_wait3A_175 = tpu.memref_squeeze %dma_wait3A_174 : memref<1x100000xf32, #tpu.memory_space<hbm>> -> memref<100000xf32, #tpu.memory_space<hbm>>
    %dma_wait3A_176 = arith.constant 0 : i32
    %dma_wait3A_177 = tpu.memref_slice %arg2[%add3A_156, %dma_wait3A_176] : memref<416x100000xf32, #tpu.memory_space<hbm>> -> memref<1x100000xf32, #tpu.memory_space<hbm>>
    %dma_wait3A_178 = tpu.memref_squeeze %dma_wait3A_177 : memref<1x100000xf32, #tpu.memory_space<hbm>> -> memref<100000xf32, #tpu.memory_space<hbm>>
    tpu.wait_dma2 semaphore(%arg9 : memref<!tpu.dma_semaphore, #tpu.memory_space<semaphore_mem>>) src(%dma_wait3A_178 : memref<100000xf32, #tpu.memory_space<hbm>>) dst(%arg5 : memref<100000xf32, #tpu.memory_space<vmem>>)
    %dma_wait3A_179 = arith.constant 8192 : i32
    %dma_wait3A_180 = tpu.memref_slice %arg4[%add3A_76, %dma_wait3A_179] : memref<416x16384xf32, #tpu.memory_space<hbm>> -> memref<1x4096xf32, #tpu.memory_space<hbm>>
    %dma_wait3A_181 = tpu.memref_squeeze %dma_wait3A_180 : memref<1x4096xf32, #tpu.memory_space<hbm>> -> memref<4096xf32, #tpu.memory_space<hbm>>
    %dma_wait3A_182 = arith.constant 8192 : i32
    %dma_wait3A_183 = tpu.memref_slice %arg4[%add3A_76, %dma_wait3A_182] : memref<416x16384xf32, #tpu.memory_space<hbm>> -> memref<1x4096xf32, #tpu.memory_space<hbm>>
    %dma_wait3A_184 = tpu.memref_squeeze %dma_wait3A_183 : memref<1x4096xf32, #tpu.memory_space<hbm>> -> memref<4096xf32, #tpu.memory_space<hbm>>
    tpu.wait_dma2 semaphore(%arg11 : memref<!tpu.dma_semaphore, #tpu.memory_space<semaphore_mem>>) src(%arg7 : memref<4096xf32, #tpu.memory_space<vmem>>) dst(%dma_wait3A_184 : memref<4096xf32, #tpu.memory_space<hbm>>)
    %parallel_loop3A_185 = arith.constant 0 : i32
    %parallel_loop3A_186 = arith.constant 256 : i32
    %parallel_loop3A_187 = arith.constant 1 : i32
    scf.for %parallel_loop3A_1091 = %parallel_loop3A_185 to %parallel_loop3A_186 step %parallel_loop3A_187  : i32 {
      %parallel_loop3A_1092 = arith.constant 16 : i32
      %parallel_loop3A_1093 = arith.muli %parallel_loop3A_1091, %parallel_loop3A_1092 : i32
      %parallel_loop3A_1094 = arith.constant 16 : i32
      %parallel_loop3A_1095 = arith.muli %parallel_loop3A_1091, %parallel_loop3A_1094 : i32
      %parallel_loop3A_1096 = arith.constant 0 : i32
      %parallel_loop3A_1097 = arith.addi %parallel_loop3A_1096, %parallel_loop3A_1095 : i32
      %parallel_loop3A_1098 = arith.index_cast %parallel_loop3A_1097 : i32 to index
      %parallel_loop3A_1099 = tpu.vector_load %arg6[%parallel_loop3A_1098] {strides = array<i32>} : memref<16384xi32, #tpu.memory_space<vmem>>, vector<16xi32>,
      %parallel_loop3A_1100 = tpu.vector_load_idx %arg5[%parallel_loop3A_1099] : memref<100000xf32, #tpu.memory_space<vmem>>[vector<16xi32>], vector<16xf32>,
      %parallel_loop3A_1101 = arith.index_cast %parallel_loop3A_1093 : i32 to index
      %parallel_loop3A_1102 = tpu.vector_load %arg7[%parallel_loop3A_1101] {strides = array<i32>} : memref<4096xf32, #tpu.memory_space<vmem>>, vector<16xf32>,
      tpu.vector_store %arg7[%parallel_loop3A_1101], %parallel_loop3A_1100 {strides = array<i32>} : memref<4096xf32, #tpu.memory_space<vmem>>, vector<16xf32>,
    } {sc.loop_unroll_factor = 8 : i64, sc.parallel_access}
    %dma_start3A_188 = arith.constant 0 : i32
    %dma_start3A_189 = tpu.memref_slice %arg4[%add3A_156, %dma_start3A_188] : memref<416x16384xf32, #tpu.memory_space<hbm>> -> memref<1x4096xf32, #tpu.memory_space<hbm>>
    %dma_start3A_190 = tpu.memref_squeeze %dma_start3A_189 : memref<1x4096xf32, #tpu.memory_space<hbm>> -> memref<4096xf32, #tpu.memory_space<hbm>>
    %dma_start3A_191 = arith.constant 0 : i32
    %dma_start3A_192 = tpu.memref_slice %arg4[%add3A_156, %dma_start3A_191] : memref<416x16384xf32, #tpu.memory_space<hbm>> -> memref<1x4096xf32, #tpu.memory_space<hbm>>
    %dma_start3A_193 = tpu.memref_squeeze %dma_start3A_192 : memref<1x4096xf32, #tpu.memory_space<hbm>> -> memref<4096xf32, #tpu.memory_space<hbm>>
    tpu.enqueue_dma source(%arg7 : memref<4096xf32, #tpu.memory_space<vmem>>) target(%dma_start3A_193 : memref<4096xf32, #tpu.memory_space<hbm>>) target_semaphore(%arg11 : memref<!tpu.dma_semaphore, #tpu.memory_space<semaphore_mem>>)
    %dma_wait3A_194 = arith.constant 12288 : i32
    %dma_wait3A_195 = tpu.memref_slice %arg4[%add3A_76, %dma_wait3A_194] : memref<416x16384xf32, #tpu.memory_space<hbm>> -> memref<1x4096xf32, #tpu.memory_space<hbm>>
    %dma_wait3A_196 = tpu.memref_squeeze %dma_wait3A_195 : memref<1x4096xf32, #tpu.memory_space<hbm>> -> memref<4096xf32, #tpu.memory_space<hbm>>
    %dma_wait3A_197 = arith.constant 12288 : i32
    %dma_wait3A_198 = tpu.memref_slice %arg4[%add3A_76, %dma_wait3A_197] : memref<416x16384xf32, #tpu.memory_space<hbm>> -> memref<1x4096xf32, #tpu.memory_space<hbm>>
    %dma_wait3A_199 = tpu.memref_squeeze %dma_wait3A_198 : memref<1x4096xf32, #tpu.memory_space<hbm>> -> memref<4096xf32, #tpu.memory_space<hbm>>
    tpu.wait_dma2 semaphore(%arg12 : memref<!tpu.dma_semaphore, #tpu.memory_space<semaphore_mem>>) src(%arg8 : memref<4096xf32, #tpu.memory_space<vmem>>) dst(%dma_wait3A_199 : memref<4096xf32, #tpu.memory_space<hbm>>)
    %parallel_loop3A_200 = arith.constant 0 : i32
    %parallel_loop3A_201 = arith.constant 256 : i32
    %parallel_loop3A_202 = arith.constant 1 : i32
    scf.for %parallel_loop3A_1091 = %parallel_loop3A_200 to %parallel_loop3A_201 step %parallel_loop3A_202  : i32 {
      %parallel_loop3A_1092 = arith.constant 16 : i32
      %parallel_loop3A_1093 = arith.muli %parallel_loop3A_1091, %parallel_loop3A_1092 : i32
      %parallel_loop3A_1094 = arith.constant 16 : i32
      %parallel_loop3A_1095 = arith.muli %parallel_loop3A_1091, %parallel_loop3A_1094 : i32
      %parallel_loop3A_1096 = arith.constant 4096 : i32
      %parallel_loop3A_1097 = arith.addi %parallel_loop3A_1096, %parallel_loop3A_1095 : i32
      %parallel_loop3A_1098 = arith.index_cast %parallel_loop3A_1097 : i32 to index
      %parallel_loop3A_1099 = tpu.vector_load %arg6[%parallel_loop3A_1098] {strides = array<i32>} : memref<16384xi32, #tpu.memory_space<vmem>>, vector<16xi32>,
      %parallel_loop3A_1100 = tpu.vector_load_idx %arg5[%parallel_loop3A_1099] : memref<100000xf32, #tpu.memory_space<vmem>>[vector<16xi32>], vector<16xf32>,
      %parallel_loop3A_1101 = arith.index_cast %parallel_loop3A_1093 : i32 to index
      %parallel_loop3A_1102 = tpu.vector_load %arg8[%parallel_loop3A_1101] {strides = array<i32>} : memref<4096xf32, #tpu.memory_space<vmem>>, vector<16xf32>,
      tpu.vector_store %arg8[%parallel_loop3A_1101], %parallel_loop3A_1100 {strides = array<i32>} : memref<4096xf32, #tpu.memory_space<vmem>>, vector<16xf32>,
    } {sc.loop_unroll_factor = 8 : i64, sc.parallel_access}
    %dma_start3A_203 = arith.constant 4096 : i32
    %dma_start3A_204 = tpu.memref_slice %arg4[%add3A_156, %dma_start3A_203] : memref<416x16384xf32, #tpu.memory_space<hbm>> -> memref<1x4096xf32, #tpu.memory_space<hbm>>
    %dma_start3A_205 = tpu.memref_squeeze %dma_start3A_204 : memref<1x4096xf32, #tpu.memory_space<hbm>> -> memref<4096xf32, #tpu.memory_space<hbm>>
    %dma_start3A_206 = arith.constant 4096 : i32
    %dma_start3A_207 = tpu.memref_slice %arg4[%add3A_156, %dma_start3A_206] : memref<416x16384xf32, #tpu.memory_space<hbm>> -> memref<1x4096xf32, #tpu.memory_space<hbm>>
    %dma_start3A_208 = tpu.memref_squeeze %dma_start3A_207 : memref<1x4096xf32, #tpu.memory_space<hbm>> -> memref<4096xf32, #tpu.memory_space<hbm>>
    tpu.enqueue_dma source(%arg8 : memref<4096xf32, #tpu.memory_space<vmem>>) target(%dma_start3A_208 : memref<4096xf32, #tpu.memory_space<hbm>>) target_semaphore(%arg12 : memref<!tpu.dma_semaphore, #tpu.memory_space<semaphore_mem>>)
    %dma_wait3A_209 = arith.constant 0 : i32
    %dma_wait3A_210 = tpu.memref_slice %arg4[%add3A_156, %dma_wait3A_209] : memref<416x16384xf32, #tpu.memory_space<hbm>> -> memref<1x4096xf32, #tpu.memory_space<hbm>>
    %dma_wait3A_211 = tpu.memref_squeeze %dma_wait3A_210 : memref<1x4096xf32, #tpu.memory_space<hbm>> -> memref<4096xf32, #tpu.memory_space<hbm>>
    %dma_wait3A_212 = arith.constant 0 : i32
    %dma_wait3A_213 = tpu.memref_slice %arg4[%add3A_156, %dma_wait3A_212] : memref<416x16384xf32, #tpu.memory_space<hbm>> -> memref<1x4096xf32, #tpu.memory_space<hbm>>
    %dma_wait3A_214 = tpu.memref_squeeze %dma_wait3A_213 : memref<1x4096xf32, #tpu.memory_space<hbm>> -> memref<4096xf32, #tpu.memory_space<hbm>>
    tpu.wait_dma2 semaphore(%arg11 : memref<!tpu.dma_semaphore, #tpu.memory_space<semaphore_mem>>) src(%arg7 : memref<4096xf32, #tpu.memory_space<vmem>>) dst(%dma_wait3A_214 : memref<4096xf32, #tpu.memory_space<hbm>>)
    %parallel_loop3A_215 = arith.constant 0 : i32
    %parallel_loop3A_216 = arith.constant 256 : i32
    %parallel_loop3A_217 = arith.constant 1 : i32
    scf.for %parallel_loop3A_1091 = %parallel_loop3A_215 to %parallel_loop3A_216 step %parallel_loop3A_217  : i32 {
      %parallel_loop3A_1092 = arith.constant 16 : i32
      %parallel_loop3A_1093 = arith.muli %parallel_loop3A_1091, %parallel_loop3A_1092 : i32
      %parallel_loop3A_1094 = arith.constant 16 : i32
      %parallel_loop3A_1095 = arith.muli %parallel_loop3A_1091, %parallel_loop3A_1094 : i32
      %parallel_loop3A_1096 = arith.constant 8192 : i32
      %parallel_loop3A_1097 = arith.addi %parallel_loop3A_1096, %parallel_loop3A_1095 : i32
      %parallel_loop3A_1098 = arith.index_cast %parallel_loop3A_1097 : i32 to index
      %parallel_loop3A_1099 = tpu.vector_load %arg6[%parallel_loop3A_1098] {strides = array<i32>} : memref<16384xi32, #tpu.memory_space<vmem>>, vector<16xi32>,
      %parallel_loop3A_1100 = tpu.vector_load_idx %arg5[%parallel_loop3A_1099] : memref<100000xf32, #tpu.memory_space<vmem>>[vector<16xi32>], vector<16xf32>,
      %parallel_loop3A_1101 = arith.index_cast %parallel_loop3A_1093 : i32 to index
      %parallel_loop3A_1102 = tpu.vector_load %arg7[%parallel_loop3A_1101] {strides = array<i32>} : memref<4096xf32, #tpu.memory_space<vmem>>, vector<16xf32>,
      tpu.vector_store %arg7[%parallel_loop3A_1101], %parallel_loop3A_1100 {strides = array<i32>} : memref<4096xf32, #tpu.memory_space<vmem>>, vector<16xf32>,
    } {sc.loop_unroll_factor = 8 : i64, sc.parallel_access}
    %dma_start3A_218 = arith.constant 8192 : i32
    %dma_start3A_219 = tpu.memref_slice %arg4[%add3A_156, %dma_start3A_218] : memref<416x16384xf32, #tpu.memory_space<hbm>> -> memref<1x4096xf32, #tpu.memory_space<hbm>>
    %dma_start3A_220 = tpu.memref_squeeze %dma_start3A_219 : memref<1x4096xf32, #tpu.memory_space<hbm>> -> memref<4096xf32, #tpu.memory_space<hbm>>
    %dma_start3A_221 = arith.constant 8192 : i32
    %dma_start3A_222 = tpu.memref_slice %arg4[%add3A_156, %dma_start3A_221] : memref<416x16384xf32, #tpu.memory_space<hbm>> -> memref<1x4096xf32, #tpu.memory_space<hbm>>
    %dma_start3A_223 = tpu.memref_squeeze %dma_start3A_222 : memref<1x4096xf32, #tpu.memory_space<hbm>> -> memref<4096xf32, #tpu.memory_space<hbm>>
    tpu.enqueue_dma source(%arg7 : memref<4096xf32, #tpu.memory_space<vmem>>) target(%dma_start3A_223 : memref<4096xf32, #tpu.memory_space<hbm>>) target_semaphore(%arg11 : memref<!tpu.dma_semaphore, #tpu.memory_space<semaphore_mem>>)
    %dma_wait3A_224 = arith.constant 4096 : i32
    %dma_wait3A_225 = tpu.memref_slice %arg4[%add3A_156, %dma_wait3A_224] : memref<416x16384xf32, #tpu.memory_space<hbm>> -> memref<1x4096xf32, #tpu.memory_space<hbm>>
    %dma_wait3A_226 = tpu.memref_squeeze %dma_wait3A_225 : memref<1x4096xf32, #tpu.memory_space<hbm>> -> memref<4096xf32, #tpu.memory_space<hbm>>
    %dma_wait3A_227 = arith.constant 4096 : i32
    %dma_wait3A_228 = tpu.memref_slice %arg4[%add3A_156, %dma_wait3A_227] : memref<416x16384xf32, #tpu.memory_space<hbm>> -> memref<1x4096xf32, #tpu.memory_space<hbm>>
    %dma_wait3A_229 = tpu.memref_squeeze %dma_wait3A_228 : memref<1x4096xf32, #tpu.memory_space<hbm>> -> memref<4096xf32, #tpu.memory_space<hbm>>
    tpu.wait_dma2 semaphore(%arg12 : memref<!tpu.dma_semaphore, #tpu.memory_space<semaphore_mem>>) src(%arg8 : memref<4096xf32, #tpu.memory_space<vmem>>) dst(%dma_wait3A_229 : memref<4096xf32, #tpu.memory_space<hbm>>)
    %parallel_loop3A_230 = arith.constant 0 : i32
    %parallel_loop3A_231 = arith.constant 256 : i32
    %parallel_loop3A_232 = arith.constant 1 : i32
    scf.for %parallel_loop3A_1091 = %parallel_loop3A_230 to %parallel_loop3A_231 step %parallel_loop3A_232  : i32 {
      %parallel_loop3A_1092 = arith.constant 16 : i32
      %parallel_loop3A_1093 = arith.muli %parallel_loop3A_1091, %parallel_loop3A_1092 : i32
      %parallel_loop3A_1094 = arith.constant 16 : i32
      %parallel_loop3A_1095 = arith.muli %parallel_loop3A_1091, %parallel_loop3A_1094 : i32
      %parallel_loop3A_1096 = arith.constant 12288 : i32
      %parallel_loop3A_1097 = arith.addi %parallel_loop3A_1096, %parallel_loop3A_1095 : i32
      %parallel_loop3A_1098 = arith.index_cast %parallel_loop3A_1097 : i32 to index
      %parallel_loop3A_1099 = tpu.vector_load %arg6[%parallel_loop3A_1098] {strides = array<i32>} : memref<16384xi32, #tpu.memory_space<vmem>>, vector<16xi32>,
      %parallel_loop3A_1100 = tpu.vector_load_idx %arg5[%parallel_loop3A_1099] : memref<100000xf32, #tpu.memory_space<vmem>>[vector<16xi32>], vector<16xf32>,
      %parallel_loop3A_1101 = arith.index_cast %parallel_loop3A_1093 : i32 to index
      %parallel_loop3A_1102 = tpu.vector_load %arg8[%parallel_loop3A_1101] {strides = array<i32>} : memref<4096xf32, #tpu.memory_space<vmem>>, vector<16xf32>,
      tpu.vector_store %arg8[%parallel_loop3A_1101], %parallel_loop3A_1100 {strides = array<i32>} : memref<4096xf32, #tpu.memory_space<vmem>>, vector<16xf32>,
    } {sc.loop_unroll_factor = 8 : i64, sc.parallel_access}
    %dma_start3A_233 = arith.constant 12288 : i32
    %dma_start3A_234 = tpu.memref_slice %arg4[%add3A_156, %dma_start3A_233] : memref<416x16384xf32, #tpu.memory_space<hbm>> -> memref<1x4096xf32, #tpu.memory_space<hbm>>
    %dma_start3A_235 = tpu.memref_squeeze %dma_start3A_234 : memref<1x4096xf32, #tpu.memory_space<hbm>> -> memref<4096xf32, #tpu.memory_space<hbm>>
    %dma_start3A_236 = arith.constant 12288 : i32
    %dma_start3A_237 = tpu.memref_slice %arg4[%add3A_156, %dma_start3A_236] : memref<416x16384xf32, #tpu.memory_space<hbm>> -> memref<1x4096xf32, #tpu.memory_space<hbm>>
    %dma_start3A_238 = tpu.memref_squeeze %dma_start3A_237 : memref<1x4096xf32, #tpu.memory_space<hbm>> -> memref<4096xf32, #tpu.memory_space<hbm>>
    tpu.enqueue_dma source(%arg8 : memref<4096xf32, #tpu.memory_space<vmem>>) target(%dma_start3A_238 : memref<4096xf32, #tpu.memory_space<hbm>>) target_semaphore(%arg12 : memref<!tpu.dma_semaphore, #tpu.memory_space<semaphore_mem>>)
    %add3A_239 = arith.constant 3 : i32
    %add3A_240 = arith.addi %mul3A_2, %add3A_239 : i32
    %shift_right_logical3A_241 = arith.constant 4 : i32
    %shift_right_logical3A_242 = arith.shrui %add3A_240, %shift_right_logical3A_241 : i32
    %dma_start3A_243 = arith.constant 0 : i32
    %dma_start3A_244 = tpu.memref_slice %arg2[%add3A_240, %dma_start3A_243] : memref<416x100000xf32, #tpu.memory_space<hbm>> -> memref<1x100000xf32, #tpu.memory_space<hbm>>
    %dma_start3A_245 = tpu.memref_squeeze %dma_start3A_244 : memref<1x100000xf32, #tpu.memory_space<hbm>> -> memref<100000xf32, #tpu.memory_space<hbm>>
    %dma_start3A_246 = arith.constant 0 : i32
    %dma_start3A_247 = tpu.memref_slice %arg2[%add3A_240, %dma_start3A_246] : memref<416x100000xf32, #tpu.memory_space<hbm>> -> memref<1x100000xf32, #tpu.memory_space<hbm>>
    %dma_start3A_248 = tpu.memref_squeeze %dma_start3A_247 : memref<1x100000xf32, #tpu.memory_space<hbm>> -> memref<100000xf32, #tpu.memory_space<hbm>>
    tpu.enqueue_dma source(%dma_start3A_248 : memref<100000xf32, #tpu.memory_space<hbm>>) target(%arg5 : memref<100000xf32, #tpu.memory_space<vmem>>) target_semaphore(%arg9 : memref<!tpu.dma_semaphore, #tpu.memory_space<semaphore_mem>>)
    %sub3A_249 = arith.constant 1 : i32
    %sub3A_250 = arith.subi %add3A_240, %sub3A_249 : i32
    %shift_right_logical3A_251 = arith.constant 4 : i32
    %shift_right_logical3A_252 = arith.shrui %sub3A_250, %shift_right_logical3A_251 : i32
    %ne3A_253 = arith.cmpi ne, %shift_right_logical3A_242, %shift_right_logical3A_252 : i32
    %convert_element_type3A_254 = arith.extui %ne3A_253 : i1 to i32
    %cond3A_255 = arith.constant 0 : i32
    %cond3A_256 = arith.cmpi ne, %convert_element_type3A_254, %cond3A_255 : i32
    scf.if %cond3A_256 {
      %dma_start3A_1091 = arith.constant 0 : i32
      %dma_start3A_1092 = tpu.memref_slice %arg3[%shift_right_logical3A_242, %dma_start3A_1091] : memref<26x16384xi32, #tpu.memory_space<hbm>> -> memref<1x16384xi32, #tpu.memory_space<hbm>>
      %dma_start3A_1093 = tpu.memref_squeeze %dma_start3A_1092 : memref<1x16384xi32, #tpu.memory_space<hbm>> -> memref<16384xi32, #tpu.memory_space<hbm>>
      %dma_start3A_1094 = arith.constant 0 : i32
      %dma_start3A_1095 = tpu.memref_slice %arg3[%shift_right_logical3A_242, %dma_start3A_1094] : memref<26x16384xi32, #tpu.memory_space<hbm>> -> memref<1x16384xi32, #tpu.memory_space<hbm>>
      %dma_start3A_1096 = tpu.memref_squeeze %dma_start3A_1095 : memref<1x16384xi32, #tpu.memory_space<hbm>> -> memref<16384xi32, #tpu.memory_space<hbm>>
      tpu.enqueue_dma source(%dma_start3A_1096 : memref<16384xi32, #tpu.memory_space<hbm>>) target(%arg6 : memref<16384xi32, #tpu.memory_space<vmem>>) target_semaphore(%arg10 : memref<!tpu.dma_semaphore, #tpu.memory_space<semaphore_mem>>)
      %dma_wait3A_1097 = arith.constant 0 : i32
      %dma_wait3A_1098 = tpu.memref_slice %arg3[%shift_right_logical3A_242, %dma_wait3A_1097] : memref<26x16384xi32, #tpu.memory_space<hbm>> -> memref<1x16384xi32, #tpu.memory_space<hbm>>
      %dma_wait3A_1099 = tpu.memref_squeeze %dma_wait3A_1098 : memref<1x16384xi32, #tpu.memory_space<hbm>> -> memref<16384xi32, #tpu.memory_space<hbm>>
      %dma_wait3A_1100 = arith.constant 0 : i32
      %dma_wait3A_1101 = tpu.memref_slice %arg3[%shift_right_logical3A_242, %dma_wait3A_1100] : memref<26x16384xi32, #tpu.memory_space<hbm>> -> memref<1x16384xi32, #tpu.memory_space<hbm>>
      %dma_wait3A_1102 = tpu.memref_squeeze %dma_wait3A_1101 : memref<1x16384xi32, #tpu.memory_space<hbm>> -> memref<16384xi32, #tpu.memory_space<hbm>>
      tpu.wait_dma2 semaphore(%arg10 : memref<!tpu.dma_semaphore, #tpu.memory_space<semaphore_mem>>) src(%dma_wait3A_1102 : memref<16384xi32, #tpu.memory_space<hbm>>) dst(%arg6 : memref<16384xi32, #tpu.memory_space<vmem>>)
    } else {
    }
    %dma_wait3A_257 = arith.constant 0 : i32
    %dma_wait3A_258 = tpu.memref_slice %arg2[%add3A_240, %dma_wait3A_257] : memref<416x100000xf32, #tpu.memory_space<hbm>> -> memref<1x100000xf32, #tpu.memory_space<hbm>>
    %dma_wait3A_259 = tpu.memref_squeeze %dma_wait3A_258 : memref<1x100000xf32, #tpu.memory_space<hbm>> -> memref<100000xf32, #tpu.memory_space<hbm>>
    %dma_wait3A_260 = arith.constant 0 : i32
    %dma_wait3A_261 = tpu.memref_slice %arg2[%add3A_240, %dma_wait3A_260] : memref<416x100000xf32, #tpu.memory_space<hbm>> -> memref<1x100000xf32, #tpu.memory_space<hbm>>
    %dma_wait3A_262 = tpu.memref_squeeze %dma_wait3A_261 : memref<1x100000xf32, #tpu.memory_space<hbm>> -> memref<100000xf32, #tpu.memory_space<hbm>>
    tpu.wait_dma2 semaphore(%arg9 : memref<!tpu.dma_semaphore, #tpu.memory_space<semaphore_mem>>) src(%dma_wait3A_262 : memref<100000xf32, #tpu.memory_space<hbm>>) dst(%arg5 : memref<100000xf32, #tpu.memory_space<vmem>>)
    %dma_wait3A_263 = arith.constant 8192 : i32
    %dma_wait3A_264 = tpu.memref_slice %arg4[%add3A_156, %dma_wait3A_263] : memref<416x16384xf32, #tpu.memory_space<hbm>> -> memref<1x4096xf32, #tpu.memory_space<hbm>>
    %dma_wait3A_265 = tpu.memref_squeeze %dma_wait3A_264 : memref<1x4096xf32, #tpu.memory_space<hbm>> -> memref<4096xf32, #tpu.memory_space<hbm>>
    %dma_wait3A_266 = arith.constant 8192 : i32
    %dma_wait3A_267 = tpu.memref_slice %arg4[%add3A_156, %dma_wait3A_266] : memref<416x16384xf32, #tpu.memory_space<hbm>> -> memref<1x4096xf32, #tpu.memory_space<hbm>>
    %dma_wait3A_268 = tpu.memref_squeeze %dma_wait3A_267 : memref<1x4096xf32, #tpu.memory_space<hbm>> -> memref<4096xf32, #tpu.memory_space<hbm>>
    tpu.wait_dma2 semaphore(%arg11 : memref<!tpu.dma_semaphore, #tpu.memory_space<semaphore_mem>>) src(%arg7 : memref<4096xf32, #tpu.memory_space<vmem>>) dst(%dma_wait3A_268 : memref<4096xf32, #tpu.memory_space<hbm>>)
    %parallel_loop3A_269 = arith.constant 0 : i32
    %parallel_loop3A_270 = arith.constant 256 : i32
    %parallel_loop3A_271 = arith.constant 1 : i32
    scf.for %parallel_loop3A_1091 = %parallel_loop3A_269 to %parallel_loop3A_270 step %parallel_loop3A_271  : i32 {
      %parallel_loop3A_1092 = arith.constant 16 : i32
      %parallel_loop3A_1093 = arith.muli %parallel_loop3A_1091, %parallel_loop3A_1092 : i32
      %parallel_loop3A_1094 = arith.constant 16 : i32
      %parallel_loop3A_1095 = arith.muli %parallel_loop3A_1091, %parallel_loop3A_1094 : i32
      %parallel_loop3A_1096 = arith.constant 0 : i32
      %parallel_loop3A_1097 = arith.addi %parallel_loop3A_1096, %parallel_loop3A_1095 : i32
      %parallel_loop3A_1098 = arith.index_cast %parallel_loop3A_1097 : i32 to index
      %parallel_loop3A_1099 = tpu.vector_load %arg6[%parallel_loop3A_1098] {strides = array<i32>} : memref<16384xi32, #tpu.memory_space<vmem>>, vector<16xi32>,
      %parallel_loop3A_1100 = tpu.vector_load_idx %arg5[%parallel_loop3A_1099] : memref<100000xf32, #tpu.memory_space<vmem>>[vector<16xi32>], vector<16xf32>,
      %parallel_loop3A_1101 = arith.index_cast %parallel_loop3A_1093 : i32 to index
      %parallel_loop3A_1102 = tpu.vector_load %arg7[%parallel_loop3A_1101] {strides = array<i32>} : memref<4096xf32, #tpu.memory_space<vmem>>, vector<16xf32>,
      tpu.vector_store %arg7[%parallel_loop3A_1101], %parallel_loop3A_1100 {strides = array<i32>} : memref<4096xf32, #tpu.memory_space<vmem>>, vector<16xf32>,
    } {sc.loop_unroll_factor = 8 : i64, sc.parallel_access}
    %dma_start3A_272 = arith.constant 0 : i32
    %dma_start3A_273 = tpu.memref_slice %arg4[%add3A_240, %dma_start3A_272] : memref<416x16384xf32, #tpu.memory_space<hbm>> -> memref<1x4096xf32, #tpu.memory_space<hbm>>
    %dma_start3A_274 = tpu.memref_squeeze %dma_start3A_273 : memref<1x4096xf32, #tpu.memory_space<hbm>> -> memref<4096xf32, #tpu.memory_space<hbm>>
    %dma_start3A_275 = arith.constant 0 : i32
    %dma_start3A_276 = tpu.memref_slice %arg4[%add3A_240, %dma_start3A_275] : memref<416x16384xf32, #tpu.memory_space<hbm>> -> memref<1x4096xf32, #tpu.memory_space<hbm>>
    %dma_start3A_277 = tpu.memref_squeeze %dma_start3A_276 : memref<1x4096xf32, #tpu.memory_space<hbm>> -> memref<4096xf32, #tpu.memory_space<hbm>>
    tpu.enqueue_dma source(%arg7 : memref<4096xf32, #tpu.memory_space<vmem>>) target(%dma_start3A_277 : memref<4096xf32, #tpu.memory_space<hbm>>) target_semaphore(%arg11 : memref<!tpu.dma_semaphore, #tpu.memory_space<semaphore_mem>>)
    %dma_wait3A_278 = arith.constant 12288 : i32
    %dma_wait3A_279 = tpu.memref_slice %arg4[%add3A_156, %dma_wait3A_278] : memref<416x16384xf32, #tpu.memory_space<hbm>> -> memref<1x4096xf32, #tpu.memory_space<hbm>>
    %dma_wait3A_280 = tpu.memref_squeeze %dma_wait3A_279 : memref<1x4096xf32, #tpu.memory_space<hbm>> -> memref<4096xf32, #tpu.memory_space<hbm>>
    %dma_wait3A_281 = arith.constant 12288 : i32
    %dma_wait3A_282 = tpu.memref_slice %arg4[%add3A_156, %dma_wait3A_281] : memref<416x16384xf32, #tpu.memory_space<hbm>> -> memref<1x4096xf32, #tpu.memory_space<hbm>>
    %dma_wait3A_283 = tpu.memref_squeeze %dma_wait3A_282 : memref<1x4096xf32, #tpu.memory_space<hbm>> -> memref<4096xf32, #tpu.memory_space<hbm>>
    tpu.wait_dma2 semaphore(%arg12 : memref<!tpu.dma_semaphore, #tpu.memory_space<semaphore_mem>>) src(%arg8 : memref<4096xf32, #tpu.memory_space<vmem>>) dst(%dma_wait3A_283 : memref<4096xf32, #tpu.memory_space<hbm>>)
    %parallel_loop3A_284 = arith.constant 0 : i32
    %parallel_loop3A_285 = arith.constant 256 : i32
    %parallel_loop3A_286 = arith.constant 1 : i32
    scf.for %parallel_loop3A_1091 = %parallel_loop3A_284 to %parallel_loop3A_285 step %parallel_loop3A_286  : i32 {
      %parallel_loop3A_1092 = arith.constant 16 : i32
      %parallel_loop3A_1093 = arith.muli %parallel_loop3A_1091, %parallel_loop3A_1092 : i32
      %parallel_loop3A_1094 = arith.constant 16 : i32
      %parallel_loop3A_1095 = arith.muli %parallel_loop3A_1091, %parallel_loop3A_1094 : i32
      %parallel_loop3A_1096 = arith.constant 4096 : i32
      %parallel_loop3A_1097 = arith.addi %parallel_loop3A_1096, %parallel_loop3A_1095 : i32
      %parallel_loop3A_1098 = arith.index_cast %parallel_loop3A_1097 : i32 to index
      %parallel_loop3A_1099 = tpu.vector_load %arg6[%parallel_loop3A_1098] {strides = array<i32>} : memref<16384xi32, #tpu.memory_space<vmem>>, vector<16xi32>,
      %parallel_loop3A_1100 = tpu.vector_load_idx %arg5[%parallel_loop3A_1099] : memref<100000xf32, #tpu.memory_space<vmem>>[vector<16xi32>], vector<16xf32>,
      %parallel_loop3A_1101 = arith.index_cast %parallel_loop3A_1093 : i32 to index
      %parallel_loop3A_1102 = tpu.vector_load %arg8[%parallel_loop3A_1101] {strides = array<i32>} : memref<4096xf32, #tpu.memory_space<vmem>>, vector<16xf32>,
      tpu.vector_store %arg8[%parallel_loop3A_1101], %parallel_loop3A_1100 {strides = array<i32>} : memref<4096xf32, #tpu.memory_space<vmem>>, vector<16xf32>,
    } {sc.loop_unroll_factor = 8 : i64, sc.parallel_access}
    %dma_start3A_287 = arith.constant 4096 : i32
    %dma_start3A_288 = tpu.memref_slice %arg4[%add3A_240, %dma_start3A_287] : memref<416x16384xf32, #tpu.memory_space<hbm>> -> memref<1x4096xf32, #tpu.memory_space<hbm>>
    %dma_start3A_289 = tpu.memref_squeeze %dma_start3A_288 : memref<1x4096xf32, #tpu.memory_space<hbm>> -> memref<4096xf32, #tpu.memory_space<hbm>>
    %dma_start3A_290 = arith.constant 4096 : i32
    %dma_start3A_291 = tpu.memref_slice %arg4[%add3A_240, %dma_start3A_290] : memref<416x16384xf32, #tpu.memory_space<hbm>> -> memref<1x4096xf32, #tpu.memory_space<hbm>>
    %dma_start3A_292 = tpu.memref_squeeze %dma_start3A_291 : memref<1x4096xf32, #tpu.memory_space<hbm>> -> memref<4096xf32, #tpu.memory_space<hbm>>
    tpu.enqueue_dma source(%arg8 : memref<4096xf32, #tpu.memory_space<vmem>>) target(%dma_start3A_292 : memref<4096xf32, #tpu.memory_space<hbm>>) target_semaphore(%arg12 : memref<!tpu.dma_semaphore, #tpu.memory_space<semaphore_mem>>)
    %dma_wait3A_293 = arith.constant 0 : i32
    %dma_wait3A_294 = tpu.memref_slice %arg4[%add3A_240, %dma_wait3A_293] : memref<416x16384xf32, #tpu.memory_space<hbm>> -> memref<1x4096xf32, #tpu.memory_space<hbm>>
    %dma_wait3A_295 = tpu.memref_squeeze %dma_wait3A_294 : memref<1x4096xf32, #tpu.memory_space<hbm>> -> memref<4096xf32, #tpu.memory_space<hbm>>
    %dma_wait3A_296 = arith.constant 0 : i32
    %dma_wait3A_297 = tpu.memref_slice %arg4[%add3A_240, %dma_wait3A_296] : memref<416x16384xf32, #tpu.memory_space<hbm>> -> memref<1x4096xf32, #tpu.memory_space<hbm>>
    %dma_wait3A_298 = tpu.memref_squeeze %dma_wait3A_297 : memref<1x4096xf32, #tpu.memory_space<hbm>> -> memref<4096xf32, #tpu.memory_space<hbm>>
    tpu.wait_dma2 semaphore(%arg11 : memref<!tpu.dma_semaphore, #tpu.memory_space<semaphore_mem>>) src(%arg7 : memref<4096xf32, #tpu.memory_space<vmem>>) dst(%dma_wait3A_298 : memref<4096xf32, #tpu.memory_space<hbm>>)
    %parallel_loop3A_299 = arith.constant 0 : i32
    %parallel_loop3A_300 = arith.constant 256 : i32
    %parallel_loop3A_301 = arith.constant 1 : i32
    scf.for %parallel_loop3A_1091 = %parallel_loop3A_299 to %parallel_loop3A_300 step %parallel_loop3A_301  : i32 {
      %parallel_loop3A_1092 = arith.constant 16 : i32
      %parallel_loop3A_1093 = arith.muli %parallel_loop3A_1091, %parallel_loop3A_1092 : i32
      %parallel_loop3A_1094 = arith.constant 16 : i32
      %parallel_loop3A_1095 = arith.muli %parallel_loop3A_1091, %parallel_loop3A_1094 : i32
      %parallel_loop3A_1096 = arith.constant 8192 : i32
      %parallel_loop3A_1097 = arith.addi %parallel_loop3A_1096, %parallel_loop3A_1095 : i32
      %parallel_loop3A_1098 = arith.index_cast %parallel_loop3A_1097 : i32 to index
      %parallel_loop3A_1099 = tpu.vector_load %arg6[%parallel_loop3A_1098] {strides = array<i32>} : memref<16384xi32, #tpu.memory_space<vmem>>, vector<16xi32>,
      %parallel_loop3A_1100 = tpu.vector_load_idx %arg5[%parallel_loop3A_1099] : memref<100000xf32, #tpu.memory_space<vmem>>[vector<16xi32>], vector<16xf32>,
      %parallel_loop3A_1101 = arith.index_cast %parallel_loop3A_1093 : i32 to index
      %parallel_loop3A_1102 = tpu.vector_load %arg7[%parallel_loop3A_1101] {strides = array<i32>} : memref<4096xf32, #tpu.memory_space<vmem>>, vector<16xf32>,
      tpu.vector_store %arg7[%parallel_loop3A_1101], %parallel_loop3A_1100 {strides = array<i32>} : memref<4096xf32, #tpu.memory_space<vmem>>, vector<16xf32>,
    } {sc.loop_unroll_factor = 8 : i64, sc.parallel_access}
    %dma_start3A_302 = arith.constant 8192 : i32
    %dma_start3A_303 = tpu.memref_slice %arg4[%add3A_240, %dma_start3A_302] : memref<416x16384xf32, #tpu.memory_space<hbm>> -> memref<1x4096xf32, #tpu.memory_space<hbm>>
    %dma_start3A_304 = tpu.memref_squeeze %dma_start3A_303 : memref<1x4096xf32, #tpu.memory_space<hbm>> -> memref<4096xf32, #tpu.memory_space<hbm>>
    %dma_start3A_305 = arith.constant 8192 : i32
    %dma_start3A_306 = tpu.memref_slice %arg4[%add3A_240, %dma_start3A_305] : memref<416x16384xf32, #tpu.memory_space<hbm>> -> memref<1x4096xf32, #tpu.memory_space<hbm>>
    %dma_start3A_307 = tpu.memref_squeeze %dma_start3A_306 : memref<1x4096xf32, #tpu.memory_space<hbm>> -> memref<4096xf32, #tpu.memory_space<hbm>>
    tpu.enqueue_dma source(%arg7 : memref<4096xf32, #tpu.memory_space<vmem>>) target(%dma_start3A_307 : memref<4096xf32, #tpu.memory_space<hbm>>) target_semaphore(%arg11 : memref<!tpu.dma_semaphore, #tpu.memory_space<semaphore_mem>>)
    %dma_wait3A_308 = arith.constant 4096 : i32
    %dma_wait3A_309 = tpu.memref_slice %arg4[%add3A_240, %dma_wait3A_308] : memref<416x16384xf32, #tpu.memory_space<hbm>> -> memref<1x4096xf32, #tpu.memory_space<hbm>>
    %dma_wait3A_310 = tpu.memref_squeeze %dma_wait3A_309 : memref<1x4096xf32, #tpu.memory_space<hbm>> -> memref<4096xf32, #tpu.memory_space<hbm>>
    %dma_wait3A_311 = arith.constant 4096 : i32
    %dma_wait3A_312 = tpu.memref_slice %arg4[%add3A_240, %dma_wait3A_311] : memref<416x16384xf32, #tpu.memory_space<hbm>> -> memref<1x4096xf32, #tpu.memory_space<hbm>>
    %dma_wait3A_313 = tpu.memref_squeeze %dma_wait3A_312 : memref<1x4096xf32, #tpu.memory_space<hbm>> -> memref<4096xf32, #tpu.memory_space<hbm>>
    tpu.wait_dma2 semaphore(%arg12 : memref<!tpu.dma_semaphore, #tpu.memory_space<semaphore_mem>>) src(%arg8 : memref<4096xf32, #tpu.memory_space<vmem>>) dst(%dma_wait3A_313 : memref<4096xf32, #tpu.memory_space<hbm>>)
    %parallel_loop3A_314 = arith.constant 0 : i32
    %parallel_loop3A_315 = arith.constant 256 : i32
    %parallel_loop3A_316 = arith.constant 1 : i32
    scf.for %parallel_loop3A_1091 = %parallel_loop3A_314 to %parallel_loop3A_315 step %parallel_loop3A_316  : i32 {
      %parallel_loop3A_1092 = arith.constant 16 : i32
      %parallel_loop3A_1093 = arith.muli %parallel_loop3A_1091, %parallel_loop3A_1092 : i32
      %parallel_loop3A_1094 = arith.constant 16 : i32
      %parallel_loop3A_1095 = arith.muli %parallel_loop3A_1091, %parallel_loop3A_1094 : i32
      %parallel_loop3A_1096 = arith.constant 12288 : i32
      %parallel_loop3A_1097 = arith.addi %parallel_loop3A_1096, %parallel_loop3A_1095 : i32
      %parallel_loop3A_1098 = arith.index_cast %parallel_loop3A_1097 : i32 to index
      %parallel_loop3A_1099 = tpu.vector_load %arg6[%parallel_loop3A_1098] {strides = array<i32>} : memref<16384xi32, #tpu.memory_space<vmem>>, vector<16xi32>,
      %parallel_loop3A_1100 = tpu.vector_load_idx %arg5[%parallel_loop3A_1099] : memref<100000xf32, #tpu.memory_space<vmem>>[vector<16xi32>], vector<16xf32>,
      %parallel_loop3A_1101 = arith.index_cast %parallel_loop3A_1093 : i32 to index
      %parallel_loop3A_1102 = tpu.vector_load %arg8[%parallel_loop3A_1101] {strides = array<i32>} : memref<4096xf32, #tpu.memory_space<vmem>>, vector<16xf32>,
      tpu.vector_store %arg8[%parallel_loop3A_1101], %parallel_loop3A_1100 {strides = array<i32>} : memref<4096xf32, #tpu.memory_space<vmem>>, vector<16xf32>,
    } {sc.loop_unroll_factor = 8 : i64, sc.parallel_access}
    %dma_start3A_317 = arith.constant 12288 : i32
    %dma_start3A_318 = tpu.memref_slice %arg4[%add3A_240, %dma_start3A_317] : memref<416x16384xf32, #tpu.memory_space<hbm>> -> memref<1x4096xf32, #tpu.memory_space<hbm>>
    %dma_start3A_319 = tpu.memref_squeeze %dma_start3A_318 : memref<1x4096xf32, #tpu.memory_space<hbm>> -> memref<4096xf32, #tpu.memory_space<hbm>>
    %dma_start3A_320 = arith.constant 12288 : i32
    %dma_start3A_321 = tpu.memref_slice %arg4[%add3A_240, %dma_start3A_320] : memref<416x16384xf32, #tpu.memory_space<hbm>> -> memref<1x4096xf32, #tpu.memory_space<hbm>>
    %dma_start3A_322 = tpu.memref_squeeze %dma_start3A_321 : memref<1x4096xf32, #tpu.memory_space<hbm>> -> memref<4096xf32, #tpu.memory_space<hbm>>
    tpu.enqueue_dma source(%arg8 : memref<4096xf32, #tpu.memory_space<vmem>>) target(%dma_start3A_322 : memref<4096xf32, #tpu.memory_space<hbm>>) target_semaphore(%arg12 : memref<!tpu.dma_semaphore, #tpu.memory_space<semaphore_mem>>)
    %add3A_323 = arith.constant 4 : i32
    %add3A_324 = arith.addi %mul3A_2, %add3A_323 : i32
    %shift_right_logical3A_325 = arith.constant 4 : i32
    %shift_right_logical3A_326 = arith.shrui %add3A_324, %shift_right_logical3A_325 : i32
    %dma_start3A_327 = arith.constant 0 : i32
    %dma_start3A_328 = tpu.memref_slice %arg2[%add3A_324, %dma_start3A_327] : memref<416x100000xf32, #tpu.memory_space<hbm>> -> memref<1x100000xf32, #tpu.memory_space<hbm>>
    %dma_start3A_329 = tpu.memref_squeeze %dma_start3A_328 : memref<1x100000xf32, #tpu.memory_space<hbm>> -> memref<100000xf32, #tpu.memory_space<hbm>>
    %dma_start3A_330 = arith.constant 0 : i32
    %dma_start3A_331 = tpu.memref_slice %arg2[%add3A_324, %dma_start3A_330] : memref<416x100000xf32, #tpu.memory_space<hbm>> -> memref<1x100000xf32, #tpu.memory_space<hbm>>
    %dma_start3A_332 = tpu.memref_squeeze %dma_start3A_331 : memref<1x100000xf32, #tpu.memory_space<hbm>> -> memref<100000xf32, #tpu.memory_space<hbm>>
    tpu.enqueue_dma source(%dma_start3A_332 : memref<100000xf32, #tpu.memory_space<hbm>>) target(%arg5 : memref<100000xf32, #tpu.memory_space<vmem>>) target_semaphore(%arg9 : memref<!tpu.dma_semaphore, #tpu.memory_space<semaphore_mem>>)
    %sub3A_333 = arith.constant 1 : i32
    %sub3A_334 = arith.subi %add3A_324, %sub3A_333 : i32
    %shift_right_logical3A_335 = arith.constant 4 : i32
    %shift_right_logical3A_336 = arith.shrui %sub3A_334, %shift_right_logical3A_335 : i32
    %ne3A_337 = arith.cmpi ne, %shift_right_logical3A_326, %shift_right_logical3A_336 : i32
    %convert_element_type3A_338 = arith.extui %ne3A_337 : i1 to i32
    %cond3A_339 = arith.constant 0 : i32
    %cond3A_340 = arith.cmpi ne, %convert_element_type3A_338, %cond3A_339 : i32
    scf.if %cond3A_340 {
      %dma_start3A_1091 = arith.constant 0 : i32
      %dma_start3A_1092 = tpu.memref_slice %arg3[%shift_right_logical3A_326, %dma_start3A_1091] : memref<26x16384xi32, #tpu.memory_space<hbm>> -> memref<1x16384xi32, #tpu.memory_space<hbm>>
      %dma_start3A_1093 = tpu.memref_squeeze %dma_start3A_1092 : memref<1x16384xi32, #tpu.memory_space<hbm>> -> memref<16384xi32, #tpu.memory_space<hbm>>
      %dma_start3A_1094 = arith.constant 0 : i32
      %dma_start3A_1095 = tpu.memref_slice %arg3[%shift_right_logical3A_326, %dma_start3A_1094] : memref<26x16384xi32, #tpu.memory_space<hbm>> -> memref<1x16384xi32, #tpu.memory_space<hbm>>
      %dma_start3A_1096 = tpu.memref_squeeze %dma_start3A_1095 : memref<1x16384xi32, #tpu.memory_space<hbm>> -> memref<16384xi32, #tpu.memory_space<hbm>>
      tpu.enqueue_dma source(%dma_start3A_1096 : memref<16384xi32, #tpu.memory_space<hbm>>) target(%arg6 : memref<16384xi32, #tpu.memory_space<vmem>>) target_semaphore(%arg10 : memref<!tpu.dma_semaphore, #tpu.memory_space<semaphore_mem>>)
      %dma_wait3A_1097 = arith.constant 0 : i32
      %dma_wait3A_1098 = tpu.memref_slice %arg3[%shift_right_logical3A_326, %dma_wait3A_1097] : memref<26x16384xi32, #tpu.memory_space<hbm>> -> memref<1x16384xi32, #tpu.memory_space<hbm>>
      %dma_wait3A_1099 = tpu.memref_squeeze %dma_wait3A_1098 : memref<1x16384xi32, #tpu.memory_space<hbm>> -> memref<16384xi32, #tpu.memory_space<hbm>>
      %dma_wait3A_1100 = arith.constant 0 : i32
      %dma_wait3A_1101 = tpu.memref_slice %arg3[%shift_right_logical3A_326, %dma_wait3A_1100] : memref<26x16384xi32, #tpu.memory_space<hbm>> -> memref<1x16384xi32, #tpu.memory_space<hbm>>
      %dma_wait3A_1102 = tpu.memref_squeeze %dma_wait3A_1101 : memref<1x16384xi32, #tpu.memory_space<hbm>> -> memref<16384xi32, #tpu.memory_space<hbm>>
      tpu.wait_dma2 semaphore(%arg10 : memref<!tpu.dma_semaphore, #tpu.memory_space<semaphore_mem>>) src(%dma_wait3A_1102 : memref<16384xi32, #tpu.memory_space<hbm>>) dst(%arg6 : memref<16384xi32, #tpu.memory_space<vmem>>)
    } else {
    }
    %dma_wait3A_341 = arith.constant 0 : i32
    %dma_wait3A_342 = tpu.memref_slice %arg2[%add3A_324, %dma_wait3A_341] : memref<416x100000xf32, #tpu.memory_space<hbm>> -> memref<1x100000xf32, #tpu.memory_space<hbm>>
    %dma_wait3A_343 = tpu.memref_squeeze %dma_wait3A_342 : memref<1x100000xf32, #tpu.memory_space<hbm>> -> memref<100000xf32, #tpu.memory_space<hbm>>
    %dma_wait3A_344 = arith.constant 0 : i32
    %dma_wait3A_345 = tpu.memref_slice %arg2[%add3A_324, %dma_wait3A_344] : memref<416x100000xf32, #tpu.memory_space<hbm>> -> memref<1x100000xf32, #tpu.memory_space<hbm>>
    %dma_wait3A_346 = tpu.memref_squeeze %dma_wait3A_345 : memref<1x100000xf32, #tpu.memory_space<hbm>> -> memref<100000xf32, #tpu.memory_space<hbm>>
    tpu.wait_dma2 semaphore(%arg9 : memref<!tpu.dma_semaphore, #tpu.memory_space<semaphore_mem>>) src(%dma_wait3A_346 : memref<100000xf32, #tpu.memory_space<hbm>>) dst(%arg5 : memref<100000xf32, #tpu.memory_space<vmem>>)
    %dma_wait3A_347 = arith.constant 8192 : i32
    %dma_wait3A_348 = tpu.memref_slice %arg4[%add3A_240, %dma_wait3A_347] : memref<416x16384xf32, #tpu.memory_space<hbm>> -> memref<1x4096xf32, #tpu.memory_space<hbm>>
    %dma_wait3A_349 = tpu.memref_squeeze %dma_wait3A_348 : memref<1x4096xf32, #tpu.memory_space<hbm>> -> memref<4096xf32, #tpu.memory_space<hbm>>
    %dma_wait3A_350 = arith.constant 8192 : i32
    %dma_wait3A_351 = tpu.memref_slice %arg4[%add3A_240, %dma_wait3A_350] : memref<416x16384xf32, #tpu.memory_space<hbm>> -> memref<1x4096xf32, #tpu.memory_space<hbm>>
    %dma_wait3A_352 = tpu.memref_squeeze %dma_wait3A_351 : memref<1x4096xf32, #tpu.memory_space<hbm>> -> memref<4096xf32, #tpu.memory_space<hbm>>
    tpu.wait_dma2 semaphore(%arg11 : memref<!tpu.dma_semaphore, #tpu.memory_space<semaphore_mem>>) src(%arg7 : memref<4096xf32, #tpu.memory_space<vmem>>) dst(%dma_wait3A_352 : memref<4096xf32, #tpu.memory_space<hbm>>)
    %parallel_loop3A_353 = arith.constant 0 : i32
    %parallel_loop3A_354 = arith.constant 256 : i32
    %parallel_loop3A_355 = arith.constant 1 : i32
    scf.for %parallel_loop3A_1091 = %parallel_loop3A_353 to %parallel_loop3A_354 step %parallel_loop3A_355  : i32 {
      %parallel_loop3A_1092 = arith.constant 16 : i32
      %parallel_loop3A_1093 = arith.muli %parallel_loop3A_1091, %parallel_loop3A_1092 : i32
      %parallel_loop3A_1094 = arith.constant 16 : i32
      %parallel_loop3A_1095 = arith.muli %parallel_loop3A_1091, %parallel_loop3A_1094 : i32
      %parallel_loop3A_1096 = arith.constant 0 : i32
      %parallel_loop3A_1097 = arith.addi %parallel_loop3A_1096, %parallel_loop3A_1095 : i32
      %parallel_loop3A_1098 = arith.index_cast %parallel_loop3A_1097 : i32 to index
      %parallel_loop3A_1099 = tpu.vector_load %arg6[%parallel_loop3A_1098] {strides = array<i32>} : memref<16384xi32, #tpu.memory_space<vmem>>, vector<16xi32>,
      %parallel_loop3A_1100 = tpu.vector_load_idx %arg5[%parallel_loop3A_1099] : memref<100000xf32, #tpu.memory_space<vmem>>[vector<16xi32>], vector<16xf32>,
      %parallel_loop3A_1101 = arith.index_cast %parallel_loop3A_1093 : i32 to index
      %parallel_loop3A_1102 = tpu.vector_load %arg7[%parallel_loop3A_1101] {strides = array<i32>} : memref<4096xf32, #tpu.memory_space<vmem>>, vector<16xf32>,
      tpu.vector_store %arg7[%parallel_loop3A_1101], %parallel_loop3A_1100 {strides = array<i32>} : memref<4096xf32, #tpu.memory_space<vmem>>, vector<16xf32>,
    } {sc.loop_unroll_factor = 8 : i64, sc.parallel_access}
    %dma_start3A_356 = arith.constant 0 : i32
    %dma_start3A_357 = tpu.memref_slice %arg4[%add3A_324, %dma_start3A_356] : memref<416x16384xf32, #tpu.memory_space<hbm>> -> memref<1x4096xf32, #tpu.memory_space<hbm>>
    %dma_start3A_358 = tpu.memref_squeeze %dma_start3A_357 : memref<1x4096xf32, #tpu.memory_space<hbm>> -> memref<4096xf32, #tpu.memory_space<hbm>>
    %dma_start3A_359 = arith.constant 0 : i32
    %dma_start3A_360 = tpu.memref_slice %arg4[%add3A_324, %dma_start3A_359] : memref<416x16384xf32, #tpu.memory_space<hbm>> -> memref<1x4096xf32, #tpu.memory_space<hbm>>
    %dma_start3A_361 = tpu.memref_squeeze %dma_start3A_360 : memref<1x4096xf32, #tpu.memory_space<hbm>> -> memref<4096xf32, #tpu.memory_space<hbm>>
    tpu.enqueue_dma source(%arg7 : memref<4096xf32, #tpu.memory_space<vmem>>) target(%dma_start3A_361 : memref<4096xf32, #tpu.memory_space<hbm>>) target_semaphore(%arg11 : memref<!tpu.dma_semaphore, #tpu.memory_space<semaphore_mem>>)
    %dma_wait3A_362 = arith.constant 12288 : i32
    %dma_wait3A_363 = tpu.memref_slice %arg4[%add3A_240, %dma_wait3A_362] : memref<416x16384xf32, #tpu.memory_space<hbm>> -> memref<1x4096xf32, #tpu.memory_space<hbm>>
    %dma_wait3A_364 = tpu.memref_squeeze %dma_wait3A_363 : memref<1x4096xf32, #tpu.memory_space<hbm>> -> memref<4096xf32, #tpu.memory_space<hbm>>
    %dma_wait3A_365 = arith.constant 12288 : i32
    %dma_wait3A_366 = tpu.memref_slice %arg4[%add3A_240, %dma_wait3A_365] : memref<416x16384xf32, #tpu.memory_space<hbm>> -> memref<1x4096xf32, #tpu.memory_space<hbm>>
    %dma_wait3A_367 = tpu.memref_squeeze %dma_wait3A_366 : memref<1x4096xf32, #tpu.memory_space<hbm>> -> memref<4096xf32, #tpu.memory_space<hbm>>
    tpu.wait_dma2 semaphore(%arg12 : memref<!tpu.dma_semaphore, #tpu.memory_space<semaphore_mem>>) src(%arg8 : memref<4096xf32, #tpu.memory_space<vmem>>) dst(%dma_wait3A_367 : memref<4096xf32, #tpu.memory_space<hbm>>)
    %parallel_loop3A_368 = arith.constant 0 : i32
    %parallel_loop3A_369 = arith.constant 256 : i32
    %parallel_loop3A_370 = arith.constant 1 : i32
    scf.for %parallel_loop3A_1091 = %parallel_loop3A_368 to %parallel_loop3A_369 step %parallel_loop3A_370  : i32 {
      %parallel_loop3A_1092 = arith.constant 16 : i32
      %parallel_loop3A_1093 = arith.muli %parallel_loop3A_1091, %parallel_loop3A_1092 : i32
      %parallel_loop3A_1094 = arith.constant 16 : i32
      %parallel_loop3A_1095 = arith.muli %parallel_loop3A_1091, %parallel_loop3A_1094 : i32
      %parallel_loop3A_1096 = arith.constant 4096 : i32
      %parallel_loop3A_1097 = arith.addi %parallel_loop3A_1096, %parallel_loop3A_1095 : i32
      %parallel_loop3A_1098 = arith.index_cast %parallel_loop3A_1097 : i32 to index
      %parallel_loop3A_1099 = tpu.vector_load %arg6[%parallel_loop3A_1098] {strides = array<i32>} : memref<16384xi32, #tpu.memory_space<vmem>>, vector<16xi32>,
      %parallel_loop3A_1100 = tpu.vector_load_idx %arg5[%parallel_loop3A_1099] : memref<100000xf32, #tpu.memory_space<vmem>>[vector<16xi32>], vector<16xf32>,
      %parallel_loop3A_1101 = arith.index_cast %parallel_loop3A_1093 : i32 to index
      %parallel_loop3A_1102 = tpu.vector_load %arg8[%parallel_loop3A_1101] {strides = array<i32>} : memref<4096xf32, #tpu.memory_space<vmem>>, vector<16xf32>,
      tpu.vector_store %arg8[%parallel_loop3A_1101], %parallel_loop3A_1100 {strides = array<i32>} : memref<4096xf32, #tpu.memory_space<vmem>>, vector<16xf32>,
    } {sc.loop_unroll_factor = 8 : i64, sc.parallel_access}
    %dma_start3A_371 = arith.constant 4096 : i32
    %dma_start3A_372 = tpu.memref_slice %arg4[%add3A_324, %dma_start3A_371] : memref<416x16384xf32, #tpu.memory_space<hbm>> -> memref<1x4096xf32, #tpu.memory_space<hbm>>
    %dma_start3A_373 = tpu.memref_squeeze %dma_start3A_372 : memref<1x4096xf32, #tpu.memory_space<hbm>> -> memref<4096xf32, #tpu.memory_space<hbm>>
    %dma_start3A_374 = arith.constant 4096 : i32
    %dma_start3A_375 = tpu.memref_slice %arg4[%add3A_324, %dma_start3A_374] : memref<416x16384xf32, #tpu.memory_space<hbm>> -> memref<1x4096xf32, #tpu.memory_space<hbm>>
    %dma_start3A_376 = tpu.memref_squeeze %dma_start3A_375 : memref<1x4096xf32, #tpu.memory_space<hbm>> -> memref<4096xf32, #tpu.memory_space<hbm>>
    tpu.enqueue_dma source(%arg8 : memref<4096xf32, #tpu.memory_space<vmem>>) target(%dma_start3A_376 : memref<4096xf32, #tpu.memory_space<hbm>>) target_semaphore(%arg12 : memref<!tpu.dma_semaphore, #tpu.memory_space<semaphore_mem>>)
    %dma_wait3A_377 = arith.constant 0 : i32
    %dma_wait3A_378 = tpu.memref_slice %arg4[%add3A_324, %dma_wait3A_377] : memref<416x16384xf32, #tpu.memory_space<hbm>> -> memref<1x4096xf32, #tpu.memory_space<hbm>>
    %dma_wait3A_379 = tpu.memref_squeeze %dma_wait3A_378 : memref<1x4096xf32, #tpu.memory_space<hbm>> -> memref<4096xf32, #tpu.memory_space<hbm>>
    %dma_wait3A_380 = arith.constant 0 : i32
    %dma_wait3A_381 = tpu.memref_slice %arg4[%add3A_324, %dma_wait3A_380] : memref<416x16384xf32, #tpu.memory_space<hbm>> -> memref<1x4096xf32, #tpu.memory_space<hbm>>
    %dma_wait3A_382 = tpu.memref_squeeze %dma_wait3A_381 : memref<1x4096xf32, #tpu.memory_space<hbm>> -> memref<4096xf32, #tpu.memory_space<hbm>>
    tpu.wait_dma2 semaphore(%arg11 : memref<!tpu.dma_semaphore, #tpu.memory_space<semaphore_mem>>) src(%arg7 : memref<4096xf32, #tpu.memory_space<vmem>>) dst(%dma_wait3A_382 : memref<4096xf32, #tpu.memory_space<hbm>>)
    %parallel_loop3A_383 = arith.constant 0 : i32
    %parallel_loop3A_384 = arith.constant 256 : i32
    %parallel_loop3A_385 = arith.constant 1 : i32
    scf.for %parallel_loop3A_1091 = %parallel_loop3A_383 to %parallel_loop3A_384 step %parallel_loop3A_385  : i32 {
      %parallel_loop3A_1092 = arith.constant 16 : i32
      %parallel_loop3A_1093 = arith.muli %parallel_loop3A_1091, %parallel_loop3A_1092 : i32
      %parallel_loop3A_1094 = arith.constant 16 : i32
      %parallel_loop3A_1095 = arith.muli %parallel_loop3A_1091, %parallel_loop3A_1094 : i32
      %parallel_loop3A_1096 = arith.constant 8192 : i32
      %parallel_loop3A_1097 = arith.addi %parallel_loop3A_1096, %parallel_loop3A_1095 : i32
      %parallel_loop3A_1098 = arith.index_cast %parallel_loop3A_1097 : i32 to index
      %parallel_loop3A_1099 = tpu.vector_load %arg6[%parallel_loop3A_1098] {strides = array<i32>} : memref<16384xi32, #tpu.memory_space<vmem>>, vector<16xi32>,
      %parallel_loop3A_1100 = tpu.vector_load_idx %arg5[%parallel_loop3A_1099] : memref<100000xf32, #tpu.memory_space<vmem>>[vector<16xi32>], vector<16xf32>,
      %parallel_loop3A_1101 = arith.index_cast %parallel_loop3A_1093 : i32 to index
      %parallel_loop3A_1102 = tpu.vector_load %arg7[%parallel_loop3A_1101] {strides = array<i32>} : memref<4096xf32, #tpu.memory_space<vmem>>, vector<16xf32>,
      tpu.vector_store %arg7[%parallel_loop3A_1101], %parallel_loop3A_1100 {strides = array<i32>} : memref<4096xf32, #tpu.memory_space<vmem>>, vector<16xf32>,
    } {sc.loop_unroll_factor = 8 : i64, sc.parallel_access}
    %dma_start3A_386 = arith.constant 8192 : i32
    %dma_start3A_387 = tpu.memref_slice %arg4[%add3A_324, %dma_start3A_386] : memref<416x16384xf32, #tpu.memory_space<hbm>> -> memref<1x4096xf32, #tpu.memory_space<hbm>>
    %dma_start3A_388 = tpu.memref_squeeze %dma_start3A_387 : memref<1x4096xf32, #tpu.memory_space<hbm>> -> memref<4096xf32, #tpu.memory_space<hbm>>
    %dma_start3A_389 = arith.constant 8192 : i32
    %dma_start3A_390 = tpu.memref_slice %arg4[%add3A_324, %dma_start3A_389] : memref<416x16384xf32, #tpu.memory_space<hbm>> -> memref<1x4096xf32, #tpu.memory_space<hbm>>
    %dma_start3A_391 = tpu.memref_squeeze %dma_start3A_390 : memref<1x4096xf32, #tpu.memory_space<hbm>> -> memref<4096xf32, #tpu.memory_space<hbm>>
    tpu.enqueue_dma source(%arg7 : memref<4096xf32, #tpu.memory_space<vmem>>) target(%dma_start3A_391 : memref<4096xf32, #tpu.memory_space<hbm>>) target_semaphore(%arg11 : memref<!tpu.dma_semaphore, #tpu.memory_space<semaphore_mem>>)
    %dma_wait3A_392 = arith.constant 4096 : i32
    %dma_wait3A_393 = tpu.memref_slice %arg4[%add3A_324, %dma_wait3A_392] : memref<416x16384xf32, #tpu.memory_space<hbm>> -> memref<1x4096xf32, #tpu.memory_space<hbm>>
    %dma_wait3A_394 = tpu.memref_squeeze %dma_wait3A_393 : memref<1x4096xf32, #tpu.memory_space<hbm>> -> memref<4096xf32, #tpu.memory_space<hbm>>
    %dma_wait3A_395 = arith.constant 4096 : i32
    %dma_wait3A_396 = tpu.memref_slice %arg4[%add3A_324, %dma_wait3A_395] : memref<416x16384xf32, #tpu.memory_space<hbm>> -> memref<1x4096xf32, #tpu.memory_space<hbm>>
    %dma_wait3A_397 = tpu.memref_squeeze %dma_wait3A_396 : memref<1x4096xf32, #tpu.memory_space<hbm>> -> memref<4096xf32, #tpu.memory_space<hbm>>
    tpu.wait_dma2 semaphore(%arg12 : memref<!tpu.dma_semaphore, #tpu.memory_space<semaphore_mem>>) src(%arg8 : memref<4096xf32, #tpu.memory_space<vmem>>) dst(%dma_wait3A_397 : memref<4096xf32, #tpu.memory_space<hbm>>)
    %parallel_loop3A_398 = arith.constant 0 : i32
    %parallel_loop3A_399 = arith.constant 256 : i32
    %parallel_loop3A_400 = arith.constant 1 : i32
    scf.for %parallel_loop3A_1091 = %parallel_loop3A_398 to %parallel_loop3A_399 step %parallel_loop3A_400  : i32 {
      %parallel_loop3A_1092 = arith.constant 16 : i32
      %parallel_loop3A_1093 = arith.muli %parallel_loop3A_1091, %parallel_loop3A_1092 : i32
      %parallel_loop3A_1094 = arith.constant 16 : i32
      %parallel_loop3A_1095 = arith.muli %parallel_loop3A_1091, %parallel_loop3A_1094 : i32
      %parallel_loop3A_1096 = arith.constant 12288 : i32
      %parallel_loop3A_1097 = arith.addi %parallel_loop3A_1096, %parallel_loop3A_1095 : i32
      %parallel_loop3A_1098 = arith.index_cast %parallel_loop3A_1097 : i32 to index
      %parallel_loop3A_1099 = tpu.vector_load %arg6[%parallel_loop3A_1098] {strides = array<i32>} : memref<16384xi32, #tpu.memory_space<vmem>>, vector<16xi32>,
      %parallel_loop3A_1100 = tpu.vector_load_idx %arg5[%parallel_loop3A_1099] : memref<100000xf32, #tpu.memory_space<vmem>>[vector<16xi32>], vector<16xf32>,
      %parallel_loop3A_1101 = arith.index_cast %parallel_loop3A_1093 : i32 to index
      %parallel_loop3A_1102 = tpu.vector_load %arg8[%parallel_loop3A_1101] {strides = array<i32>} : memref<4096xf32, #tpu.memory_space<vmem>>, vector<16xf32>,
      tpu.vector_store %arg8[%parallel_loop3A_1101], %parallel_loop3A_1100 {strides = array<i32>} : memref<4096xf32, #tpu.memory_space<vmem>>, vector<16xf32>,
    } {sc.loop_unroll_factor = 8 : i64, sc.parallel_access}
    %dma_start3A_401 = arith.constant 12288 : i32
    %dma_start3A_402 = tpu.memref_slice %arg4[%add3A_324, %dma_start3A_401] : memref<416x16384xf32, #tpu.memory_space<hbm>> -> memref<1x4096xf32, #tpu.memory_space<hbm>>
    %dma_start3A_403 = tpu.memref_squeeze %dma_start3A_402 : memref<1x4096xf32, #tpu.memory_space<hbm>> -> memref<4096xf32, #tpu.memory_space<hbm>>
    %dma_start3A_404 = arith.constant 12288 : i32
    %dma_start3A_405 = tpu.memref_slice %arg4[%add3A_324, %dma_start3A_404] : memref<416x16384xf32, #tpu.memory_space<hbm>> -> memref<1x4096xf32, #tpu.memory_space<hbm>>
    %dma_start3A_406 = tpu.memref_squeeze %dma_start3A_405 : memref<1x4096xf32, #tpu.memory_space<hbm>> -> memref<4096xf32, #tpu.memory_space<hbm>>
    tpu.enqueue_dma source(%arg8 : memref<4096xf32, #tpu.memory_space<vmem>>) target(%dma_start3A_406 : memref<4096xf32, #tpu.memory_space<hbm>>) target_semaphore(%arg12 : memref<!tpu.dma_semaphore, #tpu.memory_space<semaphore_mem>>)
    %add3A_407 = arith.constant 5 : i32
    %add3A_408 = arith.addi %mul3A_2, %add3A_407 : i32
    %shift_right_logical3A_409 = arith.constant 4 : i32
    %shift_right_logical3A_410 = arith.shrui %add3A_408, %shift_right_logical3A_409 : i32
    %dma_start3A_411 = arith.constant 0 : i32
    %dma_start3A_412 = tpu.memref_slice %arg2[%add3A_408, %dma_start3A_411] : memref<416x100000xf32, #tpu.memory_space<hbm>> -> memref<1x100000xf32, #tpu.memory_space<hbm>>
    %dma_start3A_413 = tpu.memref_squeeze %dma_start3A_412 : memref<1x100000xf32, #tpu.memory_space<hbm>> -> memref<100000xf32, #tpu.memory_space<hbm>>
    %dma_start3A_414 = arith.constant 0 : i32
    %dma_start3A_415 = tpu.memref_slice %arg2[%add3A_408, %dma_start3A_414] : memref<416x100000xf32, #tpu.memory_space<hbm>> -> memref<1x100000xf32, #tpu.memory_space<hbm>>
    %dma_start3A_416 = tpu.memref_squeeze %dma_start3A_415 : memref<1x100000xf32, #tpu.memory_space<hbm>> -> memref<100000xf32, #tpu.memory_space<hbm>>
    tpu.enqueue_dma source(%dma_start3A_416 : memref<100000xf32, #tpu.memory_space<hbm>>) target(%arg5 : memref<100000xf32, #tpu.memory_space<vmem>>) target_semaphore(%arg9 : memref<!tpu.dma_semaphore, #tpu.memory_space<semaphore_mem>>)
    %sub3A_417 = arith.constant 1 : i32
    %sub3A_418 = arith.subi %add3A_408, %sub3A_417 : i32
    %shift_right_logical3A_419 = arith.constant 4 : i32
    %shift_right_logical3A_420 = arith.shrui %sub3A_418, %shift_right_logical3A_419 : i32
    %ne3A_421 = arith.cmpi ne, %shift_right_logical3A_410, %shift_right_logical3A_420 : i32
    %convert_element_type3A_422 = arith.extui %ne3A_421 : i1 to i32
    %cond3A_423 = arith.constant 0 : i32
    %cond3A_424 = arith.cmpi ne, %convert_element_type3A_422, %cond3A_423 : i32
    scf.if %cond3A_424 {
      %dma_start3A_1091 = arith.constant 0 : i32
      %dma_start3A_1092 = tpu.memref_slice %arg3[%shift_right_logical3A_410, %dma_start3A_1091] : memref<26x16384xi32, #tpu.memory_space<hbm>> -> memref<1x16384xi32, #tpu.memory_space<hbm>>
      %dma_start3A_1093 = tpu.memref_squeeze %dma_start3A_1092 : memref<1x16384xi32, #tpu.memory_space<hbm>> -> memref<16384xi32, #tpu.memory_space<hbm>>
      %dma_start3A_1094 = arith.constant 0 : i32
      %dma_start3A_1095 = tpu.memref_slice %arg3[%shift_right_logical3A_410, %dma_start3A_1094] : memref<26x16384xi32, #tpu.memory_space<hbm>> -> memref<1x16384xi32, #tpu.memory_space<hbm>>
      %dma_start3A_1096 = tpu.memref_squeeze %dma_start3A_1095 : memref<1x16384xi32, #tpu.memory_space<hbm>> -> memref<16384xi32, #tpu.memory_space<hbm>>
      tpu.enqueue_dma source(%dma_start3A_1096 : memref<16384xi32, #tpu.memory_space<hbm>>) target(%arg6 : memref<16384xi32, #tpu.memory_space<vmem>>) target_semaphore(%arg10 : memref<!tpu.dma_semaphore, #tpu.memory_space<semaphore_mem>>)
      %dma_wait3A_1097 = arith.constant 0 : i32
      %dma_wait3A_1098 = tpu.memref_slice %arg3[%shift_right_logical3A_410, %dma_wait3A_1097] : memref<26x16384xi32, #tpu.memory_space<hbm>> -> memref<1x16384xi32, #tpu.memory_space<hbm>>
      %dma_wait3A_1099 = tpu.memref_squeeze %dma_wait3A_1098 : memref<1x16384xi32, #tpu.memory_space<hbm>> -> memref<16384xi32, #tpu.memory_space<hbm>>
      %dma_wait3A_1100 = arith.constant 0 : i32
      %dma_wait3A_1101 = tpu.memref_slice %arg3[%shift_right_logical3A_410, %dma_wait3A_1100] : memref<26x16384xi32, #tpu.memory_space<hbm>> -> memref<1x16384xi32, #tpu.memory_space<hbm>>
      %dma_wait3A_1102 = tpu.memref_squeeze %dma_wait3A_1101 : memref<1x16384xi32, #tpu.memory_space<hbm>> -> memref<16384xi32, #tpu.memory_space<hbm>>
      tpu.wait_dma2 semaphore(%arg10 : memref<!tpu.dma_semaphore, #tpu.memory_space<semaphore_mem>>) src(%dma_wait3A_1102 : memref<16384xi32, #tpu.memory_space<hbm>>) dst(%arg6 : memref<16384xi32, #tpu.memory_space<vmem>>)
    } else {
    }
    %dma_wait3A_425 = arith.constant 0 : i32
    %dma_wait3A_426 = tpu.memref_slice %arg2[%add3A_408, %dma_wait3A_425] : memref<416x100000xf32, #tpu.memory_space<hbm>> -> memref<1x100000xf32, #tpu.memory_space<hbm>>
    %dma_wait3A_427 = tpu.memref_squeeze %dma_wait3A_426 : memref<1x100000xf32, #tpu.memory_space<hbm>> -> memref<100000xf32, #tpu.memory_space<hbm>>
    %dma_wait3A_428 = arith.constant 0 : i32
    %dma_wait3A_429 = tpu.memref_slice %arg2[%add3A_408, %dma_wait3A_428] : memref<416x100000xf32, #tpu.memory_space<hbm>> -> memref<1x100000xf32, #tpu.memory_space<hbm>>
    %dma_wait3A_430 = tpu.memref_squeeze %dma_wait3A_429 : memref<1x100000xf32, #tpu.memory_space<hbm>> -> memref<100000xf32, #tpu.memory_space<hbm>>
    tpu.wait_dma2 semaphore(%arg9 : memref<!tpu.dma_semaphore, #tpu.memory_space<semaphore_mem>>) src(%dma_wait3A_430 : memref<100000xf32, #tpu.memory_space<hbm>>) dst(%arg5 : memref<100000xf32, #tpu.memory_space<vmem>>)
    %dma_wait3A_431 = arith.constant 8192 : i32
    %dma_wait3A_432 = tpu.memref_slice %arg4[%add3A_324, %dma_wait3A_431] : memref<416x16384xf32, #tpu.memory_space<hbm>> -> memref<1x4096xf32, #tpu.memory_space<hbm>>
    %dma_wait3A_433 = tpu.memref_squeeze %dma_wait3A_432 : memref<1x4096xf32, #tpu.memory_space<hbm>> -> memref<4096xf32, #tpu.memory_space<hbm>>
    %dma_wait3A_434 = arith.constant 8192 : i32
    %dma_wait3A_435 = tpu.memref_slice %arg4[%add3A_324, %dma_wait3A_434] : memref<416x16384xf32, #tpu.memory_space<hbm>> -> memref<1x4096xf32, #tpu.memory_space<hbm>>
    %dma_wait3A_436 = tpu.memref_squeeze %dma_wait3A_435 : memref<1x4096xf32, #tpu.memory_space<hbm>> -> memref<4096xf32, #tpu.memory_space<hbm>>
    tpu.wait_dma2 semaphore(%arg11 : memref<!tpu.dma_semaphore, #tpu.memory_space<semaphore_mem>>) src(%arg7 : memref<4096xf32, #tpu.memory_space<vmem>>) dst(%dma_wait3A_436 : memref<4096xf32, #tpu.memory_space<hbm>>)
    %parallel_loop3A_437 = arith.constant 0 : i32
    %parallel_loop3A_438 = arith.constant 256 : i32
    %parallel_loop3A_439 = arith.constant 1 : i32
    scf.for %parallel_loop3A_1091 = %parallel_loop3A_437 to %parallel_loop3A_438 step %parallel_loop3A_439  : i32 {
      %parallel_loop3A_1092 = arith.constant 16 : i32
      %parallel_loop3A_1093 = arith.muli %parallel_loop3A_1091, %parallel_loop3A_1092 : i32
      %parallel_loop3A_1094 = arith.constant 16 : i32
      %parallel_loop3A_1095 = arith.muli %parallel_loop3A_1091, %parallel_loop3A_1094 : i32
      %parallel_loop3A_1096 = arith.constant 0 : i32
      %parallel_loop3A_1097 = arith.addi %parallel_loop3A_1096, %parallel_loop3A_1095 : i32
      %parallel_loop3A_1098 = arith.index_cast %parallel_loop3A_1097 : i32 to index
      %parallel_loop3A_1099 = tpu.vector_load %arg6[%parallel_loop3A_1098] {strides = array<i32>} : memref<16384xi32, #tpu.memory_space<vmem>>, vector<16xi32>,
      %parallel_loop3A_1100 = tpu.vector_load_idx %arg5[%parallel_loop3A_1099] : memref<100000xf32, #tpu.memory_space<vmem>>[vector<16xi32>], vector<16xf32>,
      %parallel_loop3A_1101 = arith.index_cast %parallel_loop3A_1093 : i32 to index
      %parallel_loop3A_1102 = tpu.vector_load %arg7[%parallel_loop3A_1101] {strides = array<i32>} : memref<4096xf32, #tpu.memory_space<vmem>>, vector<16xf32>,
      tpu.vector_store %arg7[%parallel_loop3A_1101], %parallel_loop3A_1100 {strides = array<i32>} : memref<4096xf32, #tpu.memory_space<vmem>>, vector<16xf32>,
    } {sc.loop_unroll_factor = 8 : i64, sc.parallel_access}
    %dma_start3A_440 = arith.constant 0 : i32
    %dma_start3A_441 = tpu.memref_slice %arg4[%add3A_408, %dma_start3A_440] : memref<416x16384xf32, #tpu.memory_space<hbm>> -> memref<1x4096xf32, #tpu.memory_space<hbm>>
    %dma_start3A_442 = tpu.memref_squeeze %dma_start3A_441 : memref<1x4096xf32, #tpu.memory_space<hbm>> -> memref<4096xf32, #tpu.memory_space<hbm>>
    %dma_start3A_443 = arith.constant 0 : i32
    %dma_start3A_444 = tpu.memref_slice %arg4[%add3A_408, %dma_start3A_443] : memref<416x16384xf32, #tpu.memory_space<hbm>> -> memref<1x4096xf32, #tpu.memory_space<hbm>>
    %dma_start3A_445 = tpu.memref_squeeze %dma_start3A_444 : memref<1x4096xf32, #tpu.memory_space<hbm>> -> memref<4096xf32, #tpu.memory_space<hbm>>
    tpu.enqueue_dma source(%arg7 : memref<4096xf32, #tpu.memory_space<vmem>>) target(%dma_start3A_445 : memref<4096xf32, #tpu.memory_space<hbm>>) target_semaphore(%arg11 : memref<!tpu.dma_semaphore, #tpu.memory_space<semaphore_mem>>)
    %dma_wait3A_446 = arith.constant 12288 : i32
    %dma_wait3A_447 = tpu.memref_slice %arg4[%add3A_324, %dma_wait3A_446] : memref<416x16384xf32, #tpu.memory_space<hbm>> -> memref<1x4096xf32, #tpu.memory_space<hbm>>
    %dma_wait3A_448 = tpu.memref_squeeze %dma_wait3A_447 : memref<1x4096xf32, #tpu.memory_space<hbm>> -> memref<4096xf32, #tpu.memory_space<hbm>>
    %dma_wait3A_449 = arith.constant 12288 : i32
    %dma_wait3A_450 = tpu.memref_slice %arg4[%add3A_324, %dma_wait3A_449] : memref<416x16384xf32, #tpu.memory_space<hbm>> -> memref<1x4096xf32, #tpu.memory_space<hbm>>
    %dma_wait3A_451 = tpu.memref_squeeze %dma_wait3A_450 : memref<1x4096xf32, #tpu.memory_space<hbm>> -> memref<4096xf32, #tpu.memory_space<hbm>>
    tpu.wait_dma2 semaphore(%arg12 : memref<!tpu.dma_semaphore, #tpu.memory_space<semaphore_mem>>) src(%arg8 : memref<4096xf32, #tpu.memory_space<vmem>>) dst(%dma_wait3A_451 : memref<4096xf32, #tpu.memory_space<hbm>>)
    %parallel_loop3A_452 = arith.constant 0 : i32
    %parallel_loop3A_453 = arith.constant 256 : i32
    %parallel_loop3A_454 = arith.constant 1 : i32
    scf.for %parallel_loop3A_1091 = %parallel_loop3A_452 to %parallel_loop3A_453 step %parallel_loop3A_454  : i32 {
      %parallel_loop3A_1092 = arith.constant 16 : i32
      %parallel_loop3A_1093 = arith.muli %parallel_loop3A_1091, %parallel_loop3A_1092 : i32
      %parallel_loop3A_1094 = arith.constant 16 : i32
      %parallel_loop3A_1095 = arith.muli %parallel_loop3A_1091, %parallel_loop3A_1094 : i32
      %parallel_loop3A_1096 = arith.constant 4096 : i32
      %parallel_loop3A_1097 = arith.addi %parallel_loop3A_1096, %parallel_loop3A_1095 : i32
      %parallel_loop3A_1098 = arith.index_cast %parallel_loop3A_1097 : i32 to index
      %parallel_loop3A_1099 = tpu.vector_load %arg6[%parallel_loop3A_1098] {strides = array<i32>} : memref<16384xi32, #tpu.memory_space<vmem>>, vector<16xi32>,
      %parallel_loop3A_1100 = tpu.vector_load_idx %arg5[%parallel_loop3A_1099] : memref<100000xf32, #tpu.memory_space<vmem>>[vector<16xi32>], vector<16xf32>,
      %parallel_loop3A_1101 = arith.index_cast %parallel_loop3A_1093 : i32 to index
      %parallel_loop3A_1102 = tpu.vector_load %arg8[%parallel_loop3A_1101] {strides = array<i32>} : memref<4096xf32, #tpu.memory_space<vmem>>, vector<16xf32>,
      tpu.vector_store %arg8[%parallel_loop3A_1101], %parallel_loop3A_1100 {strides = array<i32>} : memref<4096xf32, #tpu.memory_space<vmem>>, vector<16xf32>,
    } {sc.loop_unroll_factor = 8 : i64, sc.parallel_access}
    %dma_start3A_455 = arith.constant 4096 : i32
    %dma_start3A_456 = tpu.memref_slice %arg4[%add3A_408, %dma_start3A_455] : memref<416x16384xf32, #tpu.memory_space<hbm>> -> memref<1x4096xf32, #tpu.memory_space<hbm>>
    %dma_start3A_457 = tpu.memref_squeeze %dma_start3A_456 : memref<1x4096xf32, #tpu.memory_space<hbm>> -> memref<4096xf32, #tpu.memory_space<hbm>>
    %dma_start3A_458 = arith.constant 4096 : i32
    %dma_start3A_459 = tpu.memref_slice %arg4[%add3A_408, %dma_start3A_458] : memref<416x16384xf32, #tpu.memory_space<hbm>> -> memref<1x4096xf32, #tpu.memory_space<hbm>>
    %dma_start3A_460 = tpu.memref_squeeze %dma_start3A_459 : memref<1x4096xf32, #tpu.memory_space<hbm>> -> memref<4096xf32, #tpu.memory_space<hbm>>
    tpu.enqueue_dma source(%arg8 : memref<4096xf32, #tpu.memory_space<vmem>>) target(%dma_start3A_460 : memref<4096xf32, #tpu.memory_space<hbm>>) target_semaphore(%arg12 : memref<!tpu.dma_semaphore, #tpu.memory_space<semaphore_mem>>)
    %dma_wait3A_461 = arith.constant 0 : i32
    %dma_wait3A_462 = tpu.memref_slice %arg4[%add3A_408, %dma_wait3A_461] : memref<416x16384xf32, #tpu.memory_space<hbm>> -> memref<1x4096xf32, #tpu.memory_space<hbm>>
    %dma_wait3A_463 = tpu.memref_squeeze %dma_wait3A_462 : memref<1x4096xf32, #tpu.memory_space<hbm>> -> memref<4096xf32, #tpu.memory_space<hbm>>
    %dma_wait3A_464 = arith.constant 0 : i32
    %dma_wait3A_465 = tpu.memref_slice %arg4[%add3A_408, %dma_wait3A_464] : memref<416x16384xf32, #tpu.memory_space<hbm>> -> memref<1x4096xf32, #tpu.memory_space<hbm>>
    %dma_wait3A_466 = tpu.memref_squeeze %dma_wait3A_465 : memref<1x4096xf32, #tpu.memory_space<hbm>> -> memref<4096xf32, #tpu.memory_space<hbm>>
    tpu.wait_dma2 semaphore(%arg11 : memref<!tpu.dma_semaphore, #tpu.memory_space<semaphore_mem>>) src(%arg7 : memref<4096xf32, #tpu.memory_space<vmem>>) dst(%dma_wait3A_466 : memref<4096xf32, #tpu.memory_space<hbm>>)
    %parallel_loop3A_467 = arith.constant 0 : i32
    %parallel_loop3A_468 = arith.constant 256 : i32
    %parallel_loop3A_469 = arith.constant 1 : i32
    scf.for %parallel_loop3A_1091 = %parallel_loop3A_467 to %parallel_loop3A_468 step %parallel_loop3A_469  : i32 {
      %parallel_loop3A_1092 = arith.constant 16 : i32
      %parallel_loop3A_1093 = arith.muli %parallel_loop3A_1091, %parallel_loop3A_1092 : i32
      %parallel_loop3A_1094 = arith.constant 16 : i32
      %parallel_loop3A_1095 = arith.muli %parallel_loop3A_1091, %parallel_loop3A_1094 : i32
      %parallel_loop3A_1096 = arith.constant 8192 : i32
      %parallel_loop3A_1097 = arith.addi %parallel_loop3A_1096, %parallel_loop3A_1095 : i32
      %parallel_loop3A_1098 = arith.index_cast %parallel_loop3A_1097 : i32 to index
      %parallel_loop3A_1099 = tpu.vector_load %arg6[%parallel_loop3A_1098] {strides = array<i32>} : memref<16384xi32, #tpu.memory_space<vmem>>, vector<16xi32>,
      %parallel_loop3A_1100 = tpu.vector_load_idx %arg5[%parallel_loop3A_1099] : memref<100000xf32, #tpu.memory_space<vmem>>[vector<16xi32>], vector<16xf32>,
      %parallel_loop3A_1101 = arith.index_cast %parallel_loop3A_1093 : i32 to index
      %parallel_loop3A_1102 = tpu.vector_load %arg7[%parallel_loop3A_1101] {strides = array<i32>} : memref<4096xf32, #tpu.memory_space<vmem>>, vector<16xf32>,
      tpu.vector_store %arg7[%parallel_loop3A_1101], %parallel_loop3A_1100 {strides = array<i32>} : memref<4096xf32, #tpu.memory_space<vmem>>, vector<16xf32>,
    } {sc.loop_unroll_factor = 8 : i64, sc.parallel_access}
    %dma_start3A_470 = arith.constant 8192 : i32
    %dma_start3A_471 = tpu.memref_slice %arg4[%add3A_408, %dma_start3A_470] : memref<416x16384xf32, #tpu.memory_space<hbm>> -> memref<1x4096xf32, #tpu.memory_space<hbm>>
    %dma_start3A_472 = tpu.memref_squeeze %dma_start3A_471 : memref<1x4096xf32, #tpu.memory_space<hbm>> -> memref<4096xf32, #tpu.memory_space<hbm>>
    %dma_start3A_473 = arith.constant 8192 : i32
    %dma_start3A_474 = tpu.memref_slice %arg4[%add3A_408, %dma_start3A_473] : memref<416x16384xf32, #tpu.memory_space<hbm>> -> memref<1x4096xf32, #tpu.memory_space<hbm>>
    %dma_start3A_475 = tpu.memref_squeeze %dma_start3A_474 : memref<1x4096xf32, #tpu.memory_space<hbm>> -> memref<4096xf32, #tpu.memory_space<hbm>>
    tpu.enqueue_dma source(%arg7 : memref<4096xf32, #tpu.memory_space<vmem>>) target(%dma_start3A_475 : memref<4096xf32, #tpu.memory_space<hbm>>) target_semaphore(%arg11 : memref<!tpu.dma_semaphore, #tpu.memory_space<semaphore_mem>>)
    %dma_wait3A_476 = arith.constant 4096 : i32
    %dma_wait3A_477 = tpu.memref_slice %arg4[%add3A_408, %dma_wait3A_476] : memref<416x16384xf32, #tpu.memory_space<hbm>> -> memref<1x4096xf32, #tpu.memory_space<hbm>>
    %dma_wait3A_478 = tpu.memref_squeeze %dma_wait3A_477 : memref<1x4096xf32, #tpu.memory_space<hbm>> -> memref<4096xf32, #tpu.memory_space<hbm>>
    %dma_wait3A_479 = arith.constant 4096 : i32
    %dma_wait3A_480 = tpu.memref_slice %arg4[%add3A_408, %dma_wait3A_479] : memref<416x16384xf32, #tpu.memory_space<hbm>> -> memref<1x4096xf32, #tpu.memory_space<hbm>>
    %dma_wait3A_481 = tpu.memref_squeeze %dma_wait3A_480 : memref<1x4096xf32, #tpu.memory_space<hbm>> -> memref<4096xf32, #tpu.memory_space<hbm>>
    tpu.wait_dma2 semaphore(%arg12 : memref<!tpu.dma_semaphore, #tpu.memory_space<semaphore_mem>>) src(%arg8 : memref<4096xf32, #tpu.memory_space<vmem>>) dst(%dma_wait3A_481 : memref<4096xf32, #tpu.memory_space<hbm>>)
    %parallel_loop3A_482 = arith.constant 0 : i32
    %parallel_loop3A_483 = arith.constant 256 : i32
    %parallel_loop3A_484 = arith.constant 1 : i32
    scf.for %parallel_loop3A_1091 = %parallel_loop3A_482 to %parallel_loop3A_483 step %parallel_loop3A_484  : i32 {
      %parallel_loop3A_1092 = arith.constant 16 : i32
      %parallel_loop3A_1093 = arith.muli %parallel_loop3A_1091, %parallel_loop3A_1092 : i32
      %parallel_loop3A_1094 = arith.constant 16 : i32
      %parallel_loop3A_1095 = arith.muli %parallel_loop3A_1091, %parallel_loop3A_1094 : i32
      %parallel_loop3A_1096 = arith.constant 12288 : i32
      %parallel_loop3A_1097 = arith.addi %parallel_loop3A_1096, %parallel_loop3A_1095 : i32
      %parallel_loop3A_1098 = arith.index_cast %parallel_loop3A_1097 : i32 to index
      %parallel_loop3A_1099 = tpu.vector_load %arg6[%parallel_loop3A_1098] {strides = array<i32>} : memref<16384xi32, #tpu.memory_space<vmem>>, vector<16xi32>,
      %parallel_loop3A_1100 = tpu.vector_load_idx %arg5[%parallel_loop3A_1099] : memref<100000xf32, #tpu.memory_space<vmem>>[vector<16xi32>], vector<16xf32>,
      %parallel_loop3A_1101 = arith.index_cast %parallel_loop3A_1093 : i32 to index
      %parallel_loop3A_1102 = tpu.vector_load %arg8[%parallel_loop3A_1101] {strides = array<i32>} : memref<4096xf32, #tpu.memory_space<vmem>>, vector<16xf32>,
      tpu.vector_store %arg8[%parallel_loop3A_1101], %parallel_loop3A_1100 {strides = array<i32>} : memref<4096xf32, #tpu.memory_space<vmem>>, vector<16xf32>,
    } {sc.loop_unroll_factor = 8 : i64, sc.parallel_access}
    %dma_start3A_485 = arith.constant 12288 : i32
    %dma_start3A_486 = tpu.memref_slice %arg4[%add3A_408, %dma_start3A_485] : memref<416x16384xf32, #tpu.memory_space<hbm>> -> memref<1x4096xf32, #tpu.memory_space<hbm>>
    %dma_start3A_487 = tpu.memref_squeeze %dma_start3A_486 : memref<1x4096xf32, #tpu.memory_space<hbm>> -> memref<4096xf32, #tpu.memory_space<hbm>>
    %dma_start3A_488 = arith.constant 12288 : i32
    %dma_start3A_489 = tpu.memref_slice %arg4[%add3A_408, %dma_start3A_488] : memref<416x16384xf32, #tpu.memory_space<hbm>> -> memref<1x4096xf32, #tpu.memory_space<hbm>>
    %dma_start3A_490 = tpu.memref_squeeze %dma_start3A_489 : memref<1x4096xf32, #tpu.memory_space<hbm>> -> memref<4096xf32, #tpu.memory_space<hbm>>
    tpu.enqueue_dma source(%arg8 : memref<4096xf32, #tpu.memory_space<vmem>>) target(%dma_start3A_490 : memref<4096xf32, #tpu.memory_space<hbm>>) target_semaphore(%arg12 : memref<!tpu.dma_semaphore, #tpu.memory_space<semaphore_mem>>)
    %add3A_491 = arith.constant 6 : i32
    %add3A_492 = arith.addi %mul3A_2, %add3A_491 : i32
    %shift_right_logical3A_493 = arith.constant 4 : i32
    %shift_right_logical3A_494 = arith.shrui %add3A_492, %shift_right_logical3A_493 : i32
    %dma_start3A_495 = arith.constant 0 : i32
    %dma_start3A_496 = tpu.memref_slice %arg2[%add3A_492, %dma_start3A_495] : memref<416x100000xf32, #tpu.memory_space<hbm>> -> memref<1x100000xf32, #tpu.memory_space<hbm>>
    %dma_start3A_497 = tpu.memref_squeeze %dma_start3A_496 : memref<1x100000xf32, #tpu.memory_space<hbm>> -> memref<100000xf32, #tpu.memory_space<hbm>>
    %dma_start3A_498 = arith.constant 0 : i32
    %dma_start3A_499 = tpu.memref_slice %arg2[%add3A_492, %dma_start3A_498] : memref<416x100000xf32, #tpu.memory_space<hbm>> -> memref<1x100000xf32, #tpu.memory_space<hbm>>
    %dma_start3A_500 = tpu.memref_squeeze %dma_start3A_499 : memref<1x100000xf32, #tpu.memory_space<hbm>> -> memref<100000xf32, #tpu.memory_space<hbm>>
    tpu.enqueue_dma source(%dma_start3A_500 : memref<100000xf32, #tpu.memory_space<hbm>>) target(%arg5 : memref<100000xf32, #tpu.memory_space<vmem>>) target_semaphore(%arg9 : memref<!tpu.dma_semaphore, #tpu.memory_space<semaphore_mem>>)
    %sub3A_501 = arith.constant 1 : i32
    %sub3A_502 = arith.subi %add3A_492, %sub3A_501 : i32
    %shift_right_logical3A_503 = arith.constant 4 : i32
    %shift_right_logical3A_504 = arith.shrui %sub3A_502, %shift_right_logical3A_503 : i32
    %ne3A_505 = arith.cmpi ne, %shift_right_logical3A_494, %shift_right_logical3A_504 : i32
    %convert_element_type3A_506 = arith.extui %ne3A_505 : i1 to i32
    %cond3A_507 = arith.constant 0 : i32
    %cond3A_508 = arith.cmpi ne, %convert_element_type3A_506, %cond3A_507 : i32
    scf.if %cond3A_508 {
      %dma_start3A_1091 = arith.constant 0 : i32
      %dma_start3A_1092 = tpu.memref_slice %arg3[%shift_right_logical3A_494, %dma_start3A_1091] : memref<26x16384xi32, #tpu.memory_space<hbm>> -> memref<1x16384xi32, #tpu.memory_space<hbm>>
      %dma_start3A_1093 = tpu.memref_squeeze %dma_start3A_1092 : memref<1x16384xi32, #tpu.memory_space<hbm>> -> memref<16384xi32, #tpu.memory_space<hbm>>
      %dma_start3A_1094 = arith.constant 0 : i32
      %dma_start3A_1095 = tpu.memref_slice %arg3[%shift_right_logical3A_494, %dma_start3A_1094] : memref<26x16384xi32, #tpu.memory_space<hbm>> -> memref<1x16384xi32, #tpu.memory_space<hbm>>
      %dma_start3A_1096 = tpu.memref_squeeze %dma_start3A_1095 : memref<1x16384xi32, #tpu.memory_space<hbm>> -> memref<16384xi32, #tpu.memory_space<hbm>>
      tpu.enqueue_dma source(%dma_start3A_1096 : memref<16384xi32, #tpu.memory_space<hbm>>) target(%arg6 : memref<16384xi32, #tpu.memory_space<vmem>>) target_semaphore(%arg10 : memref<!tpu.dma_semaphore, #tpu.memory_space<semaphore_mem>>)
      %dma_wait3A_1097 = arith.constant 0 : i32
      %dma_wait3A_1098 = tpu.memref_slice %arg3[%shift_right_logical3A_494, %dma_wait3A_1097] : memref<26x16384xi32, #tpu.memory_space<hbm>> -> memref<1x16384xi32, #tpu.memory_space<hbm>>
      %dma_wait3A_1099 = tpu.memref_squeeze %dma_wait3A_1098 : memref<1x16384xi32, #tpu.memory_space<hbm>> -> memref<16384xi32, #tpu.memory_space<hbm>>
      %dma_wait3A_1100 = arith.constant 0 : i32
      %dma_wait3A_1101 = tpu.memref_slice %arg3[%shift_right_logical3A_494, %dma_wait3A_1100] : memref<26x16384xi32, #tpu.memory_space<hbm>> -> memref<1x16384xi32, #tpu.memory_space<hbm>>
      %dma_wait3A_1102 = tpu.memref_squeeze %dma_wait3A_1101 : memref<1x16384xi32, #tpu.memory_space<hbm>> -> memref<16384xi32, #tpu.memory_space<hbm>>
      tpu.wait_dma2 semaphore(%arg10 : memref<!tpu.dma_semaphore, #tpu.memory_space<semaphore_mem>>) src(%dma_wait3A_1102 : memref<16384xi32, #tpu.memory_space<hbm>>) dst(%arg6 : memref<16384xi32, #tpu.memory_space<vmem>>)
    } else {
    }
    %dma_wait3A_509 = arith.constant 0 : i32
    %dma_wait3A_510 = tpu.memref_slice %arg2[%add3A_492, %dma_wait3A_509] : memref<416x100000xf32, #tpu.memory_space<hbm>> -> memref<1x100000xf32, #tpu.memory_space<hbm>>
    %dma_wait3A_511 = tpu.memref_squeeze %dma_wait3A_510 : memref<1x100000xf32, #tpu.memory_space<hbm>> -> memref<100000xf32, #tpu.memory_space<hbm>>
    %dma_wait3A_512 = arith.constant 0 : i32
    %dma_wait3A_513 = tpu.memref_slice %arg2[%add3A_492, %dma_wait3A_512] : memref<416x100000xf32, #tpu.memory_space<hbm>> -> memref<1x100000xf32, #tpu.memory_space<hbm>>
    %dma_wait3A_514 = tpu.memref_squeeze %dma_wait3A_513 : memref<1x100000xf32, #tpu.memory_space<hbm>> -> memref<100000xf32, #tpu.memory_space<hbm>>
    tpu.wait_dma2 semaphore(%arg9 : memref<!tpu.dma_semaphore, #tpu.memory_space<semaphore_mem>>) src(%dma_wait3A_514 : memref<100000xf32, #tpu.memory_space<hbm>>) dst(%arg5 : memref<100000xf32, #tpu.memory_space<vmem>>)
    %dma_wait3A_515 = arith.constant 8192 : i32
    %dma_wait3A_516 = tpu.memref_slice %arg4[%add3A_408, %dma_wait3A_515] : memref<416x16384xf32, #tpu.memory_space<hbm>> -> memref<1x4096xf32, #tpu.memory_space<hbm>>
    %dma_wait3A_517 = tpu.memref_squeeze %dma_wait3A_516 : memref<1x4096xf32, #tpu.memory_space<hbm>> -> memref<4096xf32, #tpu.memory_space<hbm>>
    %dma_wait3A_518 = arith.constant 8192 : i32
    %dma_wait3A_519 = tpu.memref_slice %arg4[%add3A_408, %dma_wait3A_518] : memref<416x16384xf32, #tpu.memory_space<hbm>> -> memref<1x4096xf32, #tpu.memory_space<hbm>>
    %dma_wait3A_520 = tpu.memref_squeeze %dma_wait3A_519 : memref<1x4096xf32, #tpu.memory_space<hbm>> -> memref<4096xf32, #tpu.memory_space<hbm>>
    tpu.wait_dma2 semaphore(%arg11 : memref<!tpu.dma_semaphore, #tpu.memory_space<semaphore_mem>>) src(%arg7 : memref<4096xf32, #tpu.memory_space<vmem>>) dst(%dma_wait3A_520 : memref<4096xf32, #tpu.memory_space<hbm>>)
    %parallel_loop3A_521 = arith.constant 0 : i32
    %parallel_loop3A_522 = arith.constant 256 : i32
    %parallel_loop3A_523 = arith.constant 1 : i32
    scf.for %parallel_loop3A_1091 = %parallel_loop3A_521 to %parallel_loop3A_522 step %parallel_loop3A_523  : i32 {
      %parallel_loop3A_1092 = arith.constant 16 : i32
      %parallel_loop3A_1093 = arith.muli %parallel_loop3A_1091, %parallel_loop3A_1092 : i32
      %parallel_loop3A_1094 = arith.constant 16 : i32
      %parallel_loop3A_1095 = arith.muli %parallel_loop3A_1091, %parallel_loop3A_1094 : i32
      %parallel_loop3A_1096 = arith.constant 0 : i32
      %parallel_loop3A_1097 = arith.addi %parallel_loop3A_1096, %parallel_loop3A_1095 : i32
      %parallel_loop3A_1098 = arith.index_cast %parallel_loop3A_1097 : i32 to index
      %parallel_loop3A_1099 = tpu.vector_load %arg6[%parallel_loop3A_1098] {strides = array<i32>} : memref<16384xi32, #tpu.memory_space<vmem>>, vector<16xi32>,
      %parallel_loop3A_1100 = tpu.vector_load_idx %arg5[%parallel_loop3A_1099] : memref<100000xf32, #tpu.memory_space<vmem>>[vector<16xi32>], vector<16xf32>,
      %parallel_loop3A_1101 = arith.index_cast %parallel_loop3A_1093 : i32 to index
      %parallel_loop3A_1102 = tpu.vector_load %arg7[%parallel_loop3A_1101] {strides = array<i32>} : memref<4096xf32, #tpu.memory_space<vmem>>, vector<16xf32>,
      tpu.vector_store %arg7[%parallel_loop3A_1101], %parallel_loop3A_1100 {strides = array<i32>} : memref<4096xf32, #tpu.memory_space<vmem>>, vector<16xf32>,
    } {sc.loop_unroll_factor = 8 : i64, sc.parallel_access}
    %dma_start3A_524 = arith.constant 0 : i32
    %dma_start3A_525 = tpu.memref_slice %arg4[%add3A_492, %dma_start3A_524] : memref<416x16384xf32, #tpu.memory_space<hbm>> -> memref<1x4096xf32, #tpu.memory_space<hbm>>
    %dma_start3A_526 = tpu.memref_squeeze %dma_start3A_525 : memref<1x4096xf32, #tpu.memory_space<hbm>> -> memref<4096xf32, #tpu.memory_space<hbm>>
    %dma_start3A_527 = arith.constant 0 : i32
    %dma_start3A_528 = tpu.memref_slice %arg4[%add3A_492, %dma_start3A_527] : memref<416x16384xf32, #tpu.memory_space<hbm>> -> memref<1x4096xf32, #tpu.memory_space<hbm>>
    %dma_start3A_529 = tpu.memref_squeeze %dma_start3A_528 : memref<1x4096xf32, #tpu.memory_space<hbm>> -> memref<4096xf32, #tpu.memory_space<hbm>>
    tpu.enqueue_dma source(%arg7 : memref<4096xf32, #tpu.memory_space<vmem>>) target(%dma_start3A_529 : memref<4096xf32, #tpu.memory_space<hbm>>) target_semaphore(%arg11 : memref<!tpu.dma_semaphore, #tpu.memory_space<semaphore_mem>>)
    %dma_wait3A_530 = arith.constant 12288 : i32
    %dma_wait3A_531 = tpu.memref_slice %arg4[%add3A_408, %dma_wait3A_530] : memref<416x16384xf32, #tpu.memory_space<hbm>> -> memref<1x4096xf32, #tpu.memory_space<hbm>>
    %dma_wait3A_532 = tpu.memref_squeeze %dma_wait3A_531 : memref<1x4096xf32, #tpu.memory_space<hbm>> -> memref<4096xf32, #tpu.memory_space<hbm>>
    %dma_wait3A_533 = arith.constant 12288 : i32
    %dma_wait3A_534 = tpu.memref_slice %arg4[%add3A_408, %dma_wait3A_533] : memref<416x16384xf32, #tpu.memory_space<hbm>> -> memref<1x4096xf32, #tpu.memory_space<hbm>>
    %dma_wait3A_535 = tpu.memref_squeeze %dma_wait3A_534 : memref<1x4096xf32, #tpu.memory_space<hbm>> -> memref<4096xf32, #tpu.memory_space<hbm>>
    tpu.wait_dma2 semaphore(%arg12 : memref<!tpu.dma_semaphore, #tpu.memory_space<semaphore_mem>>) src(%arg8 : memref<4096xf32, #tpu.memory_space<vmem>>) dst(%dma_wait3A_535 : memref<4096xf32, #tpu.memory_space<hbm>>)
    %parallel_loop3A_536 = arith.constant 0 : i32
    %parallel_loop3A_537 = arith.constant 256 : i32
    %parallel_loop3A_538 = arith.constant 1 : i32
    scf.for %parallel_loop3A_1091 = %parallel_loop3A_536 to %parallel_loop3A_537 step %parallel_loop3A_538  : i32 {
      %parallel_loop3A_1092 = arith.constant 16 : i32
      %parallel_loop3A_1093 = arith.muli %parallel_loop3A_1091, %parallel_loop3A_1092 : i32
      %parallel_loop3A_1094 = arith.constant 16 : i32
      %parallel_loop3A_1095 = arith.muli %parallel_loop3A_1091, %parallel_loop3A_1094 : i32
      %parallel_loop3A_1096 = arith.constant 4096 : i32
      %parallel_loop3A_1097 = arith.addi %parallel_loop3A_1096, %parallel_loop3A_1095 : i32
      %parallel_loop3A_1098 = arith.index_cast %parallel_loop3A_1097 : i32 to index
      %parallel_loop3A_1099 = tpu.vector_load %arg6[%parallel_loop3A_1098] {strides = array<i32>} : memref<16384xi32, #tpu.memory_space<vmem>>, vector<16xi32>,
      %parallel_loop3A_1100 = tpu.vector_load_idx %arg5[%parallel_loop3A_1099] : memref<100000xf32, #tpu.memory_space<vmem>>[vector<16xi32>], vector<16xf32>,
      %parallel_loop3A_1101 = arith.index_cast %parallel_loop3A_1093 : i32 to index
      %parallel_loop3A_1102 = tpu.vector_load %arg8[%parallel_loop3A_1101] {strides = array<i32>} : memref<4096xf32, #tpu.memory_space<vmem>>, vector<16xf32>,
      tpu.vector_store %arg8[%parallel_loop3A_1101], %parallel_loop3A_1100 {strides = array<i32>} : memref<4096xf32, #tpu.memory_space<vmem>>, vector<16xf32>,
    } {sc.loop_unroll_factor = 8 : i64, sc.parallel_access}
    %dma_start3A_539 = arith.constant 4096 : i32
    %dma_start3A_540 = tpu.memref_slice %arg4[%add3A_492, %dma_start3A_539] : memref<416x16384xf32, #tpu.memory_space<hbm>> -> memref<1x4096xf32, #tpu.memory_space<hbm>>
    %dma_start3A_541 = tpu.memref_squeeze %dma_start3A_540 : memref<1x4096xf32, #tpu.memory_space<hbm>> -> memref<4096xf32, #tpu.memory_space<hbm>>
    %dma_start3A_542 = arith.constant 4096 : i32
    %dma_start3A_543 = tpu.memref_slice %arg4[%add3A_492, %dma_start3A_542] : memref<416x16384xf32, #tpu.memory_space<hbm>> -> memref<1x4096xf32, #tpu.memory_space<hbm>>
    %dma_start3A_544 = tpu.memref_squeeze %dma_start3A_543 : memref<1x4096xf32, #tpu.memory_space<hbm>> -> memref<4096xf32, #tpu.memory_space<hbm>>
    tpu.enqueue_dma source(%arg8 : memref<4096xf32, #tpu.memory_space<vmem>>) target(%dma_start3A_544 : memref<4096xf32, #tpu.memory_space<hbm>>) target_semaphore(%arg12 : memref<!tpu.dma_semaphore, #tpu.memory_space<semaphore_mem>>)
    %dma_wait3A_545 = arith.constant 0 : i32
    %dma_wait3A_546 = tpu.memref_slice %arg4[%add3A_492, %dma_wait3A_545] : memref<416x16384xf32, #tpu.memory_space<hbm>> -> memref<1x4096xf32, #tpu.memory_space<hbm>>
    %dma_wait3A_547 = tpu.memref_squeeze %dma_wait3A_546 : memref<1x4096xf32, #tpu.memory_space<hbm>> -> memref<4096xf32, #tpu.memory_space<hbm>>
    %dma_wait3A_548 = arith.constant 0 : i32
    %dma_wait3A_549 = tpu.memref_slice %arg4[%add3A_492, %dma_wait3A_548] : memref<416x16384xf32, #tpu.memory_space<hbm>> -> memref<1x4096xf32, #tpu.memory_space<hbm>>
    %dma_wait3A_550 = tpu.memref_squeeze %dma_wait3A_549 : memref<1x4096xf32, #tpu.memory_space<hbm>> -> memref<4096xf32, #tpu.memory_space<hbm>>
    tpu.wait_dma2 semaphore(%arg11 : memref<!tpu.dma_semaphore, #tpu.memory_space<semaphore_mem>>) src(%arg7 : memref<4096xf32, #tpu.memory_space<vmem>>) dst(%dma_wait3A_550 : memref<4096xf32, #tpu.memory_space<hbm>>)
    %parallel_loop3A_551 = arith.constant 0 : i32
    %parallel_loop3A_552 = arith.constant 256 : i32
    %parallel_loop3A_553 = arith.constant 1 : i32
    scf.for %parallel_loop3A_1091 = %parallel_loop3A_551 to %parallel_loop3A_552 step %parallel_loop3A_553  : i32 {
      %parallel_loop3A_1092 = arith.constant 16 : i32
      %parallel_loop3A_1093 = arith.muli %parallel_loop3A_1091, %parallel_loop3A_1092 : i32
      %parallel_loop3A_1094 = arith.constant 16 : i32
      %parallel_loop3A_1095 = arith.muli %parallel_loop3A_1091, %parallel_loop3A_1094 : i32
      %parallel_loop3A_1096 = arith.constant 8192 : i32
      %parallel_loop3A_1097 = arith.addi %parallel_loop3A_1096, %parallel_loop3A_1095 : i32
      %parallel_loop3A_1098 = arith.index_cast %parallel_loop3A_1097 : i32 to index
      %parallel_loop3A_1099 = tpu.vector_load %arg6[%parallel_loop3A_1098] {strides = array<i32>} : memref<16384xi32, #tpu.memory_space<vmem>>, vector<16xi32>,
      %parallel_loop3A_1100 = tpu.vector_load_idx %arg5[%parallel_loop3A_1099] : memref<100000xf32, #tpu.memory_space<vmem>>[vector<16xi32>], vector<16xf32>,
      %parallel_loop3A_1101 = arith.index_cast %parallel_loop3A_1093 : i32 to index
      %parallel_loop3A_1102 = tpu.vector_load %arg7[%parallel_loop3A_1101] {strides = array<i32>} : memref<4096xf32, #tpu.memory_space<vmem>>, vector<16xf32>,
      tpu.vector_store %arg7[%parallel_loop3A_1101], %parallel_loop3A_1100 {strides = array<i32>} : memref<4096xf32, #tpu.memory_space<vmem>>, vector<16xf32>,
    } {sc.loop_unroll_factor = 8 : i64, sc.parallel_access}
    %dma_start3A_554 = arith.constant 8192 : i32
    %dma_start3A_555 = tpu.memref_slice %arg4[%add3A_492, %dma_start3A_554] : memref<416x16384xf32, #tpu.memory_space<hbm>> -> memref<1x4096xf32, #tpu.memory_space<hbm>>
    %dma_start3A_556 = tpu.memref_squeeze %dma_start3A_555 : memref<1x4096xf32, #tpu.memory_space<hbm>> -> memref<4096xf32, #tpu.memory_space<hbm>>
    %dma_start3A_557 = arith.constant 8192 : i32
    %dma_start3A_558 = tpu.memref_slice %arg4[%add3A_492, %dma_start3A_557] : memref<416x16384xf32, #tpu.memory_space<hbm>> -> memref<1x4096xf32, #tpu.memory_space<hbm>>
    %dma_start3A_559 = tpu.memref_squeeze %dma_start3A_558 : memref<1x4096xf32, #tpu.memory_space<hbm>> -> memref<4096xf32, #tpu.memory_space<hbm>>
    tpu.enqueue_dma source(%arg7 : memref<4096xf32, #tpu.memory_space<vmem>>) target(%dma_start3A_559 : memref<4096xf32, #tpu.memory_space<hbm>>) target_semaphore(%arg11 : memref<!tpu.dma_semaphore, #tpu.memory_space<semaphore_mem>>)
    %dma_wait3A_560 = arith.constant 4096 : i32
    %dma_wait3A_561 = tpu.memref_slice %arg4[%add3A_492, %dma_wait3A_560] : memref<416x16384xf32, #tpu.memory_space<hbm>> -> memref<1x4096xf32, #tpu.memory_space<hbm>>
    %dma_wait3A_562 = tpu.memref_squeeze %dma_wait3A_561 : memref<1x4096xf32, #tpu.memory_space<hbm>> -> memref<4096xf32, #tpu.memory_space<hbm>>
    %dma_wait3A_563 = arith.constant 4096 : i32
    %dma_wait3A_564 = tpu.memref_slice %arg4[%add3A_492, %dma_wait3A_563] : memref<416x16384xf32, #tpu.memory_space<hbm>> -> memref<1x4096xf32, #tpu.memory_space<hbm>>
    %dma_wait3A_565 = tpu.memref_squeeze %dma_wait3A_564 : memref<1x4096xf32, #tpu.memory_space<hbm>> -> memref<4096xf32, #tpu.memory_space<hbm>>
    tpu.wait_dma2 semaphore(%arg12 : memref<!tpu.dma_semaphore, #tpu.memory_space<semaphore_mem>>) src(%arg8 : memref<4096xf32, #tpu.memory_space<vmem>>) dst(%dma_wait3A_565 : memref<4096xf32, #tpu.memory_space<hbm>>)
    %parallel_loop3A_566 = arith.constant 0 : i32
    %parallel_loop3A_567 = arith.constant 256 : i32
    %parallel_loop3A_568 = arith.constant 1 : i32
    scf.for %parallel_loop3A_1091 = %parallel_loop3A_566 to %parallel_loop3A_567 step %parallel_loop3A_568  : i32 {
      %parallel_loop3A_1092 = arith.constant 16 : i32
      %parallel_loop3A_1093 = arith.muli %parallel_loop3A_1091, %parallel_loop3A_1092 : i32
      %parallel_loop3A_1094 = arith.constant 16 : i32
      %parallel_loop3A_1095 = arith.muli %parallel_loop3A_1091, %parallel_loop3A_1094 : i32
      %parallel_loop3A_1096 = arith.constant 12288 : i32
      %parallel_loop3A_1097 = arith.addi %parallel_loop3A_1096, %parallel_loop3A_1095 : i32
      %parallel_loop3A_1098 = arith.index_cast %parallel_loop3A_1097 : i32 to index
      %parallel_loop3A_1099 = tpu.vector_load %arg6[%parallel_loop3A_1098] {strides = array<i32>} : memref<16384xi32, #tpu.memory_space<vmem>>, vector<16xi32>,
      %parallel_loop3A_1100 = tpu.vector_load_idx %arg5[%parallel_loop3A_1099] : memref<100000xf32, #tpu.memory_space<vmem>>[vector<16xi32>], vector<16xf32>,
      %parallel_loop3A_1101 = arith.index_cast %parallel_loop3A_1093 : i32 to index
      %parallel_loop3A_1102 = tpu.vector_load %arg8[%parallel_loop3A_1101] {strides = array<i32>} : memref<4096xf32, #tpu.memory_space<vmem>>, vector<16xf32>,
      tpu.vector_store %arg8[%parallel_loop3A_1101], %parallel_loop3A_1100 {strides = array<i32>} : memref<4096xf32, #tpu.memory_space<vmem>>, vector<16xf32>,
    } {sc.loop_unroll_factor = 8 : i64, sc.parallel_access}
    %dma_start3A_569 = arith.constant 12288 : i32
    %dma_start3A_570 = tpu.memref_slice %arg4[%add3A_492, %dma_start3A_569] : memref<416x16384xf32, #tpu.memory_space<hbm>> -> memref<1x4096xf32, #tpu.memory_space<hbm>>
    %dma_start3A_571 = tpu.memref_squeeze %dma_start3A_570 : memref<1x4096xf32, #tpu.memory_space<hbm>> -> memref<4096xf32, #tpu.memory_space<hbm>>
    %dma_start3A_572 = arith.constant 12288 : i32
    %dma_start3A_573 = tpu.memref_slice %arg4[%add3A_492, %dma_start3A_572] : memref<416x16384xf32, #tpu.memory_space<hbm>> -> memref<1x4096xf32, #tpu.memory_space<hbm>>
    %dma_start3A_574 = tpu.memref_squeeze %dma_start3A_573 : memref<1x4096xf32, #tpu.memory_space<hbm>> -> memref<4096xf32, #tpu.memory_space<hbm>>
    tpu.enqueue_dma source(%arg8 : memref<4096xf32, #tpu.memory_space<vmem>>) target(%dma_start3A_574 : memref<4096xf32, #tpu.memory_space<hbm>>) target_semaphore(%arg12 : memref<!tpu.dma_semaphore, #tpu.memory_space<semaphore_mem>>)
    %add3A_575 = arith.constant 7 : i32
    %add3A_576 = arith.addi %mul3A_2, %add3A_575 : i32
    %shift_right_logical3A_577 = arith.constant 4 : i32
    %shift_right_logical3A_578 = arith.shrui %add3A_576, %shift_right_logical3A_577 : i32
    %dma_start3A_579 = arith.constant 0 : i32
    %dma_start3A_580 = tpu.memref_slice %arg2[%add3A_576, %dma_start3A_579] : memref<416x100000xf32, #tpu.memory_space<hbm>> -> memref<1x100000xf32, #tpu.memory_space<hbm>>
    %dma_start3A_581 = tpu.memref_squeeze %dma_start3A_580 : memref<1x100000xf32, #tpu.memory_space<hbm>> -> memref<100000xf32, #tpu.memory_space<hbm>>
    %dma_start3A_582 = arith.constant 0 : i32
    %dma_start3A_583 = tpu.memref_slice %arg2[%add3A_576, %dma_start3A_582] : memref<416x100000xf32, #tpu.memory_space<hbm>> -> memref<1x100000xf32, #tpu.memory_space<hbm>>
    %dma_start3A_584 = tpu.memref_squeeze %dma_start3A_583 : memref<1x100000xf32, #tpu.memory_space<hbm>> -> memref<100000xf32, #tpu.memory_space<hbm>>
    tpu.enqueue_dma source(%dma_start3A_584 : memref<100000xf32, #tpu.memory_space<hbm>>) target(%arg5 : memref<100000xf32, #tpu.memory_space<vmem>>) target_semaphore(%arg9 : memref<!tpu.dma_semaphore, #tpu.memory_space<semaphore_mem>>)
    %sub3A_585 = arith.constant 1 : i32
    %sub3A_586 = arith.subi %add3A_576, %sub3A_585 : i32
    %shift_right_logical3A_587 = arith.constant 4 : i32
    %shift_right_logical3A_588 = arith.shrui %sub3A_586, %shift_right_logical3A_587 : i32
    %ne3A_589 = arith.cmpi ne, %shift_right_logical3A_578, %shift_right_logical3A_588 : i32
    %convert_element_type3A_590 = arith.extui %ne3A_589 : i1 to i32
    %cond3A_591 = arith.constant 0 : i32
    %cond3A_592 = arith.cmpi ne, %convert_element_type3A_590, %cond3A_591 : i32
    scf.if %cond3A_592 {
      %dma_start3A_1091 = arith.constant 0 : i32
      %dma_start3A_1092 = tpu.memref_slice %arg3[%shift_right_logical3A_578, %dma_start3A_1091] : memref<26x16384xi32, #tpu.memory_space<hbm>> -> memref<1x16384xi32, #tpu.memory_space<hbm>>
      %dma_start3A_1093 = tpu.memref_squeeze %dma_start3A_1092 : memref<1x16384xi32, #tpu.memory_space<hbm>> -> memref<16384xi32, #tpu.memory_space<hbm>>
      %dma_start3A_1094 = arith.constant 0 : i32
      %dma_start3A_1095 = tpu.memref_slice %arg3[%shift_right_logical3A_578, %dma_start3A_1094] : memref<26x16384xi32, #tpu.memory_space<hbm>> -> memref<1x16384xi32, #tpu.memory_space<hbm>>
      %dma_start3A_1096 = tpu.memref_squeeze %dma_start3A_1095 : memref<1x16384xi32, #tpu.memory_space<hbm>> -> memref<16384xi32, #tpu.memory_space<hbm>>
      tpu.enqueue_dma source(%dma_start3A_1096 : memref<16384xi32, #tpu.memory_space<hbm>>) target(%arg6 : memref<16384xi32, #tpu.memory_space<vmem>>) target_semaphore(%arg10 : memref<!tpu.dma_semaphore, #tpu.memory_space<semaphore_mem>>)
      %dma_wait3A_1097 = arith.constant 0 : i32
      %dma_wait3A_1098 = tpu.memref_slice %arg3[%shift_right_logical3A_578, %dma_wait3A_1097] : memref<26x16384xi32, #tpu.memory_space<hbm>> -> memref<1x16384xi32, #tpu.memory_space<hbm>>
      %dma_wait3A_1099 = tpu.memref_squeeze %dma_wait3A_1098 : memref<1x16384xi32, #tpu.memory_space<hbm>> -> memref<16384xi32, #tpu.memory_space<hbm>>
      %dma_wait3A_1100 = arith.constant 0 : i32
      %dma_wait3A_1101 = tpu.memref_slice %arg3[%shift_right_logical3A_578, %dma_wait3A_1100] : memref<26x16384xi32, #tpu.memory_space<hbm>> -> memref<1x16384xi32, #tpu.memory_space<hbm>>
      %dma_wait3A_1102 = tpu.memref_squeeze %dma_wait3A_1101 : memref<1x16384xi32, #tpu.memory_space<hbm>> -> memref<16384xi32, #tpu.memory_space<hbm>>
      tpu.wait_dma2 semaphore(%arg10 : memref<!tpu.dma_semaphore, #tpu.memory_space<semaphore_mem>>) src(%dma_wait3A_1102 : memref<16384xi32, #tpu.memory_space<hbm>>) dst(%arg6 : memref<16384xi32, #tpu.memory_space<vmem>>)
    } else {
    }
    %dma_wait3A_593 = arith.constant 0 : i32
    %dma_wait3A_594 = tpu.memref_slice %arg2[%add3A_576, %dma_wait3A_593] : memref<416x100000xf32, #tpu.memory_space<hbm>> -> memref<1x100000xf32, #tpu.memory_space<hbm>>
    %dma_wait3A_595 = tpu.memref_squeeze %dma_wait3A_594 : memref<1x100000xf32, #tpu.memory_space<hbm>> -> memref<100000xf32, #tpu.memory_space<hbm>>
    %dma_wait3A_596 = arith.constant 0 : i32
    %dma_wait3A_597 = tpu.memref_slice %arg2[%add3A_576, %dma_wait3A_596] : memref<416x100000xf32, #tpu.memory_space<hbm>> -> memref<1x100000xf32, #tpu.memory_space<hbm>>
    %dma_wait3A_598 = tpu.memref_squeeze %dma_wait3A_597 : memref<1x100000xf32, #tpu.memory_space<hbm>> -> memref<100000xf32, #tpu.memory_space<hbm>>
    tpu.wait_dma2 semaphore(%arg9 : memref<!tpu.dma_semaphore, #tpu.memory_space<semaphore_mem>>) src(%dma_wait3A_598 : memref<100000xf32, #tpu.memory_space<hbm>>) dst(%arg5 : memref<100000xf32, #tpu.memory_space<vmem>>)
    %dma_wait3A_599 = arith.constant 8192 : i32
    %dma_wait3A_600 = tpu.memref_slice %arg4[%add3A_492, %dma_wait3A_599] : memref<416x16384xf32, #tpu.memory_space<hbm>> -> memref<1x4096xf32, #tpu.memory_space<hbm>>
    %dma_wait3A_601 = tpu.memref_squeeze %dma_wait3A_600 : memref<1x4096xf32, #tpu.memory_space<hbm>> -> memref<4096xf32, #tpu.memory_space<hbm>>
    %dma_wait3A_602 = arith.constant 8192 : i32
    %dma_wait3A_603 = tpu.memref_slice %arg4[%add3A_492, %dma_wait3A_602] : memref<416x16384xf32, #tpu.memory_space<hbm>> -> memref<1x4096xf32, #tpu.memory_space<hbm>>
    %dma_wait3A_604 = tpu.memref_squeeze %dma_wait3A_603 : memref<1x4096xf32, #tpu.memory_space<hbm>> -> memref<4096xf32, #tpu.memory_space<hbm>>
    tpu.wait_dma2 semaphore(%arg11 : memref<!tpu.dma_semaphore, #tpu.memory_space<semaphore_mem>>) src(%arg7 : memref<4096xf32, #tpu.memory_space<vmem>>) dst(%dma_wait3A_604 : memref<4096xf32, #tpu.memory_space<hbm>>)
    %parallel_loop3A_605 = arith.constant 0 : i32
    %parallel_loop3A_606 = arith.constant 256 : i32
    %parallel_loop3A_607 = arith.constant 1 : i32
    scf.for %parallel_loop3A_1091 = %parallel_loop3A_605 to %parallel_loop3A_606 step %parallel_loop3A_607  : i32 {
      %parallel_loop3A_1092 = arith.constant 16 : i32
      %parallel_loop3A_1093 = arith.muli %parallel_loop3A_1091, %parallel_loop3A_1092 : i32
      %parallel_loop3A_1094 = arith.constant 16 : i32
      %parallel_loop3A_1095 = arith.muli %parallel_loop3A_1091, %parallel_loop3A_1094 : i32
      %parallel_loop3A_1096 = arith.constant 0 : i32
      %parallel_loop3A_1097 = arith.addi %parallel_loop3A_1096, %parallel_loop3A_1095 : i32
      %parallel_loop3A_1098 = arith.index_cast %parallel_loop3A_1097 : i32 to index
      %parallel_loop3A_1099 = tpu.vector_load %arg6[%parallel_loop3A_1098] {strides = array<i32>} : memref<16384xi32, #tpu.memory_space<vmem>>, vector<16xi32>,
      %parallel_loop3A_1100 = tpu.vector_load_idx %arg5[%parallel_loop3A_1099] : memref<100000xf32, #tpu.memory_space<vmem>>[vector<16xi32>], vector<16xf32>,
      %parallel_loop3A_1101 = arith.index_cast %parallel_loop3A_1093 : i32 to index
      %parallel_loop3A_1102 = tpu.vector_load %arg7[%parallel_loop3A_1101] {strides = array<i32>} : memref<4096xf32, #tpu.memory_space<vmem>>, vector<16xf32>,
      tpu.vector_store %arg7[%parallel_loop3A_1101], %parallel_loop3A_1100 {strides = array<i32>} : memref<4096xf32, #tpu.memory_space<vmem>>, vector<16xf32>,
    } {sc.loop_unroll_factor = 8 : i64, sc.parallel_access}
    %dma_start3A_608 = arith.constant 0 : i32
    %dma_start3A_609 = tpu.memref_slice %arg4[%add3A_576, %dma_start3A_608] : memref<416x16384xf32, #tpu.memory_space<hbm>> -> memref<1x4096xf32, #tpu.memory_space<hbm>>
    %dma_start3A_610 = tpu.memref_squeeze %dma_start3A_609 : memref<1x4096xf32, #tpu.memory_space<hbm>> -> memref<4096xf32, #tpu.memory_space<hbm>>
    %dma_start3A_611 = arith.constant 0 : i32
    %dma_start3A_612 = tpu.memref_slice %arg4[%add3A_576, %dma_start3A_611] : memref<416x16384xf32, #tpu.memory_space<hbm>> -> memref<1x4096xf32, #tpu.memory_space<hbm>>
    %dma_start3A_613 = tpu.memref_squeeze %dma_start3A_612 : memref<1x4096xf32, #tpu.memory_space<hbm>> -> memref<4096xf32, #tpu.memory_space<hbm>>
    tpu.enqueue_dma source(%arg7 : memref<4096xf32, #tpu.memory_space<vmem>>) target(%dma_start3A_613 : memref<4096xf32, #tpu.memory_space<hbm>>) target_semaphore(%arg11 : memref<!tpu.dma_semaphore, #tpu.memory_space<semaphore_mem>>)
    %dma_wait3A_614 = arith.constant 12288 : i32
    %dma_wait3A_615 = tpu.memref_slice %arg4[%add3A_492, %dma_wait3A_614] : memref<416x16384xf32, #tpu.memory_space<hbm>> -> memref<1x4096xf32, #tpu.memory_space<hbm>>
    %dma_wait3A_616 = tpu.memref_squeeze %dma_wait3A_615 : memref<1x4096xf32, #tpu.memory_space<hbm>> -> memref<4096xf32, #tpu.memory_space<hbm>>
    %dma_wait3A_617 = arith.constant 12288 : i32
    %dma_wait3A_618 = tpu.memref_slice %arg4[%add3A_492, %dma_wait3A_617] : memref<416x16384xf32, #tpu.memory_space<hbm>> -> memref<1x4096xf32, #tpu.memory_space<hbm>>
    %dma_wait3A_619 = tpu.memref_squeeze %dma_wait3A_618 : memref<1x4096xf32, #tpu.memory_space<hbm>> -> memref<4096xf32, #tpu.memory_space<hbm>>
    tpu.wait_dma2 semaphore(%arg12 : memref<!tpu.dma_semaphore, #tpu.memory_space<semaphore_mem>>) src(%arg8 : memref<4096xf32, #tpu.memory_space<vmem>>) dst(%dma_wait3A_619 : memref<4096xf32, #tpu.memory_space<hbm>>)
    %parallel_loop3A_620 = arith.constant 0 : i32
    %parallel_loop3A_621 = arith.constant 256 : i32
    %parallel_loop3A_622 = arith.constant 1 : i32
    scf.for %parallel_loop3A_1091 = %parallel_loop3A_620 to %parallel_loop3A_621 step %parallel_loop3A_622  : i32 {
      %parallel_loop3A_1092 = arith.constant 16 : i32
      %parallel_loop3A_1093 = arith.muli %parallel_loop3A_1091, %parallel_loop3A_1092 : i32
      %parallel_loop3A_1094 = arith.constant 16 : i32
      %parallel_loop3A_1095 = arith.muli %parallel_loop3A_1091, %parallel_loop3A_1094 : i32
      %parallel_loop3A_1096 = arith.constant 4096 : i32
      %parallel_loop3A_1097 = arith.addi %parallel_loop3A_1096, %parallel_loop3A_1095 : i32
      %parallel_loop3A_1098 = arith.index_cast %parallel_loop3A_1097 : i32 to index
      %parallel_loop3A_1099 = tpu.vector_load %arg6[%parallel_loop3A_1098] {strides = array<i32>} : memref<16384xi32, #tpu.memory_space<vmem>>, vector<16xi32>,
      %parallel_loop3A_1100 = tpu.vector_load_idx %arg5[%parallel_loop3A_1099] : memref<100000xf32, #tpu.memory_space<vmem>>[vector<16xi32>], vector<16xf32>,
      %parallel_loop3A_1101 = arith.index_cast %parallel_loop3A_1093 : i32 to index
      %parallel_loop3A_1102 = tpu.vector_load %arg8[%parallel_loop3A_1101] {strides = array<i32>} : memref<4096xf32, #tpu.memory_space<vmem>>, vector<16xf32>,
      tpu.vector_store %arg8[%parallel_loop3A_1101], %parallel_loop3A_1100 {strides = array<i32>} : memref<4096xf32, #tpu.memory_space<vmem>>, vector<16xf32>,
    } {sc.loop_unroll_factor = 8 : i64, sc.parallel_access}
    %dma_start3A_623 = arith.constant 4096 : i32
    %dma_start3A_624 = tpu.memref_slice %arg4[%add3A_576, %dma_start3A_623] : memref<416x16384xf32, #tpu.memory_space<hbm>> -> memref<1x4096xf32, #tpu.memory_space<hbm>>
    %dma_start3A_625 = tpu.memref_squeeze %dma_start3A_624 : memref<1x4096xf32, #tpu.memory_space<hbm>> -> memref<4096xf32, #tpu.memory_space<hbm>>
    %dma_start3A_626 = arith.constant 4096 : i32
    %dma_start3A_627 = tpu.memref_slice %arg4[%add3A_576, %dma_start3A_626] : memref<416x16384xf32, #tpu.memory_space<hbm>> -> memref<1x4096xf32, #tpu.memory_space<hbm>>
    %dma_start3A_628 = tpu.memref_squeeze %dma_start3A_627 : memref<1x4096xf32, #tpu.memory_space<hbm>> -> memref<4096xf32, #tpu.memory_space<hbm>>
    tpu.enqueue_dma source(%arg8 : memref<4096xf32, #tpu.memory_space<vmem>>) target(%dma_start3A_628 : memref<4096xf32, #tpu.memory_space<hbm>>) target_semaphore(%arg12 : memref<!tpu.dma_semaphore, #tpu.memory_space<semaphore_mem>>)
    %dma_wait3A_629 = arith.constant 0 : i32
    %dma_wait3A_630 = tpu.memref_slice %arg4[%add3A_576, %dma_wait3A_629] : memref<416x16384xf32, #tpu.memory_space<hbm>> -> memref<1x4096xf32, #tpu.memory_space<hbm>>
    %dma_wait3A_631 = tpu.memref_squeeze %dma_wait3A_630 : memref<1x4096xf32, #tpu.memory_space<hbm>> -> memref<4096xf32, #tpu.memory_space<hbm>>
    %dma_wait3A_632 = arith.constant 0 : i32
    %dma_wait3A_633 = tpu.memref_slice %arg4[%add3A_576, %dma_wait3A_632] : memref<416x16384xf32, #tpu.memory_space<hbm>> -> memref<1x4096xf32, #tpu.memory_space<hbm>>
    %dma_wait3A_634 = tpu.memref_squeeze %dma_wait3A_633 : memref<1x4096xf32, #tpu.memory_space<hbm>> -> memref<4096xf32, #tpu.memory_space<hbm>>
    tpu.wait_dma2 semaphore(%arg11 : memref<!tpu.dma_semaphore, #tpu.memory_space<semaphore_mem>>) src(%arg7 : memref<4096xf32, #tpu.memory_space<vmem>>) dst(%dma_wait3A_634 : memref<4096xf32, #tpu.memory_space<hbm>>)
    %parallel_loop3A_635 = arith.constant 0 : i32
    %parallel_loop3A_636 = arith.constant 256 : i32
    %parallel_loop3A_637 = arith.constant 1 : i32
    scf.for %parallel_loop3A_1091 = %parallel_loop3A_635 to %parallel_loop3A_636 step %parallel_loop3A_637  : i32 {
      %parallel_loop3A_1092 = arith.constant 16 : i32
      %parallel_loop3A_1093 = arith.muli %parallel_loop3A_1091, %parallel_loop3A_1092 : i32
      %parallel_loop3A_1094 = arith.constant 16 : i32
      %parallel_loop3A_1095 = arith.muli %parallel_loop3A_1091, %parallel_loop3A_1094 : i32
      %parallel_loop3A_1096 = arith.constant 8192 : i32
      %parallel_loop3A_1097 = arith.addi %parallel_loop3A_1096, %parallel_loop3A_1095 : i32
      %parallel_loop3A_1098 = arith.index_cast %parallel_loop3A_1097 : i32 to index
      %parallel_loop3A_1099 = tpu.vector_load %arg6[%parallel_loop3A_1098] {strides = array<i32>} : memref<16384xi32, #tpu.memory_space<vmem>>, vector<16xi32>,
      %parallel_loop3A_1100 = tpu.vector_load_idx %arg5[%parallel_loop3A_1099] : memref<100000xf32, #tpu.memory_space<vmem>>[vector<16xi32>], vector<16xf32>,
      %parallel_loop3A_1101 = arith.index_cast %parallel_loop3A_1093 : i32 to index
      %parallel_loop3A_1102 = tpu.vector_load %arg7[%parallel_loop3A_1101] {strides = array<i32>} : memref<4096xf32, #tpu.memory_space<vmem>>, vector<16xf32>,
      tpu.vector_store %arg7[%parallel_loop3A_1101], %parallel_loop3A_1100 {strides = array<i32>} : memref<4096xf32, #tpu.memory_space<vmem>>, vector<16xf32>,
    } {sc.loop_unroll_factor = 8 : i64, sc.parallel_access}
    %dma_start3A_638 = arith.constant 8192 : i32
    %dma_start3A_639 = tpu.memref_slice %arg4[%add3A_576, %dma_start3A_638] : memref<416x16384xf32, #tpu.memory_space<hbm>> -> memref<1x4096xf32, #tpu.memory_space<hbm>>
    %dma_start3A_640 = tpu.memref_squeeze %dma_start3A_639 : memref<1x4096xf32, #tpu.memory_space<hbm>> -> memref<4096xf32, #tpu.memory_space<hbm>>
    %dma_start3A_641 = arith.constant 8192 : i32
    %dma_start3A_642 = tpu.memref_slice %arg4[%add3A_576, %dma_start3A_641] : memref<416x16384xf32, #tpu.memory_space<hbm>> -> memref<1x4096xf32, #tpu.memory_space<hbm>>
    %dma_start3A_643 = tpu.memref_squeeze %dma_start3A_642 : memref<1x4096xf32, #tpu.memory_space<hbm>> -> memref<4096xf32, #tpu.memory_space<hbm>>
    tpu.enqueue_dma source(%arg7 : memref<4096xf32, #tpu.memory_space<vmem>>) target(%dma_start3A_643 : memref<4096xf32, #tpu.memory_space<hbm>>) target_semaphore(%arg11 : memref<!tpu.dma_semaphore, #tpu.memory_space<semaphore_mem>>)
    %dma_wait3A_644 = arith.constant 4096 : i32
    %dma_wait3A_645 = tpu.memref_slice %arg4[%add3A_576, %dma_wait3A_644] : memref<416x16384xf32, #tpu.memory_space<hbm>> -> memref<1x4096xf32, #tpu.memory_space<hbm>>
    %dma_wait3A_646 = tpu.memref_squeeze %dma_wait3A_645 : memref<1x4096xf32, #tpu.memory_space<hbm>> -> memref<4096xf32, #tpu.memory_space<hbm>>
    %dma_wait3A_647 = arith.constant 4096 : i32
    %dma_wait3A_648 = tpu.memref_slice %arg4[%add3A_576, %dma_wait3A_647] : memref<416x16384xf32, #tpu.memory_space<hbm>> -> memref<1x4096xf32, #tpu.memory_space<hbm>>
    %dma_wait3A_649 = tpu.memref_squeeze %dma_wait3A_648 : memref<1x4096xf32, #tpu.memory_space<hbm>> -> memref<4096xf32, #tpu.memory_space<hbm>>
    tpu.wait_dma2 semaphore(%arg12 : memref<!tpu.dma_semaphore, #tpu.memory_space<semaphore_mem>>) src(%arg8 : memref<4096xf32, #tpu.memory_space<vmem>>) dst(%dma_wait3A_649 : memref<4096xf32, #tpu.memory_space<hbm>>)
    %parallel_loop3A_650 = arith.constant 0 : i32
    %parallel_loop3A_651 = arith.constant 256 : i32
    %parallel_loop3A_652 = arith.constant 1 : i32
    scf.for %parallel_loop3A_1091 = %parallel_loop3A_650 to %parallel_loop3A_651 step %parallel_loop3A_652  : i32 {
      %parallel_loop3A_1092 = arith.constant 16 : i32
      %parallel_loop3A_1093 = arith.muli %parallel_loop3A_1091, %parallel_loop3A_1092 : i32
      %parallel_loop3A_1094 = arith.constant 16 : i32
      %parallel_loop3A_1095 = arith.muli %parallel_loop3A_1091, %parallel_loop3A_1094 : i32
      %parallel_loop3A_1096 = arith.constant 12288 : i32
      %parallel_loop3A_1097 = arith.addi %parallel_loop3A_1096, %parallel_loop3A_1095 : i32
      %parallel_loop3A_1098 = arith.index_cast %parallel_loop3A_1097 : i32 to index
      %parallel_loop3A_1099 = tpu.vector_load %arg6[%parallel_loop3A_1098] {strides = array<i32>} : memref<16384xi32, #tpu.memory_space<vmem>>, vector<16xi32>,
      %parallel_loop3A_1100 = tpu.vector_load_idx %arg5[%parallel_loop3A_1099] : memref<100000xf32, #tpu.memory_space<vmem>>[vector<16xi32>], vector<16xf32>,
      %parallel_loop3A_1101 = arith.index_cast %parallel_loop3A_1093 : i32 to index
      %parallel_loop3A_1102 = tpu.vector_load %arg8[%parallel_loop3A_1101] {strides = array<i32>} : memref<4096xf32, #tpu.memory_space<vmem>>, vector<16xf32>,
      tpu.vector_store %arg8[%parallel_loop3A_1101], %parallel_loop3A_1100 {strides = array<i32>} : memref<4096xf32, #tpu.memory_space<vmem>>, vector<16xf32>,
    } {sc.loop_unroll_factor = 8 : i64, sc.parallel_access}
    %dma_start3A_653 = arith.constant 12288 : i32
    %dma_start3A_654 = tpu.memref_slice %arg4[%add3A_576, %dma_start3A_653] : memref<416x16384xf32, #tpu.memory_space<hbm>> -> memref<1x4096xf32, #tpu.memory_space<hbm>>
    %dma_start3A_655 = tpu.memref_squeeze %dma_start3A_654 : memref<1x4096xf32, #tpu.memory_space<hbm>> -> memref<4096xf32, #tpu.memory_space<hbm>>
    %dma_start3A_656 = arith.constant 12288 : i32
    %dma_start3A_657 = tpu.memref_slice %arg4[%add3A_576, %dma_start3A_656] : memref<416x16384xf32, #tpu.memory_space<hbm>> -> memref<1x4096xf32, #tpu.memory_space<hbm>>
    %dma_start3A_658 = tpu.memref_squeeze %dma_start3A_657 : memref<1x4096xf32, #tpu.memory_space<hbm>> -> memref<4096xf32, #tpu.memory_space<hbm>>
    tpu.enqueue_dma source(%arg8 : memref<4096xf32, #tpu.memory_space<vmem>>) target(%dma_start3A_658 : memref<4096xf32, #tpu.memory_space<hbm>>) target_semaphore(%arg12 : memref<!tpu.dma_semaphore, #tpu.memory_space<semaphore_mem>>)
    %add3A_659 = arith.constant 8 : i32
    %add3A_660 = arith.addi %mul3A_2, %add3A_659 : i32
    %shift_right_logical3A_661 = arith.constant 4 : i32
    %shift_right_logical3A_662 = arith.shrui %add3A_660, %shift_right_logical3A_661 : i32
    %dma_start3A_663 = arith.constant 0 : i32
    %dma_start3A_664 = tpu.memref_slice %arg2[%add3A_660, %dma_start3A_663] : memref<416x100000xf32, #tpu.memory_space<hbm>> -> memref<1x100000xf32, #tpu.memory_space<hbm>>
    %dma_start3A_665 = tpu.memref_squeeze %dma_start3A_664 : memref<1x100000xf32, #tpu.memory_space<hbm>> -> memref<100000xf32, #tpu.memory_space<hbm>>
    %dma_start3A_666 = arith.constant 0 : i32
    %dma_start3A_667 = tpu.memref_slice %arg2[%add3A_660, %dma_start3A_666] : memref<416x100000xf32, #tpu.memory_space<hbm>> -> memref<1x100000xf32, #tpu.memory_space<hbm>>
    %dma_start3A_668 = tpu.memref_squeeze %dma_start3A_667 : memref<1x100000xf32, #tpu.memory_space<hbm>> -> memref<100000xf32, #tpu.memory_space<hbm>>
    tpu.enqueue_dma source(%dma_start3A_668 : memref<100000xf32, #tpu.memory_space<hbm>>) target(%arg5 : memref<100000xf32, #tpu.memory_space<vmem>>) target_semaphore(%arg9 : memref<!tpu.dma_semaphore, #tpu.memory_space<semaphore_mem>>)
    %sub3A_669 = arith.constant 1 : i32
    %sub3A_670 = arith.subi %add3A_660, %sub3A_669 : i32
    %shift_right_logical3A_671 = arith.constant 4 : i32
    %shift_right_logical3A_672 = arith.shrui %sub3A_670, %shift_right_logical3A_671 : i32
    %ne3A_673 = arith.cmpi ne, %shift_right_logical3A_662, %shift_right_logical3A_672 : i32
    %convert_element_type3A_674 = arith.extui %ne3A_673 : i1 to i32
    %cond3A_675 = arith.constant 0 : i32
    %cond3A_676 = arith.cmpi ne, %convert_element_type3A_674, %cond3A_675 : i32
    scf.if %cond3A_676 {
      %dma_start3A_1091 = arith.constant 0 : i32
      %dma_start3A_1092 = tpu.memref_slice %arg3[%shift_right_logical3A_662, %dma_start3A_1091] : memref<26x16384xi32, #tpu.memory_space<hbm>> -> memref<1x16384xi32, #tpu.memory_space<hbm>>
      %dma_start3A_1093 = tpu.memref_squeeze %dma_start3A_1092 : memref<1x16384xi32, #tpu.memory_space<hbm>> -> memref<16384xi32, #tpu.memory_space<hbm>>
      %dma_start3A_1094 = arith.constant 0 : i32
      %dma_start3A_1095 = tpu.memref_slice %arg3[%shift_right_logical3A_662, %dma_start3A_1094] : memref<26x16384xi32, #tpu.memory_space<hbm>> -> memref<1x16384xi32, #tpu.memory_space<hbm>>
      %dma_start3A_1096 = tpu.memref_squeeze %dma_start3A_1095 : memref<1x16384xi32, #tpu.memory_space<hbm>> -> memref<16384xi32, #tpu.memory_space<hbm>>
      tpu.enqueue_dma source(%dma_start3A_1096 : memref<16384xi32, #tpu.memory_space<hbm>>) target(%arg6 : memref<16384xi32, #tpu.memory_space<vmem>>) target_semaphore(%arg10 : memref<!tpu.dma_semaphore, #tpu.memory_space<semaphore_mem>>)
      %dma_wait3A_1097 = arith.constant 0 : i32
      %dma_wait3A_1098 = tpu.memref_slice %arg3[%shift_right_logical3A_662, %dma_wait3A_1097] : memref<26x16384xi32, #tpu.memory_space<hbm>> -> memref<1x16384xi32, #tpu.memory_space<hbm>>
      %dma_wait3A_1099 = tpu.memref_squeeze %dma_wait3A_1098 : memref<1x16384xi32, #tpu.memory_space<hbm>> -> memref<16384xi32, #tpu.memory_space<hbm>>
      %dma_wait3A_1100 = arith.constant 0 : i32
      %dma_wait3A_1101 = tpu.memref_slice %arg3[%shift_right_logical3A_662, %dma_wait3A_1100] : memref<26x16384xi32, #tpu.memory_space<hbm>> -> memref<1x16384xi32, #tpu.memory_space<hbm>>
      %dma_wait3A_1102 = tpu.memref_squeeze %dma_wait3A_1101 : memref<1x16384xi32, #tpu.memory_space<hbm>> -> memref<16384xi32, #tpu.memory_space<hbm>>
      tpu.wait_dma2 semaphore(%arg10 : memref<!tpu.dma_semaphore, #tpu.memory_space<semaphore_mem>>) src(%dma_wait3A_1102 : memref<16384xi32, #tpu.memory_space<hbm>>) dst(%arg6 : memref<16384xi32, #tpu.memory_space<vmem>>)
    } else {
    }
    %dma_wait3A_677 = arith.constant 0 : i32
    %dma_wait3A_678 = tpu.memref_slice %arg2[%add3A_660, %dma_wait3A_677] : memref<416x100000xf32, #tpu.memory_space<hbm>> -> memref<1x100000xf32, #tpu.memory_space<hbm>>
    %dma_wait3A_679 = tpu.memref_squeeze %dma_wait3A_678 : memref<1x100000xf32, #tpu.memory_space<hbm>> -> memref<100000xf32, #tpu.memory_space<hbm>>
    %dma_wait3A_680 = arith.constant 0 : i32
    %dma_wait3A_681 = tpu.memref_slice %arg2[%add3A_660, %dma_wait3A_680] : memref<416x100000xf32, #tpu.memory_space<hbm>> -> memref<1x100000xf32, #tpu.memory_space<hbm>>
    %dma_wait3A_682 = tpu.memref_squeeze %dma_wait3A_681 : memref<1x100000xf32, #tpu.memory_space<hbm>> -> memref<100000xf32, #tpu.memory_space<hbm>>
    tpu.wait_dma2 semaphore(%arg9 : memref<!tpu.dma_semaphore, #tpu.memory_space<semaphore_mem>>) src(%dma_wait3A_682 : memref<100000xf32, #tpu.memory_space<hbm>>) dst(%arg5 : memref<100000xf32, #tpu.memory_space<vmem>>)
    %dma_wait3A_683 = arith.constant 8192 : i32
    %dma_wait3A_684 = tpu.memref_slice %arg4[%add3A_576, %dma_wait3A_683] : memref<416x16384xf32, #tpu.memory_space<hbm>> -> memref<1x4096xf32, #tpu.memory_space<hbm>>
    %dma_wait3A_685 = tpu.memref_squeeze %dma_wait3A_684 : memref<1x4096xf32, #tpu.memory_space<hbm>> -> memref<4096xf32, #tpu.memory_space<hbm>>
    %dma_wait3A_686 = arith.constant 8192 : i32
    %dma_wait3A_687 = tpu.memref_slice %arg4[%add3A_576, %dma_wait3A_686] : memref<416x16384xf32, #tpu.memory_space<hbm>> -> memref<1x4096xf32, #tpu.memory_space<hbm>>
    %dma_wait3A_688 = tpu.memref_squeeze %dma_wait3A_687 : memref<1x4096xf32, #tpu.memory_space<hbm>> -> memref<4096xf32, #tpu.memory_space<hbm>>
    tpu.wait_dma2 semaphore(%arg11 : memref<!tpu.dma_semaphore, #tpu.memory_space<semaphore_mem>>) src(%arg7 : memref<4096xf32, #tpu.memory_space<vmem>>) dst(%dma_wait3A_688 : memref<4096xf32, #tpu.memory_space<hbm>>)
    %parallel_loop3A_689 = arith.constant 0 : i32
    %parallel_loop3A_690 = arith.constant 256 : i32
    %parallel_loop3A_691 = arith.constant 1 : i32
    scf.for %parallel_loop3A_1091 = %parallel_loop3A_689 to %parallel_loop3A_690 step %parallel_loop3A_691  : i32 {
      %parallel_loop3A_1092 = arith.constant 16 : i32
      %parallel_loop3A_1093 = arith.muli %parallel_loop3A_1091, %parallel_loop3A_1092 : i32
      %parallel_loop3A_1094 = arith.constant 16 : i32
      %parallel_loop3A_1095 = arith.muli %parallel_loop3A_1091, %parallel_loop3A_1094 : i32
      %parallel_loop3A_1096 = arith.constant 0 : i32
      %parallel_loop3A_1097 = arith.addi %parallel_loop3A_1096, %parallel_loop3A_1095 : i32
      %parallel_loop3A_1098 = arith.index_cast %parallel_loop3A_1097 : i32 to index
      %parallel_loop3A_1099 = tpu.vector_load %arg6[%parallel_loop3A_1098] {strides = array<i32>} : memref<16384xi32, #tpu.memory_space<vmem>>, vector<16xi32>,
      %parallel_loop3A_1100 = tpu.vector_load_idx %arg5[%parallel_loop3A_1099] : memref<100000xf32, #tpu.memory_space<vmem>>[vector<16xi32>], vector<16xf32>,
      %parallel_loop3A_1101 = arith.index_cast %parallel_loop3A_1093 : i32 to index
      %parallel_loop3A_1102 = tpu.vector_load %arg7[%parallel_loop3A_1101] {strides = array<i32>} : memref<4096xf32, #tpu.memory_space<vmem>>, vector<16xf32>,
      tpu.vector_store %arg7[%parallel_loop3A_1101], %parallel_loop3A_1100 {strides = array<i32>} : memref<4096xf32, #tpu.memory_space<vmem>>, vector<16xf32>,
    } {sc.loop_unroll_factor = 8 : i64, sc.parallel_access}
    %dma_start3A_692 = arith.constant 0 : i32
    %dma_start3A_693 = tpu.memref_slice %arg4[%add3A_660, %dma_start3A_692] : memref<416x16384xf32, #tpu.memory_space<hbm>> -> memref<1x4096xf32, #tpu.memory_space<hbm>>
    %dma_start3A_694 = tpu.memref_squeeze %dma_start3A_693 : memref<1x4096xf32, #tpu.memory_space<hbm>> -> memref<4096xf32, #tpu.memory_space<hbm>>
    %dma_start3A_695 = arith.constant 0 : i32
    %dma_start3A_696 = tpu.memref_slice %arg4[%add3A_660, %dma_start3A_695] : memref<416x16384xf32, #tpu.memory_space<hbm>> -> memref<1x4096xf32, #tpu.memory_space<hbm>>
    %dma_start3A_697 = tpu.memref_squeeze %dma_start3A_696 : memref<1x4096xf32, #tpu.memory_space<hbm>> -> memref<4096xf32, #tpu.memory_space<hbm>>
    tpu.enqueue_dma source(%arg7 : memref<4096xf32, #tpu.memory_space<vmem>>) target(%dma_start3A_697 : memref<4096xf32, #tpu.memory_space<hbm>>) target_semaphore(%arg11 : memref<!tpu.dma_semaphore, #tpu.memory_space<semaphore_mem>>)
    %dma_wait3A_698 = arith.constant 12288 : i32
    %dma_wait3A_699 = tpu.memref_slice %arg4[%add3A_576, %dma_wait3A_698] : memref<416x16384xf32, #tpu.memory_space<hbm>> -> memref<1x4096xf32, #tpu.memory_space<hbm>>
    %dma_wait3A_700 = tpu.memref_squeeze %dma_wait3A_699 : memref<1x4096xf32, #tpu.memory_space<hbm>> -> memref<4096xf32, #tpu.memory_space<hbm>>
    %dma_wait3A_701 = arith.constant 12288 : i32
    %dma_wait3A_702 = tpu.memref_slice %arg4[%add3A_576, %dma_wait3A_701] : memref<416x16384xf32, #tpu.memory_space<hbm>> -> memref<1x4096xf32, #tpu.memory_space<hbm>>
    %dma_wait3A_703 = tpu.memref_squeeze %dma_wait3A_702 : memref<1x4096xf32, #tpu.memory_space<hbm>> -> memref<4096xf32, #tpu.memory_space<hbm>>
    tpu.wait_dma2 semaphore(%arg12 : memref<!tpu.dma_semaphore, #tpu.memory_space<semaphore_mem>>) src(%arg8 : memref<4096xf32, #tpu.memory_space<vmem>>) dst(%dma_wait3A_703 : memref<4096xf32, #tpu.memory_space<hbm>>)
    %parallel_loop3A_704 = arith.constant 0 : i32
    %parallel_loop3A_705 = arith.constant 256 : i32
    %parallel_loop3A_706 = arith.constant 1 : i32
    scf.for %parallel_loop3A_1091 = %parallel_loop3A_704 to %parallel_loop3A_705 step %parallel_loop3A_706  : i32 {
      %parallel_loop3A_1092 = arith.constant 16 : i32
      %parallel_loop3A_1093 = arith.muli %parallel_loop3A_1091, %parallel_loop3A_1092 : i32
      %parallel_loop3A_1094 = arith.constant 16 : i32
      %parallel_loop3A_1095 = arith.muli %parallel_loop3A_1091, %parallel_loop3A_1094 : i32
      %parallel_loop3A_1096 = arith.constant 4096 : i32
      %parallel_loop3A_1097 = arith.addi %parallel_loop3A_1096, %parallel_loop3A_1095 : i32
      %parallel_loop3A_1098 = arith.index_cast %parallel_loop3A_1097 : i32 to index
      %parallel_loop3A_1099 = tpu.vector_load %arg6[%parallel_loop3A_1098] {strides = array<i32>} : memref<16384xi32, #tpu.memory_space<vmem>>, vector<16xi32>,
      %parallel_loop3A_1100 = tpu.vector_load_idx %arg5[%parallel_loop3A_1099] : memref<100000xf32, #tpu.memory_space<vmem>>[vector<16xi32>], vector<16xf32>,
      %parallel_loop3A_1101 = arith.index_cast %parallel_loop3A_1093 : i32 to index
      %parallel_loop3A_1102 = tpu.vector_load %arg8[%parallel_loop3A_1101] {strides = array<i32>} : memref<4096xf32, #tpu.memory_space<vmem>>, vector<16xf32>,
      tpu.vector_store %arg8[%parallel_loop3A_1101], %parallel_loop3A_1100 {strides = array<i32>} : memref<4096xf32, #tpu.memory_space<vmem>>, vector<16xf32>,
    } {sc.loop_unroll_factor = 8 : i64, sc.parallel_access}
    %dma_start3A_707 = arith.constant 4096 : i32
    %dma_start3A_708 = tpu.memref_slice %arg4[%add3A_660, %dma_start3A_707] : memref<416x16384xf32, #tpu.memory_space<hbm>> -> memref<1x4096xf32, #tpu.memory_space<hbm>>
    %dma_start3A_709 = tpu.memref_squeeze %dma_start3A_708 : memref<1x4096xf32, #tpu.memory_space<hbm>> -> memref<4096xf32, #tpu.memory_space<hbm>>
    %dma_start3A_710 = arith.constant 4096 : i32
    %dma_start3A_711 = tpu.memref_slice %arg4[%add3A_660, %dma_start3A_710] : memref<416x16384xf32, #tpu.memory_space<hbm>> -> memref<1x4096xf32, #tpu.memory_space<hbm>>
    %dma_start3A_712 = tpu.memref_squeeze %dma_start3A_711 : memref<1x4096xf32, #tpu.memory_space<hbm>> -> memref<4096xf32, #tpu.memory_space<hbm>>
    tpu.enqueue_dma source(%arg8 : memref<4096xf32, #tpu.memory_space<vmem>>) target(%dma_start3A_712 : memref<4096xf32, #tpu.memory_space<hbm>>) target_semaphore(%arg12 : memref<!tpu.dma_semaphore, #tpu.memory_space<semaphore_mem>>)
    %dma_wait3A_713 = arith.constant 0 : i32
    %dma_wait3A_714 = tpu.memref_slice %arg4[%add3A_660, %dma_wait3A_713] : memref<416x16384xf32, #tpu.memory_space<hbm>> -> memref<1x4096xf32, #tpu.memory_space<hbm>>
    %dma_wait3A_715 = tpu.memref_squeeze %dma_wait3A_714 : memref<1x4096xf32, #tpu.memory_space<hbm>> -> memref<4096xf32, #tpu.memory_space<hbm>>
    %dma_wait3A_716 = arith.constant 0 : i32
    %dma_wait3A_717 = tpu.memref_slice %arg4[%add3A_660, %dma_wait3A_716] : memref<416x16384xf32, #tpu.memory_space<hbm>> -> memref<1x4096xf32, #tpu.memory_space<hbm>>
    %dma_wait3A_718 = tpu.memref_squeeze %dma_wait3A_717 : memref<1x4096xf32, #tpu.memory_space<hbm>> -> memref<4096xf32, #tpu.memory_space<hbm>>
    tpu.wait_dma2 semaphore(%arg11 : memref<!tpu.dma_semaphore, #tpu.memory_space<semaphore_mem>>) src(%arg7 : memref<4096xf32, #tpu.memory_space<vmem>>) dst(%dma_wait3A_718 : memref<4096xf32, #tpu.memory_space<hbm>>)
    %parallel_loop3A_719 = arith.constant 0 : i32
    %parallel_loop3A_720 = arith.constant 256 : i32
    %parallel_loop3A_721 = arith.constant 1 : i32
    scf.for %parallel_loop3A_1091 = %parallel_loop3A_719 to %parallel_loop3A_720 step %parallel_loop3A_721  : i32 {
      %parallel_loop3A_1092 = arith.constant 16 : i32
      %parallel_loop3A_1093 = arith.muli %parallel_loop3A_1091, %parallel_loop3A_1092 : i32
      %parallel_loop3A_1094 = arith.constant 16 : i32
      %parallel_loop3A_1095 = arith.muli %parallel_loop3A_1091, %parallel_loop3A_1094 : i32
      %parallel_loop3A_1096 = arith.constant 8192 : i32
      %parallel_loop3A_1097 = arith.addi %parallel_loop3A_1096, %parallel_loop3A_1095 : i32
      %parallel_loop3A_1098 = arith.index_cast %parallel_loop3A_1097 : i32 to index
      %parallel_loop3A_1099 = tpu.vector_load %arg6[%parallel_loop3A_1098] {strides = array<i32>} : memref<16384xi32, #tpu.memory_space<vmem>>, vector<16xi32>,
      %parallel_loop3A_1100 = tpu.vector_load_idx %arg5[%parallel_loop3A_1099] : memref<100000xf32, #tpu.memory_space<vmem>>[vector<16xi32>], vector<16xf32>,
      %parallel_loop3A_1101 = arith.index_cast %parallel_loop3A_1093 : i32 to index
      %parallel_loop3A_1102 = tpu.vector_load %arg7[%parallel_loop3A_1101] {strides = array<i32>} : memref<4096xf32, #tpu.memory_space<vmem>>, vector<16xf32>,
      tpu.vector_store %arg7[%parallel_loop3A_1101], %parallel_loop3A_1100 {strides = array<i32>} : memref<4096xf32, #tpu.memory_space<vmem>>, vector<16xf32>,
    } {sc.loop_unroll_factor = 8 : i64, sc.parallel_access}
    %dma_start3A_722 = arith.constant 8192 : i32
    %dma_start3A_723 = tpu.memref_slice %arg4[%add3A_660, %dma_start3A_722] : memref<416x16384xf32, #tpu.memory_space<hbm>> -> memref<1x4096xf32, #tpu.memory_space<hbm>>
    %dma_start3A_724 = tpu.memref_squeeze %dma_start3A_723 : memref<1x4096xf32, #tpu.memory_space<hbm>> -> memref<4096xf32, #tpu.memory_space<hbm>>
    %dma_start3A_725 = arith.constant 8192 : i32
    %dma_start3A_726 = tpu.memref_slice %arg4[%add3A_660, %dma_start3A_725] : memref<416x16384xf32, #tpu.memory_space<hbm>> -> memref<1x4096xf32, #tpu.memory_space<hbm>>
    %dma_start3A_727 = tpu.memref_squeeze %dma_start3A_726 : memref<1x4096xf32, #tpu.memory_space<hbm>> -> memref<4096xf32, #tpu.memory_space<hbm>>
    tpu.enqueue_dma source(%arg7 : memref<4096xf32, #tpu.memory_space<vmem>>) target(%dma_start3A_727 : memref<4096xf32, #tpu.memory_space<hbm>>) target_semaphore(%arg11 : memref<!tpu.dma_semaphore, #tpu.memory_space<semaphore_mem>>)
    %dma_wait3A_728 = arith.constant 4096 : i32
    %dma_wait3A_729 = tpu.memref_slice %arg4[%add3A_660, %dma_wait3A_728] : memref<416x16384xf32, #tpu.memory_space<hbm>> -> memref<1x4096xf32, #tpu.memory_space<hbm>>
    %dma_wait3A_730 = tpu.memref_squeeze %dma_wait3A_729 : memref<1x4096xf32, #tpu.memory_space<hbm>> -> memref<4096xf32, #tpu.memory_space<hbm>>
    %dma_wait3A_731 = arith.constant 4096 : i32
    %dma_wait3A_732 = tpu.memref_slice %arg4[%add3A_660, %dma_wait3A_731] : memref<416x16384xf32, #tpu.memory_space<hbm>> -> memref<1x4096xf32, #tpu.memory_space<hbm>>
    %dma_wait3A_733 = tpu.memref_squeeze %dma_wait3A_732 : memref<1x4096xf32, #tpu.memory_space<hbm>> -> memref<4096xf32, #tpu.memory_space<hbm>>
    tpu.wait_dma2 semaphore(%arg12 : memref<!tpu.dma_semaphore, #tpu.memory_space<semaphore_mem>>) src(%arg8 : memref<4096xf32, #tpu.memory_space<vmem>>) dst(%dma_wait3A_733 : memref<4096xf32, #tpu.memory_space<hbm>>)
    %parallel_loop3A_734 = arith.constant 0 : i32
    %parallel_loop3A_735 = arith.constant 256 : i32
    %parallel_loop3A_736 = arith.constant 1 : i32
    scf.for %parallel_loop3A_1091 = %parallel_loop3A_734 to %parallel_loop3A_735 step %parallel_loop3A_736  : i32 {
      %parallel_loop3A_1092 = arith.constant 16 : i32
      %parallel_loop3A_1093 = arith.muli %parallel_loop3A_1091, %parallel_loop3A_1092 : i32
      %parallel_loop3A_1094 = arith.constant 16 : i32
      %parallel_loop3A_1095 = arith.muli %parallel_loop3A_1091, %parallel_loop3A_1094 : i32
      %parallel_loop3A_1096 = arith.constant 12288 : i32
      %parallel_loop3A_1097 = arith.addi %parallel_loop3A_1096, %parallel_loop3A_1095 : i32
      %parallel_loop3A_1098 = arith.index_cast %parallel_loop3A_1097 : i32 to index
      %parallel_loop3A_1099 = tpu.vector_load %arg6[%parallel_loop3A_1098] {strides = array<i32>} : memref<16384xi32, #tpu.memory_space<vmem>>, vector<16xi32>,
      %parallel_loop3A_1100 = tpu.vector_load_idx %arg5[%parallel_loop3A_1099] : memref<100000xf32, #tpu.memory_space<vmem>>[vector<16xi32>], vector<16xf32>,
      %parallel_loop3A_1101 = arith.index_cast %parallel_loop3A_1093 : i32 to index
      %parallel_loop3A_1102 = tpu.vector_load %arg8[%parallel_loop3A_1101] {strides = array<i32>} : memref<4096xf32, #tpu.memory_space<vmem>>, vector<16xf32>,
      tpu.vector_store %arg8[%parallel_loop3A_1101], %parallel_loop3A_1100 {strides = array<i32>} : memref<4096xf32, #tpu.memory_space<vmem>>, vector<16xf32>,
    } {sc.loop_unroll_factor = 8 : i64, sc.parallel_access}
    %dma_start3A_737 = arith.constant 12288 : i32
    %dma_start3A_738 = tpu.memref_slice %arg4[%add3A_660, %dma_start3A_737] : memref<416x16384xf32, #tpu.memory_space<hbm>> -> memref<1x4096xf32, #tpu.memory_space<hbm>>
    %dma_start3A_739 = tpu.memref_squeeze %dma_start3A_738 : memref<1x4096xf32, #tpu.memory_space<hbm>> -> memref<4096xf32, #tpu.memory_space<hbm>>
    %dma_start3A_740 = arith.constant 12288 : i32
    %dma_start3A_741 = tpu.memref_slice %arg4[%add3A_660, %dma_start3A_740] : memref<416x16384xf32, #tpu.memory_space<hbm>> -> memref<1x4096xf32, #tpu.memory_space<hbm>>
    %dma_start3A_742 = tpu.memref_squeeze %dma_start3A_741 : memref<1x4096xf32, #tpu.memory_space<hbm>> -> memref<4096xf32, #tpu.memory_space<hbm>>
    tpu.enqueue_dma source(%arg8 : memref<4096xf32, #tpu.memory_space<vmem>>) target(%dma_start3A_742 : memref<4096xf32, #tpu.memory_space<hbm>>) target_semaphore(%arg12 : memref<!tpu.dma_semaphore, #tpu.memory_space<semaphore_mem>>)
    %add3A_743 = arith.constant 9 : i32
    %add3A_744 = arith.addi %mul3A_2, %add3A_743 : i32
    %shift_right_logical3A_745 = arith.constant 4 : i32
    %shift_right_logical3A_746 = arith.shrui %add3A_744, %shift_right_logical3A_745 : i32
    %dma_start3A_747 = arith.constant 0 : i32
    %dma_start3A_748 = tpu.memref_slice %arg2[%add3A_744, %dma_start3A_747] : memref<416x100000xf32, #tpu.memory_space<hbm>> -> memref<1x100000xf32, #tpu.memory_space<hbm>>
    %dma_start3A_749 = tpu.memref_squeeze %dma_start3A_748 : memref<1x100000xf32, #tpu.memory_space<hbm>> -> memref<100000xf32, #tpu.memory_space<hbm>>
    %dma_start3A_750 = arith.constant 0 : i32
    %dma_start3A_751 = tpu.memref_slice %arg2[%add3A_744, %dma_start3A_750] : memref<416x100000xf32, #tpu.memory_space<hbm>> -> memref<1x100000xf32, #tpu.memory_space<hbm>>
    %dma_start3A_752 = tpu.memref_squeeze %dma_start3A_751 : memref<1x100000xf32, #tpu.memory_space<hbm>> -> memref<100000xf32, #tpu.memory_space<hbm>>
    tpu.enqueue_dma source(%dma_start3A_752 : memref<100000xf32, #tpu.memory_space<hbm>>) target(%arg5 : memref<100000xf32, #tpu.memory_space<vmem>>) target_semaphore(%arg9 : memref<!tpu.dma_semaphore, #tpu.memory_space<semaphore_mem>>)
    %sub3A_753 = arith.constant 1 : i32
    %sub3A_754 = arith.subi %add3A_744, %sub3A_753 : i32
    %shift_right_logical3A_755 = arith.constant 4 : i32
    %shift_right_logical3A_756 = arith.shrui %sub3A_754, %shift_right_logical3A_755 : i32
    %ne3A_757 = arith.cmpi ne, %shift_right_logical3A_746, %shift_right_logical3A_756 : i32
    %convert_element_type3A_758 = arith.extui %ne3A_757 : i1 to i32
    %cond3A_759 = arith.constant 0 : i32
    %cond3A_760 = arith.cmpi ne, %convert_element_type3A_758, %cond3A_759 : i32
    scf.if %cond3A_760 {
      %dma_start3A_1091 = arith.constant 0 : i32
      %dma_start3A_1092 = tpu.memref_slice %arg3[%shift_right_logical3A_746, %dma_start3A_1091] : memref<26x16384xi32, #tpu.memory_space<hbm>> -> memref<1x16384xi32, #tpu.memory_space<hbm>>
      %dma_start3A_1093 = tpu.memref_squeeze %dma_start3A_1092 : memref<1x16384xi32, #tpu.memory_space<hbm>> -> memref<16384xi32, #tpu.memory_space<hbm>>
      %dma_start3A_1094 = arith.constant 0 : i32
      %dma_start3A_1095 = tpu.memref_slice %arg3[%shift_right_logical3A_746, %dma_start3A_1094] : memref<26x16384xi32, #tpu.memory_space<hbm>> -> memref<1x16384xi32, #tpu.memory_space<hbm>>
      %dma_start3A_1096 = tpu.memref_squeeze %dma_start3A_1095 : memref<1x16384xi32, #tpu.memory_space<hbm>> -> memref<16384xi32, #tpu.memory_space<hbm>>
      tpu.enqueue_dma source(%dma_start3A_1096 : memref<16384xi32, #tpu.memory_space<hbm>>) target(%arg6 : memref<16384xi32, #tpu.memory_space<vmem>>) target_semaphore(%arg10 : memref<!tpu.dma_semaphore, #tpu.memory_space<semaphore_mem>>)
      %dma_wait3A_1097 = arith.constant 0 : i32
      %dma_wait3A_1098 = tpu.memref_slice %arg3[%shift_right_logical3A_746, %dma_wait3A_1097] : memref<26x16384xi32, #tpu.memory_space<hbm>> -> memref<1x16384xi32, #tpu.memory_space<hbm>>
      %dma_wait3A_1099 = tpu.memref_squeeze %dma_wait3A_1098 : memref<1x16384xi32, #tpu.memory_space<hbm>> -> memref<16384xi32, #tpu.memory_space<hbm>>
      %dma_wait3A_1100 = arith.constant 0 : i32
      %dma_wait3A_1101 = tpu.memref_slice %arg3[%shift_right_logical3A_746, %dma_wait3A_1100] : memref<26x16384xi32, #tpu.memory_space<hbm>> -> memref<1x16384xi32, #tpu.memory_space<hbm>>
      %dma_wait3A_1102 = tpu.memref_squeeze %dma_wait3A_1101 : memref<1x16384xi32, #tpu.memory_space<hbm>> -> memref<16384xi32, #tpu.memory_space<hbm>>
      tpu.wait_dma2 semaphore(%arg10 : memref<!tpu.dma_semaphore, #tpu.memory_space<semaphore_mem>>) src(%dma_wait3A_1102 : memref<16384xi32, #tpu.memory_space<hbm>>) dst(%arg6 : memref<16384xi32, #tpu.memory_space<vmem>>)
    } else {
    }
    %dma_wait3A_761 = arith.constant 0 : i32
    %dma_wait3A_762 = tpu.memref_slice %arg2[%add3A_744, %dma_wait3A_761] : memref<416x100000xf32, #tpu.memory_space<hbm>> -> memref<1x100000xf32, #tpu.memory_space<hbm>>
    %dma_wait3A_763 = tpu.memref_squeeze %dma_wait3A_762 : memref<1x100000xf32, #tpu.memory_space<hbm>> -> memref<100000xf32, #tpu.memory_space<hbm>>
    %dma_wait3A_764 = arith.constant 0 : i32
    %dma_wait3A_765 = tpu.memref_slice %arg2[%add3A_744, %dma_wait3A_764] : memref<416x100000xf32, #tpu.memory_space<hbm>> -> memref<1x100000xf32, #tpu.memory_space<hbm>>
    %dma_wait3A_766 = tpu.memref_squeeze %dma_wait3A_765 : memref<1x100000xf32, #tpu.memory_space<hbm>> -> memref<100000xf32, #tpu.memory_space<hbm>>
    tpu.wait_dma2 semaphore(%arg9 : memref<!tpu.dma_semaphore, #tpu.memory_space<semaphore_mem>>) src(%dma_wait3A_766 : memref<100000xf32, #tpu.memory_space<hbm>>) dst(%arg5 : memref<100000xf32, #tpu.memory_space<vmem>>)
    %dma_wait3A_767 = arith.constant 8192 : i32
    %dma_wait3A_768 = tpu.memref_slice %arg4[%add3A_660, %dma_wait3A_767] : memref<416x16384xf32, #tpu.memory_space<hbm>> -> memref<1x4096xf32, #tpu.memory_space<hbm>>
    %dma_wait3A_769 = tpu.memref_squeeze %dma_wait3A_768 : memref<1x4096xf32, #tpu.memory_space<hbm>> -> memref<4096xf32, #tpu.memory_space<hbm>>
    %dma_wait3A_770 = arith.constant 8192 : i32
    %dma_wait3A_771 = tpu.memref_slice %arg4[%add3A_660, %dma_wait3A_770] : memref<416x16384xf32, #tpu.memory_space<hbm>> -> memref<1x4096xf32, #tpu.memory_space<hbm>>
    %dma_wait3A_772 = tpu.memref_squeeze %dma_wait3A_771 : memref<1x4096xf32, #tpu.memory_space<hbm>> -> memref<4096xf32, #tpu.memory_space<hbm>>
    tpu.wait_dma2 semaphore(%arg11 : memref<!tpu.dma_semaphore, #tpu.memory_space<semaphore_mem>>) src(%arg7 : memref<4096xf32, #tpu.memory_space<vmem>>) dst(%dma_wait3A_772 : memref<4096xf32, #tpu.memory_space<hbm>>)
    %parallel_loop3A_773 = arith.constant 0 : i32
    %parallel_loop3A_774 = arith.constant 256 : i32
    %parallel_loop3A_775 = arith.constant 1 : i32
    scf.for %parallel_loop3A_1091 = %parallel_loop3A_773 to %parallel_loop3A_774 step %parallel_loop3A_775  : i32 {
      %parallel_loop3A_1092 = arith.constant 16 : i32
      %parallel_loop3A_1093 = arith.muli %parallel_loop3A_1091, %parallel_loop3A_1092 : i32
      %parallel_loop3A_1094 = arith.constant 16 : i32
      %parallel_loop3A_1095 = arith.muli %parallel_loop3A_1091, %parallel_loop3A_1094 : i32
      %parallel_loop3A_1096 = arith.constant 0 : i32
      %parallel_loop3A_1097 = arith.addi %parallel_loop3A_1096, %parallel_loop3A_1095 : i32
      %parallel_loop3A_1098 = arith.index_cast %parallel_loop3A_1097 : i32 to index
      %parallel_loop3A_1099 = tpu.vector_load %arg6[%parallel_loop3A_1098] {strides = array<i32>} : memref<16384xi32, #tpu.memory_space<vmem>>, vector<16xi32>,
      %parallel_loop3A_1100 = tpu.vector_load_idx %arg5[%parallel_loop3A_1099] : memref<100000xf32, #tpu.memory_space<vmem>>[vector<16xi32>], vector<16xf32>,
      %parallel_loop3A_1101 = arith.index_cast %parallel_loop3A_1093 : i32 to index
      %parallel_loop3A_1102 = tpu.vector_load %arg7[%parallel_loop3A_1101] {strides = array<i32>} : memref<4096xf32, #tpu.memory_space<vmem>>, vector<16xf32>,
      tpu.vector_store %arg7[%parallel_loop3A_1101], %parallel_loop3A_1100 {strides = array<i32>} : memref<4096xf32, #tpu.memory_space<vmem>>, vector<16xf32>,
    } {sc.loop_unroll_factor = 8 : i64, sc.parallel_access}
    %dma_start3A_776 = arith.constant 0 : i32
    %dma_start3A_777 = tpu.memref_slice %arg4[%add3A_744, %dma_start3A_776] : memref<416x16384xf32, #tpu.memory_space<hbm>> -> memref<1x4096xf32, #tpu.memory_space<hbm>>
    %dma_start3A_778 = tpu.memref_squeeze %dma_start3A_777 : memref<1x4096xf32, #tpu.memory_space<hbm>> -> memref<4096xf32, #tpu.memory_space<hbm>>
    %dma_start3A_779 = arith.constant 0 : i32
    %dma_start3A_780 = tpu.memref_slice %arg4[%add3A_744, %dma_start3A_779] : memref<416x16384xf32, #tpu.memory_space<hbm>> -> memref<1x4096xf32, #tpu.memory_space<hbm>>
    %dma_start3A_781 = tpu.memref_squeeze %dma_start3A_780 : memref<1x4096xf32, #tpu.memory_space<hbm>> -> memref<4096xf32, #tpu.memory_space<hbm>>
    tpu.enqueue_dma source(%arg7 : memref<4096xf32, #tpu.memory_space<vmem>>) target(%dma_start3A_781 : memref<4096xf32, #tpu.memory_space<hbm>>) target_semaphore(%arg11 : memref<!tpu.dma_semaphore, #tpu.memory_space<semaphore_mem>>)
    %dma_wait3A_782 = arith.constant 12288 : i32
    %dma_wait3A_783 = tpu.memref_slice %arg4[%add3A_660, %dma_wait3A_782] : memref<416x16384xf32, #tpu.memory_space<hbm>> -> memref<1x4096xf32, #tpu.memory_space<hbm>>
    %dma_wait3A_784 = tpu.memref_squeeze %dma_wait3A_783 : memref<1x4096xf32, #tpu.memory_space<hbm>> -> memref<4096xf32, #tpu.memory_space<hbm>>
    %dma_wait3A_785 = arith.constant 12288 : i32
    %dma_wait3A_786 = tpu.memref_slice %arg4[%add3A_660, %dma_wait3A_785] : memref<416x16384xf32, #tpu.memory_space<hbm>> -> memref<1x4096xf32, #tpu.memory_space<hbm>>
    %dma_wait3A_787 = tpu.memref_squeeze %dma_wait3A_786 : memref<1x4096xf32, #tpu.memory_space<hbm>> -> memref<4096xf32, #tpu.memory_space<hbm>>
    tpu.wait_dma2 semaphore(%arg12 : memref<!tpu.dma_semaphore, #tpu.memory_space<semaphore_mem>>) src(%arg8 : memref<4096xf32, #tpu.memory_space<vmem>>) dst(%dma_wait3A_787 : memref<4096xf32, #tpu.memory_space<hbm>>)
    %parallel_loop3A_788 = arith.constant 0 : i32
    %parallel_loop3A_789 = arith.constant 256 : i32
    %parallel_loop3A_790 = arith.constant 1 : i32
    scf.for %parallel_loop3A_1091 = %parallel_loop3A_788 to %parallel_loop3A_789 step %parallel_loop3A_790  : i32 {
      %parallel_loop3A_1092 = arith.constant 16 : i32
      %parallel_loop3A_1093 = arith.muli %parallel_loop3A_1091, %parallel_loop3A_1092 : i32
      %parallel_loop3A_1094 = arith.constant 16 : i32
      %parallel_loop3A_1095 = arith.muli %parallel_loop3A_1091, %parallel_loop3A_1094 : i32
      %parallel_loop3A_1096 = arith.constant 4096 : i32
      %parallel_loop3A_1097 = arith.addi %parallel_loop3A_1096, %parallel_loop3A_1095 : i32
      %parallel_loop3A_1098 = arith.index_cast %parallel_loop3A_1097 : i32 to index
      %parallel_loop3A_1099 = tpu.vector_load %arg6[%parallel_loop3A_1098] {strides = array<i32>} : memref<16384xi32, #tpu.memory_space<vmem>>, vector<16xi32>,
      %parallel_loop3A_1100 = tpu.vector_load_idx %arg5[%parallel_loop3A_1099] : memref<100000xf32, #tpu.memory_space<vmem>>[vector<16xi32>], vector<16xf32>,
      %parallel_loop3A_1101 = arith.index_cast %parallel_loop3A_1093 : i32 to index
      %parallel_loop3A_1102 = tpu.vector_load %arg8[%parallel_loop3A_1101] {strides = array<i32>} : memref<4096xf32, #tpu.memory_space<vmem>>, vector<16xf32>,
      tpu.vector_store %arg8[%parallel_loop3A_1101], %parallel_loop3A_1100 {strides = array<i32>} : memref<4096xf32, #tpu.memory_space<vmem>>, vector<16xf32>,
    } {sc.loop_unroll_factor = 8 : i64, sc.parallel_access}
    %dma_start3A_791 = arith.constant 4096 : i32
    %dma_start3A_792 = tpu.memref_slice %arg4[%add3A_744, %dma_start3A_791] : memref<416x16384xf32, #tpu.memory_space<hbm>> -> memref<1x4096xf32, #tpu.memory_space<hbm>>
    %dma_start3A_793 = tpu.memref_squeeze %dma_start3A_792 : memref<1x4096xf32, #tpu.memory_space<hbm>> -> memref<4096xf32, #tpu.memory_space<hbm>>
    %dma_start3A_794 = arith.constant 4096 : i32
    %dma_start3A_795 = tpu.memref_slice %arg4[%add3A_744, %dma_start3A_794] : memref<416x16384xf32, #tpu.memory_space<hbm>> -> memref<1x4096xf32, #tpu.memory_space<hbm>>
    %dma_start3A_796 = tpu.memref_squeeze %dma_start3A_795 : memref<1x4096xf32, #tpu.memory_space<hbm>> -> memref<4096xf32, #tpu.memory_space<hbm>>
    tpu.enqueue_dma source(%arg8 : memref<4096xf32, #tpu.memory_space<vmem>>) target(%dma_start3A_796 : memref<4096xf32, #tpu.memory_space<hbm>>) target_semaphore(%arg12 : memref<!tpu.dma_semaphore, #tpu.memory_space<semaphore_mem>>)
    %dma_wait3A_797 = arith.constant 0 : i32
    %dma_wait3A_798 = tpu.memref_slice %arg4[%add3A_744, %dma_wait3A_797] : memref<416x16384xf32, #tpu.memory_space<hbm>> -> memref<1x4096xf32, #tpu.memory_space<hbm>>
    %dma_wait3A_799 = tpu.memref_squeeze %dma_wait3A_798 : memref<1x4096xf32, #tpu.memory_space<hbm>> -> memref<4096xf32, #tpu.memory_space<hbm>>
    %dma_wait3A_800 = arith.constant 0 : i32
    %dma_wait3A_801 = tpu.memref_slice %arg4[%add3A_744, %dma_wait3A_800] : memref<416x16384xf32, #tpu.memory_space<hbm>> -> memref<1x4096xf32, #tpu.memory_space<hbm>>
    %dma_wait3A_802 = tpu.memref_squeeze %dma_wait3A_801 : memref<1x4096xf32, #tpu.memory_space<hbm>> -> memref<4096xf32, #tpu.memory_space<hbm>>
    tpu.wait_dma2 semaphore(%arg11 : memref<!tpu.dma_semaphore, #tpu.memory_space<semaphore_mem>>) src(%arg7 : memref<4096xf32, #tpu.memory_space<vmem>>) dst(%dma_wait3A_802 : memref<4096xf32, #tpu.memory_space<hbm>>)
    %parallel_loop3A_803 = arith.constant 0 : i32
    %parallel_loop3A_804 = arith.constant 256 : i32
    %parallel_loop3A_805 = arith.constant 1 : i32
    scf.for %parallel_loop3A_1091 = %parallel_loop3A_803 to %parallel_loop3A_804 step %parallel_loop3A_805  : i32 {
      %parallel_loop3A_1092 = arith.constant 16 : i32
      %parallel_loop3A_1093 = arith.muli %parallel_loop3A_1091, %parallel_loop3A_1092 : i32
      %parallel_loop3A_1094 = arith.constant 16 : i32
      %parallel_loop3A_1095 = arith.muli %parallel_loop3A_1091, %parallel_loop3A_1094 : i32
      %parallel_loop3A_1096 = arith.constant 8192 : i32
      %parallel_loop3A_1097 = arith.addi %parallel_loop3A_1096, %parallel_loop3A_1095 : i32
      %parallel_loop3A_1098 = arith.index_cast %parallel_loop3A_1097 : i32 to index
      %parallel_loop3A_1099 = tpu.vector_load %arg6[%parallel_loop3A_1098] {strides = array<i32>} : memref<16384xi32, #tpu.memory_space<vmem>>, vector<16xi32>,
      %parallel_loop3A_1100 = tpu.vector_load_idx %arg5[%parallel_loop3A_1099] : memref<100000xf32, #tpu.memory_space<vmem>>[vector<16xi32>], vector<16xf32>,
      %parallel_loop3A_1101 = arith.index_cast %parallel_loop3A_1093 : i32 to index
      %parallel_loop3A_1102 = tpu.vector_load %arg7[%parallel_loop3A_1101] {strides = array<i32>} : memref<4096xf32, #tpu.memory_space<vmem>>, vector<16xf32>,
      tpu.vector_store %arg7[%parallel_loop3A_1101], %parallel_loop3A_1100 {strides = array<i32>} : memref<4096xf32, #tpu.memory_space<vmem>>, vector<16xf32>,
    } {sc.loop_unroll_factor = 8 : i64, sc.parallel_access}
    %dma_start3A_806 = arith.constant 8192 : i32
    %dma_start3A_807 = tpu.memref_slice %arg4[%add3A_744, %dma_start3A_806] : memref<416x16384xf32, #tpu.memory_space<hbm>> -> memref<1x4096xf32, #tpu.memory_space<hbm>>
    %dma_start3A_808 = tpu.memref_squeeze %dma_start3A_807 : memref<1x4096xf32, #tpu.memory_space<hbm>> -> memref<4096xf32, #tpu.memory_space<hbm>>
    %dma_start3A_809 = arith.constant 8192 : i32
    %dma_start3A_810 = tpu.memref_slice %arg4[%add3A_744, %dma_start3A_809] : memref<416x16384xf32, #tpu.memory_space<hbm>> -> memref<1x4096xf32, #tpu.memory_space<hbm>>
    %dma_start3A_811 = tpu.memref_squeeze %dma_start3A_810 : memref<1x4096xf32, #tpu.memory_space<hbm>> -> memref<4096xf32, #tpu.memory_space<hbm>>
    tpu.enqueue_dma source(%arg7 : memref<4096xf32, #tpu.memory_space<vmem>>) target(%dma_start3A_811 : memref<4096xf32, #tpu.memory_space<hbm>>) target_semaphore(%arg11 : memref<!tpu.dma_semaphore, #tpu.memory_space<semaphore_mem>>)
    %dma_wait3A_812 = arith.constant 4096 : i32
    %dma_wait3A_813 = tpu.memref_slice %arg4[%add3A_744, %dma_wait3A_812] : memref<416x16384xf32, #tpu.memory_space<hbm>> -> memref<1x4096xf32, #tpu.memory_space<hbm>>
    %dma_wait3A_814 = tpu.memref_squeeze %dma_wait3A_813 : memref<1x4096xf32, #tpu.memory_space<hbm>> -> memref<4096xf32, #tpu.memory_space<hbm>>
    %dma_wait3A_815 = arith.constant 4096 : i32
    %dma_wait3A_816 = tpu.memref_slice %arg4[%add3A_744, %dma_wait3A_815] : memref<416x16384xf32, #tpu.memory_space<hbm>> -> memref<1x4096xf32, #tpu.memory_space<hbm>>
    %dma_wait3A_817 = tpu.memref_squeeze %dma_wait3A_816 : memref<1x4096xf32, #tpu.memory_space<hbm>> -> memref<4096xf32, #tpu.memory_space<hbm>>
    tpu.wait_dma2 semaphore(%arg12 : memref<!tpu.dma_semaphore, #tpu.memory_space<semaphore_mem>>) src(%arg8 : memref<4096xf32, #tpu.memory_space<vmem>>) dst(%dma_wait3A_817 : memref<4096xf32, #tpu.memory_space<hbm>>)
    %parallel_loop3A_818 = arith.constant 0 : i32
    %parallel_loop3A_819 = arith.constant 256 : i32
    %parallel_loop3A_820 = arith.constant 1 : i32
    scf.for %parallel_loop3A_1091 = %parallel_loop3A_818 to %parallel_loop3A_819 step %parallel_loop3A_820  : i32 {
      %parallel_loop3A_1092 = arith.constant 16 : i32
      %parallel_loop3A_1093 = arith.muli %parallel_loop3A_1091, %parallel_loop3A_1092 : i32
      %parallel_loop3A_1094 = arith.constant 16 : i32
      %parallel_loop3A_1095 = arith.muli %parallel_loop3A_1091, %parallel_loop3A_1094 : i32
      %parallel_loop3A_1096 = arith.constant 12288 : i32
      %parallel_loop3A_1097 = arith.addi %parallel_loop3A_1096, %parallel_loop3A_1095 : i32
      %parallel_loop3A_1098 = arith.index_cast %parallel_loop3A_1097 : i32 to index
      %parallel_loop3A_1099 = tpu.vector_load %arg6[%parallel_loop3A_1098] {strides = array<i32>} : memref<16384xi32, #tpu.memory_space<vmem>>, vector<16xi32>,
      %parallel_loop3A_1100 = tpu.vector_load_idx %arg5[%parallel_loop3A_1099] : memref<100000xf32, #tpu.memory_space<vmem>>[vector<16xi32>], vector<16xf32>,
      %parallel_loop3A_1101 = arith.index_cast %parallel_loop3A_1093 : i32 to index
      %parallel_loop3A_1102 = tpu.vector_load %arg8[%parallel_loop3A_1101] {strides = array<i32>} : memref<4096xf32, #tpu.memory_space<vmem>>, vector<16xf32>,
      tpu.vector_store %arg8[%parallel_loop3A_1101], %parallel_loop3A_1100 {strides = array<i32>} : memref<4096xf32, #tpu.memory_space<vmem>>, vector<16xf32>,
    } {sc.loop_unroll_factor = 8 : i64, sc.parallel_access}
    %dma_start3A_821 = arith.constant 12288 : i32
    %dma_start3A_822 = tpu.memref_slice %arg4[%add3A_744, %dma_start3A_821] : memref<416x16384xf32, #tpu.memory_space<hbm>> -> memref<1x4096xf32, #tpu.memory_space<hbm>>
    %dma_start3A_823 = tpu.memref_squeeze %dma_start3A_822 : memref<1x4096xf32, #tpu.memory_space<hbm>> -> memref<4096xf32, #tpu.memory_space<hbm>>
    %dma_start3A_824 = arith.constant 12288 : i32
    %dma_start3A_825 = tpu.memref_slice %arg4[%add3A_744, %dma_start3A_824] : memref<416x16384xf32, #tpu.memory_space<hbm>> -> memref<1x4096xf32, #tpu.memory_space<hbm>>
    %dma_start3A_826 = tpu.memref_squeeze %dma_start3A_825 : memref<1x4096xf32, #tpu.memory_space<hbm>> -> memref<4096xf32, #tpu.memory_space<hbm>>
    tpu.enqueue_dma source(%arg8 : memref<4096xf32, #tpu.memory_space<vmem>>) target(%dma_start3A_826 : memref<4096xf32, #tpu.memory_space<hbm>>) target_semaphore(%arg12 : memref<!tpu.dma_semaphore, #tpu.memory_space<semaphore_mem>>)
    %add3A_827 = arith.constant 10 : i32
    %add3A_828 = arith.addi %mul3A_2, %add3A_827 : i32
    %shift_right_logical3A_829 = arith.constant 4 : i32
    %shift_right_logical3A_830 = arith.shrui %add3A_828, %shift_right_logical3A_829 : i32
    %dma_start3A_831 = arith.constant 0 : i32
    %dma_start3A_832 = tpu.memref_slice %arg2[%add3A_828, %dma_start3A_831] : memref<416x100000xf32, #tpu.memory_space<hbm>> -> memref<1x100000xf32, #tpu.memory_space<hbm>>
    %dma_start3A_833 = tpu.memref_squeeze %dma_start3A_832 : memref<1x100000xf32, #tpu.memory_space<hbm>> -> memref<100000xf32, #tpu.memory_space<hbm>>
    %dma_start3A_834 = arith.constant 0 : i32
    %dma_start3A_835 = tpu.memref_slice %arg2[%add3A_828, %dma_start3A_834] : memref<416x100000xf32, #tpu.memory_space<hbm>> -> memref<1x100000xf32, #tpu.memory_space<hbm>>
    %dma_start3A_836 = tpu.memref_squeeze %dma_start3A_835 : memref<1x100000xf32, #tpu.memory_space<hbm>> -> memref<100000xf32, #tpu.memory_space<hbm>>
    tpu.enqueue_dma source(%dma_start3A_836 : memref<100000xf32, #tpu.memory_space<hbm>>) target(%arg5 : memref<100000xf32, #tpu.memory_space<vmem>>) target_semaphore(%arg9 : memref<!tpu.dma_semaphore, #tpu.memory_space<semaphore_mem>>)
    %sub3A_837 = arith.constant 1 : i32
    %sub3A_838 = arith.subi %add3A_828, %sub3A_837 : i32
    %shift_right_logical3A_839 = arith.constant 4 : i32
    %shift_right_logical3A_840 = arith.shrui %sub3A_838, %shift_right_logical3A_839 : i32
    %ne3A_841 = arith.cmpi ne, %shift_right_logical3A_830, %shift_right_logical3A_840 : i32
    %convert_element_type3A_842 = arith.extui %ne3A_841 : i1 to i32
    %cond3A_843 = arith.constant 0 : i32
    %cond3A_844 = arith.cmpi ne, %convert_element_type3A_842, %cond3A_843 : i32
    scf.if %cond3A_844 {
      %dma_start3A_1091 = arith.constant 0 : i32
      %dma_start3A_1092 = tpu.memref_slice %arg3[%shift_right_logical3A_830, %dma_start3A_1091] : memref<26x16384xi32, #tpu.memory_space<hbm>> -> memref<1x16384xi32, #tpu.memory_space<hbm>>
      %dma_start3A_1093 = tpu.memref_squeeze %dma_start3A_1092 : memref<1x16384xi32, #tpu.memory_space<hbm>> -> memref<16384xi32, #tpu.memory_space<hbm>>
      %dma_start3A_1094 = arith.constant 0 : i32
      %dma_start3A_1095 = tpu.memref_slice %arg3[%shift_right_logical3A_830, %dma_start3A_1094] : memref<26x16384xi32, #tpu.memory_space<hbm>> -> memref<1x16384xi32, #tpu.memory_space<hbm>>
      %dma_start3A_1096 = tpu.memref_squeeze %dma_start3A_1095 : memref<1x16384xi32, #tpu.memory_space<hbm>> -> memref<16384xi32, #tpu.memory_space<hbm>>
      tpu.enqueue_dma source(%dma_start3A_1096 : memref<16384xi32, #tpu.memory_space<hbm>>) target(%arg6 : memref<16384xi32, #tpu.memory_space<vmem>>) target_semaphore(%arg10 : memref<!tpu.dma_semaphore, #tpu.memory_space<semaphore_mem>>)
      %dma_wait3A_1097 = arith.constant 0 : i32
      %dma_wait3A_1098 = tpu.memref_slice %arg3[%shift_right_logical3A_830, %dma_wait3A_1097] : memref<26x16384xi32, #tpu.memory_space<hbm>> -> memref<1x16384xi32, #tpu.memory_space<hbm>>
      %dma_wait3A_1099 = tpu.memref_squeeze %dma_wait3A_1098 : memref<1x16384xi32, #tpu.memory_space<hbm>> -> memref<16384xi32, #tpu.memory_space<hbm>>
      %dma_wait3A_1100 = arith.constant 0 : i32
      %dma_wait3A_1101 = tpu.memref_slice %arg3[%shift_right_logical3A_830, %dma_wait3A_1100] : memref<26x16384xi32, #tpu.memory_space<hbm>> -> memref<1x16384xi32, #tpu.memory_space<hbm>>
      %dma_wait3A_1102 = tpu.memref_squeeze %dma_wait3A_1101 : memref<1x16384xi32, #tpu.memory_space<hbm>> -> memref<16384xi32, #tpu.memory_space<hbm>>
      tpu.wait_dma2 semaphore(%arg10 : memref<!tpu.dma_semaphore, #tpu.memory_space<semaphore_mem>>) src(%dma_wait3A_1102 : memref<16384xi32, #tpu.memory_space<hbm>>) dst(%arg6 : memref<16384xi32, #tpu.memory_space<vmem>>)
    } else {
    }
    %dma_wait3A_845 = arith.constant 0 : i32
    %dma_wait3A_846 = tpu.memref_slice %arg2[%add3A_828, %dma_wait3A_845] : memref<416x100000xf32, #tpu.memory_space<hbm>> -> memref<1x100000xf32, #tpu.memory_space<hbm>>
    %dma_wait3A_847 = tpu.memref_squeeze %dma_wait3A_846 : memref<1x100000xf32, #tpu.memory_space<hbm>> -> memref<100000xf32, #tpu.memory_space<hbm>>
    %dma_wait3A_848 = arith.constant 0 : i32
    %dma_wait3A_849 = tpu.memref_slice %arg2[%add3A_828, %dma_wait3A_848] : memref<416x100000xf32, #tpu.memory_space<hbm>> -> memref<1x100000xf32, #tpu.memory_space<hbm>>
    %dma_wait3A_850 = tpu.memref_squeeze %dma_wait3A_849 : memref<1x100000xf32, #tpu.memory_space<hbm>> -> memref<100000xf32, #tpu.memory_space<hbm>>
    tpu.wait_dma2 semaphore(%arg9 : memref<!tpu.dma_semaphore, #tpu.memory_space<semaphore_mem>>) src(%dma_wait3A_850 : memref<100000xf32, #tpu.memory_space<hbm>>) dst(%arg5 : memref<100000xf32, #tpu.memory_space<vmem>>)
    %dma_wait3A_851 = arith.constant 8192 : i32
    %dma_wait3A_852 = tpu.memref_slice %arg4[%add3A_744, %dma_wait3A_851] : memref<416x16384xf32, #tpu.memory_space<hbm>> -> memref<1x4096xf32, #tpu.memory_space<hbm>>
    %dma_wait3A_853 = tpu.memref_squeeze %dma_wait3A_852 : memref<1x4096xf32, #tpu.memory_space<hbm>> -> memref<4096xf32, #tpu.memory_space<hbm>>
    %dma_wait3A_854 = arith.constant 8192 : i32
    %dma_wait3A_855 = tpu.memref_slice %arg4[%add3A_744, %dma_wait3A_854] : memref<416x16384xf32, #tpu.memory_space<hbm>> -> memref<1x4096xf32, #tpu.memory_space<hbm>>
    %dma_wait3A_856 = tpu.memref_squeeze %dma_wait3A_855 : memref<1x4096xf32, #tpu.memory_space<hbm>> -> memref<4096xf32, #tpu.memory_space<hbm>>
    tpu.wait_dma2 semaphore(%arg11 : memref<!tpu.dma_semaphore, #tpu.memory_space<semaphore_mem>>) src(%arg7 : memref<4096xf32, #tpu.memory_space<vmem>>) dst(%dma_wait3A_856 : memref<4096xf32, #tpu.memory_space<hbm>>)
    %parallel_loop3A_857 = arith.constant 0 : i32
    %parallel_loop3A_858 = arith.constant 256 : i32
    %parallel_loop3A_859 = arith.constant 1 : i32
    scf.for %parallel_loop3A_1091 = %parallel_loop3A_857 to %parallel_loop3A_858 step %parallel_loop3A_859  : i32 {
      %parallel_loop3A_1092 = arith.constant 16 : i32
      %parallel_loop3A_1093 = arith.muli %parallel_loop3A_1091, %parallel_loop3A_1092 : i32
      %parallel_loop3A_1094 = arith.constant 16 : i32
      %parallel_loop3A_1095 = arith.muli %parallel_loop3A_1091, %parallel_loop3A_1094 : i32
      %parallel_loop3A_1096 = arith.constant 0 : i32
      %parallel_loop3A_1097 = arith.addi %parallel_loop3A_1096, %parallel_loop3A_1095 : i32
      %parallel_loop3A_1098 = arith.index_cast %parallel_loop3A_1097 : i32 to index
      %parallel_loop3A_1099 = tpu.vector_load %arg6[%parallel_loop3A_1098] {strides = array<i32>} : memref<16384xi32, #tpu.memory_space<vmem>>, vector<16xi32>,
      %parallel_loop3A_1100 = tpu.vector_load_idx %arg5[%parallel_loop3A_1099] : memref<100000xf32, #tpu.memory_space<vmem>>[vector<16xi32>], vector<16xf32>,
      %parallel_loop3A_1101 = arith.index_cast %parallel_loop3A_1093 : i32 to index
      %parallel_loop3A_1102 = tpu.vector_load %arg7[%parallel_loop3A_1101] {strides = array<i32>} : memref<4096xf32, #tpu.memory_space<vmem>>, vector<16xf32>,
      tpu.vector_store %arg7[%parallel_loop3A_1101], %parallel_loop3A_1100 {strides = array<i32>} : memref<4096xf32, #tpu.memory_space<vmem>>, vector<16xf32>,
    } {sc.loop_unroll_factor = 8 : i64, sc.parallel_access}
    %dma_start3A_860 = arith.constant 0 : i32
    %dma_start3A_861 = tpu.memref_slice %arg4[%add3A_828, %dma_start3A_860] : memref<416x16384xf32, #tpu.memory_space<hbm>> -> memref<1x4096xf32, #tpu.memory_space<hbm>>
    %dma_start3A_862 = tpu.memref_squeeze %dma_start3A_861 : memref<1x4096xf32, #tpu.memory_space<hbm>> -> memref<4096xf32, #tpu.memory_space<hbm>>
    %dma_start3A_863 = arith.constant 0 : i32
    %dma_start3A_864 = tpu.memref_slice %arg4[%add3A_828, %dma_start3A_863] : memref<416x16384xf32, #tpu.memory_space<hbm>> -> memref<1x4096xf32, #tpu.memory_space<hbm>>
    %dma_start3A_865 = tpu.memref_squeeze %dma_start3A_864 : memref<1x4096xf32, #tpu.memory_space<hbm>> -> memref<4096xf32, #tpu.memory_space<hbm>>
    tpu.enqueue_dma source(%arg7 : memref<4096xf32, #tpu.memory_space<vmem>>) target(%dma_start3A_865 : memref<4096xf32, #tpu.memory_space<hbm>>) target_semaphore(%arg11 : memref<!tpu.dma_semaphore, #tpu.memory_space<semaphore_mem>>)
    %dma_wait3A_866 = arith.constant 12288 : i32
    %dma_wait3A_867 = tpu.memref_slice %arg4[%add3A_744, %dma_wait3A_866] : memref<416x16384xf32, #tpu.memory_space<hbm>> -> memref<1x4096xf32, #tpu.memory_space<hbm>>
    %dma_wait3A_868 = tpu.memref_squeeze %dma_wait3A_867 : memref<1x4096xf32, #tpu.memory_space<hbm>> -> memref<4096xf32, #tpu.memory_space<hbm>>
    %dma_wait3A_869 = arith.constant 12288 : i32
    %dma_wait3A_870 = tpu.memref_slice %arg4[%add3A_744, %dma_wait3A_869] : memref<416x16384xf32, #tpu.memory_space<hbm>> -> memref<1x4096xf32, #tpu.memory_space<hbm>>
    %dma_wait3A_871 = tpu.memref_squeeze %dma_wait3A_870 : memref<1x4096xf32, #tpu.memory_space<hbm>> -> memref<4096xf32, #tpu.memory_space<hbm>>
    tpu.wait_dma2 semaphore(%arg12 : memref<!tpu.dma_semaphore, #tpu.memory_space<semaphore_mem>>) src(%arg8 : memref<4096xf32, #tpu.memory_space<vmem>>) dst(%dma_wait3A_871 : memref<4096xf32, #tpu.memory_space<hbm>>)
    %parallel_loop3A_872 = arith.constant 0 : i32
    %parallel_loop3A_873 = arith.constant 256 : i32
    %parallel_loop3A_874 = arith.constant 1 : i32
    scf.for %parallel_loop3A_1091 = %parallel_loop3A_872 to %parallel_loop3A_873 step %parallel_loop3A_874  : i32 {
      %parallel_loop3A_1092 = arith.constant 16 : i32
      %parallel_loop3A_1093 = arith.muli %parallel_loop3A_1091, %parallel_loop3A_1092 : i32
      %parallel_loop3A_1094 = arith.constant 16 : i32
      %parallel_loop3A_1095 = arith.muli %parallel_loop3A_1091, %parallel_loop3A_1094 : i32
      %parallel_loop3A_1096 = arith.constant 4096 : i32
      %parallel_loop3A_1097 = arith.addi %parallel_loop3A_1096, %parallel_loop3A_1095 : i32
      %parallel_loop3A_1098 = arith.index_cast %parallel_loop3A_1097 : i32 to index
      %parallel_loop3A_1099 = tpu.vector_load %arg6[%parallel_loop3A_1098] {strides = array<i32>} : memref<16384xi32, #tpu.memory_space<vmem>>, vector<16xi32>,
      %parallel_loop3A_1100 = tpu.vector_load_idx %arg5[%parallel_loop3A_1099] : memref<100000xf32, #tpu.memory_space<vmem>>[vector<16xi32>], vector<16xf32>,
      %parallel_loop3A_1101 = arith.index_cast %parallel_loop3A_1093 : i32 to index
      %parallel_loop3A_1102 = tpu.vector_load %arg8[%parallel_loop3A_1101] {strides = array<i32>} : memref<4096xf32, #tpu.memory_space<vmem>>, vector<16xf32>,
      tpu.vector_store %arg8[%parallel_loop3A_1101], %parallel_loop3A_1100 {strides = array<i32>} : memref<4096xf32, #tpu.memory_space<vmem>>, vector<16xf32>,
    } {sc.loop_unroll_factor = 8 : i64, sc.parallel_access}
    %dma_start3A_875 = arith.constant 4096 : i32
    %dma_start3A_876 = tpu.memref_slice %arg4[%add3A_828, %dma_start3A_875] : memref<416x16384xf32, #tpu.memory_space<hbm>> -> memref<1x4096xf32, #tpu.memory_space<hbm>>
    %dma_start3A_877 = tpu.memref_squeeze %dma_start3A_876 : memref<1x4096xf32, #tpu.memory_space<hbm>> -> memref<4096xf32, #tpu.memory_space<hbm>>
    %dma_start3A_878 = arith.constant 4096 : i32
    %dma_start3A_879 = tpu.memref_slice %arg4[%add3A_828, %dma_start3A_878] : memref<416x16384xf32, #tpu.memory_space<hbm>> -> memref<1x4096xf32, #tpu.memory_space<hbm>>
    %dma_start3A_880 = tpu.memref_squeeze %dma_start3A_879 : memref<1x4096xf32, #tpu.memory_space<hbm>> -> memref<4096xf32, #tpu.memory_space<hbm>>
    tpu.enqueue_dma source(%arg8 : memref<4096xf32, #tpu.memory_space<vmem>>) target(%dma_start3A_880 : memref<4096xf32, #tpu.memory_space<hbm>>) target_semaphore(%arg12 : memref<!tpu.dma_semaphore, #tpu.memory_space<semaphore_mem>>)
    %dma_wait3A_881 = arith.constant 0 : i32
    %dma_wait3A_882 = tpu.memref_slice %arg4[%add3A_828, %dma_wait3A_881] : memref<416x16384xf32, #tpu.memory_space<hbm>> -> memref<1x4096xf32, #tpu.memory_space<hbm>>
    %dma_wait3A_883 = tpu.memref_squeeze %dma_wait3A_882 : memref<1x4096xf32, #tpu.memory_space<hbm>> -> memref<4096xf32, #tpu.memory_space<hbm>>
    %dma_wait3A_884 = arith.constant 0 : i32
    %dma_wait3A_885 = tpu.memref_slice %arg4[%add3A_828, %dma_wait3A_884] : memref<416x16384xf32, #tpu.memory_space<hbm>> -> memref<1x4096xf32, #tpu.memory_space<hbm>>
    %dma_wait3A_886 = tpu.memref_squeeze %dma_wait3A_885 : memref<1x4096xf32, #tpu.memory_space<hbm>> -> memref<4096xf32, #tpu.memory_space<hbm>>
    tpu.wait_dma2 semaphore(%arg11 : memref<!tpu.dma_semaphore, #tpu.memory_space<semaphore_mem>>) src(%arg7 : memref<4096xf32, #tpu.memory_space<vmem>>) dst(%dma_wait3A_886 : memref<4096xf32, #tpu.memory_space<hbm>>)
    %parallel_loop3A_887 = arith.constant 0 : i32
    %parallel_loop3A_888 = arith.constant 256 : i32
    %parallel_loop3A_889 = arith.constant 1 : i32
    scf.for %parallel_loop3A_1091 = %parallel_loop3A_887 to %parallel_loop3A_888 step %parallel_loop3A_889  : i32 {
      %parallel_loop3A_1092 = arith.constant 16 : i32
      %parallel_loop3A_1093 = arith.muli %parallel_loop3A_1091, %parallel_loop3A_1092 : i32
      %parallel_loop3A_1094 = arith.constant 16 : i32
      %parallel_loop3A_1095 = arith.muli %parallel_loop3A_1091, %parallel_loop3A_1094 : i32
      %parallel_loop3A_1096 = arith.constant 8192 : i32
      %parallel_loop3A_1097 = arith.addi %parallel_loop3A_1096, %parallel_loop3A_1095 : i32
      %parallel_loop3A_1098 = arith.index_cast %parallel_loop3A_1097 : i32 to index
      %parallel_loop3A_1099 = tpu.vector_load %arg6[%parallel_loop3A_1098] {strides = array<i32>} : memref<16384xi32, #tpu.memory_space<vmem>>, vector<16xi32>,
      %parallel_loop3A_1100 = tpu.vector_load_idx %arg5[%parallel_loop3A_1099] : memref<100000xf32, #tpu.memory_space<vmem>>[vector<16xi32>], vector<16xf32>,
      %parallel_loop3A_1101 = arith.index_cast %parallel_loop3A_1093 : i32 to index
      %parallel_loop3A_1102 = tpu.vector_load %arg7[%parallel_loop3A_1101] {strides = array<i32>} : memref<4096xf32, #tpu.memory_space<vmem>>, vector<16xf32>,
      tpu.vector_store %arg7[%parallel_loop3A_1101], %parallel_loop3A_1100 {strides = array<i32>} : memref<4096xf32, #tpu.memory_space<vmem>>, vector<16xf32>,
    } {sc.loop_unroll_factor = 8 : i64, sc.parallel_access}
    %dma_start3A_890 = arith.constant 8192 : i32
    %dma_start3A_891 = tpu.memref_slice %arg4[%add3A_828, %dma_start3A_890] : memref<416x16384xf32, #tpu.memory_space<hbm>> -> memref<1x4096xf32, #tpu.memory_space<hbm>>
    %dma_start3A_892 = tpu.memref_squeeze %dma_start3A_891 : memref<1x4096xf32, #tpu.memory_space<hbm>> -> memref<4096xf32, #tpu.memory_space<hbm>>
    %dma_start3A_893 = arith.constant 8192 : i32
    %dma_start3A_894 = tpu.memref_slice %arg4[%add3A_828, %dma_start3A_893] : memref<416x16384xf32, #tpu.memory_space<hbm>> -> memref<1x4096xf32, #tpu.memory_space<hbm>>
    %dma_start3A_895 = tpu.memref_squeeze %dma_start3A_894 : memref<1x4096xf32, #tpu.memory_space<hbm>> -> memref<4096xf32, #tpu.memory_space<hbm>>
    tpu.enqueue_dma source(%arg7 : memref<4096xf32, #tpu.memory_space<vmem>>) target(%dma_start3A_895 : memref<4096xf32, #tpu.memory_space<hbm>>) target_semaphore(%arg11 : memref<!tpu.dma_semaphore, #tpu.memory_space<semaphore_mem>>)
    %dma_wait3A_896 = arith.constant 4096 : i32
    %dma_wait3A_897 = tpu.memref_slice %arg4[%add3A_828, %dma_wait3A_896] : memref<416x16384xf32, #tpu.memory_space<hbm>> -> memref<1x4096xf32, #tpu.memory_space<hbm>>
    %dma_wait3A_898 = tpu.memref_squeeze %dma_wait3A_897 : memref<1x4096xf32, #tpu.memory_space<hbm>> -> memref<4096xf32, #tpu.memory_space<hbm>>
    %dma_wait3A_899 = arith.constant 4096 : i32
    %dma_wait3A_900 = tpu.memref_slice %arg4[%add3A_828, %dma_wait3A_899] : memref<416x16384xf32, #tpu.memory_space<hbm>> -> memref<1x4096xf32, #tpu.memory_space<hbm>>
    %dma_wait3A_901 = tpu.memref_squeeze %dma_wait3A_900 : memref<1x4096xf32, #tpu.memory_space<hbm>> -> memref<4096xf32, #tpu.memory_space<hbm>>
    tpu.wait_dma2 semaphore(%arg12 : memref<!tpu.dma_semaphore, #tpu.memory_space<semaphore_mem>>) src(%arg8 : memref<4096xf32, #tpu.memory_space<vmem>>) dst(%dma_wait3A_901 : memref<4096xf32, #tpu.memory_space<hbm>>)
    %parallel_loop3A_902 = arith.constant 0 : i32
    %parallel_loop3A_903 = arith.constant 256 : i32
    %parallel_loop3A_904 = arith.constant 1 : i32
    scf.for %parallel_loop3A_1091 = %parallel_loop3A_902 to %parallel_loop3A_903 step %parallel_loop3A_904  : i32 {
      %parallel_loop3A_1092 = arith.constant 16 : i32
      %parallel_loop3A_1093 = arith.muli %parallel_loop3A_1091, %parallel_loop3A_1092 : i32
      %parallel_loop3A_1094 = arith.constant 16 : i32
      %parallel_loop3A_1095 = arith.muli %parallel_loop3A_1091, %parallel_loop3A_1094 : i32
      %parallel_loop3A_1096 = arith.constant 12288 : i32
      %parallel_loop3A_1097 = arith.addi %parallel_loop3A_1096, %parallel_loop3A_1095 : i32
      %parallel_loop3A_1098 = arith.index_cast %parallel_loop3A_1097 : i32 to index
      %parallel_loop3A_1099 = tpu.vector_load %arg6[%parallel_loop3A_1098] {strides = array<i32>} : memref<16384xi32, #tpu.memory_space<vmem>>, vector<16xi32>,
      %parallel_loop3A_1100 = tpu.vector_load_idx %arg5[%parallel_loop3A_1099] : memref<100000xf32, #tpu.memory_space<vmem>>[vector<16xi32>], vector<16xf32>,
      %parallel_loop3A_1101 = arith.index_cast %parallel_loop3A_1093 : i32 to index
      %parallel_loop3A_1102 = tpu.vector_load %arg8[%parallel_loop3A_1101] {strides = array<i32>} : memref<4096xf32, #tpu.memory_space<vmem>>, vector<16xf32>,
      tpu.vector_store %arg8[%parallel_loop3A_1101], %parallel_loop3A_1100 {strides = array<i32>} : memref<4096xf32, #tpu.memory_space<vmem>>, vector<16xf32>,
    } {sc.loop_unroll_factor = 8 : i64, sc.parallel_access}
    %dma_start3A_905 = arith.constant 12288 : i32
    %dma_start3A_906 = tpu.memref_slice %arg4[%add3A_828, %dma_start3A_905] : memref<416x16384xf32, #tpu.memory_space<hbm>> -> memref<1x4096xf32, #tpu.memory_space<hbm>>
    %dma_start3A_907 = tpu.memref_squeeze %dma_start3A_906 : memref<1x4096xf32, #tpu.memory_space<hbm>> -> memref<4096xf32, #tpu.memory_space<hbm>>
    %dma_start3A_908 = arith.constant 12288 : i32
    %dma_start3A_909 = tpu.memref_slice %arg4[%add3A_828, %dma_start3A_908] : memref<416x16384xf32, #tpu.memory_space<hbm>> -> memref<1x4096xf32, #tpu.memory_space<hbm>>
    %dma_start3A_910 = tpu.memref_squeeze %dma_start3A_909 : memref<1x4096xf32, #tpu.memory_space<hbm>> -> memref<4096xf32, #tpu.memory_space<hbm>>
    tpu.enqueue_dma source(%arg8 : memref<4096xf32, #tpu.memory_space<vmem>>) target(%dma_start3A_910 : memref<4096xf32, #tpu.memory_space<hbm>>) target_semaphore(%arg12 : memref<!tpu.dma_semaphore, #tpu.memory_space<semaphore_mem>>)
    %add3A_911 = arith.constant 11 : i32
    %add3A_912 = arith.addi %mul3A_2, %add3A_911 : i32
    %shift_right_logical3A_913 = arith.constant 4 : i32
    %shift_right_logical3A_914 = arith.shrui %add3A_912, %shift_right_logical3A_913 : i32
    %dma_start3A_915 = arith.constant 0 : i32
    %dma_start3A_916 = tpu.memref_slice %arg2[%add3A_912, %dma_start3A_915] : memref<416x100000xf32, #tpu.memory_space<hbm>> -> memref<1x100000xf32, #tpu.memory_space<hbm>>
    %dma_start3A_917 = tpu.memref_squeeze %dma_start3A_916 : memref<1x100000xf32, #tpu.memory_space<hbm>> -> memref<100000xf32, #tpu.memory_space<hbm>>
    %dma_start3A_918 = arith.constant 0 : i32
    %dma_start3A_919 = tpu.memref_slice %arg2[%add3A_912, %dma_start3A_918] : memref<416x100000xf32, #tpu.memory_space<hbm>> -> memref<1x100000xf32, #tpu.memory_space<hbm>>
    %dma_start3A_920 = tpu.memref_squeeze %dma_start3A_919 : memref<1x100000xf32, #tpu.memory_space<hbm>> -> memref<100000xf32, #tpu.memory_space<hbm>>
    tpu.enqueue_dma source(%dma_start3A_920 : memref<100000xf32, #tpu.memory_space<hbm>>) target(%arg5 : memref<100000xf32, #tpu.memory_space<vmem>>) target_semaphore(%arg9 : memref<!tpu.dma_semaphore, #tpu.memory_space<semaphore_mem>>)
    %sub3A_921 = arith.constant 1 : i32
    %sub3A_922 = arith.subi %add3A_912, %sub3A_921 : i32
    %shift_right_logical3A_923 = arith.constant 4 : i32
    %shift_right_logical3A_924 = arith.shrui %sub3A_922, %shift_right_logical3A_923 : i32
    %ne3A_925 = arith.cmpi ne, %shift_right_logical3A_914, %shift_right_logical3A_924 : i32
    %convert_element_type3A_926 = arith.extui %ne3A_925 : i1 to i32
    %cond3A_927 = arith.constant 0 : i32
    %cond3A_928 = arith.cmpi ne, %convert_element_type3A_926, %cond3A_927 : i32
    scf.if %cond3A_928 {
      %dma_start3A_1091 = arith.constant 0 : i32
      %dma_start3A_1092 = tpu.memref_slice %arg3[%shift_right_logical3A_914, %dma_start3A_1091] : memref<26x16384xi32, #tpu.memory_space<hbm>> -> memref<1x16384xi32, #tpu.memory_space<hbm>>
      %dma_start3A_1093 = tpu.memref_squeeze %dma_start3A_1092 : memref<1x16384xi32, #tpu.memory_space<hbm>> -> memref<16384xi32, #tpu.memory_space<hbm>>
      %dma_start3A_1094 = arith.constant 0 : i32
      %dma_start3A_1095 = tpu.memref_slice %arg3[%shift_right_logical3A_914, %dma_start3A_1094] : memref<26x16384xi32, #tpu.memory_space<hbm>> -> memref<1x16384xi32, #tpu.memory_space<hbm>>
      %dma_start3A_1096 = tpu.memref_squeeze %dma_start3A_1095 : memref<1x16384xi32, #tpu.memory_space<hbm>> -> memref<16384xi32, #tpu.memory_space<hbm>>
      tpu.enqueue_dma source(%dma_start3A_1096 : memref<16384xi32, #tpu.memory_space<hbm>>) target(%arg6 : memref<16384xi32, #tpu.memory_space<vmem>>) target_semaphore(%arg10 : memref<!tpu.dma_semaphore, #tpu.memory_space<semaphore_mem>>)
      %dma_wait3A_1097 = arith.constant 0 : i32
      %dma_wait3A_1098 = tpu.memref_slice %arg3[%shift_right_logical3A_914, %dma_wait3A_1097] : memref<26x16384xi32, #tpu.memory_space<hbm>> -> memref<1x16384xi32, #tpu.memory_space<hbm>>
      %dma_wait3A_1099 = tpu.memref_squeeze %dma_wait3A_1098 : memref<1x16384xi32, #tpu.memory_space<hbm>> -> memref<16384xi32, #tpu.memory_space<hbm>>
      %dma_wait3A_1100 = arith.constant 0 : i32
      %dma_wait3A_1101 = tpu.memref_slice %arg3[%shift_right_logical3A_914, %dma_wait3A_1100] : memref<26x16384xi32, #tpu.memory_space<hbm>> -> memref<1x16384xi32, #tpu.memory_space<hbm>>
      %dma_wait3A_1102 = tpu.memref_squeeze %dma_wait3A_1101 : memref<1x16384xi32, #tpu.memory_space<hbm>> -> memref<16384xi32, #tpu.memory_space<hbm>>
      tpu.wait_dma2 semaphore(%arg10 : memref<!tpu.dma_semaphore, #tpu.memory_space<semaphore_mem>>) src(%dma_wait3A_1102 : memref<16384xi32, #tpu.memory_space<hbm>>) dst(%arg6 : memref<16384xi32, #tpu.memory_space<vmem>>)
    } else {
    }
    %dma_wait3A_929 = arith.constant 0 : i32
    %dma_wait3A_930 = tpu.memref_slice %arg2[%add3A_912, %dma_wait3A_929] : memref<416x100000xf32, #tpu.memory_space<hbm>> -> memref<1x100000xf32, #tpu.memory_space<hbm>>
    %dma_wait3A_931 = tpu.memref_squeeze %dma_wait3A_930 : memref<1x100000xf32, #tpu.memory_space<hbm>> -> memref<100000xf32, #tpu.memory_space<hbm>>
    %dma_wait3A_932 = arith.constant 0 : i32
    %dma_wait3A_933 = tpu.memref_slice %arg2[%add3A_912, %dma_wait3A_932] : memref<416x100000xf32, #tpu.memory_space<hbm>> -> memref<1x100000xf32, #tpu.memory_space<hbm>>
    %dma_wait3A_934 = tpu.memref_squeeze %dma_wait3A_933 : memref<1x100000xf32, #tpu.memory_space<hbm>> -> memref<100000xf32, #tpu.memory_space<hbm>>
    tpu.wait_dma2 semaphore(%arg9 : memref<!tpu.dma_semaphore, #tpu.memory_space<semaphore_mem>>) src(%dma_wait3A_934 : memref<100000xf32, #tpu.memory_space<hbm>>) dst(%arg5 : memref<100000xf32, #tpu.memory_space<vmem>>)
    %dma_wait3A_935 = arith.constant 8192 : i32
    %dma_wait3A_936 = tpu.memref_slice %arg4[%add3A_828, %dma_wait3A_935] : memref<416x16384xf32, #tpu.memory_space<hbm>> -> memref<1x4096xf32, #tpu.memory_space<hbm>>
    %dma_wait3A_937 = tpu.memref_squeeze %dma_wait3A_936 : memref<1x4096xf32, #tpu.memory_space<hbm>> -> memref<4096xf32, #tpu.memory_space<hbm>>
    %dma_wait3A_938 = arith.constant 8192 : i32
    %dma_wait3A_939 = tpu.memref_slice %arg4[%add3A_828, %dma_wait3A_938] : memref<416x16384xf32, #tpu.memory_space<hbm>> -> memref<1x4096xf32, #tpu.memory_space<hbm>>
    %dma_wait3A_940 = tpu.memref_squeeze %dma_wait3A_939 : memref<1x4096xf32, #tpu.memory_space<hbm>> -> memref<4096xf32, #tpu.memory_space<hbm>>
    tpu.wait_dma2 semaphore(%arg11 : memref<!tpu.dma_semaphore, #tpu.memory_space<semaphore_mem>>) src(%arg7 : memref<4096xf32, #tpu.memory_space<vmem>>) dst(%dma_wait3A_940 : memref<4096xf32, #tpu.memory_space<hbm>>)
    %parallel_loop3A_941 = arith.constant 0 : i32
    %parallel_loop3A_942 = arith.constant 256 : i32
    %parallel_loop3A_943 = arith.constant 1 : i32
    scf.for %parallel_loop3A_1091 = %parallel_loop3A_941 to %parallel_loop3A_942 step %parallel_loop3A_943  : i32 {
      %parallel_loop3A_1092 = arith.constant 16 : i32
      %parallel_loop3A_1093 = arith.muli %parallel_loop3A_1091, %parallel_loop3A_1092 : i32
      %parallel_loop3A_1094 = arith.constant 16 : i32
      %parallel_loop3A_1095 = arith.muli %parallel_loop3A_1091, %parallel_loop3A_1094 : i32
      %parallel_loop3A_1096 = arith.constant 0 : i32
      %parallel_loop3A_1097 = arith.addi %parallel_loop3A_1096, %parallel_loop3A_1095 : i32
      %parallel_loop3A_1098 = arith.index_cast %parallel_loop3A_1097 : i32 to index
      %parallel_loop3A_1099 = tpu.vector_load %arg6[%parallel_loop3A_1098] {strides = array<i32>} : memref<16384xi32, #tpu.memory_space<vmem>>, vector<16xi32>,
      %parallel_loop3A_1100 = tpu.vector_load_idx %arg5[%parallel_loop3A_1099] : memref<100000xf32, #tpu.memory_space<vmem>>[vector<16xi32>], vector<16xf32>,
      %parallel_loop3A_1101 = arith.index_cast %parallel_loop3A_1093 : i32 to index
      %parallel_loop3A_1102 = tpu.vector_load %arg7[%parallel_loop3A_1101] {strides = array<i32>} : memref<4096xf32, #tpu.memory_space<vmem>>, vector<16xf32>,
      tpu.vector_store %arg7[%parallel_loop3A_1101], %parallel_loop3A_1100 {strides = array<i32>} : memref<4096xf32, #tpu.memory_space<vmem>>, vector<16xf32>,
    } {sc.loop_unroll_factor = 8 : i64, sc.parallel_access}
    %dma_start3A_944 = arith.constant 0 : i32
    %dma_start3A_945 = tpu.memref_slice %arg4[%add3A_912, %dma_start3A_944] : memref<416x16384xf32, #tpu.memory_space<hbm>> -> memref<1x4096xf32, #tpu.memory_space<hbm>>
    %dma_start3A_946 = tpu.memref_squeeze %dma_start3A_945 : memref<1x4096xf32, #tpu.memory_space<hbm>> -> memref<4096xf32, #tpu.memory_space<hbm>>
    %dma_start3A_947 = arith.constant 0 : i32
    %dma_start3A_948 = tpu.memref_slice %arg4[%add3A_912, %dma_start3A_947] : memref<416x16384xf32, #tpu.memory_space<hbm>> -> memref<1x4096xf32, #tpu.memory_space<hbm>>
    %dma_start3A_949 = tpu.memref_squeeze %dma_start3A_948 : memref<1x4096xf32, #tpu.memory_space<hbm>> -> memref<4096xf32, #tpu.memory_space<hbm>>
    tpu.enqueue_dma source(%arg7 : memref<4096xf32, #tpu.memory_space<vmem>>) target(%dma_start3A_949 : memref<4096xf32, #tpu.memory_space<hbm>>) target_semaphore(%arg11 : memref<!tpu.dma_semaphore, #tpu.memory_space<semaphore_mem>>)
    %dma_wait3A_950 = arith.constant 12288 : i32
    %dma_wait3A_951 = tpu.memref_slice %arg4[%add3A_828, %dma_wait3A_950] : memref<416x16384xf32, #tpu.memory_space<hbm>> -> memref<1x4096xf32, #tpu.memory_space<hbm>>
    %dma_wait3A_952 = tpu.memref_squeeze %dma_wait3A_951 : memref<1x4096xf32, #tpu.memory_space<hbm>> -> memref<4096xf32, #tpu.memory_space<hbm>>
    %dma_wait3A_953 = arith.constant 12288 : i32
    %dma_wait3A_954 = tpu.memref_slice %arg4[%add3A_828, %dma_wait3A_953] : memref<416x16384xf32, #tpu.memory_space<hbm>> -> memref<1x4096xf32, #tpu.memory_space<hbm>>
    %dma_wait3A_955 = tpu.memref_squeeze %dma_wait3A_954 : memref<1x4096xf32, #tpu.memory_space<hbm>> -> memref<4096xf32, #tpu.memory_space<hbm>>
    tpu.wait_dma2 semaphore(%arg12 : memref<!tpu.dma_semaphore, #tpu.memory_space<semaphore_mem>>) src(%arg8 : memref<4096xf32, #tpu.memory_space<vmem>>) dst(%dma_wait3A_955 : memref<4096xf32, #tpu.memory_space<hbm>>)
    %parallel_loop3A_956 = arith.constant 0 : i32
    %parallel_loop3A_957 = arith.constant 256 : i32
    %parallel_loop3A_958 = arith.constant 1 : i32
    scf.for %parallel_loop3A_1091 = %parallel_loop3A_956 to %parallel_loop3A_957 step %parallel_loop3A_958  : i32 {
      %parallel_loop3A_1092 = arith.constant 16 : i32
      %parallel_loop3A_1093 = arith.muli %parallel_loop3A_1091, %parallel_loop3A_1092 : i32
      %parallel_loop3A_1094 = arith.constant 16 : i32
      %parallel_loop3A_1095 = arith.muli %parallel_loop3A_1091, %parallel_loop3A_1094 : i32
      %parallel_loop3A_1096 = arith.constant 4096 : i32
      %parallel_loop3A_1097 = arith.addi %parallel_loop3A_1096, %parallel_loop3A_1095 : i32
      %parallel_loop3A_1098 = arith.index_cast %parallel_loop3A_1097 : i32 to index
      %parallel_loop3A_1099 = tpu.vector_load %arg6[%parallel_loop3A_1098] {strides = array<i32>} : memref<16384xi32, #tpu.memory_space<vmem>>, vector<16xi32>,
      %parallel_loop3A_1100 = tpu.vector_load_idx %arg5[%parallel_loop3A_1099] : memref<100000xf32, #tpu.memory_space<vmem>>[vector<16xi32>], vector<16xf32>,
      %parallel_loop3A_1101 = arith.index_cast %parallel_loop3A_1093 : i32 to index
      %parallel_loop3A_1102 = tpu.vector_load %arg8[%parallel_loop3A_1101] {strides = array<i32>} : memref<4096xf32, #tpu.memory_space<vmem>>, vector<16xf32>,
      tpu.vector_store %arg8[%parallel_loop3A_1101], %parallel_loop3A_1100 {strides = array<i32>} : memref<4096xf32, #tpu.memory_space<vmem>>, vector<16xf32>,
    } {sc.loop_unroll_factor = 8 : i64, sc.parallel_access}
    %dma_start3A_959 = arith.constant 4096 : i32
    %dma_start3A_960 = tpu.memref_slice %arg4[%add3A_912, %dma_start3A_959] : memref<416x16384xf32, #tpu.memory_space<hbm>> -> memref<1x4096xf32, #tpu.memory_space<hbm>>
    %dma_start3A_961 = tpu.memref_squeeze %dma_start3A_960 : memref<1x4096xf32, #tpu.memory_space<hbm>> -> memref<4096xf32, #tpu.memory_space<hbm>>
    %dma_start3A_962 = arith.constant 4096 : i32
    %dma_start3A_963 = tpu.memref_slice %arg4[%add3A_912, %dma_start3A_962] : memref<416x16384xf32, #tpu.memory_space<hbm>> -> memref<1x4096xf32, #tpu.memory_space<hbm>>
    %dma_start3A_964 = tpu.memref_squeeze %dma_start3A_963 : memref<1x4096xf32, #tpu.memory_space<hbm>> -> memref<4096xf32, #tpu.memory_space<hbm>>
    tpu.enqueue_dma source(%arg8 : memref<4096xf32, #tpu.memory_space<vmem>>) target(%dma_start3A_964 : memref<4096xf32, #tpu.memory_space<hbm>>) target_semaphore(%arg12 : memref<!tpu.dma_semaphore, #tpu.memory_space<semaphore_mem>>)
    %dma_wait3A_965 = arith.constant 0 : i32
    %dma_wait3A_966 = tpu.memref_slice %arg4[%add3A_912, %dma_wait3A_965] : memref<416x16384xf32, #tpu.memory_space<hbm>> -> memref<1x4096xf32, #tpu.memory_space<hbm>>
    %dma_wait3A_967 = tpu.memref_squeeze %dma_wait3A_966 : memref<1x4096xf32, #tpu.memory_space<hbm>> -> memref<4096xf32, #tpu.memory_space<hbm>>
    %dma_wait3A_968 = arith.constant 0 : i32
    %dma_wait3A_969 = tpu.memref_slice %arg4[%add3A_912, %dma_wait3A_968] : memref<416x16384xf32, #tpu.memory_space<hbm>> -> memref<1x4096xf32, #tpu.memory_space<hbm>>
    %dma_wait3A_970 = tpu.memref_squeeze %dma_wait3A_969 : memref<1x4096xf32, #tpu.memory_space<hbm>> -> memref<4096xf32, #tpu.memory_space<hbm>>
    tpu.wait_dma2 semaphore(%arg11 : memref<!tpu.dma_semaphore, #tpu.memory_space<semaphore_mem>>) src(%arg7 : memref<4096xf32, #tpu.memory_space<vmem>>) dst(%dma_wait3A_970 : memref<4096xf32, #tpu.memory_space<hbm>>)
    %parallel_loop3A_971 = arith.constant 0 : i32
    %parallel_loop3A_972 = arith.constant 256 : i32
    %parallel_loop3A_973 = arith.constant 1 : i32
    scf.for %parallel_loop3A_1091 = %parallel_loop3A_971 to %parallel_loop3A_972 step %parallel_loop3A_973  : i32 {
      %parallel_loop3A_1092 = arith.constant 16 : i32
      %parallel_loop3A_1093 = arith.muli %parallel_loop3A_1091, %parallel_loop3A_1092 : i32
      %parallel_loop3A_1094 = arith.constant 16 : i32
      %parallel_loop3A_1095 = arith.muli %parallel_loop3A_1091, %parallel_loop3A_1094 : i32
      %parallel_loop3A_1096 = arith.constant 8192 : i32
      %parallel_loop3A_1097 = arith.addi %parallel_loop3A_1096, %parallel_loop3A_1095 : i32
      %parallel_loop3A_1098 = arith.index_cast %parallel_loop3A_1097 : i32 to index
      %parallel_loop3A_1099 = tpu.vector_load %arg6[%parallel_loop3A_1098] {strides = array<i32>} : memref<16384xi32, #tpu.memory_space<vmem>>, vector<16xi32>,
      %parallel_loop3A_1100 = tpu.vector_load_idx %arg5[%parallel_loop3A_1099] : memref<100000xf32, #tpu.memory_space<vmem>>[vector<16xi32>], vector<16xf32>,
      %parallel_loop3A_1101 = arith.index_cast %parallel_loop3A_1093 : i32 to index
      %parallel_loop3A_1102 = tpu.vector_load %arg7[%parallel_loop3A_1101] {strides = array<i32>} : memref<4096xf32, #tpu.memory_space<vmem>>, vector<16xf32>,
      tpu.vector_store %arg7[%parallel_loop3A_1101], %parallel_loop3A_1100 {strides = array<i32>} : memref<4096xf32, #tpu.memory_space<vmem>>, vector<16xf32>,
    } {sc.loop_unroll_factor = 8 : i64, sc.parallel_access}
    %dma_start3A_974 = arith.constant 8192 : i32
    %dma_start3A_975 = tpu.memref_slice %arg4[%add3A_912, %dma_start3A_974] : memref<416x16384xf32, #tpu.memory_space<hbm>> -> memref<1x4096xf32, #tpu.memory_space<hbm>>
    %dma_start3A_976 = tpu.memref_squeeze %dma_start3A_975 : memref<1x4096xf32, #tpu.memory_space<hbm>> -> memref<4096xf32, #tpu.memory_space<hbm>>
    %dma_start3A_977 = arith.constant 8192 : i32
    %dma_start3A_978 = tpu.memref_slice %arg4[%add3A_912, %dma_start3A_977] : memref<416x16384xf32, #tpu.memory_space<hbm>> -> memref<1x4096xf32, #tpu.memory_space<hbm>>
    %dma_start3A_979 = tpu.memref_squeeze %dma_start3A_978 : memref<1x4096xf32, #tpu.memory_space<hbm>> -> memref<4096xf32, #tpu.memory_space<hbm>>
    tpu.enqueue_dma source(%arg7 : memref<4096xf32, #tpu.memory_space<vmem>>) target(%dma_start3A_979 : memref<4096xf32, #tpu.memory_space<hbm>>) target_semaphore(%arg11 : memref<!tpu.dma_semaphore, #tpu.memory_space<semaphore_mem>>)
    %dma_wait3A_980 = arith.constant 4096 : i32
    %dma_wait3A_981 = tpu.memref_slice %arg4[%add3A_912, %dma_wait3A_980] : memref<416x16384xf32, #tpu.memory_space<hbm>> -> memref<1x4096xf32, #tpu.memory_space<hbm>>
    %dma_wait3A_982 = tpu.memref_squeeze %dma_wait3A_981 : memref<1x4096xf32, #tpu.memory_space<hbm>> -> memref<4096xf32, #tpu.memory_space<hbm>>
    %dma_wait3A_983 = arith.constant 4096 : i32
    %dma_wait3A_984 = tpu.memref_slice %arg4[%add3A_912, %dma_wait3A_983] : memref<416x16384xf32, #tpu.memory_space<hbm>> -> memref<1x4096xf32, #tpu.memory_space<hbm>>
    %dma_wait3A_985 = tpu.memref_squeeze %dma_wait3A_984 : memref<1x4096xf32, #tpu.memory_space<hbm>> -> memref<4096xf32, #tpu.memory_space<hbm>>
    tpu.wait_dma2 semaphore(%arg12 : memref<!tpu.dma_semaphore, #tpu.memory_space<semaphore_mem>>) src(%arg8 : memref<4096xf32, #tpu.memory_space<vmem>>) dst(%dma_wait3A_985 : memref<4096xf32, #tpu.memory_space<hbm>>)
    %parallel_loop3A_986 = arith.constant 0 : i32
    %parallel_loop3A_987 = arith.constant 256 : i32
    %parallel_loop3A_988 = arith.constant 1 : i32
    scf.for %parallel_loop3A_1091 = %parallel_loop3A_986 to %parallel_loop3A_987 step %parallel_loop3A_988  : i32 {
      %parallel_loop3A_1092 = arith.constant 16 : i32
      %parallel_loop3A_1093 = arith.muli %parallel_loop3A_1091, %parallel_loop3A_1092 : i32
      %parallel_loop3A_1094 = arith.constant 16 : i32
      %parallel_loop3A_1095 = arith.muli %parallel_loop3A_1091, %parallel_loop3A_1094 : i32
      %parallel_loop3A_1096 = arith.constant 12288 : i32
      %parallel_loop3A_1097 = arith.addi %parallel_loop3A_1096, %parallel_loop3A_1095 : i32
      %parallel_loop3A_1098 = arith.index_cast %parallel_loop3A_1097 : i32 to index
      %parallel_loop3A_1099 = tpu.vector_load %arg6[%parallel_loop3A_1098] {strides = array<i32>} : memref<16384xi32, #tpu.memory_space<vmem>>, vector<16xi32>,
      %parallel_loop3A_1100 = tpu.vector_load_idx %arg5[%parallel_loop3A_1099] : memref<100000xf32, #tpu.memory_space<vmem>>[vector<16xi32>], vector<16xf32>,
      %parallel_loop3A_1101 = arith.index_cast %parallel_loop3A_1093 : i32 to index
      %parallel_loop3A_1102 = tpu.vector_load %arg8[%parallel_loop3A_1101] {strides = array<i32>} : memref<4096xf32, #tpu.memory_space<vmem>>, vector<16xf32>,
      tpu.vector_store %arg8[%parallel_loop3A_1101], %parallel_loop3A_1100 {strides = array<i32>} : memref<4096xf32, #tpu.memory_space<vmem>>, vector<16xf32>,
    } {sc.loop_unroll_factor = 8 : i64, sc.parallel_access}
    %dma_start3A_989 = arith.constant 12288 : i32
    %dma_start3A_990 = tpu.memref_slice %arg4[%add3A_912, %dma_start3A_989] : memref<416x16384xf32, #tpu.memory_space<hbm>> -> memref<1x4096xf32, #tpu.memory_space<hbm>>
    %dma_start3A_991 = tpu.memref_squeeze %dma_start3A_990 : memref<1x4096xf32, #tpu.memory_space<hbm>> -> memref<4096xf32, #tpu.memory_space<hbm>>
    %dma_start3A_992 = arith.constant 12288 : i32
    %dma_start3A_993 = tpu.memref_slice %arg4[%add3A_912, %dma_start3A_992] : memref<416x16384xf32, #tpu.memory_space<hbm>> -> memref<1x4096xf32, #tpu.memory_space<hbm>>
    %dma_start3A_994 = tpu.memref_squeeze %dma_start3A_993 : memref<1x4096xf32, #tpu.memory_space<hbm>> -> memref<4096xf32, #tpu.memory_space<hbm>>
    tpu.enqueue_dma source(%arg8 : memref<4096xf32, #tpu.memory_space<vmem>>) target(%dma_start3A_994 : memref<4096xf32, #tpu.memory_space<hbm>>) target_semaphore(%arg12 : memref<!tpu.dma_semaphore, #tpu.memory_space<semaphore_mem>>)
    %add3A_995 = arith.constant 12 : i32
    %add3A_996 = arith.addi %mul3A_2, %add3A_995 : i32
    %shift_right_logical3A_997 = arith.constant 4 : i32
    %shift_right_logical3A_998 = arith.shrui %add3A_996, %shift_right_logical3A_997 : i32
    %dma_start3A_999 = arith.constant 0 : i32
    %dma_start3A_1000 = tpu.memref_slice %arg2[%add3A_996, %dma_start3A_999] : memref<416x100000xf32, #tpu.memory_space<hbm>> -> memref<1x100000xf32, #tpu.memory_space<hbm>>
    %dma_start3A_1001 = tpu.memref_squeeze %dma_start3A_1000 : memref<1x100000xf32, #tpu.memory_space<hbm>> -> memref<100000xf32, #tpu.memory_space<hbm>>
    %dma_start3A_1002 = arith.constant 0 : i32
    %dma_start3A_1003 = tpu.memref_slice %arg2[%add3A_996, %dma_start3A_1002] : memref<416x100000xf32, #tpu.memory_space<hbm>> -> memref<1x100000xf32, #tpu.memory_space<hbm>>
    %dma_start3A_1004 = tpu.memref_squeeze %dma_start3A_1003 : memref<1x100000xf32, #tpu.memory_space<hbm>> -> memref<100000xf32, #tpu.memory_space<hbm>>
    tpu.enqueue_dma source(%dma_start3A_1004 : memref<100000xf32, #tpu.memory_space<hbm>>) target(%arg5 : memref<100000xf32, #tpu.memory_space<vmem>>) target_semaphore(%arg9 : memref<!tpu.dma_semaphore, #tpu.memory_space<semaphore_mem>>)
    %sub3A_1005 = arith.constant 1 : i32
    %sub3A_1006 = arith.subi %add3A_996, %sub3A_1005 : i32
    %shift_right_logical3A_1007 = arith.constant 4 : i32
    %shift_right_logical3A_1008 = arith.shrui %sub3A_1006, %shift_right_logical3A_1007 : i32
    %ne3A_1009 = arith.cmpi ne, %shift_right_logical3A_998, %shift_right_logical3A_1008 : i32
    %convert_element_type3A_1010 = arith.extui %ne3A_1009 : i1 to i32
    %cond3A_1011 = arith.constant 0 : i32
    %cond3A_1012 = arith.cmpi ne, %convert_element_type3A_1010, %cond3A_1011 : i32
    scf.if %cond3A_1012 {
      %dma_start3A_1091 = arith.constant 0 : i32
      %dma_start3A_1092 = tpu.memref_slice %arg3[%shift_right_logical3A_998, %dma_start3A_1091] : memref<26x16384xi32, #tpu.memory_space<hbm>> -> memref<1x16384xi32, #tpu.memory_space<hbm>>
      %dma_start3A_1093 = tpu.memref_squeeze %dma_start3A_1092 : memref<1x16384xi32, #tpu.memory_space<hbm>> -> memref<16384xi32, #tpu.memory_space<hbm>>
      %dma_start3A_1094 = arith.constant 0 : i32
      %dma_start3A_1095 = tpu.memref_slice %arg3[%shift_right_logical3A_998, %dma_start3A_1094] : memref<26x16384xi32, #tpu.memory_space<hbm>> -> memref<1x16384xi32, #tpu.memory_space<hbm>>
      %dma_start3A_1096 = tpu.memref_squeeze %dma_start3A_1095 : memref<1x16384xi32, #tpu.memory_space<hbm>> -> memref<16384xi32, #tpu.memory_space<hbm>>
      tpu.enqueue_dma source(%dma_start3A_1096 : memref<16384xi32, #tpu.memory_space<hbm>>) target(%arg6 : memref<16384xi32, #tpu.memory_space<vmem>>) target_semaphore(%arg10 : memref<!tpu.dma_semaphore, #tpu.memory_space<semaphore_mem>>)
      %dma_wait3A_1097 = arith.constant 0 : i32
      %dma_wait3A_1098 = tpu.memref_slice %arg3[%shift_right_logical3A_998, %dma_wait3A_1097] : memref<26x16384xi32, #tpu.memory_space<hbm>> -> memref<1x16384xi32, #tpu.memory_space<hbm>>
      %dma_wait3A_1099 = tpu.memref_squeeze %dma_wait3A_1098 : memref<1x16384xi32, #tpu.memory_space<hbm>> -> memref<16384xi32, #tpu.memory_space<hbm>>
      %dma_wait3A_1100 = arith.constant 0 : i32
      %dma_wait3A_1101 = tpu.memref_slice %arg3[%shift_right_logical3A_998, %dma_wait3A_1100] : memref<26x16384xi32, #tpu.memory_space<hbm>> -> memref<1x16384xi32, #tpu.memory_space<hbm>>
      %dma_wait3A_1102 = tpu.memref_squeeze %dma_wait3A_1101 : memref<1x16384xi32, #tpu.memory_space<hbm>> -> memref<16384xi32, #tpu.memory_space<hbm>>
      tpu.wait_dma2 semaphore(%arg10 : memref<!tpu.dma_semaphore, #tpu.memory_space<semaphore_mem>>) src(%dma_wait3A_1102 : memref<16384xi32, #tpu.memory_space<hbm>>) dst(%arg6 : memref<16384xi32, #tpu.memory_space<vmem>>)
    } else {
    }
    %dma_wait3A_1013 = arith.constant 0 : i32
    %dma_wait3A_1014 = tpu.memref_slice %arg2[%add3A_996, %dma_wait3A_1013] : memref<416x100000xf32, #tpu.memory_space<hbm>> -> memref<1x100000xf32, #tpu.memory_space<hbm>>
    %dma_wait3A_1015 = tpu.memref_squeeze %dma_wait3A_1014 : memref<1x100000xf32, #tpu.memory_space<hbm>> -> memref<100000xf32, #tpu.memory_space<hbm>>
    %dma_wait3A_1016 = arith.constant 0 : i32
    %dma_wait3A_1017 = tpu.memref_slice %arg2[%add3A_996, %dma_wait3A_1016] : memref<416x100000xf32, #tpu.memory_space<hbm>> -> memref<1x100000xf32, #tpu.memory_space<hbm>>
    %dma_wait3A_1018 = tpu.memref_squeeze %dma_wait3A_1017 : memref<1x100000xf32, #tpu.memory_space<hbm>> -> memref<100000xf32, #tpu.memory_space<hbm>>
    tpu.wait_dma2 semaphore(%arg9 : memref<!tpu.dma_semaphore, #tpu.memory_space<semaphore_mem>>) src(%dma_wait3A_1018 : memref<100000xf32, #tpu.memory_space<hbm>>) dst(%arg5 : memref<100000xf32, #tpu.memory_space<vmem>>)
    %dma_wait3A_1019 = arith.constant 8192 : i32
    %dma_wait3A_1020 = tpu.memref_slice %arg4[%add3A_912, %dma_wait3A_1019] : memref<416x16384xf32, #tpu.memory_space<hbm>> -> memref<1x4096xf32, #tpu.memory_space<hbm>>
    %dma_wait3A_1021 = tpu.memref_squeeze %dma_wait3A_1020 : memref<1x4096xf32, #tpu.memory_space<hbm>> -> memref<4096xf32, #tpu.memory_space<hbm>>
    %dma_wait3A_1022 = arith.constant 8192 : i32
    %dma_wait3A_1023 = tpu.memref_slice %arg4[%add3A_912, %dma_wait3A_1022] : memref<416x16384xf32, #tpu.memory_space<hbm>> -> memref<1x4096xf32, #tpu.memory_space<hbm>>
    %dma_wait3A_1024 = tpu.memref_squeeze %dma_wait3A_1023 : memref<1x4096xf32, #tpu.memory_space<hbm>> -> memref<4096xf32, #tpu.memory_space<hbm>>
    tpu.wait_dma2 semaphore(%arg11 : memref<!tpu.dma_semaphore, #tpu.memory_space<semaphore_mem>>) src(%arg7 : memref<4096xf32, #tpu.memory_space<vmem>>) dst(%dma_wait3A_1024 : memref<4096xf32, #tpu.memory_space<hbm>>)
    %parallel_loop3A_1025 = arith.constant 0 : i32
    %parallel_loop3A_1026 = arith.constant 256 : i32
    %parallel_loop3A_1027 = arith.constant 1 : i32
    scf.for %parallel_loop3A_1091 = %parallel_loop3A_1025 to %parallel_loop3A_1026 step %parallel_loop3A_1027  : i32 {
      %parallel_loop3A_1092 = arith.constant 16 : i32
      %parallel_loop3A_1093 = arith.muli %parallel_loop3A_1091, %parallel_loop3A_1092 : i32
      %parallel_loop3A_1094 = arith.constant 16 : i32
      %parallel_loop3A_1095 = arith.muli %parallel_loop3A_1091, %parallel_loop3A_1094 : i32
      %parallel_loop3A_1096 = arith.constant 0 : i32
      %parallel_loop3A_1097 = arith.addi %parallel_loop3A_1096, %parallel_loop3A_1095 : i32
      %parallel_loop3A_1098 = arith.index_cast %parallel_loop3A_1097 : i32 to index
      %parallel_loop3A_1099 = tpu.vector_load %arg6[%parallel_loop3A_1098] {strides = array<i32>} : memref<16384xi32, #tpu.memory_space<vmem>>, vector<16xi32>,
      %parallel_loop3A_1100 = tpu.vector_load_idx %arg5[%parallel_loop3A_1099] : memref<100000xf32, #tpu.memory_space<vmem>>[vector<16xi32>], vector<16xf32>,
      %parallel_loop3A_1101 = arith.index_cast %parallel_loop3A_1093 : i32 to index
      %parallel_loop3A_1102 = tpu.vector_load %arg7[%parallel_loop3A_1101] {strides = array<i32>} : memref<4096xf32, #tpu.memory_space<vmem>>, vector<16xf32>,
      tpu.vector_store %arg7[%parallel_loop3A_1101], %parallel_loop3A_1100 {strides = array<i32>} : memref<4096xf32, #tpu.memory_space<vmem>>, vector<16xf32>,
    } {sc.loop_unroll_factor = 8 : i64, sc.parallel_access}
    %dma_start3A_1028 = arith.constant 0 : i32
    %dma_start3A_1029 = tpu.memref_slice %arg4[%add3A_996, %dma_start3A_1028] : memref<416x16384xf32, #tpu.memory_space<hbm>> -> memref<1x4096xf32, #tpu.memory_space<hbm>>
    %dma_start3A_1030 = tpu.memref_squeeze %dma_start3A_1029 : memref<1x4096xf32, #tpu.memory_space<hbm>> -> memref<4096xf32, #tpu.memory_space<hbm>>
    %dma_start3A_1031 = arith.constant 0 : i32
    %dma_start3A_1032 = tpu.memref_slice %arg4[%add3A_996, %dma_start3A_1031] : memref<416x16384xf32, #tpu.memory_space<hbm>> -> memref<1x4096xf32, #tpu.memory_space<hbm>>
    %dma_start3A_1033 = tpu.memref_squeeze %dma_start3A_1032 : memref<1x4096xf32, #tpu.memory_space<hbm>> -> memref<4096xf32, #tpu.memory_space<hbm>>
    tpu.enqueue_dma source(%arg7 : memref<4096xf32, #tpu.memory_space<vmem>>) target(%dma_start3A_1033 : memref<4096xf32, #tpu.memory_space<hbm>>) target_semaphore(%arg11 : memref<!tpu.dma_semaphore, #tpu.memory_space<semaphore_mem>>)
    %dma_wait3A_1034 = arith.constant 12288 : i32
    %dma_wait3A_1035 = tpu.memref_slice %arg4[%add3A_912, %dma_wait3A_1034] : memref<416x16384xf32, #tpu.memory_space<hbm>> -> memref<1x4096xf32, #tpu.memory_space<hbm>>
    %dma_wait3A_1036 = tpu.memref_squeeze %dma_wait3A_1035 : memref<1x4096xf32, #tpu.memory_space<hbm>> -> memref<4096xf32, #tpu.memory_space<hbm>>
    %dma_wait3A_1037 = arith.constant 12288 : i32
    %dma_wait3A_1038 = tpu.memref_slice %arg4[%add3A_912, %dma_wait3A_1037] : memref<416x16384xf32, #tpu.memory_space<hbm>> -> memref<1x4096xf32, #tpu.memory_space<hbm>>
    %dma_wait3A_1039 = tpu.memref_squeeze %dma_wait3A_1038 : memref<1x4096xf32, #tpu.memory_space<hbm>> -> memref<4096xf32, #tpu.memory_space<hbm>>
    tpu.wait_dma2 semaphore(%arg12 : memref<!tpu.dma_semaphore, #tpu.memory_space<semaphore_mem>>) src(%arg8 : memref<4096xf32, #tpu.memory_space<vmem>>) dst(%dma_wait3A_1039 : memref<4096xf32, #tpu.memory_space<hbm>>)
    %parallel_loop3A_1040 = arith.constant 0 : i32
    %parallel_loop3A_1041 = arith.constant 256 : i32
    %parallel_loop3A_1042 = arith.constant 1 : i32
    scf.for %parallel_loop3A_1091 = %parallel_loop3A_1040 to %parallel_loop3A_1041 step %parallel_loop3A_1042  : i32 {
      %parallel_loop3A_1092 = arith.constant 16 : i32
      %parallel_loop3A_1093 = arith.muli %parallel_loop3A_1091, %parallel_loop3A_1092 : i32
      %parallel_loop3A_1094 = arith.constant 16 : i32
      %parallel_loop3A_1095 = arith.muli %parallel_loop3A_1091, %parallel_loop3A_1094 : i32
      %parallel_loop3A_1096 = arith.constant 4096 : i32
      %parallel_loop3A_1097 = arith.addi %parallel_loop3A_1096, %parallel_loop3A_1095 : i32
      %parallel_loop3A_1098 = arith.index_cast %parallel_loop3A_1097 : i32 to index
      %parallel_loop3A_1099 = tpu.vector_load %arg6[%parallel_loop3A_1098] {strides = array<i32>} : memref<16384xi32, #tpu.memory_space<vmem>>, vector<16xi32>,
      %parallel_loop3A_1100 = tpu.vector_load_idx %arg5[%parallel_loop3A_1099] : memref<100000xf32, #tpu.memory_space<vmem>>[vector<16xi32>], vector<16xf32>,
      %parallel_loop3A_1101 = arith.index_cast %parallel_loop3A_1093 : i32 to index
      %parallel_loop3A_1102 = tpu.vector_load %arg8[%parallel_loop3A_1101] {strides = array<i32>} : memref<4096xf32, #tpu.memory_space<vmem>>, vector<16xf32>,
      tpu.vector_store %arg8[%parallel_loop3A_1101], %parallel_loop3A_1100 {strides = array<i32>} : memref<4096xf32, #tpu.memory_space<vmem>>, vector<16xf32>,
    } {sc.loop_unroll_factor = 8 : i64, sc.parallel_access}
    %dma_start3A_1043 = arith.constant 4096 : i32
    %dma_start3A_1044 = tpu.memref_slice %arg4[%add3A_996, %dma_start3A_1043] : memref<416x16384xf32, #tpu.memory_space<hbm>> -> memref<1x4096xf32, #tpu.memory_space<hbm>>
    %dma_start3A_1045 = tpu.memref_squeeze %dma_start3A_1044 : memref<1x4096xf32, #tpu.memory_space<hbm>> -> memref<4096xf32, #tpu.memory_space<hbm>>
    %dma_start3A_1046 = arith.constant 4096 : i32
    %dma_start3A_1047 = tpu.memref_slice %arg4[%add3A_996, %dma_start3A_1046] : memref<416x16384xf32, #tpu.memory_space<hbm>> -> memref<1x4096xf32, #tpu.memory_space<hbm>>
    %dma_start3A_1048 = tpu.memref_squeeze %dma_start3A_1047 : memref<1x4096xf32, #tpu.memory_space<hbm>> -> memref<4096xf32, #tpu.memory_space<hbm>>
    tpu.enqueue_dma source(%arg8 : memref<4096xf32, #tpu.memory_space<vmem>>) target(%dma_start3A_1048 : memref<4096xf32, #tpu.memory_space<hbm>>) target_semaphore(%arg12 : memref<!tpu.dma_semaphore, #tpu.memory_space<semaphore_mem>>)
    %dma_wait3A_1049 = arith.constant 0 : i32
    %dma_wait3A_1050 = tpu.memref_slice %arg4[%add3A_996, %dma_wait3A_1049] : memref<416x16384xf32, #tpu.memory_space<hbm>> -> memref<1x4096xf32, #tpu.memory_space<hbm>>
    %dma_wait3A_1051 = tpu.memref_squeeze %dma_wait3A_1050 : memref<1x4096xf32, #tpu.memory_space<hbm>> -> memref<4096xf32, #tpu.memory_space<hbm>>
    %dma_wait3A_1052 = arith.constant 0 : i32
    %dma_wait3A_1053 = tpu.memref_slice %arg4[%add3A_996, %dma_wait3A_1052] : memref<416x16384xf32, #tpu.memory_space<hbm>> -> memref<1x4096xf32, #tpu.memory_space<hbm>>
    %dma_wait3A_1054 = tpu.memref_squeeze %dma_wait3A_1053 : memref<1x4096xf32, #tpu.memory_space<hbm>> -> memref<4096xf32, #tpu.memory_space<hbm>>
    tpu.wait_dma2 semaphore(%arg11 : memref<!tpu.dma_semaphore, #tpu.memory_space<semaphore_mem>>) src(%arg7 : memref<4096xf32, #tpu.memory_space<vmem>>) dst(%dma_wait3A_1054 : memref<4096xf32, #tpu.memory_space<hbm>>)
    %parallel_loop3A_1055 = arith.constant 0 : i32
    %parallel_loop3A_1056 = arith.constant 256 : i32
    %parallel_loop3A_1057 = arith.constant 1 : i32
    scf.for %parallel_loop3A_1091 = %parallel_loop3A_1055 to %parallel_loop3A_1056 step %parallel_loop3A_1057  : i32 {
      %parallel_loop3A_1092 = arith.constant 16 : i32
      %parallel_loop3A_1093 = arith.muli %parallel_loop3A_1091, %parallel_loop3A_1092 : i32
      %parallel_loop3A_1094 = arith.constant 16 : i32
      %parallel_loop3A_1095 = arith.muli %parallel_loop3A_1091, %parallel_loop3A_1094 : i32
      %parallel_loop3A_1096 = arith.constant 8192 : i32
      %parallel_loop3A_1097 = arith.addi %parallel_loop3A_1096, %parallel_loop3A_1095 : i32
      %parallel_loop3A_1098 = arith.index_cast %parallel_loop3A_1097 : i32 to index
      %parallel_loop3A_1099 = tpu.vector_load %arg6[%parallel_loop3A_1098] {strides = array<i32>} : memref<16384xi32, #tpu.memory_space<vmem>>, vector<16xi32>,
      %parallel_loop3A_1100 = tpu.vector_load_idx %arg5[%parallel_loop3A_1099] : memref<100000xf32, #tpu.memory_space<vmem>>[vector<16xi32>], vector<16xf32>,
      %parallel_loop3A_1101 = arith.index_cast %parallel_loop3A_1093 : i32 to index
      %parallel_loop3A_1102 = tpu.vector_load %arg7[%parallel_loop3A_1101] {strides = array<i32>} : memref<4096xf32, #tpu.memory_space<vmem>>, vector<16xf32>,
      tpu.vector_store %arg7[%parallel_loop3A_1101], %parallel_loop3A_1100 {strides = array<i32>} : memref<4096xf32, #tpu.memory_space<vmem>>, vector<16xf32>,
    } {sc.loop_unroll_factor = 8 : i64, sc.parallel_access}
    %dma_start3A_1058 = arith.constant 8192 : i32
    %dma_start3A_1059 = tpu.memref_slice %arg4[%add3A_996, %dma_start3A_1058] : memref<416x16384xf32, #tpu.memory_space<hbm>> -> memref<1x4096xf32, #tpu.memory_space<hbm>>
    %dma_start3A_1060 = tpu.memref_squeeze %dma_start3A_1059 : memref<1x4096xf32, #tpu.memory_space<hbm>> -> memref<4096xf32, #tpu.memory_space<hbm>>
    %dma_start3A_1061 = arith.constant 8192 : i32
    %dma_start3A_1062 = tpu.memref_slice %arg4[%add3A_996, %dma_start3A_1061] : memref<416x16384xf32, #tpu.memory_space<hbm>> -> memref<1x4096xf32, #tpu.memory_space<hbm>>
    %dma_start3A_1063 = tpu.memref_squeeze %dma_start3A_1062 : memref<1x4096xf32, #tpu.memory_space<hbm>> -> memref<4096xf32, #tpu.memory_space<hbm>>
    tpu.enqueue_dma source(%arg7 : memref<4096xf32, #tpu.memory_space<vmem>>) target(%dma_start3A_1063 : memref<4096xf32, #tpu.memory_space<hbm>>) target_semaphore(%arg11 : memref<!tpu.dma_semaphore, #tpu.memory_space<semaphore_mem>>)
    %dma_wait3A_1064 = arith.constant 4096 : i32
    %dma_wait3A_1065 = tpu.memref_slice %arg4[%add3A_996, %dma_wait3A_1064] : memref<416x16384xf32, #tpu.memory_space<hbm>> -> memref<1x4096xf32, #tpu.memory_space<hbm>>
    %dma_wait3A_1066 = tpu.memref_squeeze %dma_wait3A_1065 : memref<1x4096xf32, #tpu.memory_space<hbm>> -> memref<4096xf32, #tpu.memory_space<hbm>>
    %dma_wait3A_1067 = arith.constant 4096 : i32
    %dma_wait3A_1068 = tpu.memref_slice %arg4[%add3A_996, %dma_wait3A_1067] : memref<416x16384xf32, #tpu.memory_space<hbm>> -> memref<1x4096xf32, #tpu.memory_space<hbm>>
    %dma_wait3A_1069 = tpu.memref_squeeze %dma_wait3A_1068 : memref<1x4096xf32, #tpu.memory_space<hbm>> -> memref<4096xf32, #tpu.memory_space<hbm>>
    tpu.wait_dma2 semaphore(%arg12 : memref<!tpu.dma_semaphore, #tpu.memory_space<semaphore_mem>>) src(%arg8 : memref<4096xf32, #tpu.memory_space<vmem>>) dst(%dma_wait3A_1069 : memref<4096xf32, #tpu.memory_space<hbm>>)
    %parallel_loop3A_1070 = arith.constant 0 : i32
    %parallel_loop3A_1071 = arith.constant 256 : i32
    %parallel_loop3A_1072 = arith.constant 1 : i32
    scf.for %parallel_loop3A_1091 = %parallel_loop3A_1070 to %parallel_loop3A_1071 step %parallel_loop3A_1072  : i32 {
      %parallel_loop3A_1092 = arith.constant 16 : i32
      %parallel_loop3A_1093 = arith.muli %parallel_loop3A_1091, %parallel_loop3A_1092 : i32
      %parallel_loop3A_1094 = arith.constant 16 : i32
      %parallel_loop3A_1095 = arith.muli %parallel_loop3A_1091, %parallel_loop3A_1094 : i32
      %parallel_loop3A_1096 = arith.constant 12288 : i32
      %parallel_loop3A_1097 = arith.addi %parallel_loop3A_1096, %parallel_loop3A_1095 : i32
      %parallel_loop3A_1098 = arith.index_cast %parallel_loop3A_1097 : i32 to index
      %parallel_loop3A_1099 = tpu.vector_load %arg6[%parallel_loop3A_1098] {strides = array<i32>} : memref<16384xi32, #tpu.memory_space<vmem>>, vector<16xi32>,
      %parallel_loop3A_1100 = tpu.vector_load_idx %arg5[%parallel_loop3A_1099] : memref<100000xf32, #tpu.memory_space<vmem>>[vector<16xi32>], vector<16xf32>,
      %parallel_loop3A_1101 = arith.index_cast %parallel_loop3A_1093 : i32 to index
      %parallel_loop3A_1102 = tpu.vector_load %arg8[%parallel_loop3A_1101] {strides = array<i32>} : memref<4096xf32, #tpu.memory_space<vmem>>, vector<16xf32>,
      tpu.vector_store %arg8[%parallel_loop3A_1101], %parallel_loop3A_1100 {strides = array<i32>} : memref<4096xf32, #tpu.memory_space<vmem>>, vector<16xf32>,
    } {sc.loop_unroll_factor = 8 : i64, sc.parallel_access}
    %dma_start3A_1073 = arith.constant 12288 : i32
    %dma_start3A_1074 = tpu.memref_slice %arg4[%add3A_996, %dma_start3A_1073] : memref<416x16384xf32, #tpu.memory_space<hbm>> -> memref<1x4096xf32, #tpu.memory_space<hbm>>
    %dma_start3A_1075 = tpu.memref_squeeze %dma_start3A_1074 : memref<1x4096xf32, #tpu.memory_space<hbm>> -> memref<4096xf32, #tpu.memory_space<hbm>>
    %dma_start3A_1076 = arith.constant 12288 : i32
    %dma_start3A_1077 = tpu.memref_slice %arg4[%add3A_996, %dma_start3A_1076] : memref<416x16384xf32, #tpu.memory_space<hbm>> -> memref<1x4096xf32, #tpu.memory_space<hbm>>
    %dma_start3A_1078 = tpu.memref_squeeze %dma_start3A_1077 : memref<1x4096xf32, #tpu.memory_space<hbm>> -> memref<4096xf32, #tpu.memory_space<hbm>>
    tpu.enqueue_dma source(%arg8 : memref<4096xf32, #tpu.memory_space<vmem>>) target(%dma_start3A_1078 : memref<4096xf32, #tpu.memory_space<hbm>>) target_semaphore(%arg12 : memref<!tpu.dma_semaphore, #tpu.memory_space<semaphore_mem>>)
    %dma_wait3A_1079 = arith.constant 8192 : i32
    %dma_wait3A_1080 = tpu.memref_slice %arg4[%add3A_996, %dma_wait3A_1079] : memref<416x16384xf32, #tpu.memory_space<hbm>> -> memref<1x4096xf32, #tpu.memory_space<hbm>>
    %dma_wait3A_1081 = tpu.memref_squeeze %dma_wait3A_1080 : memref<1x4096xf32, #tpu.memory_space<hbm>> -> memref<4096xf32, #tpu.memory_space<hbm>>
    %dma_wait3A_1082 = arith.constant 8192 : i32
    %dma_wait3A_1083 = tpu.memref_slice %arg4[%add3A_996, %dma_wait3A_1082] : memref<416x16384xf32, #tpu.memory_space<hbm>> -> memref<1x4096xf32, #tpu.memory_space<hbm>>
    %dma_wait3A_1084 = tpu.memref_squeeze %dma_wait3A_1083 : memref<1x4096xf32, #tpu.memory_space<hbm>> -> memref<4096xf32, #tpu.memory_space<hbm>>
    tpu.wait_dma2 semaphore(%arg11 : memref<!tpu.dma_semaphore, #tpu.memory_space<semaphore_mem>>) src(%arg7 : memref<4096xf32, #tpu.memory_space<vmem>>) dst(%dma_wait3A_1084 : memref<4096xf32, #tpu.memory_space<hbm>>)
    %dma_wait3A_1085 = arith.constant 12288 : i32
    %dma_wait3A_1086 = tpu.memref_slice %arg4[%add3A_996, %dma_wait3A_1085] : memref<416x16384xf32, #tpu.memory_space<hbm>> -> memref<1x4096xf32, #tpu.memory_space<hbm>>
    %dma_wait3A_1087 = tpu.memref_squeeze %dma_wait3A_1086 : memref<1x4096xf32, #tpu.memory_space<hbm>> -> memref<4096xf32, #tpu.memory_space<hbm>>
    %dma_wait3A_1088 = arith.constant 12288 : i32
    %dma_wait3A_1089 = tpu.memref_slice %arg4[%add3A_996, %dma_wait3A_1088] : memref<416x16384xf32, #tpu.memory_space<hbm>> -> memref<1x4096xf32, #tpu.memory_space<hbm>>
    %dma_wait3A_1090 = tpu.memref_squeeze %dma_wait3A_1089 : memref<1x4096xf32, #tpu.memory_space<hbm>> -> memref<4096xf32, #tpu.memory_space<hbm>>
    tpu.wait_dma2 semaphore(%arg12 : memref<!tpu.dma_semaphore, #tpu.memory_space<semaphore_mem>>) src(%arg8 : memref<4096xf32, #tpu.memory_space<vmem>>) dst(%dma_wait3A_1090 : memref<4096xf32, #tpu.memory_space<hbm>>)
    return
  }
}

</mosaic_0001>

<sc_bundles>
// kernel: kernel.3.cloned.1.call-start
scs
__scs_entry_jumppad:
0x0: {  	(pc) =	sbr.rel $0x88, $3  }
0x1: {  	(tag) =	ssettag $0x0;
	lr =	simm.s32 $0x1  }
0x2: {  	[smem:$0x3F9F] =	sst lr;
	_ =	strace $0xD0000000  }
0x3: {  	_ = 	snop  }
0x4: {  	_ = 	snop  }
0x5: {  	_ = 	snop  }
0x6: {  	_ = 	snop  }
0x7: {  	_ = 	snop  }
__scs_overlays_trampoline_lowered:
0x8: {  	[smem:$0x3FAE] =	sst s0  }
0x9: {  	[smem:$0x3FAF] =	sst s1  }
0xa: {  	[smem:$0x3FB0] =	sst s2  }
0xb: {  	[smem:$0x3FB1] =	sst s3  }
0xc: {  	[smem:$0x3FB2] =	sst s4  }
0xd: {  	[smem:$0x3FB3] =	sst s5  }
0xe: {  	[smem:$0x3FB4] =	sst s6  }
0xf: {  	[smem:$0x3FB5] =	sst s7  }
0x10: {  	[smem:$0x3FB6] =	sst s8  }
0x11: {  	[smem:$0x3FB7] =	sst s9;
	s0 =	simm.s32 @!p0 $0x0  }
0x12: {  	s1 =	sld [smem:$0x3F9D];
	s0 =	simm.s32 @p0 $0x1  }
0x13: {  	[smem:$0x3FB8] =	sst s0;
	s0 =	simm.s32 @!p1 $0x0  }
0x14: {  	s2 =	sld [smem:$0x3F9C];
	s0 =	simm.s32 @p1 $0x1  }
0x15: {  	[smem:$0x3FB9] =	sst s0;
	s0 =	simm.s32 @!p2 $0x0  }
0x16: {  	s3 =	sld [smem:$0x3FDB];
	s0 =	simm.s32 @p2 $0x1  }
0x17: {  	s4 =	simm.s32 $0x1BF5;
	[smem:$0x3FBB] =	sst s0  }
0x18: {  	s0 =	sld [smem:$0x3F9E];
	_ =	swait.ge [sflag:s4], $0x0  }
0x19: {  	s7 =	sld [smem:$0x3F9F]  }
0x1a: {  	s8 =	sadd.s32 $0xFFFFE003, lr  }
0x1b: {  	s9 =	sadd.s32 $0xFFFFFEF7, lr;
	s5 =	simm.s32 $0xFFFFFFFF;
	p2 =	slt.u32 s8, $0xFFFFF086  }
0x1c: {  	p1 =	slt.u32 s9, $0xF7A;
	s5 =	simm.s32 @!p2 $0x0  }
0x1d: {  	s5 =	simm.s32 @p1 $0x1;
	p0 =	seq.s32 s7, s2  }
0x1e: {  	s7 =	smul.u32 @!p0 $0xF7A, s2;
	p2 =	seq.s32 @!p0 s5, $0x0  }
0x1f: {  	s9 =	smul.u32 $0xF7A, s1;
	s8 =	simm.s32 @!p0 $0x1BF5;
	p2 =	por !p2, p0  }
0x20: {  	[sflag:s8] =	ssyncset.s32 @!p0 $0xFFFFF086;
	s6 =	sadd.s32 @!p0 s3, s7;
	s7 =	simm.s32 @!p0 $0x108  }
0x21: {  	s3 =	sadd.s32 s3, s9;
	s6 =	sadd.s32 @!p0 $0x88, s6;
	s7 =	simm.s32 @p2 $0x1082  }
0x22: {  	[simem:s7], [sflag:s8] =	dma.local @!p0 [hbm:s6], $0xF7A  }
0x23: {  	s9 =	sor.u32 $0xD0000000, s2;
	s6 =	simm.s32 $0x108;
	_ =	swait.ge @!p0 [sflag:s8], $0x0  }
0x24: {  	s3 =	sadd.s32 $0x88, s3;
	s6 =	simm.s32 @!p1 $0x1082;
	[sflag:s4] =	ssyncset.s32 $0xFFFFF086  }
0x25: {  	[simem:s6], [sflag:s4] =	dma.local [hbm:s3], $0xF7A  }
0x26: {  	[smem:$0x3F9F] =	sst s1;
	(tag) =	ssettag s2;
	_ =	strace s9  }
0x27: {  	s1 =	sld [smem:$0x3FAF]  }
0x28: {  	s2 =	sld [smem:$0x3FB0]  }
0x29: {  	s4 =	sld [smem:$0x3FB2]  }
0x2a: {  	p0 =	seq.s32 s5, $0x0;
	s5 =	sld [smem:$0x3FB3]  }
0x2b: {  	s6 =	sld [smem:$0x3FB4]  }
0x2c: {  	s7 =	sld [smem:$0x3FB5]  }
0x2d: {  	s3 =	simm.s32 $0x108;
	s8 =	sld [smem:$0x3FB6]  }
0x2e: {  	s3 =	simm.s32 @!p0 $0x1082;
	s9 =	sld [smem:$0x3FB7]  }
0x2f: {  	lr =	sadd.s32 s0, s3;
	s0 =	sld [smem:$0x3FAE]  }
0x30: {  	s3 =	sld [smem:$0x3FB1]  }
0x31: {  	[smem:$0x3FBA] =	sst s10  }
0x32: {  	s10 =	sld [smem:$0x3FB8];
	_ =	sdelay $0x3  }
0x33: {  	p0 =	seq.s32 s10, $0x1;
	s10 =	sld [smem:$0x3FBA];
	_ =	sdelay $0x3  }
0x34: {  	[smem:$0x3FBA] =	sst s10  }
0x35: {  	s10 =	sld [smem:$0x3FB9];
	_ =	sdelay $0x3  }
0x36: {  	p1 =	seq.s32 s10, $0x1;
	s10 =	sld [smem:$0x3FBA];
	_ =	sdelay $0x3  }
0x37: {  	[smem:$0x3FBA] =	sst s10  }
0x38: {  	s10 =	sld [smem:$0x3FBB]  }
0x39: {  	_ = 	snop;
	(pc) =	sbr.ind lr, $3  }
0x3a: {  	_ = 	snop  }
0x3b: {  	_ = 	snop  }
0x3c: {  	p2 =	seq.s32 s10, $0x1;
	s10 =	sld [smem:$0x3FBA]  }
0x3d: {  	_ =	shalt  }
0x3e: {  	_ =	shalt  }
0x3f: {  	_ =	shalt  }
0x40: {  	_ =	shalt  }
0x41: {  	_ =	shalt  }
0x42: {  	_ =	shalt  }
0x43: {  	_ =	shalt  }
0x44: {  	_ =	shalt  }
0x45: {  	_ =	shalt  }
0x46: {  	_ =	shalt  }
0x47: {  	_ =	shalt  }
0x48: {  	_ =	shalt  }
0x49: {  	_ =	shalt  }
0x4a: {  	_ =	shalt  }
0x4b: {  	_ =	shalt  }
0x4c: {  	_ =	shalt  }
0x4d: {  	_ =	shalt  }
0x4e: {  	_ =	shalt  }
0x4f: {  	_ =	shalt  }
0x50: {  	_ =	shalt  }
0x51: {  	_ =	shalt  }
0x52: {  	_ =	shalt  }
0x53: {  	_ =	shalt  }
0x54: {  	_ =	shalt  }
0x55: {  	_ =	shalt  }
0x56: {  	_ =	shalt  }
0x57: {  	_ =	shalt  }
0x58: {  	_ =	shalt  }
0x59: {  	_ =	shalt  }
0x5a: {  	_ =	shalt  }
0x5b: {  	_ =	shalt  }
0x5c: {  	_ =	shalt  }
0x5d: {  	_ =	shalt  }
0x5e: {  	_ =	shalt  }
0x5f: {  	_ =	shalt  }
0x60: {  	_ =	shalt  }
0x61: {  	_ =	shalt  }
0x62: {  	_ =	shalt  }
0x63: {  	_ =	shalt  }
0x64: {  	_ =	shalt  }
0x65: {  	_ =	shalt  }
0x66: {  	_ =	shalt  }
0x67: {  	_ =	shalt  }
0x68: {  	_ =	shalt  }
0x69: {  	_ =	shalt  }
0x6a: {  	_ =	shalt  }
0x6b: {  	_ =	shalt  }
0x6c: {  	_ =	shalt  }
0x6d: {  	_ =	shalt  }
0x6e: {  	_ =	shalt  }
0x6f: {  	_ =	shalt  }
0x70: {  	_ =	shalt  }
0x71: {  	_ =	shalt  }
0x72: {  	_ =	shalt  }
0x73: {  	_ =	shalt  }
0x74: {  	_ =	shalt  }
0x75: {  	_ =	shalt  }
0x76: {  	_ =	shalt  }
0x77: {  	_ =	shalt  }
0x78: {  	_ =	shalt  }
0x79: {  	_ =	shalt  }
0x7a: {  	_ =	shalt  }
0x7b: {  	_ =	shalt  }
0x7c: {  	_ =	shalt  }
0x7d: {  	_ =	shalt  }
0x7e: {  	_ =	shalt  }
0x7f: {  	_ =	shalt  }
0x80: {  	_ =	shalt  }
0x81: {  	_ =	shalt  }
0x82: {  	_ =	shalt  }
0x83: {  	_ =	shalt  }
0x84: {  	_ =	shalt  }
0x85: {  	_ =	shalt  }
0x86: {  	_ =	shalt  }
0x87: {  	_ =	shalt  }
.Lfunc_end0:
.L_simem_size_0:
called_computation_lowered:
.L_overlay_start_0:
0x88: {  	s2 =	sld [smem:$0x3FD9]  }
0x89: {  	s3 =	sld [smem:$0x3FFE];
	_ =	sdelay $0x1  }
0x8a: {  	s1 =	srdreg.scid  }
0x8b: {  	s0 =	sand.u32 $0x1, s1  }
0x8c: {  	s18 =	sshll.u32 s0, $0xA;
	s2 =	sadd.s32 s3, s2  }
0x8d: {  	s2 =	sadd.s32 s2, s18  }
0x8e: {  	[smem:$0x3FC6] =	sst s2  }
0x8f: {  	_ = 	snop  }
0x90: {  	s2 =	sld [smem:$0x3FC9]  }
0x91: {  	s19 =	sld [smem:$0x3FC8]  }
0x92: {  	s4 =	sld [smem:$0x3FD0];
	(tm) =	ssettm $0x1  }
0x93: {  	s5 =	sld [smem:$0x3FFB];
	_ =	sdelay $0x3  }
0x94: {  	_ =	strace s5  }
0x95: {  	s5 =	sld [smem:$0x3FFC];
	_ =	sdelay $0x3  }
0x96: {  	_ =	strace s5  }
0x97: {  	s5 =	sld [smem:$0x3FFD];
	_ =	sdelay $0x3  }
0x98: {  	_ =	strace s5  }
0x99: {  	_ =	strace $0x8FFFFFFF  }
0x9a: {  	s20 =	sld [smem:$0x3FDB];
	_ =	sdelay $0x1  }
0x9b: {  	s6 =	simm.s32 $_scs_section_size  }
0x9c: {  	s7 =	simm.s32 $_size__tile_overlayer_lowered;
	s8 =	simm.s32 $_tile_overlayer_lowered  }
0x9d: {  	s23 =	simm.s32 $0x1BFF;
	s22 =	sshll.u32 s8, $0x1;
	s5 =	sadd.s32 s6, s20  }
0x9e: {  	s9 =	simm.s32 $0x0;
	s21 =	sshll.u32 s7, $0x1;
	s7 =	sadd.s32 s22, s5  }
0x9f: {  	[timem:s9], [sflag:s23] =	dma.local [hbm:s7], s21  }
0xa0: {  	_ =	swait.ge [sflag:s23], s21  }
0xa1: {  	s6 =	ssub.s32 $0x0, s21;
	[sflag:s23] =	ssyncset.done $0x0  }
0xa2: {  	[sflag:s23] =	ssyncadd.s32 s6;
	_ =	sdelay $0x1  }
0xa3: {  	s24 =	simm.s32 $0x1B8B  }
0xa4: {  	_ =	swait.ge [sflag:s24], $0x1  }
0xa5: {  	[sflag:s24] =	ssyncset.done $0x0  }
0xa6: {  	s25 =	simm.s32 $0x1B8E;
	[sflag:s24] =	ssyncadd.s32 $0xFFFFFFFF  }
0xa7: {  	s26 =	simm.s32 $execute0_lowered;
	[smem:$0x3FD2] =	sst s25  }
0xa8: {  	s6 =	sshll.u32 s26, $0x1;
	_ =	strace $0x80000046;
	[dreg:$0x1] =	wrdreg $0xFFFFFFFF  }
0xa9: {  	s28 =	simm.s32 $_size_execute0_lowered;
	s5 =	sadd.s32 s5, s6;
	[dreg:$0x0] =	wrdreg $0x0  }
0xaa: {  	s6 =	sshll.u32 s28, $0x1;
	[dreg:$0x2] =	wrdreg s5  }
0xab: {  	[dreg:$0x3] =	wrdreg s6  }
0xac: {  	[dreg:$0x4] =	wrdreg $0xC0  }
0xad: {  	_ =	task [dreg:s9], $0x5FFFF  }
0xae: {  	[dreg:$0x1] =	wrdreg $0xFFFFFFFF  }
0xaf: {  	[dreg:$0x0] =	wrdreg $0x60  }
0xb0: {  	[dreg:$0x2] =	wrdreg s19  }
0xb1: {  	[dreg:$0x3] =	wrdreg s2  }
0xb2: {  	[dreg:$0x4] =	wrdreg s4  }
0xb3: {  	[dreg:$0x5] =	wrdreg $0x9  }
0xb4: {  	_ =	task.clear_ibuf [dreg:s9], $0x6FFFF;
	_ =	strace $0x90000046  }
0xb5: {  	s29 =	simm.s32 $0x9;
	_ =	strace $0x80000048  }
0xb6: {  	_ =	swait.ge [sflag:s29], $0x1  }
0xb7: {  	[sflag:s29] =	ssyncadd.s32 $0xFFFFFFFF  }
0xb8: {  	_ =	strace $0x90000048  }
0xb9: {  	_ =	sfence  }
0xba: {  	s30 =	sld [smem:$0x0];
	_ =	sdelay $0x2  }
0xbb: {  	s31 =	sshll.u32 s1, $0xD;
	s1 =	sshrl.u32 s1, $0x2  }
0xbc: {  	s3 =	sand.u32 $0x4000, s31;
	s1 =	sadd.s32 s1, s30  }
0xbd: {  	s0 =	sor.u32 s3, s0;
	s1 =	sshll.u32 s1, $0x11  }
0xbe: {  	s0 =	sor.u32 s1, s0  }
0xbf: {  	s0 =	sadd.s32 $0x8F2B, s0  }
0xc0: {  	[sflag:s0] =	ssyncadd.remote.s32 $0x1  }
0xc1: {  	_ =	sfence.sel $0xFFFF  }
0xc2: {  	[dreg:$0x0] =	wrdreg $0xFFFFFFFF;
	(pc) =	sbr.abs _section_cstart, $3  }
0xc3: {  	[dreg:$0x1] =	wrdreg $0xFFFFFFFF  }
0xc4: {  	_ =	task.clear_ibuf [dreg:s9], $0x2FFFF;
	_ =	strace $0x9FFFFFFF  }
0xc5: {  	(tm) =	ssettm $0x7FFFFFFF  }
tec
execute0_lowered:
.L_overlay_start_1:
0x0: {  	(tag) =	ssettag $0x1  }
0x1: {  	s0 =	srdreg.scid;
	s1 =	stileid.u32  }
0x2: {  	s0 =	sand.u32 $0x1, s0;
	s1 =	sshll.u32 s1, $0x1  }
0x3: {  	s11 =	sor.u32 s0, s1  }
0x4: {  	s0 =	ssub.s32 $0x2, s0;
	s13 =	smul.u32 $0xD, s11  }
0x5: {  	s3 =	rddreg [dreg:$0x1];
	s22 =	sshrl.u32 s0, $0x1;
	s24 =	smul.u32 $0x3400, s11  }
0x6: {  	s19 =	ssub.s32 s0, s22;
	s23 =	sadd.s32 $0x1, s13;
	s6 =	sshrl.u32 s13, $0x4  }
0x7: {  	s4 =	sshll.u32 s13, $0x3;
	s26 =	sadd.s32 $0x2, s13;
	s17 =	sadd.s32 $0x3, s13  }
0x8: {  	s2 =	sshrl.u32 s23, $0x3;
	s5 =	sshll.u32 s23, $0x7;
	s7 =	sor.u32 s24, s4  }
0x9: {  	s10 =	sshrl.u32 s23, $0x4;
	s0 =	sand.u32 $0x70, s23;
	s9 =	sshrl.u32 s26, $0x3  }
0xa: {  	s12 =	sshll.u32 s26, $0x7;
	s15 =	sshrl.u32 s26, $0x4;
	s20 =	sshrl.u32 s17, $0x3  }
0xb: {  	s21 =	sshll.u32 s17, $0x7;
	s23 =	sshrl.u32 s17, $0x4;
	s8 =	smul.u32 $0xC3800, s2  }
0xc: {  	s25 =	sand.u32 $0x380, s5;
	s5 =	sand.u32 $0x1C000, s5;
	s0 =	sadd.s32 s3, s0  }
0xd: {  	s2 =	sshll.u32 s2, $0x11;
	s14 =	smul.u32 $0xC3800, s9;
	s31 =	sand.u32 $0x380, s12  }
0xe: {  	s16 =	sand.u32 $0x1C000, s12;
	s18 =	sshll.u32 s9, $0x11;
	s22 =	smul.u32 $0xC3800, s20  }
0xf: {  	s12 =	sand.u32 $0x70, s17;
	s24 =	sshll.u32 s20, $0x11;
	s20 =	sadd.s32 $0x6, s13  }
0x10: {  	p0 =	seq.s32 s10, s6;
	s7 =	sand.u32 $0x60380, s7;
	s0 =	sadd.s32 s5, s0  }
0x11: {  	s1 =	sor.u32 s31, s18;
	s12 =	sadd.s32 s3, s12;
	s18 =	sadd.s32 $0x5, s13  }
0x12: {  	s17 =	sshrl.u32 s20, $0x4;
	s6 =	simm.s32 @!p0 $0x0;
	s7 =	sshrl.u32 s7, $0x3  }
0x13: {  	s4 =	sor.u32 s25, s8;
	[dreg:$0x4] =	wrdreg s0;
	s0 =	sor.u32 s25, s2  }
0x14: {  	s5 =	sor.u32 s31, s14;
	s14 =	sand.u32 $0x70, s26;
	s8 =	sadd.s32 $0x4, s13  }
0x15: {  	s26 =	sshrl.u32 s18, $0x4;
	s6 =	simm.s32 @p0 $0x1;
	p0 =	seq.s32 s15, s10  }
0x16: {  	s7 =	sadd.s32 s3, s7;
	s2 =	sadd.s32 s3, s14;
	[smem:$0x7D6] =	sst s6  }
0x17: {  	s25 =	sshrl.u32 s8, $0x4;
	s10 =	simm.s32 @!p0 $0x0;
	[dreg:$0xf] =	wrdreg s7  }
0x18: {  	s4 =	sshrl.u32 s4, $0x3;
	s2 =	sadd.s32 s16, s2;
	s16 =	sand.u32 $0x380, s21  }
0x19: {  	s10 =	simm.s32 @p0 $0x1;
	p0 =	seq.s32 s23, s15;
	s15 =	sadd.s32 $0xA, s13  }
0x1a: {  	[dreg:$0x5] =	wrdreg s2;
	s9 =	sor.u32 s16, s22;
	s2 =	sand.u32 $0x1C000, s21  }
0x1b: {  	s22 =	sadd.s32 $0x7, s13;
	[smem:$0x7D7] =	sst s10;
	s21 =	sadd.s32 $0x8, s13  }
0x1c: {  	s10 =	simm.s32 @!p0 $0x0;
	s2 =	sadd.s32 s2, s12;
	s31 =	sshrl.u32 s22, $0x4  }
0x1d: {  	s10 =	simm.s32 @p0 $0x1;
	p0 =	seq.s32 s25, s23;
	[dreg:$0x6] =	wrdreg s2  }
0x1e: {  	s2 =	sor.u32 s16, s24;
	[smem:$0x7D8] =	sst s10;
	s24 =	sshrl.u32 s21, $0x4  }
0x1f: {  	s14 =	simm.s32 @!p0 $0x0;
	p6 =	seq.s32 s31, s17;
	s16 =	sadd.s32 $0xB, s13  }
0x20: {  	s14 =	simm.s32 @p0 $0x1;
	p0 =	seq.s32 s26, s25;
	s25 =	sshrl.u32 s15, $0x4  }
0x21: {  	[smem:$0x7D9] =	sst s14;
	s14 =	sadd.s32 $0x9, s13;
	s12 =	simm.s32 @!p0 $0x0  }
0x22: {  	s12 =	simm.s32 @p0 $0x1;
	s23 =	sshrl.u32 s14, $0x4;
	p0 =	seq.s32 s17, s26  }
0x23: {  	s26 =	sshrl.u32 s16, $0x4;
	s17 =	sshrl.u32 s8, $0x3;
	[smem:$0x7DA] =	sst s12  }
0x24: {  	s12 =	simm.s32 @!p0 $0x0;
	p1 =	seq.s32 s23, s24;
	p2 =	seq.s32 s25, s23  }
0x25: {  	p3 =	seq.s32 s26, s25;
	s25 =	sshll.u32 s8, $0x7;
	s8 =	sand.u32 $0x70, s8  }
0x26: {  	s6 =	sshll.u32 s17, $0x11;
	s12 =	simm.s32 @p0 $0x1;
	p0 =	seq.s32 s24, s31  }
0x27: {  	s24 =	sand.u32 $0x380, s25;
	[smem:$0x7DB] =	sst s12;
	s12 =	sadd.s32 $0xC, s13  }
0x28: {  	s8 =	sadd.s32 s3, s8;
	s6 =	sor.u32 s24, s6;
	s31 =	sshrl.u32 s12, $0x4  }
0x29: {  	p4 =	seq.s32 s31, s26;
	s26 =	smul.u32 $0xC3800, s17;
	s31 =	sand.u32 $0x1C000, s25  }
0x2a: {  	s13 =	sshrl.u32 s13, $0x3;
	s25 =	sshrl.u32 s18, $0x3;
	s8 =	sadd.s32 s31, s8  }
0x2b: {  	s31 =	smul.u32 $0xC3800, s25;
	[dreg:$0x7] =	wrdreg s8;
	s17 =	sor.u32 s24, s26  }
0x2c: {  	s26 =	sshll.u32 s18, $0x7;
	s18 =	sand.u32 $0x70, s18;
	s8 =	sshll.u32 s25, $0x11  }
0x2d: {  	s24 =	sand.u32 $0x380, s26;
	s10 =	sand.u32 $0x1C000, s26;
	s18 =	sadd.s32 s3, s18  }
0x2e: {  	s26 =	sshll.u32 s20, $0x7;
	s10 =	sadd.s32 s10, s18;
	s18 =	sor.u32 s24, s31  }
0x2f: {  	s8 =	sor.u32 s24, s8;
	s24 =	sshrl.u32 s20, $0x3;
	s20 =	sand.u32 $0x70, s20  }
0x30: {  	s31 =	sand.u32 $0x380, s26;
	s23 =	sand.u32 $0x1C000, s26;
	[dreg:$0x8] =	wrdreg s10  }
0x31: {  	s25 =	smul.u32 $0xC3800, s24;
	s20 =	sadd.s32 s3, s20;
	s10 =	sshll.u32 s24, $0x11  }
0x32: {  	s20 =	sadd.s32 s23, s20;
	s10 =	sor.u32 s31, s10;
	s23 =	smul.u32 $0x280, s11  }
0x33: {  	s11 =	sshrl.u32 s22, $0x3;
	[dreg:$0x9] =	wrdreg s20;
	s20 =	sor.u32 s31, s25  }
0x34: {  	s25 =	sshll.u32 s22, $0x7;
	s22 =	sand.u32 $0x70, s22;
	s26 =	smul.u32 $0xC3800, s11  }
0x35: {  	s11 =	sshll.u32 s11, $0x11;
	s24 =	sand.u32 $0x1C000, s25;
	s22 =	sadd.s32 s3, s22  }
0x36: {  	s31 =	sand.u32 $0x380, s25;
	s23 =	sand.u32 $0x380, s23;
	s22 =	sadd.s32 s24, s22  }
0x37: {  	s11 =	sor.u32 s31, s11;
	s24 =	sshrl.u32 s21, $0x3;
	[dreg:$0xa] =	wrdreg s22  }
0x38: {  	s22 =	sor.u32 s31, s26;
	s26 =	sshll.u32 s21, $0x7;
	s31 =	smul.u32 $0xC3800, s13  }
0x39: {  	s21 =	sand.u32 $0x70, s21;
	s28 =	smul.u32 $0xC3800, s24;
	s13 =	sshll.u32 s13, $0x11  }
0x3a: {  	s24 =	sshll.u32 s24, $0x11;
	s25 =	sand.u32 $0x1C000, s26;
	s21 =	sadd.s32 s3, s21  }
0x3b: {  	s21 =	sadd.s32 s25, s21;
	s25 =	sor.u32 s23, s31;
	s26 =	sor.u32 s23, s28  }
0x3c: {  	s31 =	sshll.u32 s14, $0x7;
	[dreg:$0xb] =	wrdreg s21;
	s21 =	sor.u32 s23, s13  }
0x3d: {  	s13 =	sor.u32 s23, s24;
	s23 =	sshrl.u32 s14, $0x3;
	s14 =	sand.u32 $0x70, s14  }
0x3e: {  	s24 =	sand.u32 $0x1C000, s31;
	s29 =	smul.u32 $0xC3800, s23;
	s14 =	sadd.s32 s3, s14  }
0x3f: {  	s28 =	sand.u32 $0x380, s31;
	s23 =	sshll.u32 s23, $0x11;
	s14 =	sadd.s32 s24, s14  }
0x40: {  	[dreg:$0xc] =	wrdreg s14;
	s24 =	sor.u32 s28, s29;
	s14 =	sor.u32 s28, s23  }
0x41: {  	s23 =	sshrl.u32 s15, $0x3;
	s28 =	sshll.u32 s15, $0x7;
	s15 =	sand.u32 $0x70, s15  }
0x42: {  	s15 =	sadd.s32 s3, s15;
	s29 =	smul.u32 $0xC3800, s23;
	s30 =	sand.u32 $0x1C000, s28  }
0x43: {  	s31 =	sand.u32 $0x380, s28;
	s23 =	sshll.u32 s23, $0x11;
	s15 =	sadd.s32 s30, s15  }
0x44: {  	[dreg:$0xd] =	wrdreg s15;
	s28 =	sor.u32 s31, s29;
	s15 =	sor.u32 s31, s23  }
0x45: {  	s23 =	sshrl.u32 s16, $0x3;
	s29 =	sshll.u32 s16, $0x7;
	s16 =	sand.u32 $0x70, s16  }
0x46: {  	s16 =	sadd.s32 s3, s16;
	s30 =	smul.u32 $0xC3800, s23;
	s31 =	sand.u32 $0x1C000, s29  }
0x47: {  	s0 =	sshrl.u32 s0, $0x3;
	s16 =	sadd.s32 s31, s16;
	s31 =	sand.u32 $0x380, s29  }
0x48: {  	s23 =	sshll.u32 s23, $0x11;
	[dreg:$0xe] =	wrdreg s16;
	s29 =	sor.u32 s31, s30  }
0x49: {  	s30 =	sand.u32 $0x70, s12;
	s16 =	sor.u32 s31, s23;
	s31 =	sshrl.u32 s25, $0x3  }
0x4a: {  	s23 =	rddreg [dreg:$0x0];
	s25 =	sshrl.u32 s9, $0x3;
	s9 =	sshrl.u32 s18, $0x3  }
0x4b: {  	s18 =	sshrl.u32 s22, $0x3;
	s7 =	sadd.s32 s23, s31;
	s4 =	sadd.s32 s23, s4  }
0x4c: {  	s31 =	sshrl.u32 s17, $0x3;
	s17 =	sshrl.u32 s20, $0x3;
	[dreg:$0x10] =	wrdreg s7  }
0x4d: {  	s20 =	sadd.s32 s23, s18;
	s18 =	sshrl.u32 s28, $0x3;
	[dreg:$0x11] =	wrdreg s4  }
0x4e: {  	s28 =	simm.s32 $0x0;
	s7 =	sshrl.u32 s5, $0x3;
	[dreg:$0x17] =	wrdreg s20  }
0x4f: {  	s22 =	sshrl.u32 s26, $0x3;
	[smem:$0x7FF] =	sst s28;
	s4 =	sadd.s32 s23, s7  }
0x50: {  	s26 =	sshrl.u32 s12, $0x3;
	s7 =	sadd.s32 s23, s31;
	[dreg:$0x12] =	wrdreg s4  }
0x51: {  	s20 =	sshrl.u32 s29, $0x3;
	s4 =	sadd.s32 s23, s25;
	[dreg:$0x14] =	wrdreg s7  }
0x52: {  	s25 =	sshrl.u32 s24, $0x3;
	s24 =	sadd.s32 s23, s20;
	[dreg:$0x13] =	wrdreg s4  }
0x53: {  	s3 =	sadd.s32 s3, s30;
	s4 =	sadd.s32 s23, s9;
	[dreg:$0x1b] =	wrdreg s24  }
0x54: {  	s5 =	sshll.u32 s26, $0x11;
	s9 =	sadd.s32 s23, s18;
	[dreg:$0x15] =	wrdreg s4  }
0x55: {  	s31 =	sshll.u32 s12, $0x7;
	s4 =	sadd.s32 s23, s17;
	[dreg:$0x1a] =	wrdreg s9  }
0x56: {  	s17 =	smul.u32 $0xC3800, s26;
	[dreg:$0x16] =	wrdreg s4;
	s4 =	sadd.s32 s23, s22  }
0x57: {  	s22 =	sand.u32 $0x380, s31;
	[dreg:$0x18] =	wrdreg s4;
	s4 =	sadd.s32 s23, s25  }
0x58: {  	s7 =	sor.u32 s22, s17;
	s25 =	sshrl.u32 s21, $0x3;
	s17 =	rddreg [dreg:$0x2]  }
0x59: {  	s24 =	sshrl.u32 s2, $0x3;
	[dreg:$0x19] =	wrdreg s4;
	s26 =	sadd.s32 s17, s25  }
0x5a: {  	s7 =	sshrl.u32 s7, $0x3;
	s2 =	sadd.s32 s17, s24;
	[dreg:$0x1e] =	wrdreg s26  }
0x5b: {  	s4 =	sand.u32 $0x1C000, s31;
	s7 =	sadd.s32 s23, s7;
	[smem:$0x7E6] =	sst s2  }
0x5c: {  	s18 =	sadd.s32 $0x1000, s17;
	s3 =	sadd.s32 s4, s3;
	[dreg:$0x1c] =	wrdreg s7  }
0x5d: {  	s20 =	sadd.s32 $0x2000, s17;
	s31 =	sadd.s32 s25, s18;
	[dreg:$0x1d] =	wrdreg s3  }
0x5e: {  	s12 =	sor.u32 s22, s5;
	s5 =	sadd.s32 s25, s20;
	[dreg:$0x1f] =	wrdreg s31  }
0x5f: {  	s9 =	sadd.s32 s0, s18;
	[smem:$0x7DC] =	sst s5  }
0x60: {  	s22 =	sadd.s32 s0, s20;
	[smem:$0x7DF] =	sst s9  }
0x61: {  	s21 =	sadd.s32 $0x3000, s17;
	s4 =	sadd.s32 s24, s20;
	[smem:$0x7E0] =	sst s22  }
0x62: {  	s3 =	sadd.s32 s25, s21;
	[smem:$0x7E8] =	sst s4  }
0x63: {  	s7 =	sadd.s32 s17, s0;
	[smem:$0x7DD] =	sst s3  }
0x64: {  	s23 =	sshrl.u32 s1, $0x3;
	s0 =	sadd.s32 s0, s21;
	[smem:$0x7DE] =	sst s7  }
0x65: {  	s25 =	sadd.s32 s17, s23;
	[smem:$0x7E1] =	sst s0  }
0x66: {  	s26 =	sadd.s32 s23, s18;
	[smem:$0x7E2] =	sst s25  }
0x67: {  	s31 =	sadd.s32 s23, s20;
	[smem:$0x7E3] =	sst s26  }
0x68: {  	s5 =	sadd.s32 s24, s21;
	[smem:$0x7E4] =	sst s31  }
0x69: {  	s0 =	sadd.s32 s23, s21;
	[smem:$0x7E9] =	sst s5  }
0x6a: {  	s3 =	sadd.s32 s24, s18;
	s7 =	sshrl.u32 s6, $0x3;
	[smem:$0x7E5] =	sst s0  }
0x6b: {  	[smem:$0x7E7] =	sst s3;
	s9 =	sadd.s32 s17, s7  }
0x6c: {  	s22 =	sadd.s32 s7, s18;
	[smem:$0x7EA] =	sst s9  }
0x6d: {  	s19 =	smax.u32 s19, $0x1;
	s23 =	sadd.s32 s7, s20;
	[smem:$0x7EB] =	sst s22  }
0x6e: {  	s24 =	sshrl.u32 s8, $0x3;
	s0 =	sadd.s32 s7, s21;
	[smem:$0x7EC] =	sst s23  }
0x6f: {  	s13 =	sshrl.u32 s13, $0x3;
	s26 =	sadd.s32 s17, s24;
	[smem:$0x7ED] =	sst s0  }
0x70: {  	s14 =	sshrl.u32 s14, $0x3;
	s31 =	sadd.s32 s24, s18;
	[smem:$0x7EE] =	sst s26  }
0x71: {  	s25 =	sshrl.u32 s10, $0x3;
	s3 =	sadd.s32 s24, s20;
	[smem:$0x7EF] =	sst s31  }
0x72: {  	s30 =	simm.s32 $0x0;
	s4 =	sadd.s32 s17, s25;
	[smem:$0x7F0] =	sst s3  }
0x73: {  	s29 =	simm.s32 $0x4;
	s5 =	sadd.s32 s25, s18;
	[smem:$0x7F2] =	sst s4  }
0x74: {  	s8 =	sshrl.u32 s11, $0x3;
	s6 =	sadd.s32 s25, s20;
	[smem:$0x7F3] =	sst s5  }
0x75: {  	s7 =	sadd.s32 s25, s21;
	s10 =	sadd.s32 s8, s18;
	[smem:$0x7F4] =	sst s6  }
0x76: {  	s11 =	sadd.s32 s8, s20;
	s25 =	sshrl.u32 s15, $0x3;
	[smem:$0x7F5] =	sst s7  }
0x77: {  	s0 =	sadd.s32 s24, s21;
	s9 =	sadd.s32 s17, s8;
	[smem:$0x7F7] =	sst s10  }
0x78: {  	[smem:$0x7F8] =	sst s11;
	s22 =	sadd.s32 s17, s13;
	s23 =	sadd.s32 s13, s18  }
0x79: {  	s24 =	sadd.s32 s13, s20;
	s3 =	sadd.s32 s17, s14;
	[smem:$0x7F1] =	sst s0  }
0x7a: {  	s4 =	sadd.s32 s14, s18;
	s5 =	sadd.s32 s14, s20;
	[smem:$0x7F6] =	sst s9  }
0x7b: {  	s6 =	sadd.s32 s14, s21;
	s7 =	sadd.s32 s17, s25;
	[smem:$0x7FA] =	sst s22  }
0x7c: {  	s10 =	sadd.s32 s25, s21;
	s26 =	sshrl.u32 s16, $0x3;
	[smem:$0x7FB] =	sst s23  }
0x7d: {  	s31 =	sshrl.u32 s12, $0x3;
	s0 =	sadd.s32 s8, s21;
	[smem:$0x7FC] =	sst s24  }
0x7e: {  	s8 =	sadd.s32 s25, s18;
	s9 =	sadd.s32 s25, s20;
	s11 =	sadd.s32 s17, s26  }
0x7f: {  	s12 =	sadd.s32 s26, s18;
	s14 =	sadd.s32 s26, s21;
	s15 =	sadd.s32 s17, s31  }
0x80: {  	s16 =	sadd.s32 s31, s18;
	s17 =	sadd.s32 s31, s20;
	s18 =	sadd.s32 s31, s21  }
0x81: {  	s22 =	simm.s32 $0x2;
	s23 =	simm.s32 $0x1;
	s24 =	simm.s32 $0x1C700  }
0x82: {  	s25 =	simm.s32 $0x1D700;
	[smem:$0x7F9] =	sst s0;
	s0 =	sadd.s32 s13, s21  }
0x83: {  	s13 =	sadd.s32 s26, s20;
	s20 =	simm.s32 $0x80;
	[smem:$0x7FD] =	sst s0  }
0x84: {  	s21 =	simm.s32 $0x400;
	s26 =	simm.s32 $0x3;
	_ =	strace $0x80000047  }
.LBB2_1:
0x85: {  	s0 =	rddreg [dreg:$0x10]  }
0x86: {  	[tilespmem:s28], [sflag:$0x1] =	stream.strided.gather [hbm4b:s0+s20], $0x18700, s21, s20, $0x38;
	[tilespmem:$0x1E700] =	vst v63  }
0x87: {  	s2 =	rddreg [dreg:$0xf];
	s1 =	simm.s32 $0x18700  }
0x88: {  	[tilespmem:s1], [sflag:$0x2] =	stream.strided.gather [hbm4b:s2+s20], $0x4000, s21, s20, $0x38;
	[tilespmem:$0x1E700] =	vst v63  }
0x89: {  	_ =	swait.ge [sflag:s22], $0x4000  }
0x8a: {  	[sflag:s22] =	ssyncset.done $0x0  }
0x8b: {  	[sflag:s22] =	ssyncadd.s32 $0xFFFFC000  }
0x8c: {  	_ =	swait.ge [sflag:s23], $0x18700  }
0x8d: {  	[sflag:s23] =	ssyncset.done $0x0  }
0x8e: {  	s2 =	simm.s32 $0x18740;
	[sflag:s23] =	ssyncadd.s32 $0xFFFE7900  }
0x8f: {  	v0 =	vld [tilespmem:s2+$0x30]  }
0x90: {  	v1 =	vld [tilespmem:s2+$0xFFFFFFD0]  }
0x91: {  	v2 =	vld [tilespmem:s2+$0xFFFFFFE0]  }
0x92: {  	v3 =	vld [tilespmem:s2+$0xFFFFFFF0]  }
0x93: {  	v4 =	vld [tilespmem:s2+$0x0]  }
0x94: {  	v6 =	vld [tilespmem:s2+$0x10]  }
0x95: {  	v7 =	vld [tilespmem:s2+$0x20]  }
0x96: {  	v8 =	vld [tilespmem:s2+$0xFFFFFFC0]  }
0x97: {  	v9 =	vld.idx.msk [tilespmem:v0+s28+$0x0], $0xffff  }
0x98: {  	v10 =	vld.idx.msk [tilespmem:v1+s28+$0x0], $0xffff  }
0x99: {  	v5 =	vld.idx.msk [tilespmem:v2+s28+$0x0], $0xffff  }
0x9a: {  	v3 =	vld.idx.msk [tilespmem:v3+s28+$0x0], $0xffff  }
0x9b: {  	v0 =	vld.idx.msk [tilespmem:v4+s28+$0x0], $0xffff  }
0x9c: {  	s31 =	simm.s32 $0x1C740;
	v1 =	vld.idx.msk [tilespmem:v6+s28+$0x0], $0xffff  }
0x9d: {  	v2 =	vld.idx.msk [tilespmem:v7+s28+$0x0], $0xffff;
	[tilespmem:s31+$0x30] =	vst v9  }
0x9e: {  	s0 =	simm.s32 $0x0;
	s1 =	simm.s32 $0x187C0;
	v4 =	vld.idx.msk [tilespmem:v8+s28+$0x0], $0xffff;
	[tilespmem:s31+$0xFFFFFFD0] =	vst v10  }
.LBB2_2:
0x9f: {  	v6 =	vld [tilespmem:s1+$0x30];
	s0 =	sadd.s32 $0x8, s0;
	[tilespmem:s31+$0xFFFFFFE0] =	vst v5  }
0xa0: {  	v5 =	vld [tilespmem:s1+$0xFFFFFFD0];
	p5 =	slt.u32 s0, $0xF8;
	[tilespmem:s31+$0xFFFFFFF0] =	vst v3  }
0xa1: {  	v3 =	vld [tilespmem:s1+$0xFFFFFFE0];
	[tilespmem:s31+$0x0] =	vst v0  }
0xa2: {  	v0 =	vld [tilespmem:s1+$0xFFFFFFF0];
	[tilespmem:s31+$0x10] =	vst v1  }
0xa3: {  	v1 =	vld [tilespmem:s1+$0x0];
	[tilespmem:s31+$0x20] =	vst v2  }
0xa4: {  	v2 =	vld [tilespmem:s1+$0x10];
	[tilespmem:s31+$0xFFFFFFC0] =	vst v4  }
0xa5: {  	v4 =	vld [tilespmem:s1+$0x20]  }
0xa6: {  	v7 =	vld [tilespmem:s1+$0xFFFFFFC0]  }
0xa7: {  	v6 =	vld.idx.msk [tilespmem:v6+s28+$0x0], $0xffff  }
0xa8: {  	v8 =	vld.idx.msk [tilespmem:v5+s28+$0x0], $0xffff  }
0xa9: {  	v5 =	vld.idx.msk [tilespmem:v3+s28+$0x0], $0xffff  }
.Ltmp0:
0xaa: {  	v3 =	vld.idx.msk [tilespmem:v0+s28+$0x0], $0xffff;
	(pc) =	sbr.rel @p5 .LBB2_2-.Ltmp0, $4  }
0xab: {  	v0 =	vld.idx.msk [tilespmem:v1+s28+$0x0], $0xffff  }
0xac: {  	s31 =	sadd.s32 $0x80, s31;
	v1 =	vld.idx.msk [tilespmem:v2+s28+$0x0], $0xffff  }
0xad: {  	v2 =	vld.idx.msk [tilespmem:v4+s28+$0x0], $0xffff;
	[tilespmem:s31+$0x30] =	vst v6  }
0xae: {  	s1 =	sadd.s32 $0x80, s1;
	v4 =	vld.idx.msk [tilespmem:v7+s28+$0x0], $0xffff;
	[tilespmem:s31+$0xFFFFFFD0] =	vst v8  }
0xaf: {  	[tilespmem:s31+$0xFFFFFFE0] =	vst v5  }
0xb0: {  	[tilespmem:s31+$0xFFFFFFF0] =	vst v3  }
0xb1: {  	[tilespmem:s31+$0x0] =	vst v0  }
0xb2: {  	[tilespmem:s31+$0x10] =	vst v1  }
0xb3: {  	[tilespmem:s31+$0x20] =	vst v2  }
0xb4: {  	[tilespmem:s31+$0xFFFFFFC0] =	vst v4  }
0xb5: {  	s2 =	simm.s32 $0x19770;
	s0 =	rddreg [dreg:$0x1e]  }
0xb6: {  	[hbm4b:s0+s20] =	stream.strided.scatter [tilespmem:s24], [sflag:$0x3], $0x1000, s21, s20, $0x38;
	[tilespmem:$0x1E700] =	vst v63  }
0xb7: {  	v0 =	vld [tilespmem:s2+$0x0]  }
0xb8: {  	v1 =	vld [tilespmem:s2+$0xFFFFFFA0]  }
0xb9: {  	v2 =	vld [tilespmem:s2+$0xFFFFFFB0]  }
0xba: {  	v3 =	vld [tilespmem:s2+$0xFFFFFFC0]  }
0xbb: {  	v4 =	vld [tilespmem:s2+$0xFFFFFFD0]  }
0xbc: {  	v6 =	vld [tilespmem:s2+$0xFFFFFFE0]  }
0xbd: {  	v7 =	vld [tilespmem:s2+$0xFFFFFFF0]  }
0xbe: {  	v8 =	vld [tilespmem:s2+$0xFFFFFF90]  }
0xbf: {  	v9 =	vld.idx.msk [tilespmem:v0+s28+$0x0], $0xffff  }
0xc0: {  	v10 =	vld.idx.msk [tilespmem:v1+s28+$0x0], $0xffff  }
0xc1: {  	v5 =	vld.idx.msk [tilespmem:v2+s28+$0x0], $0xffff  }
0xc2: {  	v3 =	vld.idx.msk [tilespmem:v3+s28+$0x0], $0xffff  }
0xc3: {  	v0 =	vld.idx.msk [tilespmem:v4+s28+$0x0], $0xffff  }
0xc4: {  	s31 =	simm.s32 $0x1D740;
	v1 =	vld.idx.msk [tilespmem:v6+s28+$0x0], $0xffff  }
0xc5: {  	v2 =	vld.idx.msk [tilespmem:v7+s28+$0x0], $0xffff;
	[tilespmem:s31+$0x30] =	vst v9  }
0xc6: {  	s1 =	simm.s32 $0x197F0;
	s0 =	simm.s32 $0x0;
	v4 =	vld.idx.msk [tilespmem:v8+s28+$0x0], $0xffff;
	[tilespmem:s31+$0xFFFFFFD0] =	vst v10  }
.LBB2_4:
0xc7: {  	v6 =	vld [tilespmem:s1+$0x0];
	s0 =	sadd.s32 $0x8, s0;
	[tilespmem:s31+$0xFFFFFFE0] =	vst v5  }
0xc8: {  	v5 =	vld [tilespmem:s1+$0xFFFFFFA0];
	p5 =	slt.u32 s0, $0xF8;
	[tilespmem:s31+$0xFFFFFFF0] =	vst v3  }
0xc9: {  	v3 =	vld [tilespmem:s1+$0xFFFFFFB0];
	[tilespmem:s31+$0x0] =	vst v0  }
0xca: {  	v0 =	vld [tilespmem:s1+$0xFFFFFFC0];
	[tilespmem:s31+$0x10] =	vst v1  }
0xcb: {  	v1 =	vld [tilespmem:s1+$0xFFFFFFD0];
	[tilespmem:s31+$0x20] =	vst v2  }
0xcc: {  	v2 =	vld [tilespmem:s1+$0xFFFFFFE0];
	[tilespmem:s31+$0xFFFFFFC0] =	vst v4  }
0xcd: {  	v4 =	vld [tilespmem:s1+$0xFFFFFFF0]  }
0xce: {  	v7 =	vld [tilespmem:s1+$0xFFFFFF90]  }
0xcf: {  	v6 =	vld.idx.msk [tilespmem:v6+s28+$0x0], $0xffff  }
0xd0: {  	v8 =	vld.idx.msk [tilespmem:v5+s28+$0x0], $0xffff  }
0xd1: {  	v5 =	vld.idx.msk [tilespmem:v3+s28+$0x0], $0xffff  }
.Ltmp1:
0xd2: {  	v3 =	vld.idx.msk [tilespmem:v0+s28+$0x0], $0xffff;
	(pc) =	sbr.rel @p5 .LBB2_4-.Ltmp1, $4  }
0xd3: {  	v0 =	vld.idx.msk [tilespmem:v1+s28+$0x0], $0xffff  }
0xd4: {  	s31 =	sadd.s32 $0x80, s31;
	v1 =	vld.idx.msk [tilespmem:v2+s28+$0x0], $0xffff  }
0xd5: {  	v2 =	vld.idx.msk [tilespmem:v4+s28+$0x0], $0xffff;
	[tilespmem:s31+$0x30] =	vst v6  }
0xd6: {  	s1 =	sadd.s32 $0x80, s1;
	v4 =	vld.idx.msk [tilespmem:v7+s28+$0x0], $0xffff;
	[tilespmem:s31+$0xFFFFFFD0] =	vst v8  }
0xd7: {  	[tilespmem:s31+$0xFFFFFFE0] =	vst v5  }
0xd8: {  	[tilespmem:s31+$0xFFFFFFF0] =	vst v3  }
0xd9: {  	[tilespmem:s31+$0x0] =	vst v0  }
0xda: {  	[tilespmem:s31+$0x10] =	vst v1  }
0xdb: {  	[tilespmem:s31+$0x20] =	vst v2  }
0xdc: {  	[tilespmem:s31+$0xFFFFFFC0] =	vst v4  }
0xdd: {  	s0 =	rddreg [dreg:$0x1f]  }
0xde: {  	[hbm4b:s0+s20] =	stream.strided.scatter [tilespmem:s25], [sflag:$0x4], $0x1000, s21, s20, $0x38;
	[tilespmem:$0x1E700] =	vst v63  }
0xdf: {  	_ =	swait.ge [sflag:s26], $0x1000  }
0xe0: {  	[sflag:s26] =	ssyncset.done $0x0  }
0xe1: {  	s2 =	simm.s32 $0x1A770;
	[sflag:s26] =	ssyncadd.s32 $0xFFFFF000  }
0xe2: {  	v0 =	vld [tilespmem:s2+$0x0]  }
0xe3: {  	v1 =	vld [tilespmem:s2+$0xFFFFFFA0]  }
0xe4: {  	v2 =	vld [tilespmem:s2+$0xFFFFFFB0]  }
0xe5: {  	v3 =	vld [tilespmem:s2+$0xFFFFFFC0]  }
0xe6: {  	v4 =	vld [tilespmem:s2+$0xFFFFFFD0]  }
0xe7: {  	v6 =	vld [tilespmem:s2+$0xFFFFFFE0]  }
0xe8: {  	v7 =	vld [tilespmem:s2+$0xFFFFFFF0]  }
0xe9: {  	v8 =	vld [tilespmem:s2+$0xFFFFFF90]  }
0xea: {  	v9 =	vld.idx.msk [tilespmem:v0+s28+$0x0], $0xffff  }
0xeb: {  	v10 =	vld.idx.msk [tilespmem:v1+s28+$0x0], $0xffff  }
0xec: {  	v5 =	vld.idx.msk [tilespmem:v2+s28+$0x0], $0xffff  }
0xed: {  	v3 =	vld.idx.msk [tilespmem:v3+s28+$0x0], $0xffff  }
0xee: {  	v0 =	vld.idx.msk [tilespmem:v4+s28+$0x0], $0xffff  }
0xef: {  	s31 =	simm.s32 $0x1C740;
	v1 =	vld.idx.msk [tilespmem:v6+s28+$0x0], $0xffff  }
0xf0: {  	v2 =	vld.idx.msk [tilespmem:v7+s28+$0x0], $0xffff;
	[tilespmem:s31+$0x30] =	vst v9  }
0xf1: {  	s1 =	simm.s32 $0x1A7F0;
	s0 =	simm.s32 $0x0;
	v4 =	vld.idx.msk [tilespmem:v8+s28+$0x0], $0xffff;
	[tilespmem:s31+$0xFFFFFFD0] =	vst v10  }
.LBB2_6:
0xf2: {  	v6 =	vld [tilespmem:s1+$0x0];
	s0 =	sadd.s32 $0x8, s0;
	[tilespmem:s31+$0xFFFFFFE0] =	vst v5  }
0xf3: {  	v5 =	vld [tilespmem:s1+$0xFFFFFFA0];
	p5 =	slt.u32 s0, $0xF8;
	[tilespmem:s31+$0xFFFFFFF0] =	vst v3  }
0xf4: {  	v3 =	vld [tilespmem:s1+$0xFFFFFFB0];
	[tilespmem:s31+$0x0] =	vst v0  }
0xf5: {  	v0 =	vld [tilespmem:s1+$0xFFFFFFC0];
	[tilespmem:s31+$0x10] =	vst v1  }
0xf6: {  	v1 =	vld [tilespmem:s1+$0xFFFFFFD0];
	[tilespmem:s31+$0x20] =	vst v2  }
0xf7: {  	v2 =	vld [tilespmem:s1+$0xFFFFFFE0];
	[tilespmem:s31+$0xFFFFFFC0] =	vst v4  }
0xf8: {  	v4 =	vld [tilespmem:s1+$0xFFFFFFF0]  }
0xf9: {  	v7 =	vld [tilespmem:s1+$0xFFFFFF90]  }
0xfa: {  	v6 =	vld.idx.msk [tilespmem:v6+s28+$0x0], $0xffff  }
0xfb: {  	v8 =	vld.idx.msk [tilespmem:v5+s28+$0x0], $0xffff  }
0xfc: {  	v5 =	vld.idx.msk [tilespmem:v3+s28+$0x0], $0xffff  }
.Ltmp2:
0xfd: {  	v3 =	vld.idx.msk [tilespmem:v0+s28+$0x0], $0xffff;
	(pc) =	sbr.rel @p5 .LBB2_6-.Ltmp2, $4  }
0xfe: {  	v0 =	vld.idx.msk [tilespmem:v1+s28+$0x0], $0xffff  }
0xff: {  	s31 =	sadd.s32 $0x80, s31;
	v1 =	vld.idx.msk [tilespmem:v2+s28+$0x0], $0xffff  }
0x100: {  	v2 =	vld.idx.msk [tilespmem:v4+s28+$0x0], $0xffff;
	[tilespmem:s31+$0x30] =	vst v6  }
0x101: {  	s1 =	sadd.s32 $0x80, s1;
	v4 =	vld.idx.msk [tilespmem:v7+s28+$0x0], $0xffff;
	[tilespmem:s31+$0xFFFFFFD0] =	vst v8  }
0x102: {  	[tilespmem:s31+$0xFFFFFFE0] =	vst v5  }
0x103: {  	[tilespmem:s31+$0xFFFFFFF0] =	vst v3  }
0x104: {  	[tilespmem:s31+$0x0] =	vst v0  }
0x105: {  	[tilespmem:s31+$0x10] =	vst v1  }
0x106: {  	[tilespmem:s31+$0x20] =	vst v2  }
0x107: {  	[tilespmem:s31+$0xFFFFFFC0] =	vst v4  }
0x108: {  	s0 =	sld [smem:$0x7DC];
	_ =	sdelay $0x2  }
0x109: {  	[hbm4b:s0+s20] =	stream.strided.scatter [tilespmem:s24], [sflag:$0x3], $0x1000, s21, s20, $0x38;
	[tilespmem:$0x1E700] =	vst v63  }
0x10a: {  	_ =	swait.ge [sflag:s29], $0x1000  }
0x10b: {  	[sflag:s29] =	ssyncset.done $0x0  }
0x10c: {  	s2 =	simm.s32 $0x1B770;
	[sflag:s29] =	ssyncadd.s32 $0xFFFFF000  }
0x10d: {  	v0 =	vld [tilespmem:s2+$0x0]  }
0x10e: {  	v1 =	vld [tilespmem:s2+$0xFFFFFFA0]  }
0x10f: {  	v2 =	vld [tilespmem:s2+$0xFFFFFFB0]  }
0x110: {  	v3 =	vld [tilespmem:s2+$0xFFFFFFC0]  }
0x111: {  	v4 =	vld [tilespmem:s2+$0xFFFFFFD0]  }
0x112: {  	v6 =	vld [tilespmem:s2+$0xFFFFFFE0]  }
0x113: {  	v7 =	vld [tilespmem:s2+$0xFFFFFFF0]  }
0x114: {  	v8 =	vld [tilespmem:s2+$0xFFFFFF90]  }
0x115: {  	v9 =	vld.idx.msk [tilespmem:v0+s28+$0x0], $0xffff  }
0x116: {  	v10 =	vld.idx.msk [tilespmem:v1+s28+$0x0], $0xffff  }
0x117: {  	v5 =	vld.idx.msk [tilespmem:v2+s28+$0x0], $0xffff  }
0x118: {  	v3 =	vld.idx.msk [tilespmem:v3+s28+$0x0], $0xffff  }
0x119: {  	v0 =	vld.idx.msk [tilespmem:v4+s28+$0x0], $0xffff  }
0x11a: {  	s31 =	simm.s32 $0x1D740;
	v1 =	vld.idx.msk [tilespmem:v6+s28+$0x0], $0xffff  }
0x11b: {  	v2 =	vld.idx.msk [tilespmem:v7+s28+$0x0], $0xffff;
	[tilespmem:s31+$0x30] =	vst v9  }
0x11c: {  	s1 =	simm.s32 $0x1B7F0;
	s0 =	simm.s32 $0x0;
	v4 =	vld.idx.msk [tilespmem:v8+s28+$0x0], $0xffff;
	[tilespmem:s31+$0xFFFFFFD0] =	vst v10  }
.LBB2_8:
0x11d: {  	v6 =	vld [tilespmem:s1+$0x0];
	s0 =	sadd.s32 $0x8, s0;
	[tilespmem:s31+$0xFFFFFFE0] =	vst v5  }
0x11e: {  	v5 =	vld [tilespmem:s1+$0xFFFFFFA0];
	p5 =	slt.u32 s0, $0xF8;
	[tilespmem:s31+$0xFFFFFFF0] =	vst v3  }
0x11f: {  	v3 =	vld [tilespmem:s1+$0xFFFFFFB0];
	[tilespmem:s31+$0x0] =	vst v0  }
0x120: {  	v0 =	vld [tilespmem:s1+$0xFFFFFFC0];
	[tilespmem:s31+$0x10] =	vst v1  }
0x121: {  	v1 =	vld [tilespmem:s1+$0xFFFFFFD0];
	[tilespmem:s31+$0x20] =	vst v2  }
0x122: {  	v2 =	vld [tilespmem:s1+$0xFFFFFFE0];
	[tilespmem:s31+$0xFFFFFFC0] =	vst v4  }
0x123: {  	v4 =	vld [tilespmem:s1+$0xFFFFFFF0]  }
0x124: {  	v7 =	vld [tilespmem:s1+$0xFFFFFF90]  }
0x125: {  	v6 =	vld.idx.msk [tilespmem:v6+s28+$0x0], $0xffff  }
0x126: {  	v8 =	vld.idx.msk [tilespmem:v5+s28+$0x0], $0xffff  }
0x127: {  	v5 =	vld.idx.msk [tilespmem:v3+s28+$0x0], $0xffff  }
.Ltmp3:
0x128: {  	v3 =	vld.idx.msk [tilespmem:v0+s28+$0x0], $0xffff;
	(pc) =	sbr.rel @p5 .LBB2_8-.Ltmp3, $4  }
0x129: {  	v0 =	vld.idx.msk [tilespmem:v1+s28+$0x0], $0xffff  }
0x12a: {  	s31 =	sadd.s32 $0x80, s31;
	v1 =	vld.idx.msk [tilespmem:v2+s28+$0x0], $0xffff  }
0x12b: {  	v2 =	vld.idx.msk [tilespmem:v4+s28+$0x0], $0xffff;
	[tilespmem:s31+$0x30] =	vst v6  }
0x12c: {  	s1 =	sadd.s32 $0x80, s1;
	v4 =	vld.idx.msk [tilespmem:v7+s28+$0x0], $0xffff;
	[tilespmem:s31+$0xFFFFFFD0] =	vst v8  }
0x12d: {  	[tilespmem:s31+$0xFFFFFFE0] =	vst v5  }
0x12e: {  	[tilespmem:s31+$0xFFFFFFF0] =	vst v3  }
0x12f: {  	[tilespmem:s31+$0x0] =	vst v0  }
0x130: {  	[tilespmem:s31+$0x10] =	vst v1  }
0x131: {  	[tilespmem:s31+$0x20] =	vst v2  }
0x132: {  	[tilespmem:s31+$0xFFFFFFC0] =	vst v4  }
0x133: {  	s0 =	sld [smem:$0x7DD]  }
0x134: {  	s1 =	sld [smem:$0x7D6];
	_ =	sdelay $0x1  }
0x135: {  	[hbm4b:s0+s20] =	stream.strided.scatter [tilespmem:s25], [sflag:$0x4], $0x1000, s21, s20, $0x38;
	[tilespmem:$0x1E700] =	vst v63  }
0x136: {  	p5 =	seq.s32 s1, $0x1  }
0x137: {  	s2 =	rddreg [dreg:$0x11];
	s0 =	simm.s32 @!p5 $0x80  }
0x138: {  	[tilespmem:s28], [sflag:$0x1] =	stream.strided.gather [hbm4b:s2+s20], $0x18700, s21, s20, $0x38;
	[tilespmem:$0x1E700] =	vst v63  }
0x139: {  	s1 =	simm.s32 @!p5 $0x400;
	s31 =	simm.s32 @!p5 $0x18700;
	s2 =	rddreg [dreg:$0x4]  }
0x13a: {  	[tilespmem:s31], [sflag:$0x2] =	stream.strided.gather @!p5 [hbm4b:s2+s0], $0x4000, s1, s0, $0x38;
	[tilespmem:$0x1E700] =	vst v63  }
0x13b: {  	s0 =	simm.s32 @!p5 $0x2  }
0x13c: {  	_ =	swait.ge @!p5 [sflag:s0], $0x4000  }
0x13d: {  	[sflag:s0] =	ssyncset.done @!p5 $0x0  }
0x13e: {  	[sflag:s0] =	ssyncadd.s32 @!p5 $0xFFFFC000  }
0x13f: {  	_ =	swait.ge [sflag:s23], $0x18700  }
0x140: {  	[sflag:s23] =	ssyncset.done $0x0  }
0x141: {  	[sflag:s23] =	ssyncadd.s32 $0xFFFE7900  }
0x142: {  	_ =	swait.ge [sflag:s26], $0x1000  }
0x143: {  	[sflag:s26] =	ssyncset.done $0x0  }
0x144: {  	s2 =	simm.s32 $0x18740;
	[sflag:s26] =	ssyncadd.s32 $0xFFFFF000  }
0x145: {  	v0 =	vld [tilespmem:s2+$0x30]  }
0x146: {  	v1 =	vld [tilespmem:s2+$0xFFFFFFD0]  }
0x147: {  	v2 =	vld [tilespmem:s2+$0xFFFFFFE0]  }
0x148: {  	v3 =	vld [tilespmem:s2+$0xFFFFFFF0]  }
0x149: {  	v4 =	vld [tilespmem:s2+$0x0]  }
0x14a: {  	v6 =	vld [tilespmem:s2+$0x10]  }
0x14b: {  	v7 =	vld [tilespmem:s2+$0x20]  }
0x14c: {  	v8 =	vld [tilespmem:s2+$0xFFFFFFC0]  }
0x14d: {  	v9 =	vld.idx.msk [tilespmem:v0+s28+$0x0], $0xffff  }
0x14e: {  	v10 =	vld.idx.msk [tilespmem:v1+s28+$0x0], $0xffff  }
0x14f: {  	v5 =	vld.idx.msk [tilespmem:v2+s28+$0x0], $0xffff  }
0x150: {  	v3 =	vld.idx.msk [tilespmem:v3+s28+$0x0], $0xffff  }
0x151: {  	v0 =	vld.idx.msk [tilespmem:v4+s28+$0x0], $0xffff  }
0x152: {  	s31 =	simm.s32 $0x1C740;
	v1 =	vld.idx.msk [tilespmem:v6+s28+$0x0], $0xffff  }
0x153: {  	v2 =	vld.idx.msk [tilespmem:v7+s28+$0x0], $0xffff;
	[tilespmem:s31+$0x30] =	vst v9  }
0x154: {  	s1 =	simm.s32 $0x187C0;
	s0 =	simm.s32 $0x0;
	v4 =	vld.idx.msk [tilespmem:v8+s28+$0x0], $0xffff;
	[tilespmem:s31+$0xFFFFFFD0] =	vst v10  }
.LBB2_10:
0x155: {  	v6 =	vld [tilespmem:s1+$0x30];
	s0 =	sadd.s32 $0x8, s0;
	[tilespmem:s31+$0xFFFFFFE0] =	vst v5  }
0x156: {  	v5 =	vld [tilespmem:s1+$0xFFFFFFD0];
	p5 =	slt.u32 s0, $0xF8;
	[tilespmem:s31+$0xFFFFFFF0] =	vst v3  }
0x157: {  	v3 =	vld [tilespmem:s1+$0xFFFFFFE0];
	[tilespmem:s31+$0x0] =	vst v0  }
0x158: {  	v0 =	vld [tilespmem:s1+$0xFFFFFFF0];
	[tilespmem:s31+$0x10] =	vst v1  }
0x159: {  	v1 =	vld [tilespmem:s1+$0x0];
	[tilespmem:s31+$0x20] =	vst v2  }
0x15a: {  	v2 =	vld [tilespmem:s1+$0x10];
	[tilespmem:s31+$0xFFFFFFC0] =	vst v4  }
0x15b: {  	v4 =	vld [tilespmem:s1+$0x20]  }
0x15c: {  	v7 =	vld [tilespmem:s1+$0xFFFFFFC0]  }
0x15d: {  	v6 =	vld.idx.msk [tilespmem:v6+s28+$0x0], $0xffff  }
0x15e: {  	v8 =	vld.idx.msk [tilespmem:v5+s28+$0x0], $0xffff  }
0x15f: {  	v5 =	vld.idx.msk [tilespmem:v3+s28+$0x0], $0xffff  }
.Ltmp4:
0x160: {  	v3 =	vld.idx.msk [tilespmem:v0+s28+$0x0], $0xffff;
	(pc) =	sbr.rel @p5 .LBB2_10-.Ltmp4, $4  }
0x161: {  	v0 =	vld.idx.msk [tilespmem:v1+s28+$0x0], $0xffff  }
0x162: {  	s31 =	sadd.s32 $0x80, s31;
	v1 =	vld.idx.msk [tilespmem:v2+s28+$0x0], $0xffff  }
0x163: {  	v2 =	vld.idx.msk [tilespmem:v4+s28+$0x0], $0xffff;
	[tilespmem:s31+$0x30] =	vst v6  }
0x164: {  	s1 =	sadd.s32 $0x80, s1;
	v4 =	vld.idx.msk [tilespmem:v7+s28+$0x0], $0xffff;
	[tilespmem:s31+$0xFFFFFFD0] =	vst v8  }
0x165: {  	[tilespmem:s31+$0xFFFFFFE0] =	vst v5  }
0x166: {  	[tilespmem:s31+$0xFFFFFFF0] =	vst v3  }
0x167: {  	[tilespmem:s31+$0x0] =	vst v0  }
0x168: {  	[tilespmem:s31+$0x10] =	vst v1  }
0x169: {  	[tilespmem:s31+$0x20] =	vst v2  }
0x16a: {  	[tilespmem:s31+$0xFFFFFFC0] =	vst v4  }
0x16b: {  	s0 =	sld [smem:$0x7DE];
	_ =	sdelay $0x2  }
0x16c: {  	[hbm4b:s0+s20] =	stream.strided.scatter [tilespmem:s24], [sflag:$0x3], $0x1000, s21, s20, $0x38;
	[tilespmem:$0x1E700] =	vst v63  }
0x16d: {  	_ =	swait.ge [sflag:s29], $0x1000  }
0x16e: {  	[sflag:s29] =	ssyncset.done $0x0  }
0x16f: {  	s2 =	simm.s32 $0x19770;
	[sflag:s29] =	ssyncadd.s32 $0xFFFFF000  }
0x170: {  	v0 =	vld [tilespmem:s2+$0x0]  }
0x171: {  	v1 =	vld [tilespmem:s2+$0xFFFFFFA0]  }
0x172: {  	v2 =	vld [tilespmem:s2+$0xFFFFFFB0]  }
0x173: {  	v3 =	vld [tilespmem:s2+$0xFFFFFFC0]  }
0x174: {  	v4 =	vld [tilespmem:s2+$0xFFFFFFD0]  }
0x175: {  	v6 =	vld [tilespmem:s2+$0xFFFFFFE0]  }
0x176: {  	v7 =	vld [tilespmem:s2+$0xFFFFFFF0]  }
0x177: {  	v8 =	vld [tilespmem:s2+$0xFFFFFF90]  }
0x178: {  	v9 =	vld.idx.msk [tilespmem:v0+s28+$0x0], $0xffff  }
0x179: {  	v10 =	vld.idx.msk [tilespmem:v1+s28+$0x0], $0xffff  }
0x17a: {  	v5 =	vld.idx.msk [tilespmem:v2+s28+$0x0], $0xffff  }
0x17b: {  	v3 =	vld.idx.msk [tilespmem:v3+s28+$0x0], $0xffff  }
0x17c: {  	v0 =	vld.idx.msk [tilespmem:v4+s28+$0x0], $0xffff  }
0x17d: {  	s31 =	simm.s32 $0x1D740;
	v1 =	vld.idx.msk [tilespmem:v6+s28+$0x0], $0xffff  }
0x17e: {  	v2 =	vld.idx.msk [tilespmem:v7+s28+$0x0], $0xffff;
	[tilespmem:s31+$0x30] =	vst v9  }
0x17f: {  	s1 =	simm.s32 $0x197F0;
	s0 =	simm.s32 $0x0;
	v4 =	vld.idx.msk [tilespmem:v8+s28+$0x0], $0xffff;
	[tilespmem:s31+$0xFFFFFFD0] =	vst v10  }
.LBB2_12:
0x180: {  	v6 =	vld [tilespmem:s1+$0x0];
	s0 =	sadd.s32 $0x8, s0;
	[tilespmem:s31+$0xFFFFFFE0] =	vst v5  }
0x181: {  	v5 =	vld [tilespmem:s1+$0xFFFFFFA0];
	p5 =	slt.u32 s0, $0xF8;
	[tilespmem:s31+$0xFFFFFFF0] =	vst v3  }
0x182: {  	v3 =	vld [tilespmem:s1+$0xFFFFFFB0];
	[tilespmem:s31+$0x0] =	vst v0  }
0x183: {  	v0 =	vld [tilespmem:s1+$0xFFFFFFC0];
	[tilespmem:s31+$0x10] =	vst v1  }
0x184: {  	v1 =	vld [tilespmem:s1+$0xFFFFFFD0];
	[tilespmem:s31+$0x20] =	vst v2  }
0x185: {  	v2 =	vld [tilespmem:s1+$0xFFFFFFE0];
	[tilespmem:s31+$0xFFFFFFC0] =	vst v4  }
0x186: {  	v4 =	vld [tilespmem:s1+$0xFFFFFFF0]  }
0x187: {  	v7 =	vld [tilespmem:s1+$0xFFFFFF90]  }
0x188: {  	v6 =	vld.idx.msk [tilespmem:v6+s28+$0x0], $0xffff  }
0x189: {  	v8 =	vld.idx.msk [tilespmem:v5+s28+$0x0], $0xffff  }
0x18a: {  	v5 =	vld.idx.msk [tilespmem:v3+s28+$0x0], $0xffff  }
.Ltmp5:
0x18b: {  	v3 =	vld.idx.msk [tilespmem:v0+s28+$0x0], $0xffff;
	(pc) =	sbr.rel @p5 .LBB2_12-.Ltmp5, $4  }
0x18c: {  	v0 =	vld.idx.msk [tilespmem:v1+s28+$0x0], $0xffff  }
0x18d: {  	s31 =	sadd.s32 $0x80, s31;
	v1 =	vld.idx.msk [tilespmem:v2+s28+$0x0], $0xffff  }
0x18e: {  	v2 =	vld.idx.msk [tilespmem:v4+s28+$0x0], $0xffff;
	[tilespmem:s31+$0x30] =	vst v6  }
0x18f: {  	s1 =	sadd.s32 $0x80, s1;
	v4 =	vld.idx.msk [tilespmem:v7+s28+$0x0], $0xffff;
	[tilespmem:s31+$0xFFFFFFD0] =	vst v8  }
0x190: {  	[tilespmem:s31+$0xFFFFFFE0] =	vst v5  }
0x191: {  	[tilespmem:s31+$0xFFFFFFF0] =	vst v3  }
0x192: {  	[tilespmem:s31+$0x0] =	vst v0  }
0x193: {  	[tilespmem:s31+$0x10] =	vst v1  }
0x194: {  	[tilespmem:s31+$0x20] =	vst v2  }
0x195: {  	[tilespmem:s31+$0xFFFFFFC0] =	vst v4  }
0x196: {  	s0 =	sld [smem:$0x7DF];
	_ =	sdelay $0x2  }
0x197: {  	[hbm4b:s0+s20] =	stream.strided.scatter [tilespmem:s25], [sflag:$0x4], $0x1000, s21, s20, $0x38;
	[tilespmem:$0x1E700] =	vst v63  }
0x198: {  	_ =	swait.ge [sflag:s26], $0x1000  }
0x199: {  	[sflag:s26] =	ssyncset.done $0x0  }
0x19a: {  	s2 =	simm.s32 $0x1A770;
	[sflag:s26] =	ssyncadd.s32 $0xFFFFF000  }
0x19b: {  	v0 =	vld [tilespmem:s2+$0x0]  }
0x19c: {  	v1 =	vld [tilespmem:s2+$0xFFFFFFA0]  }
0x19d: {  	v2 =	vld [tilespmem:s2+$0xFFFFFFB0]  }
0x19e: {  	v3 =	vld [tilespmem:s2+$0xFFFFFFC0]  }
0x19f: {  	v4 =	vld [tilespmem:s2+$0xFFFFFFD0]  }
0x1a0: {  	v6 =	vld [tilespmem:s2+$0xFFFFFFE0]  }
0x1a1: {  	v7 =	vld [tilespmem:s2+$0xFFFFFFF0]  }
0x1a2: {  	v8 =	vld [tilespmem:s2+$0xFFFFFF90]  }
0x1a3: {  	v9 =	vld.idx.msk [tilespmem:v0+s28+$0x0], $0xffff  }
0x1a4: {  	v10 =	vld.idx.msk [tilespmem:v1+s28+$0x0], $0xffff  }
0x1a5: {  	v5 =	vld.idx.msk [tilespmem:v2+s28+$0x0], $0xffff  }
0x1a6: {  	v3 =	vld.idx.msk [tilespmem:v3+s28+$0x0], $0xffff  }
0x1a7: {  	v0 =	vld.idx.msk [tilespmem:v4+s28+$0x0], $0xffff  }
0x1a8: {  	s31 =	simm.s32 $0x1C740;
	v1 =	vld.idx.msk [tilespmem:v6+s28+$0x0], $0xffff  }
0x1a9: {  	v2 =	vld.idx.msk [tilespmem:v7+s28+$0x0], $0xffff;
	[tilespmem:s31+$0x30] =	vst v9  }
0x1aa: {  	s1 =	simm.s32 $0x1A7F0;
	s0 =	simm.s32 $0x0;
	v4 =	vld.idx.msk [tilespmem:v8+s28+$0x0], $0xffff;
	[tilespmem:s31+$0xFFFFFFD0] =	vst v10  }
.LBB2_14:
0x1ab: {  	v6 =	vld [tilespmem:s1+$0x0];
	s0 =	sadd.s32 $0x8, s0;
	[tilespmem:s31+$0xFFFFFFE0] =	vst v5  }
0x1ac: {  	v5 =	vld [tilespmem:s1+$0xFFFFFFA0];
	p5 =	slt.u32 s0, $0xF8;
	[tilespmem:s31+$0xFFFFFFF0] =	vst v3  }
0x1ad: {  	v3 =	vld [tilespmem:s1+$0xFFFFFFB0];
	[tilespmem:s31+$0x0] =	vst v0  }
0x1ae: {  	v0 =	vld [tilespmem:s1+$0xFFFFFFC0];
	[tilespmem:s31+$0x10] =	vst v1  }
0x1af: {  	v1 =	vld [tilespmem:s1+$0xFFFFFFD0];
	[tilespmem:s31+$0x20] =	vst v2  }
0x1b0: {  	v2 =	vld [tilespmem:s1+$0xFFFFFFE0];
	[tilespmem:s31+$0xFFFFFFC0] =	vst v4  }
0x1b1: {  	v4 =	vld [tilespmem:s1+$0xFFFFFFF0]  }
0x1b2: {  	v7 =	vld [tilespmem:s1+$0xFFFFFF90]  }
0x1b3: {  	v6 =	vld.idx.msk [tilespmem:v6+s28+$0x0], $0xffff  }
0x1b4: {  	v8 =	vld.idx.msk [tilespmem:v5+s28+$0x0], $0xffff  }
0x1b5: {  	v5 =	vld.idx.msk [tilespmem:v3+s28+$0x0], $0xffff  }
.Ltmp6:
0x1b6: {  	v3 =	vld.idx.msk [tilespmem:v0+s28+$0x0], $0xffff;
	(pc) =	sbr.rel @p5 .LBB2_14-.Ltmp6, $4  }
0x1b7: {  	v0 =	vld.idx.msk [tilespmem:v1+s28+$0x0], $0xffff  }
0x1b8: {  	s31 =	sadd.s32 $0x80, s31;
	v1 =	vld.idx.msk [tilespmem:v2+s28+$0x0], $0xffff  }
0x1b9: {  	v2 =	vld.idx.msk [tilespmem:v4+s28+$0x0], $0xffff;
	[tilespmem:s31+$0x30] =	vst v6  }
0x1ba: {  	s1 =	sadd.s32 $0x80, s1;
	v4 =	vld.idx.msk [tilespmem:v7+s28+$0x0], $0xffff;
	[tilespmem:s31+$0xFFFFFFD0] =	vst v8  }
0x1bb: {  	[tilespmem:s31+$0xFFFFFFE0] =	vst v5  }
0x1bc: {  	[tilespmem:s31+$0xFFFFFFF0] =	vst v3  }
0x1bd: {  	[tilespmem:s31+$0x0] =	vst v0  }
0x1be: {  	[tilespmem:s31+$0x10] =	vst v1  }
0x1bf: {  	[tilespmem:s31+$0x20] =	vst v2  }
0x1c0: {  	[tilespmem:s31+$0xFFFFFFC0] =	vst v4  }
0x1c1: {  	s0 =	sld [smem:$0x7E0];
	_ =	sdelay $0x2  }
0x1c2: {  	[hbm4b:s0+s20] =	stream.strided.scatter [tilespmem:s24], [sflag:$0x3], $0x1000, s21, s20, $0x38;
	[tilespmem:$0x1E700] =	vst v63  }
0x1c3: {  	_ =	swait.ge [sflag:s29], $0x1000  }
0x1c4: {  	[sflag:s29] =	ssyncset.done $0x0  }
0x1c5: {  	s2 =	simm.s32 $0x1B770;
	[sflag:s29] =	ssyncadd.s32 $0xFFFFF000  }
0x1c6: {  	v0 =	vld [tilespmem:s2+$0x0]  }
0x1c7: {  	v1 =	vld [tilespmem:s2+$0xFFFFFFA0]  }
0x1c8: {  	v2 =	vld [tilespmem:s2+$0xFFFFFFB0]  }
0x1c9: {  	v3 =	vld [tilespmem:s2+$0xFFFFFFC0]  }
0x1ca: {  	v4 =	vld [tilespmem:s2+$0xFFFFFFD0]  }
0x1cb: {  	v6 =	vld [tilespmem:s2+$0xFFFFFFE0]  }
0x1cc: {  	v7 =	vld [tilespmem:s2+$0xFFFFFFF0]  }
0x1cd: {  	v8 =	vld [tilespmem:s2+$0xFFFFFF90]  }
0x1ce: {  	v9 =	vld.idx.msk [tilespmem:v0+s28+$0x0], $0xffff  }
0x1cf: {  	v10 =	vld.idx.msk [tilespmem:v1+s28+$0x0], $0xffff  }
0x1d0: {  	v5 =	vld.idx.msk [tilespmem:v2+s28+$0x0], $0xffff  }
0x1d1: {  	v3 =	vld.idx.msk [tilespmem:v3+s28+$0x0], $0xffff  }
0x1d2: {  	v0 =	vld.idx.msk [tilespmem:v4+s28+$0x0], $0xffff  }
0x1d3: {  	s31 =	simm.s32 $0x1D740;
	v1 =	vld.idx.msk [tilespmem:v6+s28+$0x0], $0xffff  }
0x1d4: {  	v2 =	vld.idx.msk [tilespmem:v7+s28+$0x0], $0xffff;
	[tilespmem:s31+$0x30] =	vst v9  }
0x1d5: {  	s1 =	simm.s32 $0x1B7F0;
	s0 =	simm.s32 $0x0;
	v4 =	vld.idx.msk [tilespmem:v8+s28+$0x0], $0xffff;
	[tilespmem:s31+$0xFFFFFFD0] =	vst v10  }
.LBB2_16:
0x1d6: {  	v6 =	vld [tilespmem:s1+$0x0];
	s0 =	sadd.s32 $0x8, s0;
	[tilespmem:s31+$0xFFFFFFE0] =	vst v5  }
0x1d7: {  	v5 =	vld [tilespmem:s1+$0xFFFFFFA0];
	p5 =	slt.u32 s0, $0xF8;
	[tilespmem:s31+$0xFFFFFFF0] =	vst v3  }
0x1d8: {  	v3 =	vld [tilespmem:s1+$0xFFFFFFB0];
	[tilespmem:s31+$0x0] =	vst v0  }
0x1d9: {  	v0 =	vld [tilespmem:s1+$0xFFFFFFC0];
	[tilespmem:s31+$0x10] =	vst v1  }
0x1da: {  	v1 =	vld [tilespmem:s1+$0xFFFFFFD0];
	[tilespmem:s31+$0x20] =	vst v2  }
0x1db: {  	v2 =	vld [tilespmem:s1+$0xFFFFFFE0];
	[tilespmem:s31+$0xFFFFFFC0] =	vst v4  }
0x1dc: {  	v4 =	vld [tilespmem:s1+$0xFFFFFFF0]  }
0x1dd: {  	v7 =	vld [tilespmem:s1+$0xFFFFFF90]  }
0x1de: {  	v6 =	vld.idx.msk [tilespmem:v6+s28+$0x0], $0xffff  }
0x1df: {  	v8 =	vld.idx.msk [tilespmem:v5+s28+$0x0], $0xffff  }
0x1e0: {  	v5 =	vld.idx.msk [tilespmem:v3+s28+$0x0], $0xffff  }
.Ltmp7:
0x1e1: {  	v3 =	vld.idx.msk [tilespmem:v0+s28+$0x0], $0xffff;
	(pc) =	sbr.rel @p5 .LBB2_16-.Ltmp7, $4  }
0x1e2: {  	v0 =	vld.idx.msk [tilespmem:v1+s28+$0x0], $0xffff  }
0x1e3: {  	s31 =	sadd.s32 $0x80, s31;
	v1 =	vld.idx.msk [tilespmem:v2+s28+$0x0], $0xffff  }
0x1e4: {  	v2 =	vld.idx.msk [tilespmem:v4+s28+$0x0], $0xffff;
	[tilespmem:s31+$0x30] =	vst v6  }
0x1e5: {  	s1 =	sadd.s32 $0x80, s1;
	v4 =	vld.idx.msk [tilespmem:v7+s28+$0x0], $0xffff;
	[tilespmem:s31+$0xFFFFFFD0] =	vst v8  }
0x1e6: {  	[tilespmem:s31+$0xFFFFFFE0] =	vst v5  }
0x1e7: {  	[tilespmem:s31+$0xFFFFFFF0] =	vst v3  }
0x1e8: {  	[tilespmem:s31+$0x0] =	vst v0  }
0x1e9: {  	[tilespmem:s31+$0x10] =	vst v1  }
0x1ea: {  	[tilespmem:s31+$0x20] =	vst v2  }
0x1eb: {  	[tilespmem:s31+$0xFFFFFFC0] =	vst v4  }
0x1ec: {  	s0 =	sld [smem:$0x7E1]  }
0x1ed: {  	s1 =	sld [smem:$0x7D7];
	_ =	sdelay $0x1  }
0x1ee: {  	[hbm4b:s0+s20] =	stream.strided.scatter [tilespmem:s25], [sflag:$0x4], $0x1000, s21, s20, $0x38;
	[tilespmem:$0x1E700] =	vst v63  }
0x1ef: {  	p5 =	seq.s32 s1, $0x1  }
0x1f0: {  	s2 =	rddreg [dreg:$0x12];
	s0 =	simm.s32 @!p5 $0x80  }
0x1f1: {  	[tilespmem:s28], [sflag:$0x1] =	stream.strided.gather [hbm4b:s2+s20], $0x18700, s21, s20, $0x38;
	[tilespmem:$0x1E700] =	vst v63  }
0x1f2: {  	s1 =	simm.s32 @!p5 $0x400;
	s31 =	simm.s32 @!p5 $0x18700;
	s2 =	rddreg [dreg:$0x5]  }
0x1f3: {  	[tilespmem:s31], [sflag:$0x2] =	stream.strided.gather @!p5 [hbm4b:s2+s0], $0x4000, s1, s0, $0x38;
	[tilespmem:$0x1E700] =	vst v63  }
0x1f4: {  	s0 =	simm.s32 @!p5 $0x2  }
0x1f5: {  	_ =	swait.ge @!p5 [sflag:s0], $0x4000  }
0x1f6: {  	[sflag:s0] =	ssyncset.done @!p5 $0x0  }
0x1f7: {  	[sflag:s0] =	ssyncadd.s32 @!p5 $0xFFFFC000  }
0x1f8: {  	_ =	swait.ge [sflag:s23], $0x18700  }
0x1f9: {  	[sflag:s23] =	ssyncset.done $0x0  }
0x1fa: {  	[sflag:s23] =	ssyncadd.s32 $0xFFFE7900  }
0x1fb: {  	_ =	swait.ge [sflag:s26], $0x1000  }
0x1fc: {  	[sflag:s26] =	ssyncset.done $0x0  }
0x1fd: {  	s2 =	simm.s32 $0x18740;
	[sflag:s26] =	ssyncadd.s32 $0xFFFFF000  }
0x1fe: {  	v0 =	vld [tilespmem:s2+$0x30]  }
0x1ff: {  	v1 =	vld [tilespmem:s2+$0xFFFFFFD0]  }
0x200: {  	v2 =	vld [tilespmem:s2+$0xFFFFFFE0]  }
0x201: {  	v3 =	vld [tilespmem:s2+$0xFFFFFFF0]  }
0x202: {  	v4 =	vld [tilespmem:s2+$0x0]  }
0x203: {  	v6 =	vld [tilespmem:s2+$0x10]  }
0x204: {  	v7 =	vld [tilespmem:s2+$0x20]  }
0x205: {  	v8 =	vld [tilespmem:s2+$0xFFFFFFC0]  }
0x206: {  	v9 =	vld.idx.msk [tilespmem:v0+s28+$0x0], $0xffff  }
0x207: {  	v10 =	vld.idx.msk [tilespmem:v1+s28+$0x0], $0xffff  }
0x208: {  	v5 =	vld.idx.msk [tilespmem:v2+s28+$0x0], $0xffff  }
0x209: {  	v3 =	vld.idx.msk [tilespmem:v3+s28+$0x0], $0xffff  }
0x20a: {  	v0 =	vld.idx.msk [tilespmem:v4+s28+$0x0], $0xffff  }
0x20b: {  	s31 =	simm.s32 $0x1C740;
	v1 =	vld.idx.msk [tilespmem:v6+s28+$0x0], $0xffff  }
0x20c: {  	v2 =	vld.idx.msk [tilespmem:v7+s28+$0x0], $0xffff;
	[tilespmem:s31+$0x30] =	vst v9  }
0x20d: {  	s1 =	simm.s32 $0x187C0;
	s0 =	simm.s32 $0x0;
	v4 =	vld.idx.msk [tilespmem:v8+s28+$0x0], $0xffff;
	[tilespmem:s31+$0xFFFFFFD0] =	vst v10  }
.LBB2_18:
0x20e: {  	v6 =	vld [tilespmem:s1+$0x30];
	s0 =	sadd.s32 $0x8, s0;
	[tilespmem:s31+$0xFFFFFFE0] =	vst v5  }
0x20f: {  	v5 =	vld [tilespmem:s1+$0xFFFFFFD0];
	p5 =	slt.u32 s0, $0xF8;
	[tilespmem:s31+$0xFFFFFFF0] =	vst v3  }
0x210: {  	v3 =	vld [tilespmem:s1+$0xFFFFFFE0];
	[tilespmem:s31+$0x0] =	vst v0  }
0x211: {  	v0 =	vld [tilespmem:s1+$0xFFFFFFF0];
	[tilespmem:s31+$0x10] =	vst v1  }
0x212: {  	v1 =	vld [tilespmem:s1+$0x0];
	[tilespmem:s31+$0x20] =	vst v2  }
0x213: {  	v2 =	vld [tilespmem:s1+$0x10];
	[tilespmem:s31+$0xFFFFFFC0] =	vst v4  }
0x214: {  	v4 =	vld [tilespmem:s1+$0x20]  }
0x215: {  	v7 =	vld [tilespmem:s1+$0xFFFFFFC0]  }
0x216: {  	v6 =	vld.idx.msk [tilespmem:v6+s28+$0x0], $0xffff  }
0x217: {  	v8 =	vld.idx.msk [tilespmem:v5+s28+$0x0], $0xffff  }
0x218: {  	v5 =	vld.idx.msk [tilespmem:v3+s28+$0x0], $0xffff  }
.Ltmp8:
0x219: {  	v3 =	vld.idx.msk [tilespmem:v0+s28+$0x0], $0xffff;
	(pc) =	sbr.rel @p5 .LBB2_18-.Ltmp8, $4  }
0x21a: {  	v0 =	vld.idx.msk [tilespmem:v1+s28+$0x0], $0xffff  }
0x21b: {  	s31 =	sadd.s32 $0x80, s31;
	v1 =	vld.idx.msk [tilespmem:v2+s28+$0x0], $0xffff  }
0x21c: {  	v2 =	vld.idx.msk [tilespmem:v4+s28+$0x0], $0xffff;
	[tilespmem:s31+$0x30] =	vst v6  }
0x21d: {  	s1 =	sadd.s32 $0x80, s1;
	v4 =	vld.idx.msk [tilespmem:v7+s28+$0x0], $0xffff;
	[tilespmem:s31+$0xFFFFFFD0] =	vst v8  }
0x21e: {  	[tilespmem:s31+$0xFFFFFFE0] =	vst v5  }
0x21f: {  	[tilespmem:s31+$0xFFFFFFF0] =	vst v3  }
0x220: {  	[tilespmem:s31+$0x0] =	vst v0  }
0x221: {  	[tilespmem:s31+$0x10] =	vst v1  }
0x222: {  	[tilespmem:s31+$0x20] =	vst v2  }
0x223: {  	[tilespmem:s31+$0xFFFFFFC0] =	vst v4  }
0x224: {  	s0 =	sld [smem:$0x7E2];
	_ =	sdelay $0x2  }
0x225: {  	[hbm4b:s0+s20] =	stream.strided.scatter [tilespmem:s24], [sflag:$0x3], $0x1000, s21, s20, $0x38;
	[tilespmem:$0x1E700] =	vst v63  }
0x226: {  	_ =	swait.ge [sflag:s29], $0x1000  }
0x227: {  	[sflag:s29] =	ssyncset.done $0x0  }
0x228: {  	s2 =	simm.s32 $0x19770;
	[sflag:s29] =	ssyncadd.s32 $0xFFFFF000  }
0x229: {  	v0 =	vld [tilespmem:s2+$0x0]  }
0x22a: {  	v1 =	vld [tilespmem:s2+$0xFFFFFFA0]  }
0x22b: {  	v2 =	vld [tilespmem:s2+$0xFFFFFFB0]  }
0x22c: {  	v3 =	vld [tilespmem:s2+$0xFFFFFFC0]  }
0x22d: {  	v4 =	vld [tilespmem:s2+$0xFFFFFFD0]  }
0x22e: {  	v6 =	vld [tilespmem:s2+$0xFFFFFFE0]  }
0x22f: {  	v7 =	vld [tilespmem:s2+$0xFFFFFFF0]  }
0x230: {  	v8 =	vld [tilespmem:s2+$0xFFFFFF90]  }
0x231: {  	v9 =	vld.idx.msk [tilespmem:v0+s28+$0x0], $0xffff  }
0x232: {  	v10 =	vld.idx.msk [tilespmem:v1+s28+$0x0], $0xffff  }
0x233: {  	v5 =	vld.idx.msk [tilespmem:v2+s28+$0x0], $0xffff  }
0x234: {  	v3 =	vld.idx.msk [tilespmem:v3+s28+$0x0], $0xffff  }
0x235: {  	v0 =	vld.idx.msk [tilespmem:v4+s28+$0x0], $0xffff  }
0x236: {  	s31 =	simm.s32 $0x1D740;
	v1 =	vld.idx.msk [tilespmem:v6+s28+$0x0], $0xffff  }
0x237: {  	v2 =	vld.idx.msk [tilespmem:v7+s28+$0x0], $0xffff;
	[tilespmem:s31+$0x30] =	vst v9  }
0x238: {  	s1 =	simm.s32 $0x197F0;
	s0 =	simm.s32 $0x0;
	v4 =	vld.idx.msk [tilespmem:v8+s28+$0x0], $0xffff;
	[tilespmem:s31+$0xFFFFFFD0] =	vst v10  }
.LBB2_20:
0x239: {  	v6 =	vld [tilespmem:s1+$0x0];
	s0 =	sadd.s32 $0x8, s0;
	[tilespmem:s31+$0xFFFFFFE0] =	vst v5  }
0x23a: {  	v5 =	vld [tilespmem:s1+$0xFFFFFFA0];
	p5 =	slt.u32 s0, $0xF8;
	[tilespmem:s31+$0xFFFFFFF0] =	vst v3  }
0x23b: {  	v3 =	vld [tilespmem:s1+$0xFFFFFFB0];
	[tilespmem:s31+$0x0] =	vst v0  }
0x23c: {  	v0 =	vld [tilespmem:s1+$0xFFFFFFC0];
	[tilespmem:s31+$0x10] =	vst v1  }
0x23d: {  	v1 =	vld [tilespmem:s1+$0xFFFFFFD0];
	[tilespmem:s31+$0x20] =	vst v2  }
0x23e: {  	v2 =	vld [tilespmem:s1+$0xFFFFFFE0];
	[tilespmem:s31+$0xFFFFFFC0] =	vst v4  }
0x23f: {  	v4 =	vld [tilespmem:s1+$0xFFFFFFF0]  }
0x240: {  	v7 =	vld [tilespmem:s1+$0xFFFFFF90]  }
0x241: {  	v6 =	vld.idx.msk [tilespmem:v6+s28+$0x0], $0xffff  }
0x242: {  	v8 =	vld.idx.msk [tilespmem:v5+s28+$0x0], $0xffff  }
0x243: {  	v5 =	vld.idx.msk [tilespmem:v3+s28+$0x0], $0xffff  }
.Ltmp9:
0x244: {  	v3 =	vld.idx.msk [tilespmem:v0+s28+$0x0], $0xffff;
	(pc) =	sbr.rel @p5 .LBB2_20-.Ltmp9, $4  }
0x245: {  	v0 =	vld.idx.msk [tilespmem:v1+s28+$0x0], $0xffff  }
0x246: {  	s31 =	sadd.s32 $0x80, s31;
	v1 =	vld.idx.msk [tilespmem:v2+s28+$0x0], $0xffff  }
0x247: {  	v2 =	vld.idx.msk [tilespmem:v4+s28+$0x0], $0xffff;
	[tilespmem:s31+$0x30] =	vst v6  }
0x248: {  	s1 =	sadd.s32 $0x80, s1;
	v4 =	vld.idx.msk [tilespmem:v7+s28+$0x0], $0xffff;
	[tilespmem:s31+$0xFFFFFFD0] =	vst v8  }
0x249: {  	[tilespmem:s31+$0xFFFFFFE0] =	vst v5  }
0x24a: {  	[tilespmem:s31+$0xFFFFFFF0] =	vst v3  }
0x24b: {  	[tilespmem:s31+$0x0] =	vst v0  }
0x24c: {  	[tilespmem:s31+$0x10] =	vst v1  }
0x24d: {  	[tilespmem:s31+$0x20] =	vst v2  }
0x24e: {  	[tilespmem:s31+$0xFFFFFFC0] =	vst v4  }
0x24f: {  	s0 =	sld [smem:$0x7E3];
	_ =	sdelay $0x2  }
0x250: {  	[hbm4b:s0+s20] =	stream.strided.scatter [tilespmem:s25], [sflag:$0x4], $0x1000, s21, s20, $0x38;
	[tilespmem:$0x1E700] =	vst v63  }
0x251: {  	_ =	swait.ge [sflag:s26], $0x1000  }
0x252: {  	[sflag:s26] =	ssyncset.done $0x0  }
0x253: {  	s2 =	simm.s32 $0x1A770;
	[sflag:s26] =	ssyncadd.s32 $0xFFFFF000  }
0x254: {  	v0 =	vld [tilespmem:s2+$0x0]  }
0x255: {  	v1 =	vld [tilespmem:s2+$0xFFFFFFA0]  }
0x256: {  	v2 =	vld [tilespmem:s2+$0xFFFFFFB0]  }
0x257: {  	v3 =	vld [tilespmem:s2+$0xFFFFFFC0]  }
0x258: {  	v4 =	vld [tilespmem:s2+$0xFFFFFFD0]  }
0x259: {  	v6 =	vld [tilespmem:s2+$0xFFFFFFE0]  }
0x25a: {  	v7 =	vld [tilespmem:s2+$0xFFFFFFF0]  }
0x25b: {  	v8 =	vld [tilespmem:s2+$0xFFFFFF90]  }
0x25c: {  	v9 =	vld.idx.msk [tilespmem:v0+s28+$0x0], $0xffff  }
0x25d: {  	v10 =	vld.idx.msk [tilespmem:v1+s28+$0x0], $0xffff  }
0x25e: {  	v5 =	vld.idx.msk [tilespmem:v2+s28+$0x0], $0xffff  }
0x25f: {  	v3 =	vld.idx.msk [tilespmem:v3+s28+$0x0], $0xffff  }
0x260: {  	v0 =	vld.idx.msk [tilespmem:v4+s28+$0x0], $0xffff  }
0x261: {  	s31 =	simm.s32 $0x1C740;
	v1 =	vld.idx.msk [tilespmem:v6+s28+$0x0], $0xffff  }
0x262: {  	v2 =	vld.idx.msk [tilespmem:v7+s28+$0x0], $0xffff;
	[tilespmem:s31+$0x30] =	vst v9  }
0x263: {  	s1 =	simm.s32 $0x1A7F0;
	s0 =	simm.s32 $0x0;
	v4 =	vld.idx.msk [tilespmem:v8+s28+$0x0], $0xffff;
	[tilespmem:s31+$0xFFFFFFD0] =	vst v10  }
.LBB2_22:
0x264: {  	v6 =	vld [tilespmem:s1+$0x0];
	s0 =	sadd.s32 $0x8, s0;
	[tilespmem:s31+$0xFFFFFFE0] =	vst v5  }
0x265: {  	v5 =	vld [tilespmem:s1+$0xFFFFFFA0];
	p5 =	slt.u32 s0, $0xF8;
	[tilespmem:s31+$0xFFFFFFF0] =	vst v3  }
0x266: {  	v3 =	vld [tilespmem:s1+$0xFFFFFFB0];
	[tilespmem:s31+$0x0] =	vst v0  }
0x267: {  	v0 =	vld [tilespmem:s1+$0xFFFFFFC0];
	[tilespmem:s31+$0x10] =	vst v1  }
0x268: {  	v1 =	vld [tilespmem:s1+$0xFFFFFFD0];
	[tilespmem:s31+$0x20] =	vst v2  }
0x269: {  	v2 =	vld [tilespmem:s1+$0xFFFFFFE0];
	[tilespmem:s31+$0xFFFFFFC0] =	vst v4  }
0x26a: {  	v4 =	vld [tilespmem:s1+$0xFFFFFFF0]  }
0x26b: {  	v7 =	vld [tilespmem:s1+$0xFFFFFF90]  }
0x26c: {  	v6 =	vld.idx.msk [tilespmem:v6+s28+$0x0], $0xffff  }
0x26d: {  	v8 =	vld.idx.msk [tilespmem:v5+s28+$0x0], $0xffff  }
0x26e: {  	v5 =	vld.idx.msk [tilespmem:v3+s28+$0x0], $0xffff  }
.Ltmp10:
0x26f: {  	v3 =	vld.idx.msk [tilespmem:v0+s28+$0x0], $0xffff;
	(pc) =	sbr.rel @p5 .LBB2_22-.Ltmp10, $4  }
0x270: {  	v0 =	vld.idx.msk [tilespmem:v1+s28+$0x0], $0xffff  }
0x271: {  	s31 =	sadd.s32 $0x80, s31;
	v1 =	vld.idx.msk [tilespmem:v2+s28+$0x0], $0xffff  }
0x272: {  	v2 =	vld.idx.msk [tilespmem:v4+s28+$0x0], $0xffff;
	[tilespmem:s31+$0x30] =	vst v6  }
0x273: {  	s1 =	sadd.s32 $0x80, s1;
	v4 =	vld.idx.msk [tilespmem:v7+s28+$0x0], $0xffff;
	[tilespmem:s31+$0xFFFFFFD0] =	vst v8  }
0x274: {  	[tilespmem:s31+$0xFFFFFFE0] =	vst v5  }
0x275: {  	[tilespmem:s31+$0xFFFFFFF0] =	vst v3  }
0x276: {  	[tilespmem:s31+$0x0] =	vst v0  }
0x277: {  	[tilespmem:s31+$0x10] =	vst v1  }
0x278: {  	[tilespmem:s31+$0x20] =	vst v2  }
0x279: {  	[tilespmem:s31+$0xFFFFFFC0] =	vst v4  }
0x27a: {  	s0 =	sld [smem:$0x7E4];
	_ =	sdelay $0x2  }
0x27b: {  	[hbm4b:s0+s20] =	stream.strided.scatter [tilespmem:s24], [sflag:$0x3], $0x1000, s21, s20, $0x38;
	[tilespmem:$0x1E700] =	vst v63  }
0x27c: {  	_ =	swait.ge [sflag:s29], $0x1000  }
0x27d: {  	[sflag:s29] =	ssyncset.done $0x0  }
0x27e: {  	s2 =	simm.s32 $0x1B770;
	[sflag:s29] =	ssyncadd.s32 $0xFFFFF000  }
0x27f: {  	v0 =	vld [tilespmem:s2+$0x0]  }
0x280: {  	v1 =	vld [tilespmem:s2+$0xFFFFFFA0]  }
0x281: {  	v2 =	vld [tilespmem:s2+$0xFFFFFFB0]  }
0x282: {  	v3 =	vld [tilespmem:s2+$0xFFFFFFC0]  }
0x283: {  	v4 =	vld [tilespmem:s2+$0xFFFFFFD0]  }
0x284: {  	v6 =	vld [tilespmem:s2+$0xFFFFFFE0]  }
0x285: {  	v7 =	vld [tilespmem:s2+$0xFFFFFFF0]  }
0x286: {  	v8 =	vld [tilespmem:s2+$0xFFFFFF90]  }
0x287: {  	v9 =	vld.idx.msk [tilespmem:v0+s28+$0x0], $0xffff  }
0x288: {  	v10 =	vld.idx.msk [tilespmem:v1+s28+$0x0], $0xffff  }
0x289: {  	v5 =	vld.idx.msk [tilespmem:v2+s28+$0x0], $0xffff  }
0x28a: {  	v3 =	vld.idx.msk [tilespmem:v3+s28+$0x0], $0xffff  }
0x28b: {  	v0 =	vld.idx.msk [tilespmem:v4+s28+$0x0], $0xffff  }
0x28c: {  	s31 =	simm.s32 $0x1D740;
	v1 =	vld.idx.msk [tilespmem:v6+s28+$0x0], $0xffff  }
0x28d: {  	v2 =	vld.idx.msk [tilespmem:v7+s28+$0x0], $0xffff;
	[tilespmem:s31+$0x30] =	vst v9  }
0x28e: {  	s1 =	simm.s32 $0x1B7F0;
	s0 =	simm.s32 $0x0;
	v4 =	vld.idx.msk [tilespmem:v8+s28+$0x0], $0xffff;
	[tilespmem:s31+$0xFFFFFFD0] =	vst v10  }
.LBB2_24:
0x28f: {  	v6 =	vld [tilespmem:s1+$0x0];
	s0 =	sadd.s32 $0x8, s0;
	[tilespmem:s31+$0xFFFFFFE0] =	vst v5  }
0x290: {  	v5 =	vld [tilespmem:s1+$0xFFFFFFA0];
	p5 =	slt.u32 s0, $0xF8;
	[tilespmem:s31+$0xFFFFFFF0] =	vst v3  }
0x291: {  	v3 =	vld [tilespmem:s1+$0xFFFFFFB0];
	[tilespmem:s31+$0x0] =	vst v0  }
0x292: {  	v0 =	vld [tilespmem:s1+$0xFFFFFFC0];
	[tilespmem:s31+$0x10] =	vst v1  }
0x293: {  	v1 =	vld [tilespmem:s1+$0xFFFFFFD0];
	[tilespmem:s31+$0x20] =	vst v2  }
0x294: {  	v2 =	vld [tilespmem:s1+$0xFFFFFFE0];
	[tilespmem:s31+$0xFFFFFFC0] =	vst v4  }
0x295: {  	v4 =	vld [tilespmem:s1+$0xFFFFFFF0]  }
0x296: {  	v7 =	vld [tilespmem:s1+$0xFFFFFF90]  }
0x297: {  	v6 =	vld.idx.msk [tilespmem:v6+s28+$0x0], $0xffff  }
0x298: {  	v8 =	vld.idx.msk [tilespmem:v5+s28+$0x0], $0xffff  }
0x299: {  	v5 =	vld.idx.msk [tilespmem:v3+s28+$0x0], $0xffff  }
.Ltmp11:
0x29a: {  	v3 =	vld.idx.msk [tilespmem:v0+s28+$0x0], $0xffff;
	(pc) =	sbr.rel @p5 .LBB2_24-.Ltmp11, $4  }
0x29b: {  	v0 =	vld.idx.msk [tilespmem:v1+s28+$0x0], $0xffff  }
0x29c: {  	s31 =	sadd.s32 $0x80, s31;
	v1 =	vld.idx.msk [tilespmem:v2+s28+$0x0], $0xffff  }
0x29d: {  	v2 =	vld.idx.msk [tilespmem:v4+s28+$0x0], $0xffff;
	[tilespmem:s31+$0x30] =	vst v6  }
0x29e: {  	s1 =	sadd.s32 $0x80, s1;
	v4 =	vld.idx.msk [tilespmem:v7+s28+$0x0], $0xffff;
	[tilespmem:s31+$0xFFFFFFD0] =	vst v8  }
0x29f: {  	[tilespmem:s31+$0xFFFFFFE0] =	vst v5  }
0x2a0: {  	[tilespmem:s31+$0xFFFFFFF0] =	vst v3  }
0x2a1: {  	[tilespmem:s31+$0x0] =	vst v0  }
0x2a2: {  	[tilespmem:s31+$0x10] =	vst v1  }
0x2a3: {  	[tilespmem:s31+$0x20] =	vst v2  }
0x2a4: {  	[tilespmem:s31+$0xFFFFFFC0] =	vst v4  }
0x2a5: {  	s0 =	sld [smem:$0x7E5]  }
0x2a6: {  	s1 =	sld [smem:$0x7D8];
	_ =	sdelay $0x1  }
0x2a7: {  	[hbm4b:s0+s20] =	stream.strided.scatter [tilespmem:s25], [sflag:$0x4], $0x1000, s21, s20, $0x38;
	[tilespmem:$0x1E700] =	vst v63  }
0x2a8: {  	p5 =	seq.s32 s1, $0x1  }
0x2a9: {  	s2 =	rddreg [dreg:$0x13];
	s0 =	simm.s32 @!p5 $0x80  }
0x2aa: {  	[tilespmem:s28], [sflag:$0x1] =	stream.strided.gather [hbm4b:s2+s20], $0x18700, s21, s20, $0x38;
	[tilespmem:$0x1E700] =	vst v63  }
0x2ab: {  	s1 =	simm.s32 @!p5 $0x400;
	s31 =	simm.s32 @!p5 $0x18700;
	s2 =	rddreg [dreg:$0x6]  }
0x2ac: {  	[tilespmem:s31], [sflag:$0x2] =	stream.strided.gather @!p5 [hbm4b:s2+s0], $0x4000, s1, s0, $0x38;
	[tilespmem:$0x1E700] =	vst v63  }
0x2ad: {  	s0 =	simm.s32 @!p5 $0x2  }
0x2ae: {  	_ =	swait.ge @!p5 [sflag:s0], $0x4000  }
0x2af: {  	[sflag:s0] =	ssyncset.done @!p5 $0x0  }
0x2b0: {  	[sflag:s0] =	ssyncadd.s32 @!p5 $0xFFFFC000  }
0x2b1: {  	_ =	swait.ge [sflag:s23], $0x18700  }
0x2b2: {  	[sflag:s23] =	ssyncset.done $0x0  }
0x2b3: {  	[sflag:s23] =	ssyncadd.s32 $0xFFFE7900  }
0x2b4: {  	_ =	swait.ge [sflag:s26], $0x1000  }
0x2b5: {  	[sflag:s26] =	ssyncset.done $0x0  }
0x2b6: {  	s2 =	simm.s32 $0x18740;
	[sflag:s26] =	ssyncadd.s32 $0xFFFFF000  }
0x2b7: {  	v0 =	vld [tilespmem:s2+$0x30]  }
0x2b8: {  	v1 =	vld [tilespmem:s2+$0xFFFFFFD0]  }
0x2b9: {  	v2 =	vld [tilespmem:s2+$0xFFFFFFE0]  }
0x2ba: {  	v3 =	vld [tilespmem:s2+$0xFFFFFFF0]  }
0x2bb: {  	v4 =	vld [tilespmem:s2+$0x0]  }
0x2bc: {  	v6 =	vld [tilespmem:s2+$0x10]  }
0x2bd: {  	v7 =	vld [tilespmem:s2+$0x20]  }
0x2be: {  	v8 =	vld [tilespmem:s2+$0xFFFFFFC0]  }
0x2bf: {  	v9 =	vld.idx.msk [tilespmem:v0+s28+$0x0], $0xffff  }
0x2c0: {  	v10 =	vld.idx.msk [tilespmem:v1+s28+$0x0], $0xffff  }
0x2c1: {  	v5 =	vld.idx.msk [tilespmem:v2+s28+$0x0], $0xffff  }
0x2c2: {  	v3 =	vld.idx.msk [tilespmem:v3+s28+$0x0], $0xffff  }
0x2c3: {  	v0 =	vld.idx.msk [tilespmem:v4+s28+$0x0], $0xffff  }
0x2c4: {  	s31 =	simm.s32 $0x1C740;
	v1 =	vld.idx.msk [tilespmem:v6+s28+$0x0], $0xffff  }
0x2c5: {  	v2 =	vld.idx.msk [tilespmem:v7+s28+$0x0], $0xffff;
	[tilespmem:s31+$0x30] =	vst v9  }
0x2c6: {  	s1 =	simm.s32 $0x187C0;
	s0 =	simm.s32 $0x0;
	v4 =	vld.idx.msk [tilespmem:v8+s28+$0x0], $0xffff;
	[tilespmem:s31+$0xFFFFFFD0] =	vst v10  }
.LBB2_26:
0x2c7: {  	v6 =	vld [tilespmem:s1+$0x30];
	s0 =	sadd.s32 $0x8, s0;
	[tilespmem:s31+$0xFFFFFFE0] =	vst v5  }
0x2c8: {  	v5 =	vld [tilespmem:s1+$0xFFFFFFD0];
	p5 =	slt.u32 s0, $0xF8;
	[tilespmem:s31+$0xFFFFFFF0] =	vst v3  }
0x2c9: {  	v3 =	vld [tilespmem:s1+$0xFFFFFFE0];
	[tilespmem:s31+$0x0] =	vst v0  }
0x2ca: {  	v0 =	vld [tilespmem:s1+$0xFFFFFFF0];
	[tilespmem:s31+$0x10] =	vst v1  }
0x2cb: {  	v1 =	vld [tilespmem:s1+$0x0];
	[tilespmem:s31+$0x20] =	vst v2  }
0x2cc: {  	v2 =	vld [tilespmem:s1+$0x10];
	[tilespmem:s31+$0xFFFFFFC0] =	vst v4  }
0x2cd: {  	v4 =	vld [tilespmem:s1+$0x20]  }
0x2ce: {  	v7 =	vld [tilespmem:s1+$0xFFFFFFC0]  }
0x2cf: {  	v6 =	vld.idx.msk [tilespmem:v6+s28+$0x0], $0xffff  }
0x2d0: {  	v8 =	vld.idx.msk [tilespmem:v5+s28+$0x0], $0xffff  }
0x2d1: {  	v5 =	vld.idx.msk [tilespmem:v3+s28+$0x0], $0xffff  }
.Ltmp12:
0x2d2: {  	v3 =	vld.idx.msk [tilespmem:v0+s28+$0x0], $0xffff;
	(pc) =	sbr.rel @p5 .LBB2_26-.Ltmp12, $4  }
0x2d3: {  	v0 =	vld.idx.msk [tilespmem:v1+s28+$0x0], $0xffff  }
0x2d4: {  	s31 =	sadd.s32 $0x80, s31;
	v1 =	vld.idx.msk [tilespmem:v2+s28+$0x0], $0xffff  }
0x2d5: {  	v2 =	vld.idx.msk [tilespmem:v4+s28+$0x0], $0xffff;
	[tilespmem:s31+$0x30] =	vst v6  }
0x2d6: {  	s1 =	sadd.s32 $0x80, s1;
	v4 =	vld.idx.msk [tilespmem:v7+s28+$0x0], $0xffff;
	[tilespmem:s31+$0xFFFFFFD0] =	vst v8  }
0x2d7: {  	[tilespmem:s31+$0xFFFFFFE0] =	vst v5  }
0x2d8: {  	[tilespmem:s31+$0xFFFFFFF0] =	vst v3  }
0x2d9: {  	[tilespmem:s31+$0x0] =	vst v0  }
0x2da: {  	[tilespmem:s31+$0x10] =	vst v1  }
0x2db: {  	[tilespmem:s31+$0x20] =	vst v2  }
0x2dc: {  	[tilespmem:s31+$0xFFFFFFC0] =	vst v4  }
0x2dd: {  	s0 =	sld [smem:$0x7E6];
	_ =	sdelay $0x2  }
0x2de: {  	[hbm4b:s0+s20] =	stream.strided.scatter [tilespmem:s24], [sflag:$0x3], $0x1000, s21, s20, $0x38;
	[tilespmem:$0x1E700] =	vst v63  }
0x2df: {  	_ =	swait.ge [sflag:s29], $0x1000  }
0x2e0: {  	[sflag:s29] =	ssyncset.done $0x0  }
0x2e1: {  	s2 =	simm.s32 $0x19770;
	[sflag:s29] =	ssyncadd.s32 $0xFFFFF000  }
0x2e2: {  	v0 =	vld [tilespmem:s2+$0x0]  }
0x2e3: {  	v1 =	vld [tilespmem:s2+$0xFFFFFFA0]  }
0x2e4: {  	v2 =	vld [tilespmem:s2+$0xFFFFFFB0]  }
0x2e5: {  	v3 =	vld [tilespmem:s2+$0xFFFFFFC0]  }
0x2e6: {  	v4 =	vld [tilespmem:s2+$0xFFFFFFD0]  }
0x2e7: {  	v6 =	vld [tilespmem:s2+$0xFFFFFFE0]  }
0x2e8: {  	v7 =	vld [tilespmem:s2+$0xFFFFFFF0]  }
0x2e9: {  	v8 =	vld [tilespmem:s2+$0xFFFFFF90]  }
0x2ea: {  	v9 =	vld.idx.msk [tilespmem:v0+s28+$0x0], $0xffff  }
0x2eb: {  	v10 =	vld.idx.msk [tilespmem:v1+s28+$0x0], $0xffff  }
0x2ec: {  	v5 =	vld.idx.msk [tilespmem:v2+s28+$0x0], $0xffff  }
0x2ed: {  	v3 =	vld.idx.msk [tilespmem:v3+s28+$0x0], $0xffff  }
0x2ee: {  	v0 =	vld.idx.msk [tilespmem:v4+s28+$0x0], $0xffff  }
0x2ef: {  	s31 =	simm.s32 $0x1D740;
	v1 =	vld.idx.msk [tilespmem:v6+s28+$0x0], $0xffff  }
0x2f0: {  	v2 =	vld.idx.msk [tilespmem:v7+s28+$0x0], $0xffff;
	[tilespmem:s31+$0x30] =	vst v9  }
0x2f1: {  	s1 =	simm.s32 $0x197F0;
	s0 =	simm.s32 $0x0;
	v4 =	vld.idx.msk [tilespmem:v8+s28+$0x0], $0xffff;
	[tilespmem:s31+$0xFFFFFFD0] =	vst v10  }
.LBB2_28:
0x2f2: {  	v6 =	vld [tilespmem:s1+$0x0];
	s0 =	sadd.s32 $0x8, s0;
	[tilespmem:s31+$0xFFFFFFE0] =	vst v5  }
0x2f3: {  	v5 =	vld [tilespmem:s1+$0xFFFFFFA0];
	p5 =	slt.u32 s0, $0xF8;
	[tilespmem:s31+$0xFFFFFFF0] =	vst v3  }
0x2f4: {  	v3 =	vld [tilespmem:s1+$0xFFFFFFB0];
	[tilespmem:s31+$0x0] =	vst v0  }
0x2f5: {  	v0 =	vld [tilespmem:s1+$0xFFFFFFC0];
	[tilespmem:s31+$0x10] =	vst v1  }
0x2f6: {  	v1 =	vld [tilespmem:s1+$0xFFFFFFD0];
	[tilespmem:s31+$0x20] =	vst v2  }
0x2f7: {  	v2 =	vld [tilespmem:s1+$0xFFFFFFE0];
	[tilespmem:s31+$0xFFFFFFC0] =	vst v4  }
0x2f8: {  	v4 =	vld [tilespmem:s1+$0xFFFFFFF0]  }
0x2f9: {  	v7 =	vld [tilespmem:s1+$0xFFFFFF90]  }
0x2fa: {  	v6 =	vld.idx.msk [tilespmem:v6+s28+$0x0], $0xffff  }
0x2fb: {  	v8 =	vld.idx.msk [tilespmem:v5+s28+$0x0], $0xffff  }
0x2fc: {  	v5 =	vld.idx.msk [tilespmem:v3+s28+$0x0], $0xffff  }
.Ltmp13:
0x2fd: {  	v3 =	vld.idx.msk [tilespmem:v0+s28+$0x0], $0xffff;
	(pc) =	sbr.rel @p5 .LBB2_28-.Ltmp13, $4  }
0x2fe: {  	v0 =	vld.idx.msk [tilespmem:v1+s28+$0x0], $0xffff  }
0x2ff: {  	s31 =	sadd.s32 $0x80, s31;
	v1 =	vld.idx.msk [tilespmem:v2+s28+$0x0], $0xffff  }
0x300: {  	v2 =	vld.idx.msk [tilespmem:v4+s28+$0x0], $0xffff;
	[tilespmem:s31+$0x30] =	vst v6  }
0x301: {  	s1 =	sadd.s32 $0x80, s1;
	v4 =	vld.idx.msk [tilespmem:v7+s28+$0x0], $0xffff;
	[tilespmem:s31+$0xFFFFFFD0] =	vst v8  }
0x302: {  	[tilespmem:s31+$0xFFFFFFE0] =	vst v5  }
0x303: {  	[tilespmem:s31+$0xFFFFFFF0] =	vst v3  }
0x304: {  	[tilespmem:s31+$0x0] =	vst v0  }
0x305: {  	[tilespmem:s31+$0x10] =	vst v1  }
0x306: {  	[tilespmem:s31+$0x20] =	vst v2  }
0x307: {  	[tilespmem:s31+$0xFFFFFFC0] =	vst v4  }
0x308: {  	s0 =	sld [smem:$0x7E7];
	_ =	sdelay $0x2  }
0x309: {  	[hbm4b:s0+s20] =	stream.strided.scatter [tilespmem:s25], [sflag:$0x4], $0x1000, s21, s20, $0x38;
	[tilespmem:$0x1E700] =	vst v63  }
0x30a: {  	_ =	swait.ge [sflag:s26], $0x1000  }
0x30b: {  	[sflag:s26] =	ssyncset.done $0x0  }
0x30c: {  	s2 =	simm.s32 $0x1A770;
	[sflag:s26] =	ssyncadd.s32 $0xFFFFF000  }
0x30d: {  	v0 =	vld [tilespmem:s2+$0x0]  }
0x30e: {  	v1 =	vld [tilespmem:s2+$0xFFFFFFA0]  }
0x30f: {  	v2 =	vld [tilespmem:s2+$0xFFFFFFB0]  }
0x310: {  	v3 =	vld [tilespmem:s2+$0xFFFFFFC0]  }
0x311: {  	v4 =	vld [tilespmem:s2+$0xFFFFFFD0]  }
0x312: {  	v6 =	vld [tilespmem:s2+$0xFFFFFFE0]  }
0x313: {  	v7 =	vld [tilespmem:s2+$0xFFFFFFF0]  }
0x314: {  	v8 =	vld [tilespmem:s2+$0xFFFFFF90]  }
0x315: {  	v9 =	vld.idx.msk [tilespmem:v0+s28+$0x0], $0xffff  }
0x316: {  	v10 =	vld.idx.msk [tilespmem:v1+s28+$0x0], $0xffff  }
0x317: {  	v5 =	vld.idx.msk [tilespmem:v2+s28+$0x0], $0xffff  }
0x318: {  	v3 =	vld.idx.msk [tilespmem:v3+s28+$0x0], $0xffff  }
0x319: {  	v0 =	vld.idx.msk [tilespmem:v4+s28+$0x0], $0xffff  }
0x31a: {  	s31 =	simm.s32 $0x1C740;
	v1 =	vld.idx.msk [tilespmem:v6+s28+$0x0], $0xffff  }
0x31b: {  	v2 =	vld.idx.msk [tilespmem:v7+s28+$0x0], $0xffff;
	[tilespmem:s31+$0x30] =	vst v9  }
0x31c: {  	s1 =	simm.s32 $0x1A7F0;
	s0 =	simm.s32 $0x0;
	v4 =	vld.idx.msk [tilespmem:v8+s28+$0x0], $0xffff;
	[tilespmem:s31+$0xFFFFFFD0] =	vst v10  }
.LBB2_30:
0x31d: {  	v6 =	vld [tilespmem:s1+$0x0];
	s0 =	sadd.s32 $0x8, s0;
	[tilespmem:s31+$0xFFFFFFE0] =	vst v5  }
0x31e: {  	v5 =	vld [tilespmem:s1+$0xFFFFFFA0];
	p5 =	slt.u32 s0, $0xF8;
	[tilespmem:s31+$0xFFFFFFF0] =	vst v3  }
0x31f: {  	v3 =	vld [tilespmem:s1+$0xFFFFFFB0];
	[tilespmem:s31+$0x0] =	vst v0  }
0x320: {  	v0 =	vld [tilespmem:s1+$0xFFFFFFC0];
	[tilespmem:s31+$0x10] =	vst v1  }
0x321: {  	v1 =	vld [tilespmem:s1+$0xFFFFFFD0];
	[tilespmem:s31+$0x20] =	vst v2  }
0x322: {  	v2 =	vld [tilespmem:s1+$0xFFFFFFE0];
	[tilespmem:s31+$0xFFFFFFC0] =	vst v4  }
0x323: {  	v4 =	vld [tilespmem:s1+$0xFFFFFFF0]  }
0x324: {  	v7 =	vld [tilespmem:s1+$0xFFFFFF90]  }
0x325: {  	v6 =	vld.idx.msk [tilespmem:v6+s28+$0x0], $0xffff  }
0x326: {  	v8 =	vld.idx.msk [tilespmem:v5+s28+$0x0], $0xffff  }
0x327: {  	v5 =	vld.idx.msk [tilespmem:v3+s28+$0x0], $0xffff  }
.Ltmp14:
0x328: {  	v3 =	vld.idx.msk [tilespmem:v0+s28+$0x0], $0xffff;
	(pc) =	sbr.rel @p5 .LBB2_30-.Ltmp14, $4  }
0x329: {  	v0 =	vld.idx.msk [tilespmem:v1+s28+$0x0], $0xffff  }
0x32a: {  	s31 =	sadd.s32 $0x80, s31;
	v1 =	vld.idx.msk [tilespmem:v2+s28+$0x0], $0xffff  }
0x32b: {  	v2 =	vld.idx.msk [tilespmem:v4+s28+$0x0], $0xffff;
	[tilespmem:s31+$0x30] =	vst v6  }
0x32c: {  	s1 =	sadd.s32 $0x80, s1;
	v4 =	vld.idx.msk [tilespmem:v7+s28+$0x0], $0xffff;
	[tilespmem:s31+$0xFFFFFFD0] =	vst v8  }
0x32d: {  	[tilespmem:s31+$0xFFFFFFE0] =	vst v5  }
0x32e: {  	[tilespmem:s31+$0xFFFFFFF0] =	vst v3  }
0x32f: {  	[tilespmem:s31+$0x0] =	vst v0  }
0x330: {  	[tilespmem:s31+$0x10] =	vst v1  }
0x331: {  	[tilespmem:s31+$0x20] =	vst v2  }
0x332: {  	[tilespmem:s31+$0xFFFFFFC0] =	vst v4  }
0x333: {  	s0 =	sld [smem:$0x7E8];
	_ =	sdelay $0x2  }
0x334: {  	[hbm4b:s0+s20] =	stream.strided.scatter [tilespmem:s24], [sflag:$0x3], $0x1000, s21, s20, $0x38;
	[tilespmem:$0x1E700] =	vst v63  }
0x335: {  	_ =	swait.ge [sflag:s29], $0x1000  }
0x336: {  	[sflag:s29] =	ssyncset.done $0x0  }
0x337: {  	s2 =	simm.s32 $0x1B770;
	[sflag:s29] =	ssyncadd.s32 $0xFFFFF000  }
0x338: {  	v0 =	vld [tilespmem:s2+$0x0]  }
0x339: {  	v1 =	vld [tilespmem:s2+$0xFFFFFFA0]  }
0x33a: {  	v2 =	vld [tilespmem:s2+$0xFFFFFFB0]  }
0x33b: {  	v3 =	vld [tilespmem:s2+$0xFFFFFFC0]  }
0x33c: {  	v4 =	vld [tilespmem:s2+$0xFFFFFFD0]  }
0x33d: {  	v6 =	vld [tilespmem:s2+$0xFFFFFFE0]  }
0x33e: {  	v7 =	vld [tilespmem:s2+$0xFFFFFFF0]  }
0x33f: {  	v8 =	vld [tilespmem:s2+$0xFFFFFF90]  }
0x340: {  	v9 =	vld.idx.msk [tilespmem:v0+s28+$0x0], $0xffff  }
0x341: {  	v10 =	vld.idx.msk [tilespmem:v1+s28+$0x0], $0xffff  }
0x342: {  	v5 =	vld.idx.msk [tilespmem:v2+s28+$0x0], $0xffff  }
0x343: {  	v3 =	vld.idx.msk [tilespmem:v3+s28+$0x0], $0xffff  }
0x344: {  	v0 =	vld.idx.msk [tilespmem:v4+s28+$0x0], $0xffff  }
0x345: {  	s31 =	simm.s32 $0x1D740;
	v1 =	vld.idx.msk [tilespmem:v6+s28+$0x0], $0xffff  }
0x346: {  	v2 =	vld.idx.msk [tilespmem:v7+s28+$0x0], $0xffff;
	[tilespmem:s31+$0x30] =	vst v9  }
0x347: {  	s1 =	simm.s32 $0x1B7F0;
	s0 =	simm.s32 $0x0;
	v4 =	vld.idx.msk [tilespmem:v8+s28+$0x0], $0xffff;
	[tilespmem:s31+$0xFFFFFFD0] =	vst v10  }
.LBB2_32:
0x348: {  	v6 =	vld [tilespmem:s1+$0x0];
	s0 =	sadd.s32 $0x8, s0;
	[tilespmem:s31+$0xFFFFFFE0] =	vst v5  }
0x349: {  	v5 =	vld [tilespmem:s1+$0xFFFFFFA0];
	p5 =	slt.u32 s0, $0xF8;
	[tilespmem:s31+$0xFFFFFFF0] =	vst v3  }
0x34a: {  	v3 =	vld [tilespmem:s1+$0xFFFFFFB0];
	[tilespmem:s31+$0x0] =	vst v0  }
0x34b: {  	v0 =	vld [tilespmem:s1+$0xFFFFFFC0];
	[tilespmem:s31+$0x10] =	vst v1  }
0x34c: {  	v1 =	vld [tilespmem:s1+$0xFFFFFFD0];
	[tilespmem:s31+$0x20] =	vst v2  }
0x34d: {  	v2 =	vld [tilespmem:s1+$0xFFFFFFE0];
	[tilespmem:s31+$0xFFFFFFC0] =	vst v4  }
0x34e: {  	v4 =	vld [tilespmem:s1+$0xFFFFFFF0]  }
0x34f: {  	v7 =	vld [tilespmem:s1+$0xFFFFFF90]  }
0x350: {  	v6 =	vld.idx.msk [tilespmem:v6+s28+$0x0], $0xffff  }
0x351: {  	v8 =	vld.idx.msk [tilespmem:v5+s28+$0x0], $0xffff  }
0x352: {  	v5 =	vld.idx.msk [tilespmem:v3+s28+$0x0], $0xffff  }
.Ltmp15:
0x353: {  	v3 =	vld.idx.msk [tilespmem:v0+s28+$0x0], $0xffff;
	(pc) =	sbr.rel @p5 .LBB2_32-.Ltmp15, $4  }
0x354: {  	v0 =	vld.idx.msk [tilespmem:v1+s28+$0x0], $0xffff  }
0x355: {  	s31 =	sadd.s32 $0x80, s31;
	v1 =	vld.idx.msk [tilespmem:v2+s28+$0x0], $0xffff  }
0x356: {  	v2 =	vld.idx.msk [tilespmem:v4+s28+$0x0], $0xffff;
	[tilespmem:s31+$0x30] =	vst v6  }
0x357: {  	s1 =	sadd.s32 $0x80, s1;
	v4 =	vld.idx.msk [tilespmem:v7+s28+$0x0], $0xffff;
	[tilespmem:s31+$0xFFFFFFD0] =	vst v8  }
0x358: {  	[tilespmem:s31+$0xFFFFFFE0] =	vst v5  }
0x359: {  	[tilespmem:s31+$0xFFFFFFF0] =	vst v3  }
0x35a: {  	[tilespmem:s31+$0x0] =	vst v0  }
0x35b: {  	[tilespmem:s31+$0x10] =	vst v1  }
0x35c: {  	[tilespmem:s31+$0x20] =	vst v2  }
0x35d: {  	[tilespmem:s31+$0xFFFFFFC0] =	vst v4  }
0x35e: {  	s0 =	sld [smem:$0x7E9]  }
0x35f: {  	s1 =	sld [smem:$0x7D9];
	_ =	sdelay $0x1  }
0x360: {  	[hbm4b:s0+s20] =	stream.strided.scatter [tilespmem:s25], [sflag:$0x4], $0x1000, s21, s20, $0x38;
	[tilespmem:$0x1E700] =	vst v63  }
0x361: {  	p5 =	seq.s32 s1, $0x1  }
0x362: {  	s2 =	rddreg [dreg:$0x14];
	s0 =	simm.s32 @!p5 $0x80  }
0x363: {  	[tilespmem:s28], [sflag:$0x1] =	stream.strided.gather [hbm4b:s2+s20], $0x18700, s21, s20, $0x38;
	[tilespmem:$0x1E700] =	vst v63  }
0x364: {  	s1 =	simm.s32 @!p5 $0x400;
	s31 =	simm.s32 @!p5 $0x18700;
	s2 =	rddreg [dreg:$0x7]  }
0x365: {  	[tilespmem:s31], [sflag:$0x2] =	stream.strided.gather @!p5 [hbm4b:s2+s0], $0x4000, s1, s0, $0x38;
	[tilespmem:$0x1E700] =	vst v63  }
0x366: {  	s0 =	simm.s32 @!p5 $0x2  }
0x367: {  	_ =	swait.ge @!p5 [sflag:s0], $0x4000  }
0x368: {  	[sflag:s0] =	ssyncset.done @!p5 $0x0  }
0x369: {  	[sflag:s0] =	ssyncadd.s32 @!p5 $0xFFFFC000  }
0x36a: {  	_ =	swait.ge [sflag:s23], $0x18700  }
0x36b: {  	[sflag:s23] =	ssyncset.done $0x0  }
0x36c: {  	[sflag:s23] =	ssyncadd.s32 $0xFFFE7900  }
0x36d: {  	_ =	swait.ge [sflag:s26], $0x1000  }
0x36e: {  	[sflag:s26] =	ssyncset.done $0x0  }
0x36f: {  	s2 =	simm.s32 $0x18740;
	[sflag:s26] =	ssyncadd.s32 $0xFFFFF000  }
0x370: {  	v0 =	vld [tilespmem:s2+$0x30]  }
0x371: {  	v1 =	vld [tilespmem:s2+$0xFFFFFFD0]  }
0x372: {  	v2 =	vld [tilespmem:s2+$0xFFFFFFE0]  }
0x373: {  	v3 =	vld [tilespmem:s2+$0xFFFFFFF0]  }
0x374: {  	v4 =	vld [tilespmem:s2+$0x0]  }
0x375: {  	v6 =	vld [tilespmem:s2+$0x10]  }
0x376: {  	v7 =	vld [tilespmem:s2+$0x20]  }
0x377: {  	v8 =	vld [tilespmem:s2+$0xFFFFFFC0]  }
0x378: {  	v9 =	vld.idx.msk [tilespmem:v0+s28+$0x0], $0xffff  }
0x379: {  	v10 =	vld.idx.msk [tilespmem:v1+s28+$0x0], $0xffff  }
0x37a: {  	v5 =	vld.idx.msk [tilespmem:v2+s28+$0x0], $0xffff  }
0x37b: {  	v3 =	vld.idx.msk [tilespmem:v3+s28+$0x0], $0xffff  }
0x37c: {  	v0 =	vld.idx.msk [tilespmem:v4+s28+$0x0], $0xffff  }
0x37d: {  	s31 =	simm.s32 $0x1C740;
	v1 =	vld.idx.msk [tilespmem:v6+s28+$0x0], $0xffff  }
0x37e: {  	v2 =	vld.idx.msk [tilespmem:v7+s28+$0x0], $0xffff;
	[tilespmem:s31+$0x30] =	vst v9  }
0x37f: {  	s1 =	simm.s32 $0x187C0;
	s0 =	simm.s32 $0x0;
	v4 =	vld.idx.msk [tilespmem:v8+s28+$0x0], $0xffff;
	[tilespmem:s31+$0xFFFFFFD0] =	vst v10  }
.LBB2_34:
0x380: {  	v6 =	vld [tilespmem:s1+$0x30];
	s0 =	sadd.s32 $0x8, s0;
	[tilespmem:s31+$0xFFFFFFE0] =	vst v5  }
0x381: {  	v5 =	vld [tilespmem:s1+$0xFFFFFFD0];
	p5 =	slt.u32 s0, $0xF8;
	[tilespmem:s31+$0xFFFFFFF0] =	vst v3  }
0x382: {  	v3 =	vld [tilespmem:s1+$0xFFFFFFE0];
	[tilespmem:s31+$0x0] =	vst v0  }
0x383: {  	v0 =	vld [tilespmem:s1+$0xFFFFFFF0];
	[tilespmem:s31+$0x10] =	vst v1  }
0x384: {  	v1 =	vld [tilespmem:s1+$0x0];
	[tilespmem:s31+$0x20] =	vst v2  }
0x385: {  	v2 =	vld [tilespmem:s1+$0x10];
	[tilespmem:s31+$0xFFFFFFC0] =	vst v4  }
0x386: {  	v4 =	vld [tilespmem:s1+$0x20]  }
0x387: {  	v7 =	vld [tilespmem:s1+$0xFFFFFFC0]  }
0x388: {  	v6 =	vld.idx.msk [tilespmem:v6+s28+$0x0], $0xffff  }
0x389: {  	v8 =	vld.idx.msk [tilespmem:v5+s28+$0x0], $0xffff  }
0x38a: {  	v5 =	vld.idx.msk [tilespmem:v3+s28+$0x0], $0xffff  }
.Ltmp16:
0x38b: {  	v3 =	vld.idx.msk [tilespmem:v0+s28+$0x0], $0xffff;
	(pc) =	sbr.rel @p5 .LBB2_34-.Ltmp16, $4  }
0x38c: {  	v0 =	vld.idx.msk [tilespmem:v1+s28+$0x0], $0xffff  }
0x38d: {  	s31 =	sadd.s32 $0x80, s31;
	v1 =	vld.idx.msk [tilespmem:v2+s28+$0x0], $0xffff  }
0x38e: {  	v2 =	vld.idx.msk [tilespmem:v4+s28+$0x0], $0xffff;
	[tilespmem:s31+$0x30] =	vst v6  }
0x38f: {  	s1 =	sadd.s32 $0x80, s1;
	v4 =	vld.idx.msk [tilespmem:v7+s28+$0x0], $0xffff;
	[tilespmem:s31+$0xFFFFFFD0] =	vst v8  }
0x390: {  	[tilespmem:s31+$0xFFFFFFE0] =	vst v5  }
0x391: {  	[tilespmem:s31+$0xFFFFFFF0] =	vst v3  }
0x392: {  	[tilespmem:s31+$0x0] =	vst v0  }
0x393: {  	[tilespmem:s31+$0x10] =	vst v1  }
0x394: {  	[tilespmem:s31+$0x20] =	vst v2  }
0x395: {  	[tilespmem:s31+$0xFFFFFFC0] =	vst v4  }
0x396: {  	s0 =	sld [smem:$0x7EA];
	_ =	sdelay $0x2  }
0x397: {  	[hbm4b:s0+s20] =	stream.strided.scatter [tilespmem:s24], [sflag:$0x3], $0x1000, s21, s20, $0x38;
	[tilespmem:$0x1E700] =	vst v63  }
0x398: {  	_ =	swait.ge [sflag:s29], $0x1000  }
0x399: {  	[sflag:s29] =	ssyncset.done $0x0  }
0x39a: {  	s2 =	simm.s32 $0x19770;
	[sflag:s29] =	ssyncadd.s32 $0xFFFFF000  }
0x39b: {  	v0 =	vld [tilespmem:s2+$0x0]  }
0x39c: {  	v1 =	vld [tilespmem:s2+$0xFFFFFFA0]  }
0x39d: {  	v2 =	vld [tilespmem:s2+$0xFFFFFFB0]  }
0x39e: {  	v3 =	vld [tilespmem:s2+$0xFFFFFFC0]  }
0x39f: {  	v4 =	vld [tilespmem:s2+$0xFFFFFFD0]  }
0x3a0: {  	v6 =	vld [tilespmem:s2+$0xFFFFFFE0]  }
0x3a1: {  	v7 =	vld [tilespmem:s2+$0xFFFFFFF0]  }
0x3a2: {  	v8 =	vld [tilespmem:s2+$0xFFFFFF90]  }
0x3a3: {  	v9 =	vld.idx.msk [tilespmem:v0+s28+$0x0], $0xffff  }
0x3a4: {  	v10 =	vld.idx.msk [tilespmem:v1+s28+$0x0], $0xffff  }
0x3a5: {  	v5 =	vld.idx.msk [tilespmem:v2+s28+$0x0], $0xffff  }
0x3a6: {  	v3 =	vld.idx.msk [tilespmem:v3+s28+$0x0], $0xffff  }
0x3a7: {  	v0 =	vld.idx.msk [tilespmem:v4+s28+$0x0], $0xffff  }
0x3a8: {  	s31 =	simm.s32 $0x1D740;
	v1 =	vld.idx.msk [tilespmem:v6+s28+$0x0], $0xffff  }
0x3a9: {  	v2 =	vld.idx.msk [tilespmem:v7+s28+$0x0], $0xffff;
	[tilespmem:s31+$0x30] =	vst v9  }
0x3aa: {  	s1 =	simm.s32 $0x197F0;
	s0 =	simm.s32 $0x0;
	v4 =	vld.idx.msk [tilespmem:v8+s28+$0x0], $0xffff;
	[tilespmem:s31+$0xFFFFFFD0] =	vst v10  }
.LBB2_36:
0x3ab: {  	v6 =	vld [tilespmem:s1+$0x0];
	s0 =	sadd.s32 $0x8, s0;
	[tilespmem:s31+$0xFFFFFFE0] =	vst v5  }
0x3ac: {  	v5 =	vld [tilespmem:s1+$0xFFFFFFA0];
	p5 =	slt.u32 s0, $0xF8;
	[tilespmem:s31+$0xFFFFFFF0] =	vst v3  }
0x3ad: {  	v3 =	vld [tilespmem:s1+$0xFFFFFFB0];
	[tilespmem:s31+$0x0] =	vst v0  }
0x3ae: {  	v0 =	vld [tilespmem:s1+$0xFFFFFFC0];
	[tilespmem:s31+$0x10] =	vst v1  }
0x3af: {  	v1 =	vld [tilespmem:s1+$0xFFFFFFD0];
	[tilespmem:s31+$0x20] =	vst v2  }
0x3b0: {  	v2 =	vld [tilespmem:s1+$0xFFFFFFE0];
	[tilespmem:s31+$0xFFFFFFC0] =	vst v4  }
0x3b1: {  	v4 =	vld [tilespmem:s1+$0xFFFFFFF0]  }
0x3b2: {  	v7 =	vld [tilespmem:s1+$0xFFFFFF90]  }
0x3b3: {  	v6 =	vld.idx.msk [tilespmem:v6+s28+$0x0], $0xffff  }
0x3b4: {  	v8 =	vld.idx.msk [tilespmem:v5+s28+$0x0], $0xffff  }
0x3b5: {  	v5 =	vld.idx.msk [tilespmem:v3+s28+$0x0], $0xffff  }
.Ltmp17:
0x3b6: {  	v3 =	vld.idx.msk [tilespmem:v0+s28+$0x0], $0xffff;
	(pc) =	sbr.rel @p5 .LBB2_36-.Ltmp17, $4  }
0x3b7: {  	v0 =	vld.idx.msk [tilespmem:v1+s28+$0x0], $0xffff  }
0x3b8: {  	s31 =	sadd.s32 $0x80, s31;
	v1 =	vld.idx.msk [tilespmem:v2+s28+$0x0], $0xffff  }
0x3b9: {  	v2 =	vld.idx.msk [tilespmem:v4+s28+$0x0], $0xffff;
	[tilespmem:s31+$0x30] =	vst v6  }
0x3ba: {  	s1 =	sadd.s32 $0x80, s1;
	v4 =	vld.idx.msk [tilespmem:v7+s28+$0x0], $0xffff;
	[tilespmem:s31+$0xFFFFFFD0] =	vst v8  }
0x3bb: {  	[tilespmem:s31+$0xFFFFFFE0] =	vst v5  }
0x3bc: {  	[tilespmem:s31+$0xFFFFFFF0] =	vst v3  }
0x3bd: {  	[tilespmem:s31+$0x0] =	vst v0  }
0x3be: {  	[tilespmem:s31+$0x10] =	vst v1  }
0x3bf: {  	[tilespmem:s31+$0x20] =	vst v2  }
0x3c0: {  	[tilespmem:s31+$0xFFFFFFC0] =	vst v4  }
0x3c1: {  	s0 =	sld [smem:$0x7EB];
	_ =	sdelay $0x2  }
0x3c2: {  	[hbm4b:s0+s20] =	stream.strided.scatter [tilespmem:s25], [sflag:$0x4], $0x1000, s21, s20, $0x38;
	[tilespmem:$0x1E700] =	vst v63  }
0x3c3: {  	_ =	swait.ge [sflag:s26], $0x1000  }
0x3c4: {  	[sflag:s26] =	ssyncset.done $0x0  }
0x3c5: {  	s2 =	simm.s32 $0x1A770;
	[sflag:s26] =	ssyncadd.s32 $0xFFFFF000  }
0x3c6: {  	v0 =	vld [tilespmem:s2+$0x0]  }
0x3c7: {  	v1 =	vld [tilespmem:s2+$0xFFFFFFA0]  }
0x3c8: {  	v2 =	vld [tilespmem:s2+$0xFFFFFFB0]  }
0x3c9: {  	v3 =	vld [tilespmem:s2+$0xFFFFFFC0]  }
0x3ca: {  	v4 =	vld [tilespmem:s2+$0xFFFFFFD0]  }
0x3cb: {  	v6 =	vld [tilespmem:s2+$0xFFFFFFE0]  }
0x3cc: {  	v7 =	vld [tilespmem:s2+$0xFFFFFFF0]  }
0x3cd: {  	v8 =	vld [tilespmem:s2+$0xFFFFFF90]  }
0x3ce: {  	v9 =	vld.idx.msk [tilespmem:v0+s28+$0x0], $0xffff  }
0x3cf: {  	v10 =	vld.idx.msk [tilespmem:v1+s28+$0x0], $0xffff  }
0x3d0: {  	v5 =	vld.idx.msk [tilespmem:v2+s28+$0x0], $0xffff  }
0x3d1: {  	v3 =	vld.idx.msk [tilespmem:v3+s28+$0x0], $0xffff  }
0x3d2: {  	v0 =	vld.idx.msk [tilespmem:v4+s28+$0x0], $0xffff  }
0x3d3: {  	s31 =	simm.s32 $0x1C740;
	v1 =	vld.idx.msk [tilespmem:v6+s28+$0x0], $0xffff  }
0x3d4: {  	v2 =	vld.idx.msk [tilespmem:v7+s28+$0x0], $0xffff;
	[tilespmem:s31+$0x30] =	vst v9  }
0x3d5: {  	s1 =	simm.s32 $0x1A7F0;
	s0 =	simm.s32 $0x0;
	v4 =	vld.idx.msk [tilespmem:v8+s28+$0x0], $0xffff;
	[tilespmem:s31+$0xFFFFFFD0] =	vst v10  }
.LBB2_38:
0x3d6: {  	v6 =	vld [tilespmem:s1+$0x0];
	s0 =	sadd.s32 $0x8, s0;
	[tilespmem:s31+$0xFFFFFFE0] =	vst v5  }
0x3d7: {  	v5 =	vld [tilespmem:s1+$0xFFFFFFA0];
	p5 =	slt.u32 s0, $0xF8;
	[tilespmem:s31+$0xFFFFFFF0] =	vst v3  }
0x3d8: {  	v3 =	vld [tilespmem:s1+$0xFFFFFFB0];
	[tilespmem:s31+$0x0] =	vst v0  }
0x3d9: {  	v0 =	vld [tilespmem:s1+$0xFFFFFFC0];
	[tilespmem:s31+$0x10] =	vst v1  }
0x3da: {  	v1 =	vld [tilespmem:s1+$0xFFFFFFD0];
	[tilespmem:s31+$0x20] =	vst v2  }
0x3db: {  	v2 =	vld [tilespmem:s1+$0xFFFFFFE0];
	[tilespmem:s31+$0xFFFFFFC0] =	vst v4  }
0x3dc: {  	v4 =	vld [tilespmem:s1+$0xFFFFFFF0]  }
0x3dd: {  	v7 =	vld [tilespmem:s1+$0xFFFFFF90]  }
0x3de: {  	v6 =	vld.idx.msk [tilespmem:v6+s28+$0x0], $0xffff  }
0x3df: {  	v8 =	vld.idx.msk [tilespmem:v5+s28+$0x0], $0xffff  }
0x3e0: {  	v5 =	vld.idx.msk [tilespmem:v3+s28+$0x0], $0xffff  }
.Ltmp18:
0x3e1: {  	v3 =	vld.idx.msk [tilespmem:v0+s28+$0x0], $0xffff;
	(pc) =	sbr.rel @p5 .LBB2_38-.Ltmp18, $4  }
0x3e2: {  	v0 =	vld.idx.msk [tilespmem:v1+s28+$0x0], $0xffff  }
0x3e3: {  	s31 =	sadd.s32 $0x80, s31;
	v1 =	vld.idx.msk [tilespmem:v2+s28+$0x0], $0xffff  }
0x3e4: {  	v2 =	vld.idx.msk [tilespmem:v4+s28+$0x0], $0xffff;
	[tilespmem:s31+$0x30] =	vst v6  }
0x3e5: {  	s1 =	sadd.s32 $0x80, s1;
	v4 =	vld.idx.msk [tilespmem:v7+s28+$0x0], $0xffff;
	[tilespmem:s31+$0xFFFFFFD0] =	vst v8  }
0x3e6: {  	[tilespmem:s31+$0xFFFFFFE0] =	vst v5  }
0x3e7: {  	[tilespmem:s31+$0xFFFFFFF0] =	vst v3  }
0x3e8: {  	[tilespmem:s31+$0x0] =	vst v0  }
0x3e9: {  	[tilespmem:s31+$0x10] =	vst v1  }
0x3ea: {  	[tilespmem:s31+$0x20] =	vst v2  }
0x3eb: {  	[tilespmem:s31+$0xFFFFFFC0] =	vst v4  }
0x3ec: {  	s0 =	sld [smem:$0x7EC];
	_ =	sdelay $0x2  }
0x3ed: {  	[hbm4b:s0+s20] =	stream.strided.scatter [tilespmem:s24], [sflag:$0x3], $0x1000, s21, s20, $0x38;
	[tilespmem:$0x1E700] =	vst v63  }
0x3ee: {  	_ =	swait.ge [sflag:s29], $0x1000  }
0x3ef: {  	[sflag:s29] =	ssyncset.done $0x0  }
0x3f0: {  	s2 =	simm.s32 $0x1B770;
	[sflag:s29] =	ssyncadd.s32 $0xFFFFF000  }
0x3f1: {  	v0 =	vld [tilespmem:s2+$0x0]  }
0x3f2: {  	v1 =	vld [tilespmem:s2+$0xFFFFFFA0]  }
0x3f3: {  	v2 =	vld [tilespmem:s2+$0xFFFFFFB0]  }
0x3f4: {  	v3 =	vld [tilespmem:s2+$0xFFFFFFC0]  }
0x3f5: {  	v4 =	vld [tilespmem:s2+$0xFFFFFFD0]  }
0x3f6: {  	v6 =	vld [tilespmem:s2+$0xFFFFFFE0]  }
0x3f7: {  	v7 =	vld [tilespmem:s2+$0xFFFFFFF0]  }
0x3f8: {  	v8 =	vld [tilespmem:s2+$0xFFFFFF90]  }
0x3f9: {  	v9 =	vld.idx.msk [tilespmem:v0+s28+$0x0], $0xffff  }
0x3fa: {  	v10 =	vld.idx.msk [tilespmem:v1+s28+$0x0], $0xffff  }
0x3fb: {  	v5 =	vld.idx.msk [tilespmem:v2+s28+$0x0], $0xffff  }
0x3fc: {  	v3 =	vld.idx.msk [tilespmem:v3+s28+$0x0], $0xffff  }
0x3fd: {  	v0 =	vld.idx.msk [tilespmem:v4+s28+$0x0], $0xffff  }
0x3fe: {  	s31 =	simm.s32 $0x1D740;
	v1 =	vld.idx.msk [tilespmem:v6+s28+$0x0], $0xffff  }
0x3ff: {  	v2 =	vld.idx.msk [tilespmem:v7+s28+$0x0], $0xffff;
	[tilespmem:s31+$0x30] =	vst v9  }
0x400: {  	s1 =	simm.s32 $0x1B7F0;
	s0 =	simm.s32 $0x0;
	v4 =	vld.idx.msk [tilespmem:v8+s28+$0x0], $0xffff;
	[tilespmem:s31+$0xFFFFFFD0] =	vst v10  }
.LBB2_40:
0x401: {  	v6 =	vld [tilespmem:s1+$0x0];
	s0 =	sadd.s32 $0x8, s0;
	[tilespmem:s31+$0xFFFFFFE0] =	vst v5  }
0x402: {  	v5 =	vld [tilespmem:s1+$0xFFFFFFA0];
	p5 =	slt.u32 s0, $0xF8;
	[tilespmem:s31+$0xFFFFFFF0] =	vst v3  }
0x403: {  	v3 =	vld [tilespmem:s1+$0xFFFFFFB0];
	[tilespmem:s31+$0x0] =	vst v0  }
0x404: {  	v0 =	vld [tilespmem:s1+$0xFFFFFFC0];
	[tilespmem:s31+$0x10] =	vst v1  }
0x405: {  	v1 =	vld [tilespmem:s1+$0xFFFFFFD0];
	[tilespmem:s31+$0x20] =	vst v2  }
0x406: {  	v2 =	vld [tilespmem:s1+$0xFFFFFFE0];
	[tilespmem:s31+$0xFFFFFFC0] =	vst v4  }
0x407: {  	v4 =	vld [tilespmem:s1+$0xFFFFFFF0]  }
0x408: {  	v7 =	vld [tilespmem:s1+$0xFFFFFF90]  }
0x409: {  	v6 =	vld.idx.msk [tilespmem:v6+s28+$0x0], $0xffff  }
0x40a: {  	v8 =	vld.idx.msk [tilespmem:v5+s28+$0x0], $0xffff  }
0x40b: {  	v5 =	vld.idx.msk [tilespmem:v3+s28+$0x0], $0xffff  }
.Ltmp19:
0x40c: {  	v3 =	vld.idx.msk [tilespmem:v0+s28+$0x0], $0xffff;
	(pc) =	sbr.rel @p5 .LBB2_40-.Ltmp19, $4  }
0x40d: {  	v0 =	vld.idx.msk [tilespmem:v1+s28+$0x0], $0xffff  }
0x40e: {  	s31 =	sadd.s32 $0x80, s31;
	v1 =	vld.idx.msk [tilespmem:v2+s28+$0x0], $0xffff  }
0x40f: {  	v2 =	vld.idx.msk [tilespmem:v4+s28+$0x0], $0xffff;
	[tilespmem:s31+$0x30] =	vst v6  }
0x410: {  	s1 =	sadd.s32 $0x80, s1;
	v4 =	vld.idx.msk [tilespmem:v7+s28+$0x0], $0xffff;
	[tilespmem:s31+$0xFFFFFFD0] =	vst v8  }
0x411: {  	[tilespmem:s31+$0xFFFFFFE0] =	vst v5  }
0x412: {  	[tilespmem:s31+$0xFFFFFFF0] =	vst v3  }
0x413: {  	[tilespmem:s31+$0x0] =	vst v0  }
0x414: {  	[tilespmem:s31+$0x10] =	vst v1  }
0x415: {  	[tilespmem:s31+$0x20] =	vst v2  }
0x416: {  	[tilespmem:s31+$0xFFFFFFC0] =	vst v4  }
0x417: {  	s0 =	sld [smem:$0x7ED]  }
0x418: {  	s1 =	sld [smem:$0x7DA];
	_ =	sdelay $0x1  }
0x419: {  	[hbm4b:s0+s20] =	stream.strided.scatter [tilespmem:s25], [sflag:$0x4], $0x1000, s21, s20, $0x38;
	[tilespmem:$0x1E700] =	vst v63  }
0x41a: {  	p5 =	seq.s32 s1, $0x1  }
0x41b: {  	s2 =	rddreg [dreg:$0x15];
	s0 =	simm.s32 @!p5 $0x80  }
0x41c: {  	[tilespmem:s28], [sflag:$0x1] =	stream.strided.gather [hbm4b:s2+s20], $0x18700, s21, s20, $0x38;
	[tilespmem:$0x1E700] =	vst v63  }
0x41d: {  	s1 =	simm.s32 @!p5 $0x400;
	s31 =	simm.s32 @!p5 $0x18700;
	s2 =	rddreg [dreg:$0x8]  }
0x41e: {  	[tilespmem:s31], [sflag:$0x2] =	stream.strided.gather @!p5 [hbm4b:s2+s0], $0x4000, s1, s0, $0x38;
	[tilespmem:$0x1E700] =	vst v63  }
0x41f: {  	s0 =	simm.s32 @!p5 $0x2  }
0x420: {  	_ =	swait.ge @!p5 [sflag:s0], $0x4000  }
0x421: {  	[sflag:s0] =	ssyncset.done @!p5 $0x0  }
0x422: {  	[sflag:s0] =	ssyncadd.s32 @!p5 $0xFFFFC000  }
0x423: {  	_ =	swait.ge [sflag:s23], $0x18700  }
0x424: {  	[sflag:s23] =	ssyncset.done $0x0  }
0x425: {  	[sflag:s23] =	ssyncadd.s32 $0xFFFE7900  }
0x426: {  	_ =	swait.ge [sflag:s26], $0x1000  }
0x427: {  	[sflag:s26] =	ssyncset.done $0x0  }
0x428: {  	s2 =	simm.s32 $0x18740;
	[sflag:s26] =	ssyncadd.s32 $0xFFFFF000  }
0x429: {  	v0 =	vld [tilespmem:s2+$0x30]  }
0x42a: {  	v1 =	vld [tilespmem:s2+$0xFFFFFFD0]  }
0x42b: {  	v2 =	vld [tilespmem:s2+$0xFFFFFFE0]  }
0x42c: {  	v3 =	vld [tilespmem:s2+$0xFFFFFFF0]  }
0x42d: {  	v4 =	vld [tilespmem:s2+$0x0]  }
0x42e: {  	v6 =	vld [tilespmem:s2+$0x10]  }
0x42f: {  	v7 =	vld [tilespmem:s2+$0x20]  }
0x430: {  	v8 =	vld [tilespmem:s2+$0xFFFFFFC0]  }
0x431: {  	v9 =	vld.idx.msk [tilespmem:v0+s28+$0x0], $0xffff  }
0x432: {  	v10 =	vld.idx.msk [tilespmem:v1+s28+$0x0], $0xffff  }
0x433: {  	v5 =	vld.idx.msk [tilespmem:v2+s28+$0x0], $0xffff  }
0x434: {  	v3 =	vld.idx.msk [tilespmem:v3+s28+$0x0], $0xffff  }
0x435: {  	v0 =	vld.idx.msk [tilespmem:v4+s28+$0x0], $0xffff  }
0x436: {  	s31 =	simm.s32 $0x1C740;
	v1 =	vld.idx.msk [tilespmem:v6+s28+$0x0], $0xffff  }
0x437: {  	v2 =	vld.idx.msk [tilespmem:v7+s28+$0x0], $0xffff;
	[tilespmem:s31+$0x30] =	vst v9  }
0x438: {  	s1 =	simm.s32 $0x187C0;
	s0 =	simm.s32 $0x0;
	v4 =	vld.idx.msk [tilespmem:v8+s28+$0x0], $0xffff;
	[tilespmem:s31+$0xFFFFFFD0] =	vst v10  }
.LBB2_42:
0x439: {  	v6 =	vld [tilespmem:s1+$0x30];
	s0 =	sadd.s32 $0x8, s0;
	[tilespmem:s31+$0xFFFFFFE0] =	vst v5  }
0x43a: {  	v5 =	vld [tilespmem:s1+$0xFFFFFFD0];
	p5 =	slt.u32 s0, $0xF8;
	[tilespmem:s31+$0xFFFFFFF0] =	vst v3  }
0x43b: {  	v3 =	vld [tilespmem:s1+$0xFFFFFFE0];
	[tilespmem:s31+$0x0] =	vst v0  }
0x43c: {  	v0 =	vld [tilespmem:s1+$0xFFFFFFF0];
	[tilespmem:s31+$0x10] =	vst v1  }
0x43d: {  	v1 =	vld [tilespmem:s1+$0x0];
	[tilespmem:s31+$0x20] =	vst v2  }
0x43e: {  	v2 =	vld [tilespmem:s1+$0x10];
	[tilespmem:s31+$0xFFFFFFC0] =	vst v4  }
0x43f: {  	v4 =	vld [tilespmem:s1+$0x20]  }
0x440: {  	v7 =	vld [tilespmem:s1+$0xFFFFFFC0]  }
0x441: {  	v6 =	vld.idx.msk [tilespmem:v6+s28+$0x0], $0xffff  }
0x442: {  	v8 =	vld.idx.msk [tilespmem:v5+s28+$0x0], $0xffff  }
0x443: {  	v5 =	vld.idx.msk [tilespmem:v3+s28+$0x0], $0xffff  }
.Ltmp20:
0x444: {  	v3 =	vld.idx.msk [tilespmem:v0+s28+$0x0], $0xffff;
	(pc) =	sbr.rel @p5 .LBB2_42-.Ltmp20, $4  }
0x445: {  	v0 =	vld.idx.msk [tilespmem:v1+s28+$0x0], $0xffff  }
0x446: {  	s31 =	sadd.s32 $0x80, s31;
	v1 =	vld.idx.msk [tilespmem:v2+s28+$0x0], $0xffff  }
0x447: {  	v2 =	vld.idx.msk [tilespmem:v4+s28+$0x0], $0xffff;
	[tilespmem:s31+$0x30] =	vst v6  }
0x448: {  	s1 =	sadd.s32 $0x80, s1;
	v4 =	vld.idx.msk [tilespmem:v7+s28+$0x0], $0xffff;
	[tilespmem:s31+$0xFFFFFFD0] =	vst v8  }
0x449: {  	[tilespmem:s31+$0xFFFFFFE0] =	vst v5  }
0x44a: {  	[tilespmem:s31+$0xFFFFFFF0] =	vst v3  }
0x44b: {  	[tilespmem:s31+$0x0] =	vst v0  }
0x44c: {  	[tilespmem:s31+$0x10] =	vst v1  }
0x44d: {  	[tilespmem:s31+$0x20] =	vst v2  }
0x44e: {  	[tilespmem:s31+$0xFFFFFFC0] =	vst v4  }
0x44f: {  	s0 =	sld [smem:$0x7EE];
	_ =	sdelay $0x2  }
0x450: {  	[hbm4b:s0+s20] =	stream.strided.scatter [tilespmem:s24], [sflag:$0x3], $0x1000, s21, s20, $0x38;
	[tilespmem:$0x1E700] =	vst v63  }
0x451: {  	_ =	swait.ge [sflag:s29], $0x1000  }
0x452: {  	[sflag:s29] =	ssyncset.done $0x0  }
0x453: {  	s2 =	simm.s32 $0x19770;
	[sflag:s29] =	ssyncadd.s32 $0xFFFFF000  }
0x454: {  	v0 =	vld [tilespmem:s2+$0x0]  }
0x455: {  	v1 =	vld [tilespmem:s2+$0xFFFFFFA0]  }
0x456: {  	v2 =	vld [tilespmem:s2+$0xFFFFFFB0]  }
0x457: {  	v3 =	vld [tilespmem:s2+$0xFFFFFFC0]  }
0x458: {  	v4 =	vld [tilespmem:s2+$0xFFFFFFD0]  }
0x459: {  	v6 =	vld [tilespmem:s2+$0xFFFFFFE0]  }
0x45a: {  	v7 =	vld [tilespmem:s2+$0xFFFFFFF0]  }
0x45b: {  	v8 =	vld [tilespmem:s2+$0xFFFFFF90]  }
0x45c: {  	v9 =	vld.idx.msk [tilespmem:v0+s28+$0x0], $0xffff  }
0x45d: {  	v10 =	vld.idx.msk [tilespmem:v1+s28+$0x0], $0xffff  }
0x45e: {  	v5 =	vld.idx.msk [tilespmem:v2+s28+$0x0], $0xffff  }
0x45f: {  	v3 =	vld.idx.msk [tilespmem:v3+s28+$0x0], $0xffff  }
0x460: {  	v0 =	vld.idx.msk [tilespmem:v4+s28+$0x0], $0xffff  }
0x461: {  	s31 =	simm.s32 $0x1D740;
	v1 =	vld.idx.msk [tilespmem:v6+s28+$0x0], $0xffff  }
0x462: {  	v2 =	vld.idx.msk [tilespmem:v7+s28+$0x0], $0xffff;
	[tilespmem:s31+$0x30] =	vst v9  }
0x463: {  	s1 =	simm.s32 $0x197F0;
	s0 =	simm.s32 $0x0;
	v4 =	vld.idx.msk [tilespmem:v8+s28+$0x0], $0xffff;
	[tilespmem:s31+$0xFFFFFFD0] =	vst v10  }
.LBB2_44:
0x464: {  	v6 =	vld [tilespmem:s1+$0x0];
	s0 =	sadd.s32 $0x8, s0;
	[tilespmem:s31+$0xFFFFFFE0] =	vst v5  }
0x465: {  	v5 =	vld [tilespmem:s1+$0xFFFFFFA0];
	p5 =	slt.u32 s0, $0xF8;
	[tilespmem:s31+$0xFFFFFFF0] =	vst v3  }
0x466: {  	v3 =	vld [tilespmem:s1+$0xFFFFFFB0];
	[tilespmem:s31+$0x0] =	vst v0  }
0x467: {  	v0 =	vld [tilespmem:s1+$0xFFFFFFC0];
	[tilespmem:s31+$0x10] =	vst v1  }
0x468: {  	v1 =	vld [tilespmem:s1+$0xFFFFFFD0];
	[tilespmem:s31+$0x20] =	vst v2  }
0x469: {  	v2 =	vld [tilespmem:s1+$0xFFFFFFE0];
	[tilespmem:s31+$0xFFFFFFC0] =	vst v4  }
0x46a: {  	v4 =	vld [tilespmem:s1+$0xFFFFFFF0]  }
0x46b: {  	v7 =	vld [tilespmem:s1+$0xFFFFFF90]  }
0x46c: {  	v6 =	vld.idx.msk [tilespmem:v6+s28+$0x0], $0xffff  }
0x46d: {  	v8 =	vld.idx.msk [tilespmem:v5+s28+$0x0], $0xffff  }
0x46e: {  	v5 =	vld.idx.msk [tilespmem:v3+s28+$0x0], $0xffff  }
.Ltmp21:
0x46f: {  	v3 =	vld.idx.msk [tilespmem:v0+s28+$0x0], $0xffff;
	(pc) =	sbr.rel @p5 .LBB2_44-.Ltmp21, $4  }
0x470: {  	v0 =	vld.idx.msk [tilespmem:v1+s28+$0x0], $0xffff  }
0x471: {  	s31 =	sadd.s32 $0x80, s31;
	v1 =	vld.idx.msk [tilespmem:v2+s28+$0x0], $0xffff  }
0x472: {  	v2 =	vld.idx.msk [tilespmem:v4+s28+$0x0], $0xffff;
	[tilespmem:s31+$0x30] =	vst v6  }
0x473: {  	s1 =	sadd.s32 $0x80, s1;
	v4 =	vld.idx.msk [tilespmem:v7+s28+$0x0], $0xffff;
	[tilespmem:s31+$0xFFFFFFD0] =	vst v8  }
0x474: {  	[tilespmem:s31+$0xFFFFFFE0] =	vst v5  }
0x475: {  	[tilespmem:s31+$0xFFFFFFF0] =	vst v3  }
0x476: {  	[tilespmem:s31+$0x0] =	vst v0  }
0x477: {  	[tilespmem:s31+$0x10] =	vst v1  }
0x478: {  	[tilespmem:s31+$0x20] =	vst v2  }
0x479: {  	[tilespmem:s31+$0xFFFFFFC0] =	vst v4  }
0x47a: {  	s0 =	sld [smem:$0x7EF];
	_ =	sdelay $0x2  }
0x47b: {  	[hbm4b:s0+s20] =	stream.strided.scatter [tilespmem:s25], [sflag:$0x4], $0x1000, s21, s20, $0x38;
	[tilespmem:$0x1E700] =	vst v63  }
0x47c: {  	_ =	swait.ge [sflag:s26], $0x1000  }
0x47d: {  	[sflag:s26] =	ssyncset.done $0x0  }
0x47e: {  	s2 =	simm.s32 $0x1A770;
	[sflag:s26] =	ssyncadd.s32 $0xFFFFF000  }
0x47f: {  	v0 =	vld [tilespmem:s2+$0x0]  }
0x480: {  	v1 =	vld [tilespmem:s2+$0xFFFFFFA0]  }
0x481: {  	v2 =	vld [tilespmem:s2+$0xFFFFFFB0]  }
0x482: {  	v3 =	vld [tilespmem:s2+$0xFFFFFFC0]  }
0x483: {  	v4 =	vld [tilespmem:s2+$0xFFFFFFD0]  }
0x484: {  	v6 =	vld [tilespmem:s2+$0xFFFFFFE0]  }
0x485: {  	v7 =	vld [tilespmem:s2+$0xFFFFFFF0]  }
0x486: {  	v8 =	vld [tilespmem:s2+$0xFFFFFF90]  }
0x487: {  	v9 =	vld.idx.msk [tilespmem:v0+s28+$0x0], $0xffff  }
0x488: {  	v10 =	vld.idx.msk [tilespmem:v1+s28+$0x0], $0xffff  }
0x489: {  	v5 =	vld.idx.msk [tilespmem:v2+s28+$0x0], $0xffff  }
0x48a: {  	v3 =	vld.idx.msk [tilespmem:v3+s28+$0x0], $0xffff  }
0x48b: {  	v0 =	vld.idx.msk [tilespmem:v4+s28+$0x0], $0xffff  }
0x48c: {  	s31 =	simm.s32 $0x1C740;
	v1 =	vld.idx.msk [tilespmem:v6+s28+$0x0], $0xffff  }
0x48d: {  	v2 =	vld.idx.msk [tilespmem:v7+s28+$0x0], $0xffff;
	[tilespmem:s31+$0x30] =	vst v9  }
0x48e: {  	s1 =	simm.s32 $0x1A7F0;
	s0 =	simm.s32 $0x0;
	v4 =	vld.idx.msk [tilespmem:v8+s28+$0x0], $0xffff;
	[tilespmem:s31+$0xFFFFFFD0] =	vst v10  }
.LBB2_46:
0x48f: {  	v6 =	vld [tilespmem:s1+$0x0];
	s0 =	sadd.s32 $0x8, s0;
	[tilespmem:s31+$0xFFFFFFE0] =	vst v5  }
0x490: {  	v5 =	vld [tilespmem:s1+$0xFFFFFFA0];
	p5 =	slt.u32 s0, $0xF8;
	[tilespmem:s31+$0xFFFFFFF0] =	vst v3  }
0x491: {  	v3 =	vld [tilespmem:s1+$0xFFFFFFB0];
	[tilespmem:s31+$0x0] =	vst v0  }
0x492: {  	v0 =	vld [tilespmem:s1+$0xFFFFFFC0];
	[tilespmem:s31+$0x10] =	vst v1  }
0x493: {  	v1 =	vld [tilespmem:s1+$0xFFFFFFD0];
	[tilespmem:s31+$0x20] =	vst v2  }
0x494: {  	v2 =	vld [tilespmem:s1+$0xFFFFFFE0];
	[tilespmem:s31+$0xFFFFFFC0] =	vst v4  }
0x495: {  	v4 =	vld [tilespmem:s1+$0xFFFFFFF0]  }
0x496: {  	v7 =	vld [tilespmem:s1+$0xFFFFFF90]  }
0x497: {  	v6 =	vld.idx.msk [tilespmem:v6+s28+$0x0], $0xffff  }
0x498: {  	v8 =	vld.idx.msk [tilespmem:v5+s28+$0x0], $0xffff  }
0x499: {  	v5 =	vld.idx.msk [tilespmem:v3+s28+$0x0], $0xffff  }
.Ltmp22:
0x49a: {  	v3 =	vld.idx.msk [tilespmem:v0+s28+$0x0], $0xffff;
	(pc) =	sbr.rel @p5 .LBB2_46-.Ltmp22, $4  }
0x49b: {  	v0 =	vld.idx.msk [tilespmem:v1+s28+$0x0], $0xffff  }
0x49c: {  	s31 =	sadd.s32 $0x80, s31;
	v1 =	vld.idx.msk [tilespmem:v2+s28+$0x0], $0xffff  }
0x49d: {  	v2 =	vld.idx.msk [tilespmem:v4+s28+$0x0], $0xffff;
	[tilespmem:s31+$0x30] =	vst v6  }
0x49e: {  	s1 =	sadd.s32 $0x80, s1;
	v4 =	vld.idx.msk [tilespmem:v7+s28+$0x0], $0xffff;
	[tilespmem:s31+$0xFFFFFFD0] =	vst v8  }
0x49f: {  	[tilespmem:s31+$0xFFFFFFE0] =	vst v5  }
0x4a0: {  	[tilespmem:s31+$0xFFFFFFF0] =	vst v3  }
0x4a1: {  	[tilespmem:s31+$0x0] =	vst v0  }
0x4a2: {  	[tilespmem:s31+$0x10] =	vst v1  }
0x4a3: {  	[tilespmem:s31+$0x20] =	vst v2  }
0x4a4: {  	[tilespmem:s31+$0xFFFFFFC0] =	vst v4  }
0x4a5: {  	s0 =	sld [smem:$0x7F0];
	_ =	sdelay $0x2  }
0x4a6: {  	[hbm4b:s0+s20] =	stream.strided.scatter [tilespmem:s24], [sflag:$0x3], $0x1000, s21, s20, $0x38;
	[tilespmem:$0x1E700] =	vst v63  }
0x4a7: {  	_ =	swait.ge [sflag:s29], $0x1000  }
0x4a8: {  	[sflag:s29] =	ssyncset.done $0x0  }
0x4a9: {  	s2 =	simm.s32 $0x1B770;
	[sflag:s29] =	ssyncadd.s32 $0xFFFFF000  }
0x4aa: {  	v0 =	vld [tilespmem:s2+$0x0]  }
0x4ab: {  	v1 =	vld [tilespmem:s2+$0xFFFFFFA0]  }
0x4ac: {  	v2 =	vld [tilespmem:s2+$0xFFFFFFB0]  }
0x4ad: {  	v3 =	vld [tilespmem:s2+$0xFFFFFFC0]  }
0x4ae: {  	v4 =	vld [tilespmem:s2+$0xFFFFFFD0]  }
0x4af: {  	v6 =	vld [tilespmem:s2+$0xFFFFFFE0]  }
0x4b0: {  	v7 =	vld [tilespmem:s2+$0xFFFFFFF0]  }
0x4b1: {  	v8 =	vld [tilespmem:s2+$0xFFFFFF90]  }
0x4b2: {  	v9 =	vld.idx.msk [tilespmem:v0+s28+$0x0], $0xffff  }
0x4b3: {  	v10 =	vld.idx.msk [tilespmem:v1+s28+$0x0], $0xffff  }
0x4b4: {  	v5 =	vld.idx.msk [tilespmem:v2+s28+$0x0], $0xffff  }
0x4b5: {  	v3 =	vld.idx.msk [tilespmem:v3+s28+$0x0], $0xffff  }
0x4b6: {  	v0 =	vld.idx.msk [tilespmem:v4+s28+$0x0], $0xffff  }
0x4b7: {  	s31 =	simm.s32 $0x1D740;
	v1 =	vld.idx.msk [tilespmem:v6+s28+$0x0], $0xffff  }
0x4b8: {  	v2 =	vld.idx.msk [tilespmem:v7+s28+$0x0], $0xffff;
	[tilespmem:s31+$0x30] =	vst v9  }
0x4b9: {  	s1 =	simm.s32 $0x1B7F0;
	s0 =	simm.s32 $0x0;
	v4 =	vld.idx.msk [tilespmem:v8+s28+$0x0], $0xffff;
	[tilespmem:s31+$0xFFFFFFD0] =	vst v10  }
.LBB2_48:
0x4ba: {  	v6 =	vld [tilespmem:s1+$0x0];
	s0 =	sadd.s32 $0x8, s0;
	[tilespmem:s31+$0xFFFFFFE0] =	vst v5  }
0x4bb: {  	v5 =	vld [tilespmem:s1+$0xFFFFFFA0];
	p5 =	slt.u32 s0, $0xF8;
	[tilespmem:s31+$0xFFFFFFF0] =	vst v3  }
0x4bc: {  	v3 =	vld [tilespmem:s1+$0xFFFFFFB0];
	[tilespmem:s31+$0x0] =	vst v0  }
0x4bd: {  	v0 =	vld [tilespmem:s1+$0xFFFFFFC0];
	[tilespmem:s31+$0x10] =	vst v1  }
0x4be: {  	v1 =	vld [tilespmem:s1+$0xFFFFFFD0];
	[tilespmem:s31+$0x20] =	vst v2  }
0x4bf: {  	v2 =	vld [tilespmem:s1+$0xFFFFFFE0];
	[tilespmem:s31+$0xFFFFFFC0] =	vst v4  }
0x4c0: {  	v4 =	vld [tilespmem:s1+$0xFFFFFFF0]  }
0x4c1: {  	v7 =	vld [tilespmem:s1+$0xFFFFFF90]  }
0x4c2: {  	v6 =	vld.idx.msk [tilespmem:v6+s28+$0x0], $0xffff  }
0x4c3: {  	v8 =	vld.idx.msk [tilespmem:v5+s28+$0x0], $0xffff  }
0x4c4: {  	v5 =	vld.idx.msk [tilespmem:v3+s28+$0x0], $0xffff  }
.Ltmp23:
0x4c5: {  	v3 =	vld.idx.msk [tilespmem:v0+s28+$0x0], $0xffff;
	(pc) =	sbr.rel @p5 .LBB2_48-.Ltmp23, $4  }
0x4c6: {  	v0 =	vld.idx.msk [tilespmem:v1+s28+$0x0], $0xffff  }
0x4c7: {  	s31 =	sadd.s32 $0x80, s31;
	v1 =	vld.idx.msk [tilespmem:v2+s28+$0x0], $0xffff  }
0x4c8: {  	v2 =	vld.idx.msk [tilespmem:v4+s28+$0x0], $0xffff;
	[tilespmem:s31+$0x30] =	vst v6  }
0x4c9: {  	s1 =	sadd.s32 $0x80, s1;
	v4 =	vld.idx.msk [tilespmem:v7+s28+$0x0], $0xffff;
	[tilespmem:s31+$0xFFFFFFD0] =	vst v8  }
0x4ca: {  	[tilespmem:s31+$0xFFFFFFE0] =	vst v5  }
0x4cb: {  	[tilespmem:s31+$0xFFFFFFF0] =	vst v3  }
0x4cc: {  	[tilespmem:s31+$0x0] =	vst v0  }
0x4cd: {  	[tilespmem:s31+$0x10] =	vst v1  }
0x4ce: {  	[tilespmem:s31+$0x20] =	vst v2  }
0x4cf: {  	[tilespmem:s31+$0xFFFFFFC0] =	vst v4  }
0x4d0: {  	s0 =	sld [smem:$0x7F1]  }
0x4d1: {  	s1 =	sld [smem:$0x7DB];
	_ =	sdelay $0x1  }
0x4d2: {  	[hbm4b:s0+s20] =	stream.strided.scatter [tilespmem:s25], [sflag:$0x4], $0x1000, s21, s20, $0x38;
	[tilespmem:$0x1E700] =	vst v63  }
0x4d3: {  	p5 =	seq.s32 s1, $0x1  }
0x4d4: {  	s2 =	rddreg [dreg:$0x16];
	s0 =	simm.s32 @!p5 $0x80  }
0x4d5: {  	[tilespmem:s28], [sflag:$0x1] =	stream.strided.gather [hbm4b:s2+s20], $0x18700, s21, s20, $0x38;
	[tilespmem:$0x1E700] =	vst v63  }
0x4d6: {  	s1 =	simm.s32 @!p5 $0x400;
	s31 =	simm.s32 @!p5 $0x18700;
	s2 =	rddreg [dreg:$0x9]  }
0x4d7: {  	[tilespmem:s31], [sflag:$0x2] =	stream.strided.gather @!p5 [hbm4b:s2+s0], $0x4000, s1, s0, $0x38;
	[tilespmem:$0x1E700] =	vst v63  }
0x4d8: {  	s0 =	simm.s32 @!p5 $0x2  }
0x4d9: {  	_ =	swait.ge @!p5 [sflag:s0], $0x4000  }
0x4da: {  	[sflag:s0] =	ssyncset.done @!p5 $0x0  }
0x4db: {  	[sflag:s0] =	ssyncadd.s32 @!p5 $0xFFFFC000  }
0x4dc: {  	_ =	swait.ge [sflag:s23], $0x18700  }
0x4dd: {  	[sflag:s23] =	ssyncset.done $0x0  }
0x4de: {  	[sflag:s23] =	ssyncadd.s32 $0xFFFE7900  }
0x4df: {  	_ =	swait.ge [sflag:s26], $0x1000  }
0x4e0: {  	[sflag:s26] =	ssyncset.done $0x0  }
0x4e1: {  	s2 =	simm.s32 $0x18740;
	[sflag:s26] =	ssyncadd.s32 $0xFFFFF000  }
0x4e2: {  	v0 =	vld [tilespmem:s2+$0x30]  }
0x4e3: {  	v1 =	vld [tilespmem:s2+$0xFFFFFFD0]  }
0x4e4: {  	v2 =	vld [tilespmem:s2+$0xFFFFFFE0]  }
0x4e5: {  	v3 =	vld [tilespmem:s2+$0xFFFFFFF0]  }
0x4e6: {  	v4 =	vld [tilespmem:s2+$0x0]  }
0x4e7: {  	v6 =	vld [tilespmem:s2+$0x10]  }
0x4e8: {  	v7 =	vld [tilespmem:s2+$0x20]  }
0x4e9: {  	v8 =	vld [tilespmem:s2+$0xFFFFFFC0]  }
0x4ea: {  	v9 =	vld.idx.msk [tilespmem:v0+s28+$0x0], $0xffff  }
0x4eb: {  	v10 =	vld.idx.msk [tilespmem:v1+s28+$0x0], $0xffff  }
0x4ec: {  	v5 =	vld.idx.msk [tilespmem:v2+s28+$0x0], $0xffff  }
0x4ed: {  	v3 =	vld.idx.msk [tilespmem:v3+s28+$0x0], $0xffff  }
0x4ee: {  	v0 =	vld.idx.msk [tilespmem:v4+s28+$0x0], $0xffff  }
0x4ef: {  	s31 =	simm.s32 $0x1C740;
	v1 =	vld.idx.msk [tilespmem:v6+s28+$0x0], $0xffff  }
0x4f0: {  	v2 =	vld.idx.msk [tilespmem:v7+s28+$0x0], $0xffff;
	[tilespmem:s31+$0x30] =	vst v9  }
0x4f1: {  	s1 =	simm.s32 $0x187C0;
	s0 =	simm.s32 $0x0;
	v4 =	vld.idx.msk [tilespmem:v8+s28+$0x0], $0xffff;
	[tilespmem:s31+$0xFFFFFFD0] =	vst v10  }
.LBB2_50:
0x4f2: {  	v6 =	vld [tilespmem:s1+$0x30];
	s0 =	sadd.s32 $0x8, s0;
	[tilespmem:s31+$0xFFFFFFE0] =	vst v5  }
0x4f3: {  	v5 =	vld [tilespmem:s1+$0xFFFFFFD0];
	p5 =	slt.u32 s0, $0xF8;
	[tilespmem:s31+$0xFFFFFFF0] =	vst v3  }
0x4f4: {  	v3 =	vld [tilespmem:s1+$0xFFFFFFE0];
	[tilespmem:s31+$0x0] =	vst v0  }
0x4f5: {  	v0 =	vld [tilespmem:s1+$0xFFFFFFF0];
	[tilespmem:s31+$0x10] =	vst v1  }
0x4f6: {  	v1 =	vld [tilespmem:s1+$0x0];
	[tilespmem:s31+$0x20] =	vst v2  }
0x4f7: {  	v2 =	vld [tilespmem:s1+$0x10];
	[tilespmem:s31+$0xFFFFFFC0] =	vst v4  }
0x4f8: {  	v4 =	vld [tilespmem:s1+$0x20]  }
0x4f9: {  	v7 =	vld [tilespmem:s1+$0xFFFFFFC0]  }
0x4fa: {  	v6 =	vld.idx.msk [tilespmem:v6+s28+$0x0], $0xffff  }
0x4fb: {  	v8 =	vld.idx.msk [tilespmem:v5+s28+$0x0], $0xffff  }
0x4fc: {  	v5 =	vld.idx.msk [tilespmem:v3+s28+$0x0], $0xffff  }
.Ltmp24:
0x4fd: {  	v3 =	vld.idx.msk [tilespmem:v0+s28+$0x0], $0xffff;
	(pc) =	sbr.rel @p5 .LBB2_50-.Ltmp24, $4  }
0x4fe: {  	v0 =	vld.idx.msk [tilespmem:v1+s28+$0x0], $0xffff  }
0x4ff: {  	s31 =	sadd.s32 $0x80, s31;
	v1 =	vld.idx.msk [tilespmem:v2+s28+$0x0], $0xffff  }
0x500: {  	v2 =	vld.idx.msk [tilespmem:v4+s28+$0x0], $0xffff;
	[tilespmem:s31+$0x30] =	vst v6  }
0x501: {  	s1 =	sadd.s32 $0x80, s1;
	v4 =	vld.idx.msk [tilespmem:v7+s28+$0x0], $0xffff;
	[tilespmem:s31+$0xFFFFFFD0] =	vst v8  }
0x502: {  	[tilespmem:s31+$0xFFFFFFE0] =	vst v5  }
0x503: {  	[tilespmem:s31+$0xFFFFFFF0] =	vst v3  }
0x504: {  	[tilespmem:s31+$0x0] =	vst v0  }
0x505: {  	[tilespmem:s31+$0x10] =	vst v1  }
0x506: {  	[tilespmem:s31+$0x20] =	vst v2  }
0x507: {  	[tilespmem:s31+$0xFFFFFFC0] =	vst v4  }
0x508: {  	s0 =	sld [smem:$0x7F2];
	_ =	sdelay $0x2  }
0x509: {  	[hbm4b:s0+s20] =	stream.strided.scatter [tilespmem:s24], [sflag:$0x3], $0x1000, s21, s20, $0x38;
	[tilespmem:$0x1E700] =	vst v63  }
0x50a: {  	_ =	swait.ge [sflag:s29], $0x1000  }
0x50b: {  	[sflag:s29] =	ssyncset.done $0x0  }
0x50c: {  	s2 =	simm.s32 $0x19770;
	[sflag:s29] =	ssyncadd.s32 $0xFFFFF000  }
0x50d: {  	v0 =	vld [tilespmem:s2+$0x0]  }
0x50e: {  	v1 =	vld [tilespmem:s2+$0xFFFFFFA0]  }
0x50f: {  	v2 =	vld [tilespmem:s2+$0xFFFFFFB0]  }
0x510: {  	v3 =	vld [tilespmem:s2+$0xFFFFFFC0]  }
0x511: {  	v4 =	vld [tilespmem:s2+$0xFFFFFFD0]  }
0x512: {  	v6 =	vld [tilespmem:s2+$0xFFFFFFE0]  }
0x513: {  	v7 =	vld [tilespmem:s2+$0xFFFFFFF0]  }
0x514: {  	v8 =	vld [tilespmem:s2+$0xFFFFFF90]  }
0x515: {  	v9 =	vld.idx.msk [tilespmem:v0+s28+$0x0], $0xffff  }
0x516: {  	v10 =	vld.idx.msk [tilespmem:v1+s28+$0x0], $0xffff  }
0x517: {  	v5 =	vld.idx.msk [tilespmem:v2+s28+$0x0], $0xffff  }
0x518: {  	v3 =	vld.idx.msk [tilespmem:v3+s28+$0x0], $0xffff  }
0x519: {  	v0 =	vld.idx.msk [tilespmem:v4+s28+$0x0], $0xffff  }
0x51a: {  	s31 =	simm.s32 $0x1D740;
	v1 =	vld.idx.msk [tilespmem:v6+s28+$0x0], $0xffff  }
0x51b: {  	v2 =	vld.idx.msk [tilespmem:v7+s28+$0x0], $0xffff;
	[tilespmem:s31+$0x30] =	vst v9  }
0x51c: {  	s1 =	simm.s32 $0x197F0;
	s0 =	simm.s32 $0x0;
	v4 =	vld.idx.msk [tilespmem:v8+s28+$0x0], $0xffff;
	[tilespmem:s31+$0xFFFFFFD0] =	vst v10  }
.LBB2_52:
0x51d: {  	v6 =	vld [tilespmem:s1+$0x0];
	s0 =	sadd.s32 $0x8, s0;
	[tilespmem:s31+$0xFFFFFFE0] =	vst v5  }
0x51e: {  	v5 =	vld [tilespmem:s1+$0xFFFFFFA0];
	p5 =	slt.u32 s0, $0xF8;
	[tilespmem:s31+$0xFFFFFFF0] =	vst v3  }
0x51f: {  	v3 =	vld [tilespmem:s1+$0xFFFFFFB0];
	[tilespmem:s31+$0x0] =	vst v0  }
0x520: {  	v0 =	vld [tilespmem:s1+$0xFFFFFFC0];
	[tilespmem:s31+$0x10] =	vst v1  }
0x521: {  	v1 =	vld [tilespmem:s1+$0xFFFFFFD0];
	[tilespmem:s31+$0x20] =	vst v2  }
0x522: {  	v2 =	vld [tilespmem:s1+$0xFFFFFFE0];
	[tilespmem:s31+$0xFFFFFFC0] =	vst v4  }
0x523: {  	v4 =	vld [tilespmem:s1+$0xFFFFFFF0]  }
0x524: {  	v7 =	vld [tilespmem:s1+$0xFFFFFF90]  }
0x525: {  	v6 =	vld.idx.msk [tilespmem:v6+s28+$0x0], $0xffff  }
0x526: {  	v8 =	vld.idx.msk [tilespmem:v5+s28+$0x0], $0xffff  }
0x527: {  	v5 =	vld.idx.msk [tilespmem:v3+s28+$0x0], $0xffff  }
.Ltmp25:
0x528: {  	v3 =	vld.idx.msk [tilespmem:v0+s28+$0x0], $0xffff;
	(pc) =	sbr.rel @p5 .LBB2_52-.Ltmp25, $4  }
0x529: {  	v0 =	vld.idx.msk [tilespmem:v1+s28+$0x0], $0xffff  }
0x52a: {  	s31 =	sadd.s32 $0x80, s31;
	v1 =	vld.idx.msk [tilespmem:v2+s28+$0x0], $0xffff  }
0x52b: {  	v2 =	vld.idx.msk [tilespmem:v4+s28+$0x0], $0xffff;
	[tilespmem:s31+$0x30] =	vst v6  }
0x52c: {  	s1 =	sadd.s32 $0x80, s1;
	v4 =	vld.idx.msk [tilespmem:v7+s28+$0x0], $0xffff;
	[tilespmem:s31+$0xFFFFFFD0] =	vst v8  }
0x52d: {  	[tilespmem:s31+$0xFFFFFFE0] =	vst v5  }
0x52e: {  	[tilespmem:s31+$0xFFFFFFF0] =	vst v3  }
0x52f: {  	[tilespmem:s31+$0x0] =	vst v0  }
0x530: {  	[tilespmem:s31+$0x10] =	vst v1  }
0x531: {  	[tilespmem:s31+$0x20] =	vst v2  }
0x532: {  	[tilespmem:s31+$0xFFFFFFC0] =	vst v4  }
0x533: {  	s0 =	sld [smem:$0x7F3];
	_ =	sdelay $0x2  }
0x534: {  	[hbm4b:s0+s20] =	stream.strided.scatter [tilespmem:s25], [sflag:$0x4], $0x1000, s21, s20, $0x38;
	[tilespmem:$0x1E700] =	vst v63  }
0x535: {  	_ =	swait.ge [sflag:s26], $0x1000  }
0x536: {  	[sflag:s26] =	ssyncset.done $0x0  }
0x537: {  	s2 =	simm.s32 $0x1A770;
	[sflag:s26] =	ssyncadd.s32 $0xFFFFF000  }
0x538: {  	v0 =	vld [tilespmem:s2+$0x0]  }
0x539: {  	v1 =	vld [tilespmem:s2+$0xFFFFFFA0]  }
0x53a: {  	v2 =	vld [tilespmem:s2+$0xFFFFFFB0]  }
0x53b: {  	v3 =	vld [tilespmem:s2+$0xFFFFFFC0]  }
0x53c: {  	v4 =	vld [tilespmem:s2+$0xFFFFFFD0]  }
0x53d: {  	v6 =	vld [tilespmem:s2+$0xFFFFFFE0]  }
0x53e: {  	v7 =	vld [tilespmem:s2+$0xFFFFFFF0]  }
0x53f: {  	v8 =	vld [tilespmem:s2+$0xFFFFFF90]  }
0x540: {  	v9 =	vld.idx.msk [tilespmem:v0+s28+$0x0], $0xffff  }
0x541: {  	v10 =	vld.idx.msk [tilespmem:v1+s28+$0x0], $0xffff  }
0x542: {  	v5 =	vld.idx.msk [tilespmem:v2+s28+$0x0], $0xffff  }
0x543: {  	v3 =	vld.idx.msk [tilespmem:v3+s28+$0x0], $0xffff  }
0x544: {  	v0 =	vld.idx.msk [tilespmem:v4+s28+$0x0], $0xffff  }
0x545: {  	s31 =	simm.s32 $0x1C740;
	v1 =	vld.idx.msk [tilespmem:v6+s28+$0x0], $0xffff  }
0x546: {  	v2 =	vld.idx.msk [tilespmem:v7+s28+$0x0], $0xffff;
	[tilespmem:s31+$0x30] =	vst v9  }
0x547: {  	s1 =	simm.s32 $0x1A7F0;
	s0 =	simm.s32 $0x0;
	v4 =	vld.idx.msk [tilespmem:v8+s28+$0x0], $0xffff;
	[tilespmem:s31+$0xFFFFFFD0] =	vst v10  }
.LBB2_54:
0x548: {  	v6 =	vld [tilespmem:s1+$0x0];
	s0 =	sadd.s32 $0x8, s0;
	[tilespmem:s31+$0xFFFFFFE0] =	vst v5  }
0x549: {  	v5 =	vld [tilespmem:s1+$0xFFFFFFA0];
	p5 =	slt.u32 s0, $0xF8;
	[tilespmem:s31+$0xFFFFFFF0] =	vst v3  }
0x54a: {  	v3 =	vld [tilespmem:s1+$0xFFFFFFB0];
	[tilespmem:s31+$0x0] =	vst v0  }
0x54b: {  	v0 =	vld [tilespmem:s1+$0xFFFFFFC0];
	[tilespmem:s31+$0x10] =	vst v1  }
0x54c: {  	v1 =	vld [tilespmem:s1+$0xFFFFFFD0];
	[tilespmem:s31+$0x20] =	vst v2  }
0x54d: {  	v2 =	vld [tilespmem:s1+$0xFFFFFFE0];
	[tilespmem:s31+$0xFFFFFFC0] =	vst v4  }
0x54e: {  	v4 =	vld [tilespmem:s1+$0xFFFFFFF0]  }
0x54f: {  	v7 =	vld [tilespmem:s1+$0xFFFFFF90]  }
0x550: {  	v6 =	vld.idx.msk [tilespmem:v6+s28+$0x0], $0xffff  }
0x551: {  	v8 =	vld.idx.msk [tilespmem:v5+s28+$0x0], $0xffff  }
0x552: {  	v5 =	vld.idx.msk [tilespmem:v3+s28+$0x0], $0xffff  }
.Ltmp26:
0x553: {  	v3 =	vld.idx.msk [tilespmem:v0+s28+$0x0], $0xffff;
	(pc) =	sbr.rel @p5 .LBB2_54-.Ltmp26, $4  }
0x554: {  	v0 =	vld.idx.msk [tilespmem:v1+s28+$0x0], $0xffff  }
0x555: {  	s31 =	sadd.s32 $0x80, s31;
	v1 =	vld.idx.msk [tilespmem:v2+s28+$0x0], $0xffff  }
0x556: {  	v2 =	vld.idx.msk [tilespmem:v4+s28+$0x0], $0xffff;
	[tilespmem:s31+$0x30] =	vst v6  }
0x557: {  	s1 =	sadd.s32 $0x80, s1;
	v4 =	vld.idx.msk [tilespmem:v7+s28+$0x0], $0xffff;
	[tilespmem:s31+$0xFFFFFFD0] =	vst v8  }
0x558: {  	[tilespmem:s31+$0xFFFFFFE0] =	vst v5  }
0x559: {  	[tilespmem:s31+$0xFFFFFFF0] =	vst v3  }
0x55a: {  	[tilespmem:s31+$0x0] =	vst v0  }
0x55b: {  	[tilespmem:s31+$0x10] =	vst v1  }
0x55c: {  	[tilespmem:s31+$0x20] =	vst v2  }
0x55d: {  	[tilespmem:s31+$0xFFFFFFC0] =	vst v4  }
0x55e: {  	s0 =	sld [smem:$0x7F4];
	_ =	sdelay $0x2  }
0x55f: {  	[hbm4b:s0+s20] =	stream.strided.scatter [tilespmem:s24], [sflag:$0x3], $0x1000, s21, s20, $0x38;
	[tilespmem:$0x1E700] =	vst v63  }
0x560: {  	_ =	swait.ge [sflag:s29], $0x1000  }
0x561: {  	[sflag:s29] =	ssyncset.done $0x0  }
0x562: {  	s2 =	simm.s32 $0x1B770;
	[sflag:s29] =	ssyncadd.s32 $0xFFFFF000  }
0x563: {  	v0 =	vld [tilespmem:s2+$0x0]  }
0x564: {  	v1 =	vld [tilespmem:s2+$0xFFFFFFA0]  }
0x565: {  	v2 =	vld [tilespmem:s2+$0xFFFFFFB0]  }
0x566: {  	v3 =	vld [tilespmem:s2+$0xFFFFFFC0]  }
0x567: {  	v4 =	vld [tilespmem:s2+$0xFFFFFFD0]  }
0x568: {  	v6 =	vld [tilespmem:s2+$0xFFFFFFE0]  }
0x569: {  	v7 =	vld [tilespmem:s2+$0xFFFFFFF0]  }
0x56a: {  	v8 =	vld [tilespmem:s2+$0xFFFFFF90]  }
0x56b: {  	v9 =	vld.idx.msk [tilespmem:v0+s28+$0x0], $0xffff  }
0x56c: {  	v10 =	vld.idx.msk [tilespmem:v1+s28+$0x0], $0xffff  }
0x56d: {  	v5 =	vld.idx.msk [tilespmem:v2+s28+$0x0], $0xffff  }
0x56e: {  	v3 =	vld.idx.msk [tilespmem:v3+s28+$0x0], $0xffff  }
0x56f: {  	v0 =	vld.idx.msk [tilespmem:v4+s28+$0x0], $0xffff  }
0x570: {  	s31 =	simm.s32 $0x1D740;
	v1 =	vld.idx.msk [tilespmem:v6+s28+$0x0], $0xffff  }
0x571: {  	v2 =	vld.idx.msk [tilespmem:v7+s28+$0x0], $0xffff;
	[tilespmem:s31+$0x30] =	vst v9  }
0x572: {  	s1 =	simm.s32 $0x1B7F0;
	s0 =	simm.s32 $0x0;
	v4 =	vld.idx.msk [tilespmem:v8+s28+$0x0], $0xffff;
	[tilespmem:s31+$0xFFFFFFD0] =	vst v10  }
.LBB2_56:
0x573: {  	v6 =	vld [tilespmem:s1+$0x0];
	s0 =	sadd.s32 $0x8, s0;
	[tilespmem:s31+$0xFFFFFFE0] =	vst v5  }
0x574: {  	v5 =	vld [tilespmem:s1+$0xFFFFFFA0];
	p5 =	slt.u32 s0, $0xF8;
	[tilespmem:s31+$0xFFFFFFF0] =	vst v3  }
0x575: {  	v3 =	vld [tilespmem:s1+$0xFFFFFFB0];
	[tilespmem:s31+$0x0] =	vst v0  }
0x576: {  	v0 =	vld [tilespmem:s1+$0xFFFFFFC0];
	[tilespmem:s31+$0x10] =	vst v1  }
0x577: {  	v1 =	vld [tilespmem:s1+$0xFFFFFFD0];
	[tilespmem:s31+$0x20] =	vst v2  }
0x578: {  	v2 =	vld [tilespmem:s1+$0xFFFFFFE0];
	[tilespmem:s31+$0xFFFFFFC0] =	vst v4  }
0x579: {  	v4 =	vld [tilespmem:s1+$0xFFFFFFF0]  }
0x57a: {  	v7 =	vld [tilespmem:s1+$0xFFFFFF90]  }
0x57b: {  	v6 =	vld.idx.msk [tilespmem:v6+s28+$0x0], $0xffff  }
0x57c: {  	v8 =	vld.idx.msk [tilespmem:v5+s28+$0x0], $0xffff  }
0x57d: {  	v5 =	vld.idx.msk [tilespmem:v3+s28+$0x0], $0xffff  }
.Ltmp27:
0x57e: {  	v3 =	vld.idx.msk [tilespmem:v0+s28+$0x0], $0xffff;
	(pc) =	sbr.rel @p5 .LBB2_56-.Ltmp27, $4  }
0x57f: {  	v0 =	vld.idx.msk [tilespmem:v1+s28+$0x0], $0xffff  }
0x580: {  	s31 =	sadd.s32 $0x80, s31;
	v1 =	vld.idx.msk [tilespmem:v2+s28+$0x0], $0xffff  }
0x581: {  	v2 =	vld.idx.msk [tilespmem:v4+s28+$0x0], $0xffff;
	[tilespmem:s31+$0x30] =	vst v6  }
0x582: {  	s1 =	sadd.s32 $0x80, s1;
	v4 =	vld.idx.msk [tilespmem:v7+s28+$0x0], $0xffff;
	[tilespmem:s31+$0xFFFFFFD0] =	vst v8  }
0x583: {  	[tilespmem:s31+$0xFFFFFFE0] =	vst v5  }
0x584: {  	[tilespmem:s31+$0xFFFFFFF0] =	vst v3  }
0x585: {  	[tilespmem:s31+$0x0] =	vst v0  }
0x586: {  	[tilespmem:s31+$0x10] =	vst v1  }
0x587: {  	[tilespmem:s31+$0x20] =	vst v2  }
0x588: {  	[tilespmem:s31+$0xFFFFFFC0] =	vst v4  }
0x589: {  	s0 =	sld [smem:$0x7F5];
	_ =	sdelay $0x2  }
0x58a: {  	[hbm4b:s0+s20] =	stream.strided.scatter [tilespmem:s25], [sflag:$0x4], $0x1000, s21, s20, $0x38;
	[tilespmem:$0x1E700] =	vst v63  }
0x58b: {  	s31 =	simm.s32 @!p6 $0x18700;
	s1 =	rddreg [dreg:$0x17]  }
0x58c: {  	[tilespmem:s28], [sflag:$0x1] =	stream.strided.gather [hbm4b:s1+s20], $0x18700, s21, s20, $0x38;
	[tilespmem:$0x1E700] =	vst v63  }
0x58d: {  	s2 =	rddreg [dreg:$0xa];
	s0 =	simm.s32 @!p6 $0x80;
	s1 =	simm.s32 @!p6 $0x400  }
0x58e: {  	[tilespmem:s31], [sflag:$0x2] =	stream.strided.gather @!p6 [hbm4b:s2+s0], $0x4000, s1, s0, $0x38;
	[tilespmem:$0x1E700] =	vst v63  }
0x58f: {  	s0 =	simm.s32 @!p6 $0x2  }
0x590: {  	_ =	swait.ge @!p6 [sflag:s0], $0x4000  }
0x591: {  	[sflag:s0] =	ssyncset.done @!p6 $0x0  }
0x592: {  	[sflag:s0] =	ssyncadd.s32 @!p6 $0xFFFFC000  }
0x593: {  	_ =	swait.ge [sflag:s23], $0x18700  }
0x594: {  	[sflag:s23] =	ssyncset.done $0x0  }
0x595: {  	[sflag:s23] =	ssyncadd.s32 $0xFFFE7900  }
0x596: {  	_ =	swait.ge [sflag:s26], $0x1000  }
0x597: {  	[sflag:s26] =	ssyncset.done $0x0  }
0x598: {  	s2 =	simm.s32 $0x18740;
	[sflag:s26] =	ssyncadd.s32 $0xFFFFF000  }
0x599: {  	v0 =	vld [tilespmem:s2+$0x30]  }
0x59a: {  	v1 =	vld [tilespmem:s2+$0xFFFFFFD0]  }
0x59b: {  	v2 =	vld [tilespmem:s2+$0xFFFFFFE0]  }
0x59c: {  	v3 =	vld [tilespmem:s2+$0xFFFFFFF0]  }
0x59d: {  	v4 =	vld [tilespmem:s2+$0x0]  }
0x59e: {  	v6 =	vld [tilespmem:s2+$0x10]  }
0x59f: {  	v7 =	vld [tilespmem:s2+$0x20]  }
0x5a0: {  	v8 =	vld [tilespmem:s2+$0xFFFFFFC0]  }
0x5a1: {  	v9 =	vld.idx.msk [tilespmem:v0+s28+$0x0], $0xffff  }
0x5a2: {  	v10 =	vld.idx.msk [tilespmem:v1+s28+$0x0], $0xffff  }
0x5a3: {  	v5 =	vld.idx.msk [tilespmem:v2+s28+$0x0], $0xffff  }
0x5a4: {  	v3 =	vld.idx.msk [tilespmem:v3+s28+$0x0], $0xffff  }
0x5a5: {  	v0 =	vld.idx.msk [tilespmem:v4+s28+$0x0], $0xffff  }
0x5a6: {  	s31 =	simm.s32 $0x1C740;
	v1 =	vld.idx.msk [tilespmem:v6+s28+$0x0], $0xffff  }
0x5a7: {  	v2 =	vld.idx.msk [tilespmem:v7+s28+$0x0], $0xffff;
	[tilespmem:s31+$0x30] =	vst v9  }
0x5a8: {  	s1 =	simm.s32 $0x187C0;
	s0 =	simm.s32 $0x0;
	v4 =	vld.idx.msk [tilespmem:v8+s28+$0x0], $0xffff;
	[tilespmem:s31+$0xFFFFFFD0] =	vst v10  }
.LBB2_58:
0x5a9: {  	v6 =	vld [tilespmem:s1+$0x30];
	s0 =	sadd.s32 $0x8, s0;
	[tilespmem:s31+$0xFFFFFFE0] =	vst v5  }
0x5aa: {  	v5 =	vld [tilespmem:s1+$0xFFFFFFD0];
	p5 =	slt.u32 s0, $0xF8;
	[tilespmem:s31+$0xFFFFFFF0] =	vst v3  }
0x5ab: {  	v3 =	vld [tilespmem:s1+$0xFFFFFFE0];
	[tilespmem:s31+$0x0] =	vst v0  }
0x5ac: {  	v0 =	vld [tilespmem:s1+$0xFFFFFFF0];
	[tilespmem:s31+$0x10] =	vst v1  }
0x5ad: {  	v1 =	vld [tilespmem:s1+$0x0];
	[tilespmem:s31+$0x20] =	vst v2  }
0x5ae: {  	v2 =	vld [tilespmem:s1+$0x10];
	[tilespmem:s31+$0xFFFFFFC0] =	vst v4  }
0x5af: {  	v4 =	vld [tilespmem:s1+$0x20]  }
0x5b0: {  	v7 =	vld [tilespmem:s1+$0xFFFFFFC0]  }
0x5b1: {  	v6 =	vld.idx.msk [tilespmem:v6+s28+$0x0], $0xffff  }
0x5b2: {  	v8 =	vld.idx.msk [tilespmem:v5+s28+$0x0], $0xffff  }
0x5b3: {  	v5 =	vld.idx.msk [tilespmem:v3+s28+$0x0], $0xffff  }
.Ltmp28:
0x5b4: {  	v3 =	vld.idx.msk [tilespmem:v0+s28+$0x0], $0xffff;
	(pc) =	sbr.rel @p5 .LBB2_58-.Ltmp28, $4  }
0x5b5: {  	v0 =	vld.idx.msk [tilespmem:v1+s28+$0x0], $0xffff  }
0x5b6: {  	s31 =	sadd.s32 $0x80, s31;
	v1 =	vld.idx.msk [tilespmem:v2+s28+$0x0], $0xffff  }
0x5b7: {  	v2 =	vld.idx.msk [tilespmem:v4+s28+$0x0], $0xffff;
	[tilespmem:s31+$0x30] =	vst v6  }
0x5b8: {  	s1 =	sadd.s32 $0x80, s1;
	v4 =	vld.idx.msk [tilespmem:v7+s28+$0x0], $0xffff;
	[tilespmem:s31+$0xFFFFFFD0] =	vst v8  }
0x5b9: {  	[tilespmem:s31+$0xFFFFFFE0] =	vst v5  }
0x5ba: {  	[tilespmem:s31+$0xFFFFFFF0] =	vst v3  }
0x5bb: {  	[tilespmem:s31+$0x0] =	vst v0  }
0x5bc: {  	[tilespmem:s31+$0x10] =	vst v1  }
0x5bd: {  	[tilespmem:s31+$0x20] =	vst v2  }
0x5be: {  	[tilespmem:s31+$0xFFFFFFC0] =	vst v4  }
0x5bf: {  	s0 =	sld [smem:$0x7F6];
	_ =	sdelay $0x2  }
0x5c0: {  	[hbm4b:s0+s20] =	stream.strided.scatter [tilespmem:s24], [sflag:$0x3], $0x1000, s21, s20, $0x38;
	[tilespmem:$0x1E700] =	vst v63  }
0x5c1: {  	_ =	swait.ge [sflag:s29], $0x1000  }
0x5c2: {  	[sflag:s29] =	ssyncset.done $0x0  }
0x5c3: {  	s2 =	simm.s32 $0x19770;
	[sflag:s29] =	ssyncadd.s32 $0xFFFFF000  }
0x5c4: {  	v0 =	vld [tilespmem:s2+$0x0]  }
0x5c5: {  	v1 =	vld [tilespmem:s2+$0xFFFFFFA0]  }
0x5c6: {  	v2 =	vld [tilespmem:s2+$0xFFFFFFB0]  }
0x5c7: {  	v3 =	vld [tilespmem:s2+$0xFFFFFFC0]  }
0x5c8: {  	v4 =	vld [tilespmem:s2+$0xFFFFFFD0]  }
0x5c9: {  	v6 =	vld [tilespmem:s2+$0xFFFFFFE0]  }
0x5ca: {  	v7 =	vld [tilespmem:s2+$0xFFFFFFF0]  }
0x5cb: {  	v8 =	vld [tilespmem:s2+$0xFFFFFF90]  }
0x5cc: {  	v9 =	vld.idx.msk [tilespmem:v0+s28+$0x0], $0xffff  }
0x5cd: {  	v10 =	vld.idx.msk [tilespmem:v1+s28+$0x0], $0xffff  }
0x5ce: {  	v5 =	vld.idx.msk [tilespmem:v2+s28+$0x0], $0xffff  }
0x5cf: {  	v3 =	vld.idx.msk [tilespmem:v3+s28+$0x0], $0xffff  }
0x5d0: {  	v0 =	vld.idx.msk [tilespmem:v4+s28+$0x0], $0xffff  }
0x5d1: {  	s31 =	simm.s32 $0x1D740;
	v1 =	vld.idx.msk [tilespmem:v6+s28+$0x0], $0xffff  }
0x5d2: {  	v2 =	vld.idx.msk [tilespmem:v7+s28+$0x0], $0xffff;
	[tilespmem:s31+$0x30] =	vst v9  }
0x5d3: {  	s1 =	simm.s32 $0x197F0;
	s0 =	simm.s32 $0x0;
	v4 =	vld.idx.msk [tilespmem:v8+s28+$0x0], $0xffff;
	[tilespmem:s31+$0xFFFFFFD0] =	vst v10  }
.LBB2_60:
0x5d4: {  	v6 =	vld [tilespmem:s1+$0x0];
	s0 =	sadd.s32 $0x8, s0;
	[tilespmem:s31+$0xFFFFFFE0] =	vst v5  }
0x5d5: {  	v5 =	vld [tilespmem:s1+$0xFFFFFFA0];
	p5 =	slt.u32 s0, $0xF8;
	[tilespmem:s31+$0xFFFFFFF0] =	vst v3  }
0x5d6: {  	v3 =	vld [tilespmem:s1+$0xFFFFFFB0];
	[tilespmem:s31+$0x0] =	vst v0  }
0x5d7: {  	v0 =	vld [tilespmem:s1+$0xFFFFFFC0];
	[tilespmem:s31+$0x10] =	vst v1  }
0x5d8: {  	v1 =	vld [tilespmem:s1+$0xFFFFFFD0];
	[tilespmem:s31+$0x20] =	vst v2  }
0x5d9: {  	v2 =	vld [tilespmem:s1+$0xFFFFFFE0];
	[tilespmem:s31+$0xFFFFFFC0] =	vst v4  }
0x5da: {  	v4 =	vld [tilespmem:s1+$0xFFFFFFF0]  }
0x5db: {  	v7 =	vld [tilespmem:s1+$0xFFFFFF90]  }
0x5dc: {  	v6 =	vld.idx.msk [tilespmem:v6+s28+$0x0], $0xffff  }
0x5dd: {  	v8 =	vld.idx.msk [tilespmem:v5+s28+$0x0], $0xffff  }
0x5de: {  	v5 =	vld.idx.msk [tilespmem:v3+s28+$0x0], $0xffff  }
.Ltmp29:
0x5df: {  	v3 =	vld.idx.msk [tilespmem:v0+s28+$0x0], $0xffff;
	(pc) =	sbr.rel @p5 .LBB2_60-.Ltmp29, $4  }
0x5e0: {  	v0 =	vld.idx.msk [tilespmem:v1+s28+$0x0], $0xffff  }
0x5e1: {  	s31 =	sadd.s32 $0x80, s31;
	v1 =	vld.idx.msk [tilespmem:v2+s28+$0x0], $0xffff  }
0x5e2: {  	v2 =	vld.idx.msk [tilespmem:v4+s28+$0x0], $0xffff;
	[tilespmem:s31+$0x30] =	vst v6  }
0x5e3: {  	s1 =	sadd.s32 $0x80, s1;
	v4 =	vld.idx.msk [tilespmem:v7+s28+$0x0], $0xffff;
	[tilespmem:s31+$0xFFFFFFD0] =	vst v8  }
0x5e4: {  	[tilespmem:s31+$0xFFFFFFE0] =	vst v5  }
0x5e5: {  	[tilespmem:s31+$0xFFFFFFF0] =	vst v3  }
0x5e6: {  	[tilespmem:s31+$0x0] =	vst v0  }
0x5e7: {  	[tilespmem:s31+$0x10] =	vst v1  }
0x5e8: {  	[tilespmem:s31+$0x20] =	vst v2  }
0x5e9: {  	[tilespmem:s31+$0xFFFFFFC0] =	vst v4  }
0x5ea: {  	s0 =	sld [smem:$0x7F7];
	_ =	sdelay $0x2  }
0x5eb: {  	[hbm4b:s0+s20] =	stream.strided.scatter [tilespmem:s25], [sflag:$0x4], $0x1000, s21, s20, $0x38;
	[tilespmem:$0x1E700] =	vst v63  }
0x5ec: {  	_ =	swait.ge [sflag:s26], $0x1000  }
0x5ed: {  	[sflag:s26] =	ssyncset.done $0x0  }
0x5ee: {  	s2 =	simm.s32 $0x1A770;
	[sflag:s26] =	ssyncadd.s32 $0xFFFFF000  }
0x5ef: {  	v0 =	vld [tilespmem:s2+$0x0]  }
0x5f0: {  	v1 =	vld [tilespmem:s2+$0xFFFFFFA0]  }
0x5f1: {  	v2 =	vld [tilespmem:s2+$0xFFFFFFB0]  }
0x5f2: {  	v3 =	vld [tilespmem:s2+$0xFFFFFFC0]  }
0x5f3: {  	v4 =	vld [tilespmem:s2+$0xFFFFFFD0]  }
0x5f4: {  	v6 =	vld [tilespmem:s2+$0xFFFFFFE0]  }
0x5f5: {  	v7 =	vld [tilespmem:s2+$0xFFFFFFF0]  }
0x5f6: {  	v8 =	vld [tilespmem:s2+$0xFFFFFF90]  }
0x5f7: {  	v9 =	vld.idx.msk [tilespmem:v0+s28+$0x0], $0xffff  }
0x5f8: {  	v10 =	vld.idx.msk [tilespmem:v1+s28+$0x0], $0xffff  }
0x5f9: {  	v5 =	vld.idx.msk [tilespmem:v2+s28+$0x0], $0xffff  }
0x5fa: {  	v3 =	vld.idx.msk [tilespmem:v3+s28+$0x0], $0xffff  }
0x5fb: {  	v0 =	vld.idx.msk [tilespmem:v4+s28+$0x0], $0xffff  }
0x5fc: {  	s31 =	simm.s32 $0x1C740;
	v1 =	vld.idx.msk [tilespmem:v6+s28+$0x0], $0xffff  }
0x5fd: {  	v2 =	vld.idx.msk [tilespmem:v7+s28+$0x0], $0xffff;
	[tilespmem:s31+$0x30] =	vst v9  }
0x5fe: {  	s1 =	simm.s32 $0x1A7F0;
	s0 =	simm.s32 $0x0;
	v4 =	vld.idx.msk [tilespmem:v8+s28+$0x0], $0xffff;
	[tilespmem:s31+$0xFFFFFFD0] =	vst v10  }
.LBB2_62:
0x5ff: {  	v6 =	vld [tilespmem:s1+$0x0];
	s0 =	sadd.s32 $0x8, s0;
	[tilespmem:s31+$0xFFFFFFE0] =	vst v5  }
0x600: {  	v5 =	vld [tilespmem:s1+$0xFFFFFFA0];
	p5 =	slt.u32 s0, $0xF8;
	[tilespmem:s31+$0xFFFFFFF0] =	vst v3  }
0x601: {  	v3 =	vld [tilespmem:s1+$0xFFFFFFB0];
	[tilespmem:s31+$0x0] =	vst v0  }
0x602: {  	v0 =	vld [tilespmem:s1+$0xFFFFFFC0];
	[tilespmem:s31+$0x10] =	vst v1  }
0x603: {  	v1 =	vld [tilespmem:s1+$0xFFFFFFD0];
	[tilespmem:s31+$0x20] =	vst v2  }
0x604: {  	v2 =	vld [tilespmem:s1+$0xFFFFFFE0];
	[tilespmem:s31+$0xFFFFFFC0] =	vst v4  }
0x605: {  	v4 =	vld [tilespmem:s1+$0xFFFFFFF0]  }
0x606: {  	v7 =	vld [tilespmem:s1+$0xFFFFFF90]  }
0x607: {  	v6 =	vld.idx.msk [tilespmem:v6+s28+$0x0], $0xffff  }
0x608: {  	v8 =	vld.idx.msk [tilespmem:v5+s28+$0x0], $0xffff  }
0x609: {  	v5 =	vld.idx.msk [tilespmem:v3+s28+$0x0], $0xffff  }
.Ltmp30:
0x60a: {  	v3 =	vld.idx.msk [tilespmem:v0+s28+$0x0], $0xffff;
	(pc) =	sbr.rel @p5 .LBB2_62-.Ltmp30, $4  }
0x60b: {  	v0 =	vld.idx.msk [tilespmem:v1+s28+$0x0], $0xffff  }
0x60c: {  	s31 =	sadd.s32 $0x80, s31;
	v1 =	vld.idx.msk [tilespmem:v2+s28+$0x0], $0xffff  }
0x60d: {  	v2 =	vld.idx.msk [tilespmem:v4+s28+$0x0], $0xffff;
	[tilespmem:s31+$0x30] =	vst v6  }
0x60e: {  	s1 =	sadd.s32 $0x80, s1;
	v4 =	vld.idx.msk [tilespmem:v7+s28+$0x0], $0xffff;
	[tilespmem:s31+$0xFFFFFFD0] =	vst v8  }
0x60f: {  	[tilespmem:s31+$0xFFFFFFE0] =	vst v5  }
0x610: {  	[tilespmem:s31+$0xFFFFFFF0] =	vst v3  }
0x611: {  	[tilespmem:s31+$0x0] =	vst v0  }
0x612: {  	[tilespmem:s31+$0x10] =	vst v1  }
0x613: {  	[tilespmem:s31+$0x20] =	vst v2  }
0x614: {  	[tilespmem:s31+$0xFFFFFFC0] =	vst v4  }
0x615: {  	s0 =	sld [smem:$0x7F8];
	_ =	sdelay $0x2  }
0x616: {  	[hbm4b:s0+s20] =	stream.strided.scatter [tilespmem:s24], [sflag:$0x3], $0x1000, s21, s20, $0x38;
	[tilespmem:$0x1E700] =	vst v63  }
0x617: {  	_ =	swait.ge [sflag:s29], $0x1000  }
0x618: {  	[sflag:s29] =	ssyncset.done $0x0  }
0x619: {  	s2 =	simm.s32 $0x1B770;
	[sflag:s29] =	ssyncadd.s32 $0xFFFFF000  }
0x61a: {  	v0 =	vld [tilespmem:s2+$0x0]  }
0x61b: {  	v1 =	vld [tilespmem:s2+$0xFFFFFFA0]  }
0x61c: {  	v2 =	vld [tilespmem:s2+$0xFFFFFFB0]  }
0x61d: {  	v3 =	vld [tilespmem:s2+$0xFFFFFFC0]  }
0x61e: {  	v4 =	vld [tilespmem:s2+$0xFFFFFFD0]  }
0x61f: {  	v6 =	vld [tilespmem:s2+$0xFFFFFFE0]  }
0x620: {  	v7 =	vld [tilespmem:s2+$0xFFFFFFF0]  }
0x621: {  	v8 =	vld [tilespmem:s2+$0xFFFFFF90]  }
0x622: {  	v9 =	vld.idx.msk [tilespmem:v0+s28+$0x0], $0xffff  }
0x623: {  	v10 =	vld.idx.msk [tilespmem:v1+s28+$0x0], $0xffff  }
0x624: {  	v5 =	vld.idx.msk [tilespmem:v2+s28+$0x0], $0xffff  }
0x625: {  	v3 =	vld.idx.msk [tilespmem:v3+s28+$0x0], $0xffff  }
0x626: {  	v0 =	vld.idx.msk [tilespmem:v4+s28+$0x0], $0xffff  }
0x627: {  	s31 =	simm.s32 $0x1D740;
	v1 =	vld.idx.msk [tilespmem:v6+s28+$0x0], $0xffff  }
0x628: {  	v2 =	vld.idx.msk [tilespmem:v7+s28+$0x0], $0xffff;
	[tilespmem:s31+$0x30] =	vst v9  }
0x629: {  	s1 =	simm.s32 $0x1B7F0;
	s0 =	simm.s32 $0x0;
	v4 =	vld.idx.msk [tilespmem:v8+s28+$0x0], $0xffff;
	[tilespmem:s31+$0xFFFFFFD0] =	vst v10  }
.LBB2_64:
0x62a: {  	v6 =	vld [tilespmem:s1+$0x0];
	s0 =	sadd.s32 $0x8, s0;
	[tilespmem:s31+$0xFFFFFFE0] =	vst v5  }
0x62b: {  	v5 =	vld [tilespmem:s1+$0xFFFFFFA0];
	p5 =	slt.u32 s0, $0xF8;
	[tilespmem:s31+$0xFFFFFFF0] =	vst v3  }
0x62c: {  	v3 =	vld [tilespmem:s1+$0xFFFFFFB0];
	[tilespmem:s31+$0x0] =	vst v0  }
0x62d: {  	v0 =	vld [tilespmem:s1+$0xFFFFFFC0];
	[tilespmem:s31+$0x10] =	vst v1  }
0x62e: {  	v1 =	vld [tilespmem:s1+$0xFFFFFFD0];
	[tilespmem:s31+$0x20] =	vst v2  }
0x62f: {  	v2 =	vld [tilespmem:s1+$0xFFFFFFE0];
	[tilespmem:s31+$0xFFFFFFC0] =	vst v4  }
0x630: {  	v4 =	vld [tilespmem:s1+$0xFFFFFFF0]  }
0x631: {  	v7 =	vld [tilespmem:s1+$0xFFFFFF90]  }
0x632: {  	v6 =	vld.idx.msk [tilespmem:v6+s28+$0x0], $0xffff  }
0x633: {  	v8 =	vld.idx.msk [tilespmem:v5+s28+$0x0], $0xffff  }
0x634: {  	v5 =	vld.idx.msk [tilespmem:v3+s28+$0x0], $0xffff  }
.Ltmp31:
0x635: {  	v3 =	vld.idx.msk [tilespmem:v0+s28+$0x0], $0xffff;
	(pc) =	sbr.rel @p5 .LBB2_64-.Ltmp31, $4  }
0x636: {  	v0 =	vld.idx.msk [tilespmem:v1+s28+$0x0], $0xffff  }
0x637: {  	s31 =	sadd.s32 $0x80, s31;
	v1 =	vld.idx.msk [tilespmem:v2+s28+$0x0], $0xffff  }
0x638: {  	v2 =	vld.idx.msk [tilespmem:v4+s28+$0x0], $0xffff;
	[tilespmem:s31+$0x30] =	vst v6  }
0x639: {  	s1 =	sadd.s32 $0x80, s1;
	v4 =	vld.idx.msk [tilespmem:v7+s28+$0x0], $0xffff;
	[tilespmem:s31+$0xFFFFFFD0] =	vst v8  }
0x63a: {  	[tilespmem:s31+$0xFFFFFFE0] =	vst v5  }
0x63b: {  	[tilespmem:s31+$0xFFFFFFF0] =	vst v3  }
0x63c: {  	[tilespmem:s31+$0x0] =	vst v0  }
0x63d: {  	[tilespmem:s31+$0x10] =	vst v1  }
0x63e: {  	[tilespmem:s31+$0x20] =	vst v2  }
0x63f: {  	[tilespmem:s31+$0xFFFFFFC0] =	vst v4  }
0x640: {  	s0 =	sld [smem:$0x7F9];
	_ =	sdelay $0x2  }
0x641: {  	[hbm4b:s0+s20] =	stream.strided.scatter [tilespmem:s25], [sflag:$0x4], $0x1000, s21, s20, $0x38;
	[tilespmem:$0x1E700] =	vst v63  }
0x642: {  	s31 =	simm.s32 @!p0 $0x18700;
	s1 =	rddreg [dreg:$0x18]  }
0x643: {  	[tilespmem:s28], [sflag:$0x1] =	stream.strided.gather [hbm4b:s1+s20], $0x18700, s21, s20, $0x38;
	[tilespmem:$0x1E700] =	vst v63  }
0x644: {  	s2 =	rddreg [dreg:$0xb];
	s0 =	simm.s32 @!p0 $0x80;
	s1 =	simm.s32 @!p0 $0x400  }
0x645: {  	[tilespmem:s31], [sflag:$0x2] =	stream.strided.gather @!p0 [hbm4b:s2+s0], $0x4000, s1, s0, $0x38;
	[tilespmem:$0x1E700] =	vst v63  }
0x646: {  	s0 =	simm.s32 @!p0 $0x2  }
0x647: {  	_ =	swait.ge @!p0 [sflag:s0], $0x4000  }
0x648: {  	[sflag:s0] =	ssyncset.done @!p0 $0x0  }
0x649: {  	[sflag:s0] =	ssyncadd.s32 @!p0 $0xFFFFC000  }
0x64a: {  	_ =	swait.ge [sflag:s23], $0x18700  }
0x64b: {  	[sflag:s23] =	ssyncset.done $0x0  }
0x64c: {  	[sflag:s23] =	ssyncadd.s32 $0xFFFE7900  }
0x64d: {  	_ =	swait.ge [sflag:s26], $0x1000  }
0x64e: {  	[sflag:s26] =	ssyncset.done $0x0  }
0x64f: {  	s2 =	simm.s32 $0x18740;
	[sflag:s26] =	ssyncadd.s32 $0xFFFFF000  }
0x650: {  	v0 =	vld [tilespmem:s2+$0x30]  }
0x651: {  	v1 =	vld [tilespmem:s2+$0xFFFFFFD0]  }
0x652: {  	v2 =	vld [tilespmem:s2+$0xFFFFFFE0]  }
0x653: {  	v3 =	vld [tilespmem:s2+$0xFFFFFFF0]  }
0x654: {  	v4 =	vld [tilespmem:s2+$0x0]  }
0x655: {  	v6 =	vld [tilespmem:s2+$0x10]  }
0x656: {  	v7 =	vld [tilespmem:s2+$0x20]  }
0x657: {  	v8 =	vld [tilespmem:s2+$0xFFFFFFC0]  }
0x658: {  	v9 =	vld.idx.msk [tilespmem:v0+s28+$0x0], $0xffff  }
0x659: {  	v10 =	vld.idx.msk [tilespmem:v1+s28+$0x0], $0xffff  }
0x65a: {  	v5 =	vld.idx.msk [tilespmem:v2+s28+$0x0], $0xffff  }
0x65b: {  	v3 =	vld.idx.msk [tilespmem:v3+s28+$0x0], $0xffff  }
0x65c: {  	v0 =	vld.idx.msk [tilespmem:v4+s28+$0x0], $0xffff  }
0x65d: {  	s31 =	simm.s32 $0x1C740;
	v1 =	vld.idx.msk [tilespmem:v6+s28+$0x0], $0xffff  }
0x65e: {  	v2 =	vld.idx.msk [tilespmem:v7+s28+$0x0], $0xffff;
	[tilespmem:s31+$0x30] =	vst v9  }
0x65f: {  	s1 =	simm.s32 $0x187C0;
	s0 =	simm.s32 $0x0;
	v4 =	vld.idx.msk [tilespmem:v8+s28+$0x0], $0xffff;
	[tilespmem:s31+$0xFFFFFFD0] =	vst v10  }
.LBB2_66:
0x660: {  	v6 =	vld [tilespmem:s1+$0x30];
	s0 =	sadd.s32 $0x8, s0;
	[tilespmem:s31+$0xFFFFFFE0] =	vst v5  }
0x661: {  	v5 =	vld [tilespmem:s1+$0xFFFFFFD0];
	p5 =	slt.u32 s0, $0xF8;
	[tilespmem:s31+$0xFFFFFFF0] =	vst v3  }
0x662: {  	v3 =	vld [tilespmem:s1+$0xFFFFFFE0];
	[tilespmem:s31+$0x0] =	vst v0  }
0x663: {  	v0 =	vld [tilespmem:s1+$0xFFFFFFF0];
	[tilespmem:s31+$0x10] =	vst v1  }
0x664: {  	v1 =	vld [tilespmem:s1+$0x0];
	[tilespmem:s31+$0x20] =	vst v2  }
0x665: {  	v2 =	vld [tilespmem:s1+$0x10];
	[tilespmem:s31+$0xFFFFFFC0] =	vst v4  }
0x666: {  	v4 =	vld [tilespmem:s1+$0x20]  }
0x667: {  	v7 =	vld [tilespmem:s1+$0xFFFFFFC0]  }
0x668: {  	v6 =	vld.idx.msk [tilespmem:v6+s28+$0x0], $0xffff  }
0x669: {  	v8 =	vld.idx.msk [tilespmem:v5+s28+$0x0], $0xffff  }
0x66a: {  	v5 =	vld.idx.msk [tilespmem:v3+s28+$0x0], $0xffff  }
.Ltmp32:
0x66b: {  	v3 =	vld.idx.msk [tilespmem:v0+s28+$0x0], $0xffff;
	(pc) =	sbr.rel @p5 .LBB2_66-.Ltmp32, $4  }
0x66c: {  	v0 =	vld.idx.msk [tilespmem:v1+s28+$0x0], $0xffff  }
0x66d: {  	s31 =	sadd.s32 $0x80, s31;
	v1 =	vld.idx.msk [tilespmem:v2+s28+$0x0], $0xffff  }
0x66e: {  	v2 =	vld.idx.msk [tilespmem:v4+s28+$0x0], $0xffff;
	[tilespmem:s31+$0x30] =	vst v6  }
0x66f: {  	s1 =	sadd.s32 $0x80, s1;
	v4 =	vld.idx.msk [tilespmem:v7+s28+$0x0], $0xffff;
	[tilespmem:s31+$0xFFFFFFD0] =	vst v8  }
0x670: {  	[tilespmem:s31+$0xFFFFFFE0] =	vst v5  }
0x671: {  	[tilespmem:s31+$0xFFFFFFF0] =	vst v3  }
0x672: {  	[tilespmem:s31+$0x0] =	vst v0  }
0x673: {  	[tilespmem:s31+$0x10] =	vst v1  }
0x674: {  	[tilespmem:s31+$0x20] =	vst v2  }
0x675: {  	[tilespmem:s31+$0xFFFFFFC0] =	vst v4  }
0x676: {  	s0 =	sld [smem:$0x7FA];
	_ =	sdelay $0x2  }
0x677: {  	[hbm4b:s0+s20] =	stream.strided.scatter [tilespmem:s24], [sflag:$0x3], $0x1000, s21, s20, $0x38;
	[tilespmem:$0x1E700] =	vst v63  }
0x678: {  	_ =	swait.ge [sflag:s29], $0x1000  }
0x679: {  	[sflag:s29] =	ssyncset.done $0x0  }
0x67a: {  	s2 =	simm.s32 $0x19770;
	[sflag:s29] =	ssyncadd.s32 $0xFFFFF000  }
0x67b: {  	v0 =	vld [tilespmem:s2+$0x0]  }
0x67c: {  	v1 =	vld [tilespmem:s2+$0xFFFFFFA0]  }
0x67d: {  	v2 =	vld [tilespmem:s2+$0xFFFFFFB0]  }
0x67e: {  	v3 =	vld [tilespmem:s2+$0xFFFFFFC0]  }
0x67f: {  	v4 =	vld [tilespmem:s2+$0xFFFFFFD0]  }
0x680: {  	v6 =	vld [tilespmem:s2+$0xFFFFFFE0]  }
0x681: {  	v7 =	vld [tilespmem:s2+$0xFFFFFFF0]  }
0x682: {  	v8 =	vld [tilespmem:s2+$0xFFFFFF90]  }
0x683: {  	v9 =	vld.idx.msk [tilespmem:v0+s28+$0x0], $0xffff  }
0x684: {  	v10 =	vld.idx.msk [tilespmem:v1+s28+$0x0], $0xffff  }
0x685: {  	v5 =	vld.idx.msk [tilespmem:v2+s28+$0x0], $0xffff  }
0x686: {  	v3 =	vld.idx.msk [tilespmem:v3+s28+$0x0], $0xffff  }
0x687: {  	v0 =	vld.idx.msk [tilespmem:v4+s28+$0x0], $0xffff  }
0x688: {  	s31 =	simm.s32 $0x1D740;
	v1 =	vld.idx.msk [tilespmem:v6+s28+$0x0], $0xffff  }
0x689: {  	v2 =	vld.idx.msk [tilespmem:v7+s28+$0x0], $0xffff;
	[tilespmem:s31+$0x30] =	vst v9  }
0x68a: {  	s1 =	simm.s32 $0x197F0;
	s0 =	simm.s32 $0x0;
	v4 =	vld.idx.msk [tilespmem:v8+s28+$0x0], $0xffff;
	[tilespmem:s31+$0xFFFFFFD0] =	vst v10  }
.LBB2_68:
0x68b: {  	v6 =	vld [tilespmem:s1+$0x0];
	s0 =	sadd.s32 $0x8, s0;
	[tilespmem:s31+$0xFFFFFFE0] =	vst v5  }
0x68c: {  	v5 =	vld [tilespmem:s1+$0xFFFFFFA0];
	p5 =	slt.u32 s0, $0xF8;
	[tilespmem:s31+$0xFFFFFFF0] =	vst v3  }
0x68d: {  	v3 =	vld [tilespmem:s1+$0xFFFFFFB0];
	[tilespmem:s31+$0x0] =	vst v0  }
0x68e: {  	v0 =	vld [tilespmem:s1+$0xFFFFFFC0];
	[tilespmem:s31+$0x10] =	vst v1  }
0x68f: {  	v1 =	vld [tilespmem:s1+$0xFFFFFFD0];
	[tilespmem:s31+$0x20] =	vst v2  }
0x690: {  	v2 =	vld [tilespmem:s1+$0xFFFFFFE0];
	[tilespmem:s31+$0xFFFFFFC0] =	vst v4  }
0x691: {  	v4 =	vld [tilespmem:s1+$0xFFFFFFF0]  }
0x692: {  	v7 =	vld [tilespmem:s1+$0xFFFFFF90]  }
0x693: {  	v6 =	vld.idx.msk [tilespmem:v6+s28+$0x0], $0xffff  }
0x694: {  	v8 =	vld.idx.msk [tilespmem:v5+s28+$0x0], $0xffff  }
0x695: {  	v5 =	vld.idx.msk [tilespmem:v3+s28+$0x0], $0xffff  }
.Ltmp33:
0x696: {  	v3 =	vld.idx.msk [tilespmem:v0+s28+$0x0], $0xffff;
	(pc) =	sbr.rel @p5 .LBB2_68-.Ltmp33, $4  }
0x697: {  	v0 =	vld.idx.msk [tilespmem:v1+s28+$0x0], $0xffff  }
0x698: {  	s31 =	sadd.s32 $0x80, s31;
	v1 =	vld.idx.msk [tilespmem:v2+s28+$0x0], $0xffff  }
0x699: {  	v2 =	vld.idx.msk [tilespmem:v4+s28+$0x0], $0xffff;
	[tilespmem:s31+$0x30] =	vst v6  }
0x69a: {  	s1 =	sadd.s32 $0x80, s1;
	v4 =	vld.idx.msk [tilespmem:v7+s28+$0x0], $0xffff;
	[tilespmem:s31+$0xFFFFFFD0] =	vst v8  }
0x69b: {  	[tilespmem:s31+$0xFFFFFFE0] =	vst v5  }
0x69c: {  	[tilespmem:s31+$0xFFFFFFF0] =	vst v3  }
0x69d: {  	[tilespmem:s31+$0x0] =	vst v0  }
0x69e: {  	[tilespmem:s31+$0x10] =	vst v1  }
0x69f: {  	[tilespmem:s31+$0x20] =	vst v2  }
0x6a0: {  	[tilespmem:s31+$0xFFFFFFC0] =	vst v4  }
0x6a1: {  	s0 =	sld [smem:$0x7FB];
	_ =	sdelay $0x2  }
0x6a2: {  	[hbm4b:s0+s20] =	stream.strided.scatter [tilespmem:s25], [sflag:$0x4], $0x1000, s21, s20, $0x38;
	[tilespmem:$0x1E700] =	vst v63  }
0x6a3: {  	_ =	swait.ge [sflag:s26], $0x1000  }
0x6a4: {  	[sflag:s26] =	ssyncset.done $0x0  }
0x6a5: {  	s2 =	simm.s32 $0x1A770;
	[sflag:s26] =	ssyncadd.s32 $0xFFFFF000  }
0x6a6: {  	v0 =	vld [tilespmem:s2+$0x0]  }
0x6a7: {  	v1 =	vld [tilespmem:s2+$0xFFFFFFA0]  }
0x6a8: {  	v2 =	vld [tilespmem:s2+$0xFFFFFFB0]  }
0x6a9: {  	v3 =	vld [tilespmem:s2+$0xFFFFFFC0]  }
0x6aa: {  	v4 =	vld [tilespmem:s2+$0xFFFFFFD0]  }
0x6ab: {  	v6 =	vld [tilespmem:s2+$0xFFFFFFE0]  }
0x6ac: {  	v7 =	vld [tilespmem:s2+$0xFFFFFFF0]  }
0x6ad: {  	v8 =	vld [tilespmem:s2+$0xFFFFFF90]  }
0x6ae: {  	v9 =	vld.idx.msk [tilespmem:v0+s28+$0x0], $0xffff  }
0x6af: {  	v10 =	vld.idx.msk [tilespmem:v1+s28+$0x0], $0xffff  }
0x6b0: {  	v5 =	vld.idx.msk [tilespmem:v2+s28+$0x0], $0xffff  }
0x6b1: {  	v3 =	vld.idx.msk [tilespmem:v3+s28+$0x0], $0xffff  }
0x6b2: {  	v0 =	vld.idx.msk [tilespmem:v4+s28+$0x0], $0xffff  }
0x6b3: {  	s31 =	simm.s32 $0x1C740;
	v1 =	vld.idx.msk [tilespmem:v6+s28+$0x0], $0xffff  }
0x6b4: {  	v2 =	vld.idx.msk [tilespmem:v7+s28+$0x0], $0xffff;
	[tilespmem:s31+$0x30] =	vst v9  }
0x6b5: {  	s1 =	simm.s32 $0x1A7F0;
	s0 =	simm.s32 $0x0;
	v4 =	vld.idx.msk [tilespmem:v8+s28+$0x0], $0xffff;
	[tilespmem:s31+$0xFFFFFFD0] =	vst v10  }
.LBB2_70:
0x6b6: {  	v6 =	vld [tilespmem:s1+$0x0];
	s0 =	sadd.s32 $0x8, s0;
	[tilespmem:s31+$0xFFFFFFE0] =	vst v5  }
0x6b7: {  	v5 =	vld [tilespmem:s1+$0xFFFFFFA0];
	p5 =	slt.u32 s0, $0xF8;
	[tilespmem:s31+$0xFFFFFFF0] =	vst v3  }
0x6b8: {  	v3 =	vld [tilespmem:s1+$0xFFFFFFB0];
	[tilespmem:s31+$0x0] =	vst v0  }
0x6b9: {  	v0 =	vld [tilespmem:s1+$0xFFFFFFC0];
	[tilespmem:s31+$0x10] =	vst v1  }
0x6ba: {  	v1 =	vld [tilespmem:s1+$0xFFFFFFD0];
	[tilespmem:s31+$0x20] =	vst v2  }
0x6bb: {  	v2 =	vld [tilespmem:s1+$0xFFFFFFE0];
	[tilespmem:s31+$0xFFFFFFC0] =	vst v4  }
0x6bc: {  	v4 =	vld [tilespmem:s1+$0xFFFFFFF0]  }
0x6bd: {  	v7 =	vld [tilespmem:s1+$0xFFFFFF90]  }
0x6be: {  	v6 =	vld.idx.msk [tilespmem:v6+s28+$0x0], $0xffff  }
0x6bf: {  	v8 =	vld.idx.msk [tilespmem:v5+s28+$0x0], $0xffff  }
0x6c0: {  	v5 =	vld.idx.msk [tilespmem:v3+s28+$0x0], $0xffff  }
.Ltmp34:
0x6c1: {  	v3 =	vld.idx.msk [tilespmem:v0+s28+$0x0], $0xffff;
	(pc) =	sbr.rel @p5 .LBB2_70-.Ltmp34, $4  }
0x6c2: {  	v0 =	vld.idx.msk [tilespmem:v1+s28+$0x0], $0xffff  }
0x6c3: {  	s31 =	sadd.s32 $0x80, s31;
	v1 =	vld.idx.msk [tilespmem:v2+s28+$0x0], $0xffff  }
0x6c4: {  	v2 =	vld.idx.msk [tilespmem:v4+s28+$0x0], $0xffff;
	[tilespmem:s31+$0x30] =	vst v6  }
0x6c5: {  	s1 =	sadd.s32 $0x80, s1;
	v4 =	vld.idx.msk [tilespmem:v7+s28+$0x0], $0xffff;
	[tilespmem:s31+$0xFFFFFFD0] =	vst v8  }
0x6c6: {  	[tilespmem:s31+$0xFFFFFFE0] =	vst v5  }
0x6c7: {  	[tilespmem:s31+$0xFFFFFFF0] =	vst v3  }
0x6c8: {  	[tilespmem:s31+$0x0] =	vst v0  }
0x6c9: {  	[tilespmem:s31+$0x10] =	vst v1  }
0x6ca: {  	[tilespmem:s31+$0x20] =	vst v2  }
0x6cb: {  	[tilespmem:s31+$0xFFFFFFC0] =	vst v4  }
0x6cc: {  	s0 =	sld [smem:$0x7FC];
	_ =	sdelay $0x2  }
0x6cd: {  	[hbm4b:s0+s20] =	stream.strided.scatter [tilespmem:s24], [sflag:$0x3], $0x1000, s21, s20, $0x38;
	[tilespmem:$0x1E700] =	vst v63  }
0x6ce: {  	_ =	swait.ge [sflag:s29], $0x1000  }
0x6cf: {  	[sflag:s29] =	ssyncset.done $0x0  }
0x6d0: {  	s2 =	simm.s32 $0x1B770;
	[sflag:s29] =	ssyncadd.s32 $0xFFFFF000  }
0x6d1: {  	v0 =	vld [tilespmem:s2+$0x0]  }
0x6d2: {  	v1 =	vld [tilespmem:s2+$0xFFFFFFA0]  }
0x6d3: {  	v2 =	vld [tilespmem:s2+$0xFFFFFFB0]  }
0x6d4: {  	v3 =	vld [tilespmem:s2+$0xFFFFFFC0]  }
0x6d5: {  	v4 =	vld [tilespmem:s2+$0xFFFFFFD0]  }
0x6d6: {  	v6 =	vld [tilespmem:s2+$0xFFFFFFE0]  }
0x6d7: {  	v7 =	vld [tilespmem:s2+$0xFFFFFFF0]  }
0x6d8: {  	v8 =	vld [tilespmem:s2+$0xFFFFFF90]  }
0x6d9: {  	v9 =	vld.idx.msk [tilespmem:v0+s28+$0x0], $0xffff  }
0x6da: {  	v10 =	vld.idx.msk [tilespmem:v1+s28+$0x0], $0xffff  }
0x6db: {  	v5 =	vld.idx.msk [tilespmem:v2+s28+$0x0], $0xffff  }
0x6dc: {  	v3 =	vld.idx.msk [tilespmem:v3+s28+$0x0], $0xffff  }
0x6dd: {  	v0 =	vld.idx.msk [tilespmem:v4+s28+$0x0], $0xffff  }
0x6de: {  	s31 =	simm.s32 $0x1D740;
	v1 =	vld.idx.msk [tilespmem:v6+s28+$0x0], $0xffff  }
0x6df: {  	v2 =	vld.idx.msk [tilespmem:v7+s28+$0x0], $0xffff;
	[tilespmem:s31+$0x30] =	vst v9  }
0x6e0: {  	s1 =	simm.s32 $0x1B7F0;
	s0 =	simm.s32 $0x0;
	v4 =	vld.idx.msk [tilespmem:v8+s28+$0x0], $0xffff;
	[tilespmem:s31+$0xFFFFFFD0] =	vst v10  }
.LBB2_72:
0x6e1: {  	v6 =	vld [tilespmem:s1+$0x0];
	s0 =	sadd.s32 $0x8, s0;
	[tilespmem:s31+$0xFFFFFFE0] =	vst v5  }
0x6e2: {  	v5 =	vld [tilespmem:s1+$0xFFFFFFA0];
	p5 =	slt.u32 s0, $0xF8;
	[tilespmem:s31+$0xFFFFFFF0] =	vst v3  }
0x6e3: {  	v3 =	vld [tilespmem:s1+$0xFFFFFFB0];
	[tilespmem:s31+$0x0] =	vst v0  }
0x6e4: {  	v0 =	vld [tilespmem:s1+$0xFFFFFFC0];
	[tilespmem:s31+$0x10] =	vst v1  }
0x6e5: {  	v1 =	vld [tilespmem:s1+$0xFFFFFFD0];
	[tilespmem:s31+$0x20] =	vst v2  }
0x6e6: {  	v2 =	vld [tilespmem:s1+$0xFFFFFFE0];
	[tilespmem:s31+$0xFFFFFFC0] =	vst v4  }
0x6e7: {  	v4 =	vld [tilespmem:s1+$0xFFFFFFF0]  }
0x6e8: {  	v7 =	vld [tilespmem:s1+$0xFFFFFF90]  }
0x6e9: {  	v6 =	vld.idx.msk [tilespmem:v6+s28+$0x0], $0xffff  }
0x6ea: {  	v8 =	vld.idx.msk [tilespmem:v5+s28+$0x0], $0xffff  }
0x6eb: {  	v5 =	vld.idx.msk [tilespmem:v3+s28+$0x0], $0xffff  }
.Ltmp35:
0x6ec: {  	v3 =	vld.idx.msk [tilespmem:v0+s28+$0x0], $0xffff;
	(pc) =	sbr.rel @p5 .LBB2_72-.Ltmp35, $4  }
0x6ed: {  	v0 =	vld.idx.msk [tilespmem:v1+s28+$0x0], $0xffff  }
0x6ee: {  	s31 =	sadd.s32 $0x80, s31;
	v1 =	vld.idx.msk [tilespmem:v2+s28+$0x0], $0xffff  }
0x6ef: {  	v2 =	vld.idx.msk [tilespmem:v4+s28+$0x0], $0xffff;
	[tilespmem:s31+$0x30] =	vst v6  }
0x6f0: {  	s1 =	sadd.s32 $0x80, s1;
	v4 =	vld.idx.msk [tilespmem:v7+s28+$0x0], $0xffff;
	[tilespmem:s31+$0xFFFFFFD0] =	vst v8  }
0x6f1: {  	[tilespmem:s31+$0xFFFFFFE0] =	vst v5  }
0x6f2: {  	[tilespmem:s31+$0xFFFFFFF0] =	vst v3  }
0x6f3: {  	[tilespmem:s31+$0x0] =	vst v0  }
0x6f4: {  	[tilespmem:s31+$0x10] =	vst v1  }
0x6f5: {  	[tilespmem:s31+$0x20] =	vst v2  }
0x6f6: {  	[tilespmem:s31+$0xFFFFFFC0] =	vst v4  }
0x6f7: {  	s0 =	sld [smem:$0x7FD];
	_ =	sdelay $0x2  }
0x6f8: {  	[hbm4b:s0+s20] =	stream.strided.scatter [tilespmem:s25], [sflag:$0x4], $0x1000, s21, s20, $0x38;
	[tilespmem:$0x1E700] =	vst v63  }
0x6f9: {  	s31 =	simm.s32 @!p1 $0x18700;
	s1 =	rddreg [dreg:$0x19]  }
0x6fa: {  	[tilespmem:s28], [sflag:$0x1] =	stream.strided.gather [hbm4b:s1+s20], $0x18700, s21, s20, $0x38;
	[tilespmem:$0x1E700] =	vst v63  }
0x6fb: {  	s2 =	rddreg [dreg:$0xc];
	s0 =	simm.s32 @!p1 $0x80;
	s1 =	simm.s32 @!p1 $0x400  }
0x6fc: {  	[tilespmem:s31], [sflag:$0x2] =	stream.strided.gather @!p1 [hbm4b:s2+s0], $0x4000, s1, s0, $0x38;
	[tilespmem:$0x1E700] =	vst v63  }
0x6fd: {  	s0 =	simm.s32 @!p1 $0x2  }
0x6fe: {  	_ =	swait.ge @!p1 [sflag:s0], $0x4000  }
0x6ff: {  	[sflag:s0] =	ssyncset.done @!p1 $0x0  }
0x700: {  	[sflag:s0] =	ssyncadd.s32 @!p1 $0xFFFFC000  }
0x701: {  	_ =	swait.ge [sflag:s23], $0x18700  }
0x702: {  	[sflag:s23] =	ssyncset.done $0x0  }
0x703: {  	[sflag:s23] =	ssyncadd.s32 $0xFFFE7900  }
0x704: {  	_ =	swait.ge [sflag:s26], $0x1000  }
0x705: {  	[sflag:s26] =	ssyncset.done $0x0  }
0x706: {  	s2 =	simm.s32 $0x18740;
	[sflag:s26] =	ssyncadd.s32 $0xFFFFF000  }
0x707: {  	v0 =	vld [tilespmem:s2+$0x30]  }
0x708: {  	v1 =	vld [tilespmem:s2+$0xFFFFFFD0]  }
0x709: {  	v2 =	vld [tilespmem:s2+$0xFFFFFFE0]  }
0x70a: {  	v3 =	vld [tilespmem:s2+$0xFFFFFFF0]  }
0x70b: {  	v4 =	vld [tilespmem:s2+$0x0]  }
0x70c: {  	v6 =	vld [tilespmem:s2+$0x10]  }
0x70d: {  	v7 =	vld [tilespmem:s2+$0x20]  }
0x70e: {  	v8 =	vld [tilespmem:s2+$0xFFFFFFC0]  }
0x70f: {  	v9 =	vld.idx.msk [tilespmem:v0+s28+$0x0], $0xffff  }
0x710: {  	v10 =	vld.idx.msk [tilespmem:v1+s28+$0x0], $0xffff  }
0x711: {  	v5 =	vld.idx.msk [tilespmem:v2+s28+$0x0], $0xffff  }
0x712: {  	v3 =	vld.idx.msk [tilespmem:v3+s28+$0x0], $0xffff  }
0x713: {  	v0 =	vld.idx.msk [tilespmem:v4+s28+$0x0], $0xffff  }
0x714: {  	s31 =	simm.s32 $0x1C740;
	v1 =	vld.idx.msk [tilespmem:v6+s28+$0x0], $0xffff  }
0x715: {  	v2 =	vld.idx.msk [tilespmem:v7+s28+$0x0], $0xffff;
	[tilespmem:s31+$0x30] =	vst v9  }
0x716: {  	s1 =	simm.s32 $0x187C0;
	s0 =	simm.s32 $0x0;
	v4 =	vld.idx.msk [tilespmem:v8+s28+$0x0], $0xffff;
	[tilespmem:s31+$0xFFFFFFD0] =	vst v10  }
.LBB2_74:
0x717: {  	v6 =	vld [tilespmem:s1+$0x30];
	s0 =	sadd.s32 $0x8, s0;
	[tilespmem:s31+$0xFFFFFFE0] =	vst v5  }
0x718: {  	v5 =	vld [tilespmem:s1+$0xFFFFFFD0];
	p5 =	slt.u32 s0, $0xF8;
	[tilespmem:s31+$0xFFFFFFF0] =	vst v3  }
0x719: {  	v3 =	vld [tilespmem:s1+$0xFFFFFFE0];
	[tilespmem:s31+$0x0] =	vst v0  }
0x71a: {  	v0 =	vld [tilespmem:s1+$0xFFFFFFF0];
	[tilespmem:s31+$0x10] =	vst v1  }
0x71b: {  	v1 =	vld [tilespmem:s1+$0x0];
	[tilespmem:s31+$0x20] =	vst v2  }
0x71c: {  	v2 =	vld [tilespmem:s1+$0x10];
	[tilespmem:s31+$0xFFFFFFC0] =	vst v4  }
0x71d: {  	v4 =	vld [tilespmem:s1+$0x20]  }
0x71e: {  	v7 =	vld [tilespmem:s1+$0xFFFFFFC0]  }
0x71f: {  	v6 =	vld.idx.msk [tilespmem:v6+s28+$0x0], $0xffff  }
0x720: {  	v8 =	vld.idx.msk [tilespmem:v5+s28+$0x0], $0xffff  }
0x721: {  	v5 =	vld.idx.msk [tilespmem:v3+s28+$0x0], $0xffff  }
.Ltmp36:
0x722: {  	v3 =	vld.idx.msk [tilespmem:v0+s28+$0x0], $0xffff;
	(pc) =	sbr.rel @p5 .LBB2_74-.Ltmp36, $4  }
0x723: {  	v0 =	vld.idx.msk [tilespmem:v1+s28+$0x0], $0xffff  }
0x724: {  	s31 =	sadd.s32 $0x80, s31;
	v1 =	vld.idx.msk [tilespmem:v2+s28+$0x0], $0xffff  }
0x725: {  	v2 =	vld.idx.msk [tilespmem:v4+s28+$0x0], $0xffff;
	[tilespmem:s31+$0x30] =	vst v6  }
0x726: {  	s1 =	sadd.s32 $0x80, s1;
	v4 =	vld.idx.msk [tilespmem:v7+s28+$0x0], $0xffff;
	[tilespmem:s31+$0xFFFFFFD0] =	vst v8  }
0x727: {  	[tilespmem:s31+$0xFFFFFFE0] =	vst v5  }
0x728: {  	[tilespmem:s31+$0xFFFFFFF0] =	vst v3  }
0x729: {  	[tilespmem:s31+$0x0] =	vst v0  }
0x72a: {  	[tilespmem:s31+$0x10] =	vst v1  }
0x72b: {  	[tilespmem:s31+$0x20] =	vst v2  }
0x72c: {  	[tilespmem:s31+$0xFFFFFFC0] =	vst v4  }
0x72d: {  	[hbm4b:s3+s20] =	stream.strided.scatter [tilespmem:s24], [sflag:$0x3], $0x1000, s21, s20, $0x38;
	[tilespmem:$0x1E700] =	vst v63  }
0x72e: {  	_ =	swait.ge [sflag:s29], $0x1000  }
0x72f: {  	[sflag:s29] =	ssyncset.done $0x0  }
0x730: {  	s0 =	simm.s32 $0x19770;
	[sflag:s29] =	ssyncadd.s32 $0xFFFFF000  }
0x731: {  	v0 =	vld [tilespmem:s0+$0x0]  }
0x732: {  	v1 =	vld [tilespmem:s0+$0xFFFFFFA0]  }
0x733: {  	v2 =	vld [tilespmem:s0+$0xFFFFFFB0]  }
0x734: {  	v3 =	vld [tilespmem:s0+$0xFFFFFFC0]  }
0x735: {  	v4 =	vld [tilespmem:s0+$0xFFFFFFD0]  }
0x736: {  	v6 =	vld [tilespmem:s0+$0xFFFFFFE0]  }
0x737: {  	v7 =	vld [tilespmem:s0+$0xFFFFFFF0]  }
0x738: {  	v8 =	vld [tilespmem:s0+$0xFFFFFF90]  }
0x739: {  	v9 =	vld.idx.msk [tilespmem:v0+s28+$0x0], $0xffff  }
0x73a: {  	v10 =	vld.idx.msk [tilespmem:v1+s28+$0x0], $0xffff  }
0x73b: {  	v5 =	vld.idx.msk [tilespmem:v2+s28+$0x0], $0xffff  }
0x73c: {  	v3 =	vld.idx.msk [tilespmem:v3+s28+$0x0], $0xffff  }
0x73d: {  	v0 =	vld.idx.msk [tilespmem:v4+s28+$0x0], $0xffff  }
0x73e: {  	s31 =	simm.s32 $0x1D740;
	v1 =	vld.idx.msk [tilespmem:v6+s28+$0x0], $0xffff  }
0x73f: {  	v2 =	vld.idx.msk [tilespmem:v7+s28+$0x0], $0xffff;
	[tilespmem:s31+$0x30] =	vst v9  }
0x740: {  	s1 =	simm.s32 $0x197F0;
	s0 =	simm.s32 $0x0;
	v4 =	vld.idx.msk [tilespmem:v8+s28+$0x0], $0xffff;
	[tilespmem:s31+$0xFFFFFFD0] =	vst v10  }
.LBB2_76:
0x741: {  	v6 =	vld [tilespmem:s1+$0x0];
	s0 =	sadd.s32 $0x8, s0;
	[tilespmem:s31+$0xFFFFFFE0] =	vst v5  }
0x742: {  	v5 =	vld [tilespmem:s1+$0xFFFFFFA0];
	p5 =	slt.u32 s0, $0xF8;
	[tilespmem:s31+$0xFFFFFFF0] =	vst v3  }
0x743: {  	v3 =	vld [tilespmem:s1+$0xFFFFFFB0];
	[tilespmem:s31+$0x0] =	vst v0  }
0x744: {  	v0 =	vld [tilespmem:s1+$0xFFFFFFC0];
	[tilespmem:s31+$0x10] =	vst v1  }
0x745: {  	v1 =	vld [tilespmem:s1+$0xFFFFFFD0];
	[tilespmem:s31+$0x20] =	vst v2  }
0x746: {  	v2 =	vld [tilespmem:s1+$0xFFFFFFE0];
	[tilespmem:s31+$0xFFFFFFC0] =	vst v4  }
0x747: {  	v4 =	vld [tilespmem:s1+$0xFFFFFFF0]  }
0x748: {  	v7 =	vld [tilespmem:s1+$0xFFFFFF90]  }
0x749: {  	v6 =	vld.idx.msk [tilespmem:v6+s28+$0x0], $0xffff  }
0x74a: {  	v8 =	vld.idx.msk [tilespmem:v5+s28+$0x0], $0xffff  }
0x74b: {  	v5 =	vld.idx.msk [tilespmem:v3+s28+$0x0], $0xffff  }
.Ltmp37:
0x74c: {  	v3 =	vld.idx.msk [tilespmem:v0+s28+$0x0], $0xffff;
	(pc) =	sbr.rel @p5 .LBB2_76-.Ltmp37, $4  }
0x74d: {  	v0 =	vld.idx.msk [tilespmem:v1+s28+$0x0], $0xffff  }
0x74e: {  	s31 =	sadd.s32 $0x80, s31;
	v1 =	vld.idx.msk [tilespmem:v2+s28+$0x0], $0xffff  }
0x74f: {  	v2 =	vld.idx.msk [tilespmem:v4+s28+$0x0], $0xffff;
	[tilespmem:s31+$0x30] =	vst v6  }
0x750: {  	s1 =	sadd.s32 $0x80, s1;
	v4 =	vld.idx.msk [tilespmem:v7+s28+$0x0], $0xffff;
	[tilespmem:s31+$0xFFFFFFD0] =	vst v8  }
0x751: {  	[tilespmem:s31+$0xFFFFFFE0] =	vst v5  }
0x752: {  	[tilespmem:s31+$0xFFFFFFF0] =	vst v3  }
0x753: {  	[tilespmem:s31+$0x0] =	vst v0  }
0x754: {  	[tilespmem:s31+$0x10] =	vst v1  }
0x755: {  	[tilespmem:s31+$0x20] =	vst v2  }
0x756: {  	[tilespmem:s31+$0xFFFFFFC0] =	vst v4  }
0x757: {  	[hbm4b:s4+s20] =	stream.strided.scatter [tilespmem:s25], [sflag:$0x4], $0x1000, s21, s20, $0x38;
	[tilespmem:$0x1E700] =	vst v63  }
0x758: {  	_ =	swait.ge [sflag:s26], $0x1000  }
0x759: {  	[sflag:s26] =	ssyncset.done $0x0  }
0x75a: {  	s0 =	simm.s32 $0x1A770;
	[sflag:s26] =	ssyncadd.s32 $0xFFFFF000  }
0x75b: {  	v0 =	vld [tilespmem:s0+$0x0]  }
0x75c: {  	v1 =	vld [tilespmem:s0+$0xFFFFFFA0]  }
0x75d: {  	v2 =	vld [tilespmem:s0+$0xFFFFFFB0]  }
0x75e: {  	v3 =	vld [tilespmem:s0+$0xFFFFFFC0]  }
0x75f: {  	v4 =	vld [tilespmem:s0+$0xFFFFFFD0]  }
0x760: {  	v6 =	vld [tilespmem:s0+$0xFFFFFFE0]  }
0x761: {  	v7 =	vld [tilespmem:s0+$0xFFFFFFF0]  }
0x762: {  	v8 =	vld [tilespmem:s0+$0xFFFFFF90]  }
0x763: {  	v9 =	vld.idx.msk [tilespmem:v0+s28+$0x0], $0xffff  }
0x764: {  	v10 =	vld.idx.msk [tilespmem:v1+s28+$0x0], $0xffff  }
0x765: {  	v5 =	vld.idx.msk [tilespmem:v2+s28+$0x0], $0xffff  }
0x766: {  	v3 =	vld.idx.msk [tilespmem:v3+s28+$0x0], $0xffff  }
0x767: {  	v0 =	vld.idx.msk [tilespmem:v4+s28+$0x0], $0xffff  }
0x768: {  	s31 =	simm.s32 $0x1C740;
	v1 =	vld.idx.msk [tilespmem:v6+s28+$0x0], $0xffff  }
0x769: {  	v2 =	vld.idx.msk [tilespmem:v7+s28+$0x0], $0xffff;
	[tilespmem:s31+$0x30] =	vst v9  }
0x76a: {  	s1 =	simm.s32 $0x1A7F0;
	s0 =	simm.s32 $0x0;
	v4 =	vld.idx.msk [tilespmem:v8+s28+$0x0], $0xffff;
	[tilespmem:s31+$0xFFFFFFD0] =	vst v10  }
.LBB2_78:
0x76b: {  	v6 =	vld [tilespmem:s1+$0x0];
	s0 =	sadd.s32 $0x8, s0;
	[tilespmem:s31+$0xFFFFFFE0] =	vst v5  }
0x76c: {  	v5 =	vld [tilespmem:s1+$0xFFFFFFA0];
	p5 =	slt.u32 s0, $0xF8;
	[tilespmem:s31+$0xFFFFFFF0] =	vst v3  }
0x76d: {  	v3 =	vld [tilespmem:s1+$0xFFFFFFB0];
	[tilespmem:s31+$0x0] =	vst v0  }
0x76e: {  	v0 =	vld [tilespmem:s1+$0xFFFFFFC0];
	[tilespmem:s31+$0x10] =	vst v1  }
0x76f: {  	v1 =	vld [tilespmem:s1+$0xFFFFFFD0];
	[tilespmem:s31+$0x20] =	vst v2  }
0x770: {  	v2 =	vld [tilespmem:s1+$0xFFFFFFE0];
	[tilespmem:s31+$0xFFFFFFC0] =	vst v4  }
0x771: {  	v4 =	vld [tilespmem:s1+$0xFFFFFFF0]  }
0x772: {  	v7 =	vld [tilespmem:s1+$0xFFFFFF90]  }
0x773: {  	v6 =	vld.idx.msk [tilespmem:v6+s28+$0x0], $0xffff  }
0x774: {  	v8 =	vld.idx.msk [tilespmem:v5+s28+$0x0], $0xffff  }
0x775: {  	v5 =	vld.idx.msk [tilespmem:v3+s28+$0x0], $0xffff  }
.Ltmp38:
0x776: {  	v3 =	vld.idx.msk [tilespmem:v0+s28+$0x0], $0xffff;
	(pc) =	sbr.rel @p5 .LBB2_78-.Ltmp38, $4  }
0x777: {  	v0 =	vld.idx.msk [tilespmem:v1+s28+$0x0], $0xffff  }
0x778: {  	s31 =	sadd.s32 $0x80, s31;
	v1 =	vld.idx.msk [tilespmem:v2+s28+$0x0], $0xffff  }
0x779: {  	v2 =	vld.idx.msk [tilespmem:v4+s28+$0x0], $0xffff;
	[tilespmem:s31+$0x30] =	vst v6  }
0x77a: {  	s1 =	sadd.s32 $0x80, s1;
	v4 =	vld.idx.msk [tilespmem:v7+s28+$0x0], $0xffff;
	[tilespmem:s31+$0xFFFFFFD0] =	vst v8  }
0x77b: {  	[tilespmem:s31+$0xFFFFFFE0] =	vst v5  }
0x77c: {  	[tilespmem:s31+$0xFFFFFFF0] =	vst v3  }
0x77d: {  	[tilespmem:s31+$0x0] =	vst v0  }
0x77e: {  	[tilespmem:s31+$0x10] =	vst v1  }
0x77f: {  	[tilespmem:s31+$0x20] =	vst v2  }
0x780: {  	[tilespmem:s31+$0xFFFFFFC0] =	vst v4  }
0x781: {  	[hbm4b:s5+s20] =	stream.strided.scatter [tilespmem:s24], [sflag:$0x3], $0x1000, s21, s20, $0x38;
	[tilespmem:$0x1E700] =	vst v63  }
0x782: {  	_ =	swait.ge [sflag:s29], $0x1000  }
0x783: {  	[sflag:s29] =	ssyncset.done $0x0  }
0x784: {  	s0 =	simm.s32 $0x1B770;
	[sflag:s29] =	ssyncadd.s32 $0xFFFFF000  }
0x785: {  	v0 =	vld [tilespmem:s0+$0x0]  }
0x786: {  	v1 =	vld [tilespmem:s0+$0xFFFFFFA0]  }
0x787: {  	v2 =	vld [tilespmem:s0+$0xFFFFFFB0]  }
0x788: {  	v3 =	vld [tilespmem:s0+$0xFFFFFFC0]  }
0x789: {  	v4 =	vld [tilespmem:s0+$0xFFFFFFD0]  }
0x78a: {  	v6 =	vld [tilespmem:s0+$0xFFFFFFE0]  }
0x78b: {  	v7 =	vld [tilespmem:s0+$0xFFFFFFF0]  }
0x78c: {  	v8 =	vld [tilespmem:s0+$0xFFFFFF90]  }
0x78d: {  	v9 =	vld.idx.msk [tilespmem:v0+s28+$0x0], $0xffff  }
0x78e: {  	v10 =	vld.idx.msk [tilespmem:v1+s28+$0x0], $0xffff  }
0x78f: {  	v5 =	vld.idx.msk [tilespmem:v2+s28+$0x0], $0xffff  }
0x790: {  	v3 =	vld.idx.msk [tilespmem:v3+s28+$0x0], $0xffff  }
0x791: {  	v0 =	vld.idx.msk [tilespmem:v4+s28+$0x0], $0xffff  }
0x792: {  	s31 =	simm.s32 $0x1D740;
	v1 =	vld.idx.msk [tilespmem:v6+s28+$0x0], $0xffff  }
0x793: {  	v2 =	vld.idx.msk [tilespmem:v7+s28+$0x0], $0xffff;
	[tilespmem:s31+$0x30] =	vst v9  }
0x794: {  	s1 =	simm.s32 $0x1B7F0;
	s0 =	simm.s32 $0x0;
	v4 =	vld.idx.msk [tilespmem:v8+s28+$0x0], $0xffff;
	[tilespmem:s31+$0xFFFFFFD0] =	vst v10  }
.LBB2_80:
0x795: {  	v6 =	vld [tilespmem:s1+$0x0];
	s0 =	sadd.s32 $0x8, s0;
	[tilespmem:s31+$0xFFFFFFE0] =	vst v5  }
0x796: {  	v5 =	vld [tilespmem:s1+$0xFFFFFFA0];
	p5 =	slt.u32 s0, $0xF8;
	[tilespmem:s31+$0xFFFFFFF0] =	vst v3  }
0x797: {  	v3 =	vld [tilespmem:s1+$0xFFFFFFB0];
	[tilespmem:s31+$0x0] =	vst v0  }
0x798: {  	v0 =	vld [tilespmem:s1+$0xFFFFFFC0];
	[tilespmem:s31+$0x10] =	vst v1  }
0x799: {  	v1 =	vld [tilespmem:s1+$0xFFFFFFD0];
	[tilespmem:s31+$0x20] =	vst v2  }
0x79a: {  	v2 =	vld [tilespmem:s1+$0xFFFFFFE0];
	[tilespmem:s31+$0xFFFFFFC0] =	vst v4  }
0x79b: {  	v4 =	vld [tilespmem:s1+$0xFFFFFFF0]  }
0x79c: {  	v7 =	vld [tilespmem:s1+$0xFFFFFF90]  }
0x79d: {  	v6 =	vld.idx.msk [tilespmem:v6+s28+$0x0], $0xffff  }
0x79e: {  	v8 =	vld.idx.msk [tilespmem:v5+s28+$0x0], $0xffff  }
0x79f: {  	v5 =	vld.idx.msk [tilespmem:v3+s28+$0x0], $0xffff  }
.Ltmp39:
0x7a0: {  	v3 =	vld.idx.msk [tilespmem:v0+s28+$0x0], $0xffff;
	(pc) =	sbr.rel @p5 .LBB2_80-.Ltmp39, $4  }
0x7a1: {  	v0 =	vld.idx.msk [tilespmem:v1+s28+$0x0], $0xffff  }
0x7a2: {  	s31 =	sadd.s32 $0x80, s31;
	v1 =	vld.idx.msk [tilespmem:v2+s28+$0x0], $0xffff  }
0x7a3: {  	v2 =	vld.idx.msk [tilespmem:v4+s28+$0x0], $0xffff;
	[tilespmem:s31+$0x30] =	vst v6  }
0x7a4: {  	s1 =	sadd.s32 $0x80, s1;
	v4 =	vld.idx.msk [tilespmem:v7+s28+$0x0], $0xffff;
	[tilespmem:s31+$0xFFFFFFD0] =	vst v8  }
0x7a5: {  	[tilespmem:s31+$0xFFFFFFE0] =	vst v5  }
0x7a6: {  	[tilespmem:s31+$0xFFFFFFF0] =	vst v3  }
0x7a7: {  	[tilespmem:s31+$0x0] =	vst v0  }
0x7a8: {  	[tilespmem:s31+$0x10] =	vst v1  }
0x7a9: {  	[tilespmem:s31+$0x20] =	vst v2  }
0x7aa: {  	[tilespmem:s31+$0xFFFFFFC0] =	vst v4  }
0x7ab: {  	[hbm4b:s6+s20] =	stream.strided.scatter [tilespmem:s25], [sflag:$0x4], $0x1000, s21, s20, $0x38;
	[tilespmem:$0x1E700] =	vst v63  }
0x7ac: {  	s1 =	simm.s32 @!p2 $0x400;
	s0 =	rddreg [dreg:$0x1a]  }
0x7ad: {  	[tilespmem:s28], [sflag:$0x1] =	stream.strided.gather [hbm4b:s0+s20], $0x18700, s21, s20, $0x38;
	[tilespmem:$0x1E700] =	vst v63  }
0x7ae: {  	s31 =	simm.s32 @!p2 $0x18700;
	s2 =	rddreg [dreg:$0xd];
	s0 =	simm.s32 @!p2 $0x80  }
0x7af: {  	[tilespmem:s31], [sflag:$0x2] =	stream.strided.gather @!p2 [hbm4b:s2+s0], $0x4000, s1, s0, $0x38;
	[tilespmem:$0x1E700] =	vst v63  }
0x7b0: {  	s0 =	simm.s32 @!p2 $0x2  }
0x7b1: {  	_ =	swait.ge @!p2 [sflag:s0], $0x4000  }
0x7b2: {  	[sflag:s0] =	ssyncset.done @!p2 $0x0  }
0x7b3: {  	[sflag:s0] =	ssyncadd.s32 @!p2 $0xFFFFC000  }
0x7b4: {  	_ =	swait.ge [sflag:s23], $0x18700  }
0x7b5: {  	[sflag:s23] =	ssyncset.done $0x0  }
0x7b6: {  	[sflag:s23] =	ssyncadd.s32 $0xFFFE7900  }
0x7b7: {  	_ =	swait.ge [sflag:s26], $0x1000  }
0x7b8: {  	[sflag:s26] =	ssyncset.done $0x0  }
0x7b9: {  	s2 =	simm.s32 $0x18740;
	[sflag:s26] =	ssyncadd.s32 $0xFFFFF000  }
0x7ba: {  	v0 =	vld [tilespmem:s2+$0x30]  }
0x7bb: {  	v1 =	vld [tilespmem:s2+$0xFFFFFFD0]  }
0x7bc: {  	v2 =	vld [tilespmem:s2+$0xFFFFFFE0]  }
0x7bd: {  	v3 =	vld [tilespmem:s2+$0xFFFFFFF0]  }
0x7be: {  	v4 =	vld [tilespmem:s2+$0x0]  }
0x7bf: {  	v6 =	vld [tilespmem:s2+$0x10]  }
0x7c0: {  	v7 =	vld [tilespmem:s2+$0x20]  }
0x7c1: {  	v8 =	vld [tilespmem:s2+$0xFFFFFFC0]  }
0x7c2: {  	v9 =	vld.idx.msk [tilespmem:v0+s28+$0x0], $0xffff  }
0x7c3: {  	v10 =	vld.idx.msk [tilespmem:v1+s28+$0x0], $0xffff  }
0x7c4: {  	v5 =	vld.idx.msk [tilespmem:v2+s28+$0x0], $0xffff  }
0x7c5: {  	v3 =	vld.idx.msk [tilespmem:v3+s28+$0x0], $0xffff  }
0x7c6: {  	v0 =	vld.idx.msk [tilespmem:v4+s28+$0x0], $0xffff  }
0x7c7: {  	s31 =	simm.s32 $0x1C740;
	v1 =	vld.idx.msk [tilespmem:v6+s28+$0x0], $0xffff  }
0x7c8: {  	v2 =	vld.idx.msk [tilespmem:v7+s28+$0x0], $0xffff;
	[tilespmem:s31+$0x30] =	vst v9  }
0x7c9: {  	s1 =	simm.s32 $0x187C0;
	s0 =	simm.s32 $0x0;
	v4 =	vld.idx.msk [tilespmem:v8+s28+$0x0], $0xffff;
	[tilespmem:s31+$0xFFFFFFD0] =	vst v10  }
.LBB2_82:
0x7ca: {  	v6 =	vld [tilespmem:s1+$0x30];
	s0 =	sadd.s32 $0x8, s0;
	[tilespmem:s31+$0xFFFFFFE0] =	vst v5  }
0x7cb: {  	v5 =	vld [tilespmem:s1+$0xFFFFFFD0];
	p5 =	slt.u32 s0, $0xF8;
	[tilespmem:s31+$0xFFFFFFF0] =	vst v3  }
0x7cc: {  	v3 =	vld [tilespmem:s1+$0xFFFFFFE0];
	[tilespmem:s31+$0x0] =	vst v0  }
0x7cd: {  	v0 =	vld [tilespmem:s1+$0xFFFFFFF0];
	[tilespmem:s31+$0x10] =	vst v1  }
0x7ce: {  	v1 =	vld [tilespmem:s1+$0x0];
	[tilespmem:s31+$0x20] =	vst v2  }
0x7cf: {  	v2 =	vld [tilespmem:s1+$0x10];
	[tilespmem:s31+$0xFFFFFFC0] =	vst v4  }
0x7d0: {  	v4 =	vld [tilespmem:s1+$0x20]  }
0x7d1: {  	v7 =	vld [tilespmem:s1+$0xFFFFFFC0]  }
0x7d2: {  	v6 =	vld.idx.msk [tilespmem:v6+s28+$0x0], $0xffff  }
0x7d3: {  	v8 =	vld.idx.msk [tilespmem:v5+s28+$0x0], $0xffff  }
0x7d4: {  	v5 =	vld.idx.msk [tilespmem:v3+s28+$0x0], $0xffff  }
.Ltmp40:
0x7d5: {  	v3 =	vld.idx.msk [tilespmem:v0+s28+$0x0], $0xffff;
	(pc) =	sbr.rel @p5 .LBB2_82-.Ltmp40, $4  }
0x7d6: {  	v0 =	vld.idx.msk [tilespmem:v1+s28+$0x0], $0xffff  }
0x7d7: {  	s31 =	sadd.s32 $0x80, s31;
	v1 =	vld.idx.msk [tilespmem:v2+s28+$0x0], $0xffff  }
0x7d8: {  	v2 =	vld.idx.msk [tilespmem:v4+s28+$0x0], $0xffff;
	[tilespmem:s31+$0x30] =	vst v6  }
0x7d9: {  	s1 =	sadd.s32 $0x80, s1;
	v4 =	vld.idx.msk [tilespmem:v7+s28+$0x0], $0xffff;
	[tilespmem:s31+$0xFFFFFFD0] =	vst v8  }
0x7da: {  	[tilespmem:s31+$0xFFFFFFE0] =	vst v5  }
0x7db: {  	[tilespmem:s31+$0xFFFFFFF0] =	vst v3  }
0x7dc: {  	[tilespmem:s31+$0x0] =	vst v0  }
0x7dd: {  	[tilespmem:s31+$0x10] =	vst v1  }
0x7de: {  	[tilespmem:s31+$0x20] =	vst v2  }
0x7df: {  	[tilespmem:s31+$0xFFFFFFC0] =	vst v4  }
0x7e0: {  	[hbm4b:s7+s20] =	stream.strided.scatter [tilespmem:s24], [sflag:$0x3], $0x1000, s21, s20, $0x38;
	[tilespmem:$0x1E700] =	vst v63  }
0x7e1: {  	_ =	swait.ge [sflag:s29], $0x1000  }
0x7e2: {  	[sflag:s29] =	ssyncset.done $0x0  }
0x7e3: {  	s0 =	simm.s32 $0x19770;
	[sflag:s29] =	ssyncadd.s32 $0xFFFFF000  }
0x7e4: {  	v0 =	vld [tilespmem:s0+$0x0]  }
0x7e5: {  	v1 =	vld [tilespmem:s0+$0xFFFFFFA0]  }
0x7e6: {  	v2 =	vld [tilespmem:s0+$0xFFFFFFB0]  }
0x7e7: {  	v3 =	vld [tilespmem:s0+$0xFFFFFFC0]  }
0x7e8: {  	v4 =	vld [tilespmem:s0+$0xFFFFFFD0]  }
0x7e9: {  	v6 =	vld [tilespmem:s0+$0xFFFFFFE0]  }
0x7ea: {  	v7 =	vld [tilespmem:s0+$0xFFFFFFF0]  }
0x7eb: {  	v8 =	vld [tilespmem:s0+$0xFFFFFF90]  }
0x7ec: {  	v9 =	vld.idx.msk [tilespmem:v0+s28+$0x0], $0xffff  }
0x7ed: {  	v10 =	vld.idx.msk [tilespmem:v1+s28+$0x0], $0xffff  }
0x7ee: {  	v5 =	vld.idx.msk [tilespmem:v2+s28+$0x0], $0xffff  }
0x7ef: {  	v3 =	vld.idx.msk [tilespmem:v3+s28+$0x0], $0xffff  }
0x7f0: {  	v0 =	vld.idx.msk [tilespmem:v4+s28+$0x0], $0xffff  }
0x7f1: {  	s31 =	simm.s32 $0x1D740;
	v1 =	vld.idx.msk [tilespmem:v6+s28+$0x0], $0xffff  }
0x7f2: {  	v2 =	vld.idx.msk [tilespmem:v7+s28+$0x0], $0xffff;
	[tilespmem:s31+$0x30] =	vst v9  }
0x7f3: {  	s1 =	simm.s32 $0x197F0;
	s0 =	simm.s32 $0x0;
	v4 =	vld.idx.msk [tilespmem:v8+s28+$0x0], $0xffff;
	[tilespmem:s31+$0xFFFFFFD0] =	vst v10  }
.LBB2_84:
0x7f4: {  	v6 =	vld [tilespmem:s1+$0x0];
	s0 =	sadd.s32 $0x8, s0;
	[tilespmem:s31+$0xFFFFFFE0] =	vst v5  }
0x7f5: {  	v5 =	vld [tilespmem:s1+$0xFFFFFFA0];
	p5 =	slt.u32 s0, $0xF8;
	[tilespmem:s31+$0xFFFFFFF0] =	vst v3  }
0x7f6: {  	v3 =	vld [tilespmem:s1+$0xFFFFFFB0];
	[tilespmem:s31+$0x0] =	vst v0  }
0x7f7: {  	v0 =	vld [tilespmem:s1+$0xFFFFFFC0];
	[tilespmem:s31+$0x10] =	vst v1  }
0x7f8: {  	v1 =	vld [tilespmem:s1+$0xFFFFFFD0];
	[tilespmem:s31+$0x20] =	vst v2  }
0x7f9: {  	v2 =	vld [tilespmem:s1+$0xFFFFFFE0];
	[tilespmem:s31+$0xFFFFFFC0] =	vst v4  }
0x7fa: {  	v4 =	vld [tilespmem:s1+$0xFFFFFFF0]  }
0x7fb: {  	v7 =	vld [tilespmem:s1+$0xFFFFFF90]  }
0x7fc: {  	v6 =	vld.idx.msk [tilespmem:v6+s28+$0x0], $0xffff  }
0x7fd: {  	v8 =	vld.idx.msk [tilespmem:v5+s28+$0x0], $0xffff  }
0x7fe: {  	v5 =	vld.idx.msk [tilespmem:v3+s28+$0x0], $0xffff  }
.Ltmp41:
0x7ff: {  	v3 =	vld.idx.msk [tilespmem:v0+s28+$0x0], $0xffff;
	(pc) =	sbr.rel @p5 .LBB2_84-.Ltmp41, $4  }
0x800: {  	v0 =	vld.idx.msk [tilespmem:v1+s28+$0x0], $0xffff  }
0x801: {  	s31 =	sadd.s32 $0x80, s31;
	v1 =	vld.idx.msk [tilespmem:v2+s28+$0x0], $0xffff  }
0x802: {  	v2 =	vld.idx.msk [tilespmem:v4+s28+$0x0], $0xffff;
	[tilespmem:s31+$0x30] =	vst v6  }
0x803: {  	s1 =	sadd.s32 $0x80, s1;
	v4 =	vld.idx.msk [tilespmem:v7+s28+$0x0], $0xffff;
	[tilespmem:s31+$0xFFFFFFD0] =	vst v8  }
0x804: {  	[tilespmem:s31+$0xFFFFFFE0] =	vst v5  }
0x805: {  	[tilespmem:s31+$0xFFFFFFF0] =	vst v3  }
0x806: {  	[tilespmem:s31+$0x0] =	vst v0  }
0x807: {  	[tilespmem:s31+$0x10] =	vst v1  }
0x808: {  	[tilespmem:s31+$0x20] =	vst v2  }
0x809: {  	[tilespmem:s31+$0xFFFFFFC0] =	vst v4  }
0x80a: {  	[hbm4b:s8+s20] =	stream.strided.scatter [tilespmem:s25], [sflag:$0x4], $0x1000, s21, s20, $0x38;
	[tilespmem:$0x1E700] =	vst v63  }
0x80b: {  	_ =	swait.ge [sflag:s26], $0x1000  }
0x80c: {  	[sflag:s26] =	ssyncset.done $0x0  }
0x80d: {  	s0 =	simm.s32 $0x1A770;
	[sflag:s26] =	ssyncadd.s32 $0xFFFFF000  }
0x80e: {  	v0 =	vld [tilespmem:s0+$0x0]  }
0x80f: {  	v1 =	vld [tilespmem:s0+$0xFFFFFFA0]  }
0x810: {  	v2 =	vld [tilespmem:s0+$0xFFFFFFB0]  }
0x811: {  	v3 =	vld [tilespmem:s0+$0xFFFFFFC0]  }
0x812: {  	v4 =	vld [tilespmem:s0+$0xFFFFFFD0]  }
0x813: {  	v6 =	vld [tilespmem:s0+$0xFFFFFFE0]  }
0x814: {  	v7 =	vld [tilespmem:s0+$0xFFFFFFF0]  }
0x815: {  	v8 =	vld [tilespmem:s0+$0xFFFFFF90]  }
0x816: {  	v9 =	vld.idx.msk [tilespmem:v0+s28+$0x0], $0xffff  }
0x817: {  	v10 =	vld.idx.msk [tilespmem:v1+s28+$0x0], $0xffff  }
0x818: {  	v5 =	vld.idx.msk [tilespmem:v2+s28+$0x0], $0xffff  }
0x819: {  	v3 =	vld.idx.msk [tilespmem:v3+s28+$0x0], $0xffff  }
0x81a: {  	v0 =	vld.idx.msk [tilespmem:v4+s28+$0x0], $0xffff  }
0x81b: {  	s31 =	simm.s32 $0x1C740;
	v1 =	vld.idx.msk [tilespmem:v6+s28+$0x0], $0xffff  }
0x81c: {  	v2 =	vld.idx.msk [tilespmem:v7+s28+$0x0], $0xffff;
	[tilespmem:s31+$0x30] =	vst v9  }
0x81d: {  	s1 =	simm.s32 $0x1A7F0;
	s0 =	simm.s32 $0x0;
	v4 =	vld.idx.msk [tilespmem:v8+s28+$0x0], $0xffff;
	[tilespmem:s31+$0xFFFFFFD0] =	vst v10  }
.LBB2_86:
0x81e: {  	v6 =	vld [tilespmem:s1+$0x0];
	s0 =	sadd.s32 $0x8, s0;
	[tilespmem:s31+$0xFFFFFFE0] =	vst v5  }
0x81f: {  	v5 =	vld [tilespmem:s1+$0xFFFFFFA0];
	p5 =	slt.u32 s0, $0xF8;
	[tilespmem:s31+$0xFFFFFFF0] =	vst v3  }
0x820: {  	v3 =	vld [tilespmem:s1+$0xFFFFFFB0];
	[tilespmem:s31+$0x0] =	vst v0  }
0x821: {  	v0 =	vld [tilespmem:s1+$0xFFFFFFC0];
	[tilespmem:s31+$0x10] =	vst v1  }
0x822: {  	v1 =	vld [tilespmem:s1+$0xFFFFFFD0];
	[tilespmem:s31+$0x20] =	vst v2  }
0x823: {  	v2 =	vld [tilespmem:s1+$0xFFFFFFE0];
	[tilespmem:s31+$0xFFFFFFC0] =	vst v4  }
0x824: {  	v4 =	vld [tilespmem:s1+$0xFFFFFFF0]  }
0x825: {  	v7 =	vld [tilespmem:s1+$0xFFFFFF90]  }
0x826: {  	v6 =	vld.idx.msk [tilespmem:v6+s28+$0x0], $0xffff  }
0x827: {  	v8 =	vld.idx.msk [tilespmem:v5+s28+$0x0], $0xffff  }
0x828: {  	v5 =	vld.idx.msk [tilespmem:v3+s28+$0x0], $0xffff  }
.Ltmp42:
0x829: {  	v3 =	vld.idx.msk [tilespmem:v0+s28+$0x0], $0xffff;
	(pc) =	sbr.rel @p5 .LBB2_86-.Ltmp42, $4  }
0x82a: {  	v0 =	vld.idx.msk [tilespmem:v1+s28+$0x0], $0xffff  }
0x82b: {  	s31 =	sadd.s32 $0x80, s31;
	v1 =	vld.idx.msk [tilespmem:v2+s28+$0x0], $0xffff  }
0x82c: {  	v2 =	vld.idx.msk [tilespmem:v4+s28+$0x0], $0xffff;
	[tilespmem:s31+$0x30] =	vst v6  }
0x82d: {  	s1 =	sadd.s32 $0x80, s1;
	v4 =	vld.idx.msk [tilespmem:v7+s28+$0x0], $0xffff;
	[tilespmem:s31+$0xFFFFFFD0] =	vst v8  }
0x82e: {  	[tilespmem:s31+$0xFFFFFFE0] =	vst v5  }
0x82f: {  	[tilespmem:s31+$0xFFFFFFF0] =	vst v3  }
0x830: {  	[tilespmem:s31+$0x0] =	vst v0  }
0x831: {  	[tilespmem:s31+$0x10] =	vst v1  }
0x832: {  	[tilespmem:s31+$0x20] =	vst v2  }
0x833: {  	[tilespmem:s31+$0xFFFFFFC0] =	vst v4  }
0x834: {  	[hbm4b:s9+s20] =	stream.strided.scatter [tilespmem:s24], [sflag:$0x3], $0x1000, s21, s20, $0x38;
	[tilespmem:$0x1E700] =	vst v63  }
0x835: {  	_ =	swait.ge [sflag:s29], $0x1000  }
0x836: {  	[sflag:s29] =	ssyncset.done $0x0  }
0x837: {  	s0 =	simm.s32 $0x1B770;
	[sflag:s29] =	ssyncadd.s32 $0xFFFFF000  }
0x838: {  	v0 =	vld [tilespmem:s0+$0x0]  }
0x839: {  	v1 =	vld [tilespmem:s0+$0xFFFFFFA0]  }
0x83a: {  	v2 =	vld [tilespmem:s0+$0xFFFFFFB0]  }
0x83b: {  	v3 =	vld [tilespmem:s0+$0xFFFFFFC0]  }
0x83c: {  	v4 =	vld [tilespmem:s0+$0xFFFFFFD0]  }
0x83d: {  	v6 =	vld [tilespmem:s0+$0xFFFFFFE0]  }
0x83e: {  	v7 =	vld [tilespmem:s0+$0xFFFFFFF0]  }
0x83f: {  	v8 =	vld [tilespmem:s0+$0xFFFFFF90]  }
0x840: {  	v9 =	vld.idx.msk [tilespmem:v0+s28+$0x0], $0xffff  }
0x841: {  	v10 =	vld.idx.msk [tilespmem:v1+s28+$0x0], $0xffff  }
0x842: {  	v5 =	vld.idx.msk [tilespmem:v2+s28+$0x0], $0xffff  }
0x843: {  	v3 =	vld.idx.msk [tilespmem:v3+s28+$0x0], $0xffff  }
0x844: {  	v0 =	vld.idx.msk [tilespmem:v4+s28+$0x0], $0xffff  }
0x845: {  	s31 =	simm.s32 $0x1D740;
	v1 =	vld.idx.msk [tilespmem:v6+s28+$0x0], $0xffff  }
0x846: {  	v2 =	vld.idx.msk [tilespmem:v7+s28+$0x0], $0xffff;
	[tilespmem:s31+$0x30] =	vst v9  }
0x847: {  	s1 =	simm.s32 $0x1B7F0;
	s0 =	simm.s32 $0x0;
	v4 =	vld.idx.msk [tilespmem:v8+s28+$0x0], $0xffff;
	[tilespmem:s31+$0xFFFFFFD0] =	vst v10  }
.LBB2_88:
0x848: {  	v6 =	vld [tilespmem:s1+$0x0];
	s0 =	sadd.s32 $0x8, s0;
	[tilespmem:s31+$0xFFFFFFE0] =	vst v5  }
0x849: {  	v5 =	vld [tilespmem:s1+$0xFFFFFFA0];
	p5 =	slt.u32 s0, $0xF8;
	[tilespmem:s31+$0xFFFFFFF0] =	vst v3  }
0x84a: {  	v3 =	vld [tilespmem:s1+$0xFFFFFFB0];
	[tilespmem:s31+$0x0] =	vst v0  }
0x84b: {  	v0 =	vld [tilespmem:s1+$0xFFFFFFC0];
	[tilespmem:s31+$0x10] =	vst v1  }
0x84c: {  	v1 =	vld [tilespmem:s1+$0xFFFFFFD0];
	[tilespmem:s31+$0x20] =	vst v2  }
0x84d: {  	v2 =	vld [tilespmem:s1+$0xFFFFFFE0];
	[tilespmem:s31+$0xFFFFFFC0] =	vst v4  }
0x84e: {  	v4 =	vld [tilespmem:s1+$0xFFFFFFF0]  }
0x84f: {  	v7 =	vld [tilespmem:s1+$0xFFFFFF90]  }
0x850: {  	v6 =	vld.idx.msk [tilespmem:v6+s28+$0x0], $0xffff  }
0x851: {  	v8 =	vld.idx.msk [tilespmem:v5+s28+$0x0], $0xffff  }
0x852: {  	v5 =	vld.idx.msk [tilespmem:v3+s28+$0x0], $0xffff  }
.Ltmp43:
0x853: {  	v3 =	vld.idx.msk [tilespmem:v0+s28+$0x0], $0xffff;
	(pc) =	sbr.rel @p5 .LBB2_88-.Ltmp43, $4  }
0x854: {  	v0 =	vld.idx.msk [tilespmem:v1+s28+$0x0], $0xffff  }
0x855: {  	s31 =	sadd.s32 $0x80, s31;
	v1 =	vld.idx.msk [tilespmem:v2+s28+$0x0], $0xffff  }
0x856: {  	v2 =	vld.idx.msk [tilespmem:v4+s28+$0x0], $0xffff;
	[tilespmem:s31+$0x30] =	vst v6  }
0x857: {  	s1 =	sadd.s32 $0x80, s1;
	v4 =	vld.idx.msk [tilespmem:v7+s28+$0x0], $0xffff;
	[tilespmem:s31+$0xFFFFFFD0] =	vst v8  }
0x858: {  	[tilespmem:s31+$0xFFFFFFE0] =	vst v5  }
0x859: {  	[tilespmem:s31+$0xFFFFFFF0] =	vst v3  }
0x85a: {  	[tilespmem:s31+$0x0] =	vst v0  }
0x85b: {  	[tilespmem:s31+$0x10] =	vst v1  }
0x85c: {  	[tilespmem:s31+$0x20] =	vst v2  }
0x85d: {  	[tilespmem:s31+$0xFFFFFFC0] =	vst v4  }
0x85e: {  	[hbm4b:s10+s20] =	stream.strided.scatter [tilespmem:s25], [sflag:$0x4], $0x1000, s21, s20, $0x38;
	[tilespmem:$0x1E700] =	vst v63  }
0x85f: {  	s1 =	simm.s32 @!p3 $0x400;
	s0 =	rddreg [dreg:$0x1b]  }
0x860: {  	[tilespmem:s28], [sflag:$0x1] =	stream.strided.gather [hbm4b:s0+s20], $0x18700, s21, s20, $0x38;
	[tilespmem:$0x1E700] =	vst v63  }
0x861: {  	s31 =	simm.s32 @!p3 $0x18700;
	s2 =	rddreg [dreg:$0xe];
	s0 =	simm.s32 @!p3 $0x80  }
0x862: {  	[tilespmem:s31], [sflag:$0x2] =	stream.strided.gather @!p3 [hbm4b:s2+s0], $0x4000, s1, s0, $0x38;
	[tilespmem:$0x1E700] =	vst v63  }
0x863: {  	s0 =	simm.s32 @!p3 $0x2  }
0x864: {  	_ =	swait.ge @!p3 [sflag:s0], $0x4000  }
0x865: {  	[sflag:s0] =	ssyncset.done @!p3 $0x0  }
0x866: {  	[sflag:s0] =	ssyncadd.s32 @!p3 $0xFFFFC000  }
0x867: {  	_ =	swait.ge [sflag:s23], $0x18700  }
0x868: {  	[sflag:s23] =	ssyncset.done $0x0  }
0x869: {  	[sflag:s23] =	ssyncadd.s32 $0xFFFE7900  }
0x86a: {  	_ =	swait.ge [sflag:s26], $0x1000  }
0x86b: {  	[sflag:s26] =	ssyncset.done $0x0  }
0x86c: {  	s2 =	simm.s32 $0x18740;
	[sflag:s26] =	ssyncadd.s32 $0xFFFFF000  }
0x86d: {  	v0 =	vld [tilespmem:s2+$0x30]  }
0x86e: {  	v1 =	vld [tilespmem:s2+$0xFFFFFFD0]  }
0x86f: {  	v2 =	vld [tilespmem:s2+$0xFFFFFFE0]  }
0x870: {  	v3 =	vld [tilespmem:s2+$0xFFFFFFF0]  }
0x871: {  	v4 =	vld [tilespmem:s2+$0x0]  }
0x872: {  	v6 =	vld [tilespmem:s2+$0x10]  }
0x873: {  	v7 =	vld [tilespmem:s2+$0x20]  }
0x874: {  	v8 =	vld [tilespmem:s2+$0xFFFFFFC0]  }
0x875: {  	v9 =	vld.idx.msk [tilespmem:v0+s28+$0x0], $0xffff  }
0x876: {  	v10 =	vld.idx.msk [tilespmem:v1+s28+$0x0], $0xffff  }
0x877: {  	v5 =	vld.idx.msk [tilespmem:v2+s28+$0x0], $0xffff  }
0x878: {  	v3 =	vld.idx.msk [tilespmem:v3+s28+$0x0], $0xffff  }
0x879: {  	v0 =	vld.idx.msk [tilespmem:v4+s28+$0x0], $0xffff  }
0x87a: {  	s31 =	simm.s32 $0x1C740;
	v1 =	vld.idx.msk [tilespmem:v6+s28+$0x0], $0xffff  }
0x87b: {  	v2 =	vld.idx.msk [tilespmem:v7+s28+$0x0], $0xffff;
	[tilespmem:s31+$0x30] =	vst v9  }
0x87c: {  	s1 =	simm.s32 $0x187C0;
	s0 =	simm.s32 $0x0;
	v4 =	vld.idx.msk [tilespmem:v8+s28+$0x0], $0xffff;
	[tilespmem:s31+$0xFFFFFFD0] =	vst v10  }
.LBB2_90:
0x87d: {  	v6 =	vld [tilespmem:s1+$0x30];
	s0 =	sadd.s32 $0x8, s0;
	[tilespmem:s31+$0xFFFFFFE0] =	vst v5  }
0x87e: {  	v5 =	vld [tilespmem:s1+$0xFFFFFFD0];
	p5 =	slt.u32 s0, $0xF8;
	[tilespmem:s31+$0xFFFFFFF0] =	vst v3  }
0x87f: {  	v3 =	vld [tilespmem:s1+$0xFFFFFFE0];
	[tilespmem:s31+$0x0] =	vst v0  }
0x880: {  	v0 =	vld [tilespmem:s1+$0xFFFFFFF0];
	[tilespmem:s31+$0x10] =	vst v1  }
0x881: {  	v1 =	vld [tilespmem:s1+$0x0];
	[tilespmem:s31+$0x20] =	vst v2  }
0x882: {  	v2 =	vld [tilespmem:s1+$0x10];
	[tilespmem:s31+$0xFFFFFFC0] =	vst v4  }
0x883: {  	v4 =	vld [tilespmem:s1+$0x20]  }
0x884: {  	v7 =	vld [tilespmem:s1+$0xFFFFFFC0]  }
0x885: {  	v6 =	vld.idx.msk [tilespmem:v6+s28+$0x0], $0xffff  }
0x886: {  	v8 =	vld.idx.msk [tilespmem:v5+s28+$0x0], $0xffff  }
0x887: {  	v5 =	vld.idx.msk [tilespmem:v3+s28+$0x0], $0xffff  }
.Ltmp44:
0x888: {  	v3 =	vld.idx.msk [tilespmem:v0+s28+$0x0], $0xffff;
	(pc) =	sbr.rel @p5 .LBB2_90-.Ltmp44, $4  }
0x889: {  	v0 =	vld.idx.msk [tilespmem:v1+s28+$0x0], $0xffff  }
0x88a: {  	s31 =	sadd.s32 $0x80, s31;
	v1 =	vld.idx.msk [tilespmem:v2+s28+$0x0], $0xffff  }
0x88b: {  	v2 =	vld.idx.msk [tilespmem:v4+s28+$0x0], $0xffff;
	[tilespmem:s31+$0x30] =	vst v6  }
0x88c: {  	s1 =	sadd.s32 $0x80, s1;
	v4 =	vld.idx.msk [tilespmem:v7+s28+$0x0], $0xffff;
	[tilespmem:s31+$0xFFFFFFD0] =	vst v8  }
0x88d: {  	[tilespmem:s31+$0xFFFFFFE0] =	vst v5  }
0x88e: {  	[tilespmem:s31+$0xFFFFFFF0] =	vst v3  }
0x88f: {  	[tilespmem:s31+$0x0] =	vst v0  }
0x890: {  	[tilespmem:s31+$0x10] =	vst v1  }
0x891: {  	[tilespmem:s31+$0x20] =	vst v2  }
0x892: {  	[tilespmem:s31+$0xFFFFFFC0] =	vst v4  }
0x893: {  	[hbm4b:s11+s20] =	stream.strided.scatter [tilespmem:s24], [sflag:$0x3], $0x1000, s21, s20, $0x38;
	[tilespmem:$0x1E700] =	vst v63  }
0x894: {  	_ =	swait.ge [sflag:s29], $0x1000  }
0x895: {  	[sflag:s29] =	ssyncset.done $0x0  }
0x896: {  	s0 =	simm.s32 $0x19770;
	[sflag:s29] =	ssyncadd.s32 $0xFFFFF000  }
0x897: {  	v0 =	vld [tilespmem:s0+$0x0]  }
0x898: {  	v1 =	vld [tilespmem:s0+$0xFFFFFFA0]  }
0x899: {  	v2 =	vld [tilespmem:s0+$0xFFFFFFB0]  }
0x89a: {  	v3 =	vld [tilespmem:s0+$0xFFFFFFC0]  }
0x89b: {  	v4 =	vld [tilespmem:s0+$0xFFFFFFD0]  }
0x89c: {  	v6 =	vld [tilespmem:s0+$0xFFFFFFE0]  }
0x89d: {  	v7 =	vld [tilespmem:s0+$0xFFFFFFF0]  }
0x89e: {  	v8 =	vld [tilespmem:s0+$0xFFFFFF90]  }
0x89f: {  	v9 =	vld.idx.msk [tilespmem:v0+s28+$0x0], $0xffff  }
0x8a0: {  	v10 =	vld.idx.msk [tilespmem:v1+s28+$0x0], $0xffff  }
0x8a1: {  	v5 =	vld.idx.msk [tilespmem:v2+s28+$0x0], $0xffff  }
0x8a2: {  	v3 =	vld.idx.msk [tilespmem:v3+s28+$0x0], $0xffff  }
0x8a3: {  	v0 =	vld.idx.msk [tilespmem:v4+s28+$0x0], $0xffff  }
0x8a4: {  	s31 =	simm.s32 $0x1D740;
	v1 =	vld.idx.msk [tilespmem:v6+s28+$0x0], $0xffff  }
0x8a5: {  	v2 =	vld.idx.msk [tilespmem:v7+s28+$0x0], $0xffff;
	[tilespmem:s31+$0x30] =	vst v9  }
0x8a6: {  	s1 =	simm.s32 $0x197F0;
	s0 =	simm.s32 $0x0;
	v4 =	vld.idx.msk [tilespmem:v8+s28+$0x0], $0xffff;
	[tilespmem:s31+$0xFFFFFFD0] =	vst v10  }
.LBB2_92:
0x8a7: {  	v6 =	vld [tilespmem:s1+$0x0];
	s0 =	sadd.s32 $0x8, s0;
	[tilespmem:s31+$0xFFFFFFE0] =	vst v5  }
0x8a8: {  	v5 =	vld [tilespmem:s1+$0xFFFFFFA0];
	p5 =	slt.u32 s0, $0xF8;
	[tilespmem:s31+$0xFFFFFFF0] =	vst v3  }
0x8a9: {  	v3 =	vld [tilespmem:s1+$0xFFFFFFB0];
	[tilespmem:s31+$0x0] =	vst v0  }
0x8aa: {  	v0 =	vld [tilespmem:s1+$0xFFFFFFC0];
	[tilespmem:s31+$0x10] =	vst v1  }
0x8ab: {  	v1 =	vld [tilespmem:s1+$0xFFFFFFD0];
	[tilespmem:s31+$0x20] =	vst v2  }
0x8ac: {  	v2 =	vld [tilespmem:s1+$0xFFFFFFE0];
	[tilespmem:s31+$0xFFFFFFC0] =	vst v4  }
0x8ad: {  	v4 =	vld [tilespmem:s1+$0xFFFFFFF0]  }
0x8ae: {  	v7 =	vld [tilespmem:s1+$0xFFFFFF90]  }
0x8af: {  	v6 =	vld.idx.msk [tilespmem:v6+s28+$0x0], $0xffff  }
0x8b0: {  	v8 =	vld.idx.msk [tilespmem:v5+s28+$0x0], $0xffff  }
0x8b1: {  	v5 =	vld.idx.msk [tilespmem:v3+s28+$0x0], $0xffff  }
.Ltmp45:
0x8b2: {  	v3 =	vld.idx.msk [tilespmem:v0+s28+$0x0], $0xffff;
	(pc) =	sbr.rel @p5 .LBB2_92-.Ltmp45, $4  }
0x8b3: {  	v0 =	vld.idx.msk [tilespmem:v1+s28+$0x0], $0xffff  }
0x8b4: {  	s31 =	sadd.s32 $0x80, s31;
	v1 =	vld.idx.msk [tilespmem:v2+s28+$0x0], $0xffff  }
0x8b5: {  	v2 =	vld.idx.msk [tilespmem:v4+s28+$0x0], $0xffff;
	[tilespmem:s31+$0x30] =	vst v6  }
0x8b6: {  	s1 =	sadd.s32 $0x80, s1;
	v4 =	vld.idx.msk [tilespmem:v7+s28+$0x0], $0xffff;
	[tilespmem:s31+$0xFFFFFFD0] =	vst v8  }
0x8b7: {  	[tilespmem:s31+$0xFFFFFFE0] =	vst v5  }
0x8b8: {  	[tilespmem:s31+$0xFFFFFFF0] =	vst v3  }
0x8b9: {  	[tilespmem:s31+$0x0] =	vst v0  }
0x8ba: {  	[tilespmem:s31+$0x10] =	vst v1  }
0x8bb: {  	[tilespmem:s31+$0x20] =	vst v2  }
0x8bc: {  	[tilespmem:s31+$0xFFFFFFC0] =	vst v4  }
0x8bd: {  	[hbm4b:s12+s20] =	stream.strided.scatter [tilespmem:s25], [sflag:$0x4], $0x1000, s21, s20, $0x38;
	[tilespmem:$0x1E700] =	vst v63  }
0x8be: {  	_ =	swait.ge [sflag:s26], $0x1000  }
0x8bf: {  	[sflag:s26] =	ssyncset.done $0x0  }
0x8c0: {  	s0 =	simm.s32 $0x1A770;
	[sflag:s26] =	ssyncadd.s32 $0xFFFFF000  }
0x8c1: {  	v0 =	vld [tilespmem:s0+$0x0]  }
0x8c2: {  	v1 =	vld [tilespmem:s0+$0xFFFFFFA0]  }
0x8c3: {  	v2 =	vld [tilespmem:s0+$0xFFFFFFB0]  }
0x8c4: {  	v3 =	vld [tilespmem:s0+$0xFFFFFFC0]  }
0x8c5: {  	v4 =	vld [tilespmem:s0+$0xFFFFFFD0]  }
0x8c6: {  	v6 =	vld [tilespmem:s0+$0xFFFFFFE0]  }
0x8c7: {  	v7 =	vld [tilespmem:s0+$0xFFFFFFF0]  }
0x8c8: {  	v8 =	vld [tilespmem:s0+$0xFFFFFF90]  }
0x8c9: {  	v9 =	vld.idx.msk [tilespmem:v0+s28+$0x0], $0xffff  }
0x8ca: {  	v10 =	vld.idx.msk [tilespmem:v1+s28+$0x0], $0xffff  }
0x8cb: {  	v5 =	vld.idx.msk [tilespmem:v2+s28+$0x0], $0xffff  }
0x8cc: {  	v3 =	vld.idx.msk [tilespmem:v3+s28+$0x0], $0xffff  }
0x8cd: {  	v0 =	vld.idx.msk [tilespmem:v4+s28+$0x0], $0xffff  }
0x8ce: {  	s31 =	simm.s32 $0x1C740;
	v1 =	vld.idx.msk [tilespmem:v6+s28+$0x0], $0xffff  }
0x8cf: {  	v2 =	vld.idx.msk [tilespmem:v7+s28+$0x0], $0xffff;
	[tilespmem:s31+$0x30] =	vst v9  }
0x8d0: {  	s1 =	simm.s32 $0x1A7F0;
	s0 =	simm.s32 $0x0;
	v4 =	vld.idx.msk [tilespmem:v8+s28+$0x0], $0xffff;
	[tilespmem:s31+$0xFFFFFFD0] =	vst v10  }
.LBB2_94:
0x8d1: {  	v6 =	vld [tilespmem:s1+$0x0];
	s0 =	sadd.s32 $0x8, s0;
	[tilespmem:s31+$0xFFFFFFE0] =	vst v5  }
0x8d2: {  	v5 =	vld [tilespmem:s1+$0xFFFFFFA0];
	p5 =	slt.u32 s0, $0xF8;
	[tilespmem:s31+$0xFFFFFFF0] =	vst v3  }
0x8d3: {  	v3 =	vld [tilespmem:s1+$0xFFFFFFB0];
	[tilespmem:s31+$0x0] =	vst v0  }
0x8d4: {  	v0 =	vld [tilespmem:s1+$0xFFFFFFC0];
	[tilespmem:s31+$0x10] =	vst v1  }
0x8d5: {  	v1 =	vld [tilespmem:s1+$0xFFFFFFD0];
	[tilespmem:s31+$0x20] =	vst v2  }
0x8d6: {  	v2 =	vld [tilespmem:s1+$0xFFFFFFE0];
	[tilespmem:s31+$0xFFFFFFC0] =	vst v4  }
0x8d7: {  	v4 =	vld [tilespmem:s1+$0xFFFFFFF0]  }
0x8d8: {  	v7 =	vld [tilespmem:s1+$0xFFFFFF90]  }
0x8d9: {  	v6 =	vld.idx.msk [tilespmem:v6+s28+$0x0], $0xffff  }
0x8da: {  	v8 =	vld.idx.msk [tilespmem:v5+s28+$0x0], $0xffff  }
0x8db: {  	v5 =	vld.idx.msk [tilespmem:v3+s28+$0x0], $0xffff  }
.Ltmp46:
0x8dc: {  	v3 =	vld.idx.msk [tilespmem:v0+s28+$0x0], $0xffff;
	(pc) =	sbr.rel @p5 .LBB2_94-.Ltmp46, $4  }
0x8dd: {  	v0 =	vld.idx.msk [tilespmem:v1+s28+$0x0], $0xffff  }
0x8de: {  	s31 =	sadd.s32 $0x80, s31;
	v1 =	vld.idx.msk [tilespmem:v2+s28+$0x0], $0xffff  }
0x8df: {  	v2 =	vld.idx.msk [tilespmem:v4+s28+$0x0], $0xffff;
	[tilespmem:s31+$0x30] =	vst v6  }
0x8e0: {  	s1 =	sadd.s32 $0x80, s1;
	v4 =	vld.idx.msk [tilespmem:v7+s28+$0x0], $0xffff;
	[tilespmem:s31+$0xFFFFFFD0] =	vst v8  }
0x8e1: {  	[tilespmem:s31+$0xFFFFFFE0] =	vst v5  }
0x8e2: {  	[tilespmem:s31+$0xFFFFFFF0] =	vst v3  }
0x8e3: {  	[tilespmem:s31+$0x0] =	vst v0  }
0x8e4: {  	[tilespmem:s31+$0x10] =	vst v1  }
0x8e5: {  	[tilespmem:s31+$0x20] =	vst v2  }
0x8e6: {  	[tilespmem:s31+$0xFFFFFFC0] =	vst v4  }
0x8e7: {  	[hbm4b:s13+s20] =	stream.strided.scatter [tilespmem:s24], [sflag:$0x3], $0x1000, s21, s20, $0x38;
	[tilespmem:$0x1E700] =	vst v63  }
0x8e8: {  	_ =	swait.ge [sflag:s29], $0x1000  }
0x8e9: {  	[sflag:s29] =	ssyncset.done $0x0  }
0x8ea: {  	s0 =	simm.s32 $0x1B770;
	[sflag:s29] =	ssyncadd.s32 $0xFFFFF000  }
0x8eb: {  	v0 =	vld [tilespmem:s0+$0x0]  }
0x8ec: {  	v1 =	vld [tilespmem:s0+$0xFFFFFFA0]  }
0x8ed: {  	v2 =	vld [tilespmem:s0+$0xFFFFFFB0]  }
0x8ee: {  	v3 =	vld [tilespmem:s0+$0xFFFFFFC0]  }
0x8ef: {  	v4 =	vld [tilespmem:s0+$0xFFFFFFD0]  }
0x8f0: {  	v6 =	vld [tilespmem:s0+$0xFFFFFFE0]  }
0x8f1: {  	v7 =	vld [tilespmem:s0+$0xFFFFFFF0]  }
0x8f2: {  	v8 =	vld [tilespmem:s0+$0xFFFFFF90]  }
0x8f3: {  	v9 =	vld.idx.msk [tilespmem:v0+s28+$0x0], $0xffff  }
0x8f4: {  	v10 =	vld.idx.msk [tilespmem:v1+s28+$0x0], $0xffff  }
0x8f5: {  	v5 =	vld.idx.msk [tilespmem:v2+s28+$0x0], $0xffff  }
0x8f6: {  	v3 =	vld.idx.msk [tilespmem:v3+s28+$0x0], $0xffff  }
0x8f7: {  	v0 =	vld.idx.msk [tilespmem:v4+s28+$0x0], $0xffff  }
0x8f8: {  	s31 =	simm.s32 $0x1D740;
	v1 =	vld.idx.msk [tilespmem:v6+s28+$0x0], $0xffff  }
0x8f9: {  	v2 =	vld.idx.msk [tilespmem:v7+s28+$0x0], $0xffff;
	[tilespmem:s31+$0x30] =	vst v9  }
0x8fa: {  	s1 =	simm.s32 $0x1B7F0;
	s0 =	simm.s32 $0x0;
	v4 =	vld.idx.msk [tilespmem:v8+s28+$0x0], $0xffff;
	[tilespmem:s31+$0xFFFFFFD0] =	vst v10  }
.LBB2_96:
0x8fb: {  	v6 =	vld [tilespmem:s1+$0x0];
	s0 =	sadd.s32 $0x8, s0;
	[tilespmem:s31+$0xFFFFFFE0] =	vst v5  }
0x8fc: {  	v5 =	vld [tilespmem:s1+$0xFFFFFFA0];
	p5 =	slt.u32 s0, $0xF8;
	[tilespmem:s31+$0xFFFFFFF0] =	vst v3  }
0x8fd: {  	v3 =	vld [tilespmem:s1+$0xFFFFFFB0];
	[tilespmem:s31+$0x0] =	vst v0  }
0x8fe: {  	v0 =	vld [tilespmem:s1+$0xFFFFFFC0];
	[tilespmem:s31+$0x10] =	vst v1  }
0x8ff: {  	v1 =	vld [tilespmem:s1+$0xFFFFFFD0];
	[tilespmem:s31+$0x20] =	vst v2  }
0x900: {  	v2 =	vld [tilespmem:s1+$0xFFFFFFE0];
	[tilespmem:s31+$0xFFFFFFC0] =	vst v4  }
0x901: {  	v4 =	vld [tilespmem:s1+$0xFFFFFFF0]  }
0x902: {  	v7 =	vld [tilespmem:s1+$0xFFFFFF90]  }
0x903: {  	v6 =	vld.idx.msk [tilespmem:v6+s28+$0x0], $0xffff  }
0x904: {  	v8 =	vld.idx.msk [tilespmem:v5+s28+$0x0], $0xffff  }
0x905: {  	v5 =	vld.idx.msk [tilespmem:v3+s28+$0x0], $0xffff  }
.Ltmp47:
0x906: {  	v3 =	vld.idx.msk [tilespmem:v0+s28+$0x0], $0xffff;
	(pc) =	sbr.rel @p5 .LBB2_96-.Ltmp47, $4  }
0x907: {  	v0 =	vld.idx.msk [tilespmem:v1+s28+$0x0], $0xffff  }
0x908: {  	s31 =	sadd.s32 $0x80, s31;
	v1 =	vld.idx.msk [tilespmem:v2+s28+$0x0], $0xffff  }
0x909: {  	v2 =	vld.idx.msk [tilespmem:v4+s28+$0x0], $0xffff;
	[tilespmem:s31+$0x30] =	vst v6  }
0x90a: {  	s1 =	sadd.s32 $0x80, s1;
	v4 =	vld.idx.msk [tilespmem:v7+s28+$0x0], $0xffff;
	[tilespmem:s31+$0xFFFFFFD0] =	vst v8  }
0x90b: {  	[tilespmem:s31+$0xFFFFFFE0] =	vst v5  }
0x90c: {  	[tilespmem:s31+$0xFFFFFFF0] =	vst v3  }
0x90d: {  	[tilespmem:s31+$0x0] =	vst v0  }
0x90e: {  	[tilespmem:s31+$0x10] =	vst v1  }
0x90f: {  	[tilespmem:s31+$0x20] =	vst v2  }
0x910: {  	[tilespmem:s31+$0xFFFFFFC0] =	vst v4  }
0x911: {  	[hbm4b:s14+s20] =	stream.strided.scatter [tilespmem:s25], [sflag:$0x4], $0x1000, s21, s20, $0x38;
	[tilespmem:$0x1E700] =	vst v63  }
0x912: {  	s1 =	simm.s32 @!p4 $0x400;
	s0 =	rddreg [dreg:$0x1c]  }
0x913: {  	[tilespmem:s28], [sflag:$0x1] =	stream.strided.gather [hbm4b:s0+s20], $0x18700, s21, s20, $0x38;
	[tilespmem:$0x1E700] =	vst v63  }
0x914: {  	s31 =	simm.s32 @!p4 $0x18700;
	s2 =	rddreg [dreg:$0x1d];
	s0 =	simm.s32 @!p4 $0x80  }
0x915: {  	[tilespmem:s31], [sflag:$0x2] =	stream.strided.gather @!p4 [hbm4b:s2+s0], $0x4000, s1, s0, $0x38;
	[tilespmem:$0x1E700] =	vst v63  }
0x916: {  	s0 =	simm.s32 @!p4 $0x2  }
0x917: {  	_ =	swait.ge @!p4 [sflag:s0], $0x4000  }
0x918: {  	[sflag:s0] =	ssyncset.done @!p4 $0x0  }
0x919: {  	[sflag:s0] =	ssyncadd.s32 @!p4 $0xFFFFC000  }
0x91a: {  	_ =	swait.ge [sflag:s23], $0x18700  }
0x91b: {  	[sflag:s23] =	ssyncset.done $0x0  }
0x91c: {  	[sflag:s23] =	ssyncadd.s32 $0xFFFE7900  }
0x91d: {  	_ =	swait.ge [sflag:s26], $0x1000  }
0x91e: {  	[sflag:s26] =	ssyncset.done $0x0  }
0x91f: {  	s2 =	simm.s32 $0x18740;
	[sflag:s26] =	ssyncadd.s32 $0xFFFFF000  }
0x920: {  	v0 =	vld [tilespmem:s2+$0x30]  }
0x921: {  	v1 =	vld [tilespmem:s2+$0xFFFFFFD0]  }
0x922: {  	v2 =	vld [tilespmem:s2+$0xFFFFFFE0]  }
0x923: {  	v3 =	vld [tilespmem:s2+$0xFFFFFFF0]  }
0x924: {  	v4 =	vld [tilespmem:s2+$0x0]  }
0x925: {  	v6 =	vld [tilespmem:s2+$0x10]  }
0x926: {  	v7 =	vld [tilespmem:s2+$0x20]  }
0x927: {  	v8 =	vld [tilespmem:s2+$0xFFFFFFC0]  }
0x928: {  	v9 =	vld.idx.msk [tilespmem:v0+s28+$0x0], $0xffff  }
0x929: {  	v10 =	vld.idx.msk [tilespmem:v1+s28+$0x0], $0xffff  }
0x92a: {  	v5 =	vld.idx.msk [tilespmem:v2+s28+$0x0], $0xffff  }
0x92b: {  	v3 =	vld.idx.msk [tilespmem:v3+s28+$0x0], $0xffff  }
0x92c: {  	v0 =	vld.idx.msk [tilespmem:v4+s28+$0x0], $0xffff  }
0x92d: {  	s31 =	simm.s32 $0x1C740;
	v1 =	vld.idx.msk [tilespmem:v6+s28+$0x0], $0xffff  }
0x92e: {  	v2 =	vld.idx.msk [tilespmem:v7+s28+$0x0], $0xffff;
	[tilespmem:s31+$0x30] =	vst v9  }
0x92f: {  	s1 =	simm.s32 $0x187C0;
	s0 =	simm.s32 $0x0;
	v4 =	vld.idx.msk [tilespmem:v8+s28+$0x0], $0xffff;
	[tilespmem:s31+$0xFFFFFFD0] =	vst v10  }
.LBB2_98:
0x930: {  	v6 =	vld [tilespmem:s1+$0x30];
	s0 =	sadd.s32 $0x8, s0;
	[tilespmem:s31+$0xFFFFFFE0] =	vst v5  }
0x931: {  	v5 =	vld [tilespmem:s1+$0xFFFFFFD0];
	p5 =	slt.u32 s0, $0xF8;
	[tilespmem:s31+$0xFFFFFFF0] =	vst v3  }
0x932: {  	v3 =	vld [tilespmem:s1+$0xFFFFFFE0];
	[tilespmem:s31+$0x0] =	vst v0  }
0x933: {  	v0 =	vld [tilespmem:s1+$0xFFFFFFF0];
	[tilespmem:s31+$0x10] =	vst v1  }
0x934: {  	v1 =	vld [tilespmem:s1+$0x0];
	[tilespmem:s31+$0x20] =	vst v2  }
0x935: {  	v2 =	vld [tilespmem:s1+$0x10];
	[tilespmem:s31+$0xFFFFFFC0] =	vst v4  }
0x936: {  	v4 =	vld [tilespmem:s1+$0x20]  }
0x937: {  	v7 =	vld [tilespmem:s1+$0xFFFFFFC0]  }
0x938: {  	v6 =	vld.idx.msk [tilespmem:v6+s28+$0x0], $0xffff  }
0x939: {  	v8 =	vld.idx.msk [tilespmem:v5+s28+$0x0], $0xffff  }
0x93a: {  	v5 =	vld.idx.msk [tilespmem:v3+s28+$0x0], $0xffff  }
.Ltmp48:
0x93b: {  	v3 =	vld.idx.msk [tilespmem:v0+s28+$0x0], $0xffff;
	(pc) =	sbr.rel @p5 .LBB2_98-.Ltmp48, $4  }
0x93c: {  	v0 =	vld.idx.msk [tilespmem:v1+s28+$0x0], $0xffff  }
0x93d: {  	s31 =	sadd.s32 $0x80, s31;
	v1 =	vld.idx.msk [tilespmem:v2+s28+$0x0], $0xffff  }
0x93e: {  	v2 =	vld.idx.msk [tilespmem:v4+s28+$0x0], $0xffff;
	[tilespmem:s31+$0x30] =	vst v6  }
0x93f: {  	s1 =	sadd.s32 $0x80, s1;
	v4 =	vld.idx.msk [tilespmem:v7+s28+$0x0], $0xffff;
	[tilespmem:s31+$0xFFFFFFD0] =	vst v8  }
0x940: {  	[tilespmem:s31+$0xFFFFFFE0] =	vst v5  }
0x941: {  	[tilespmem:s31+$0xFFFFFFF0] =	vst v3  }
0x942: {  	[tilespmem:s31+$0x0] =	vst v0  }
0x943: {  	[tilespmem:s31+$0x10] =	vst v1  }
0x944: {  	[tilespmem:s31+$0x20] =	vst v2  }
0x945: {  	[tilespmem:s31+$0xFFFFFFC0] =	vst v4  }
0x946: {  	[hbm4b:s15+s20] =	stream.strided.scatter [tilespmem:s24], [sflag:$0x3], $0x1000, s21, s20, $0x38;
	[tilespmem:$0x1E700] =	vst v63  }
0x947: {  	_ =	swait.ge [sflag:s29], $0x1000  }
0x948: {  	[sflag:s29] =	ssyncset.done $0x0  }
0x949: {  	s0 =	simm.s32 $0x19770;
	[sflag:s29] =	ssyncadd.s32 $0xFFFFF000  }
0x94a: {  	v0 =	vld [tilespmem:s0+$0x0]  }
0x94b: {  	v1 =	vld [tilespmem:s0+$0xFFFFFFA0]  }
0x94c: {  	v2 =	vld [tilespmem:s0+$0xFFFFFFB0]  }
0x94d: {  	v3 =	vld [tilespmem:s0+$0xFFFFFFC0]  }
0x94e: {  	v4 =	vld [tilespmem:s0+$0xFFFFFFD0]  }
0x94f: {  	v6 =	vld [tilespmem:s0+$0xFFFFFFE0]  }
0x950: {  	v7 =	vld [tilespmem:s0+$0xFFFFFFF0]  }
0x951: {  	v8 =	vld [tilespmem:s0+$0xFFFFFF90]  }
0x952: {  	v9 =	vld.idx.msk [tilespmem:v0+s28+$0x0], $0xffff  }
0x953: {  	v10 =	vld.idx.msk [tilespmem:v1+s28+$0x0], $0xffff  }
0x954: {  	v5 =	vld.idx.msk [tilespmem:v2+s28+$0x0], $0xffff  }
0x955: {  	v3 =	vld.idx.msk [tilespmem:v3+s28+$0x0], $0xffff  }
0x956: {  	v0 =	vld.idx.msk [tilespmem:v4+s28+$0x0], $0xffff  }
0x957: {  	s31 =	simm.s32 $0x1D740;
	v1 =	vld.idx.msk [tilespmem:v6+s28+$0x0], $0xffff  }
0x958: {  	v2 =	vld.idx.msk [tilespmem:v7+s28+$0x0], $0xffff;
	[tilespmem:s31+$0x30] =	vst v9  }
0x959: {  	s1 =	simm.s32 $0x197F0;
	s0 =	simm.s32 $0x0;
	v4 =	vld.idx.msk [tilespmem:v8+s28+$0x0], $0xffff;
	[tilespmem:s31+$0xFFFFFFD0] =	vst v10  }
.LBB2_100:
0x95a: {  	v6 =	vld [tilespmem:s1+$0x0];
	s0 =	sadd.s32 $0x8, s0;
	[tilespmem:s31+$0xFFFFFFE0] =	vst v5  }
0x95b: {  	v5 =	vld [tilespmem:s1+$0xFFFFFFA0];
	p5 =	slt.u32 s0, $0xF8;
	[tilespmem:s31+$0xFFFFFFF0] =	vst v3  }
0x95c: {  	v3 =	vld [tilespmem:s1+$0xFFFFFFB0];
	[tilespmem:s31+$0x0] =	vst v0  }
0x95d: {  	v0 =	vld [tilespmem:s1+$0xFFFFFFC0];
	[tilespmem:s31+$0x10] =	vst v1  }
0x95e: {  	v1 =	vld [tilespmem:s1+$0xFFFFFFD0];
	[tilespmem:s31+$0x20] =	vst v2  }
0x95f: {  	v2 =	vld [tilespmem:s1+$0xFFFFFFE0];
	[tilespmem:s31+$0xFFFFFFC0] =	vst v4  }
0x960: {  	v4 =	vld [tilespmem:s1+$0xFFFFFFF0]  }
0x961: {  	v7 =	vld [tilespmem:s1+$0xFFFFFF90]  }
0x962: {  	v6 =	vld.idx.msk [tilespmem:v6+s28+$0x0], $0xffff  }
0x963: {  	v8 =	vld.idx.msk [tilespmem:v5+s28+$0x0], $0xffff  }
0x964: {  	v5 =	vld.idx.msk [tilespmem:v3+s28+$0x0], $0xffff  }
.Ltmp49:
0x965: {  	v3 =	vld.idx.msk [tilespmem:v0+s28+$0x0], $0xffff;
	(pc) =	sbr.rel @p5 .LBB2_100-.Ltmp49, $4  }
0x966: {  	v0 =	vld.idx.msk [tilespmem:v1+s28+$0x0], $0xffff  }
0x967: {  	s31 =	sadd.s32 $0x80, s31;
	v1 =	vld.idx.msk [tilespmem:v2+s28+$0x0], $0xffff  }
0x968: {  	v2 =	vld.idx.msk [tilespmem:v4+s28+$0x0], $0xffff;
	[tilespmem:s31+$0x30] =	vst v6  }
0x969: {  	s1 =	sadd.s32 $0x80, s1;
	v4 =	vld.idx.msk [tilespmem:v7+s28+$0x0], $0xffff;
	[tilespmem:s31+$0xFFFFFFD0] =	vst v8  }
0x96a: {  	[tilespmem:s31+$0xFFFFFFE0] =	vst v5  }
0x96b: {  	[tilespmem:s31+$0xFFFFFFF0] =	vst v3  }
0x96c: {  	[tilespmem:s31+$0x0] =	vst v0  }
0x96d: {  	[tilespmem:s31+$0x10] =	vst v1  }
0x96e: {  	[tilespmem:s31+$0x20] =	vst v2  }
0x96f: {  	[tilespmem:s31+$0xFFFFFFC0] =	vst v4  }
0x970: {  	[hbm4b:s16+s20] =	stream.strided.scatter [tilespmem:s25], [sflag:$0x4], $0x1000, s21, s20, $0x38;
	[tilespmem:$0x1E700] =	vst v63  }
0x971: {  	_ =	swait.ge [sflag:s26], $0x1000  }
0x972: {  	[sflag:s26] =	ssyncset.done $0x0  }
0x973: {  	s0 =	simm.s32 $0x1A770;
	[sflag:s26] =	ssyncadd.s32 $0xFFFFF000  }
0x974: {  	v0 =	vld [tilespmem:s0+$0x0]  }
0x975: {  	v1 =	vld [tilespmem:s0+$0xFFFFFFA0]  }
0x976: {  	v2 =	vld [tilespmem:s0+$0xFFFFFFB0]  }
0x977: {  	v3 =	vld [tilespmem:s0+$0xFFFFFFC0]  }
0x978: {  	v4 =	vld [tilespmem:s0+$0xFFFFFFD0]  }
0x979: {  	v6 =	vld [tilespmem:s0+$0xFFFFFFE0]  }
0x97a: {  	v7 =	vld [tilespmem:s0+$0xFFFFFFF0]  }
0x97b: {  	v8 =	vld [tilespmem:s0+$0xFFFFFF90]  }
0x97c: {  	v9 =	vld.idx.msk [tilespmem:v0+s28+$0x0], $0xffff  }
0x97d: {  	v10 =	vld.idx.msk [tilespmem:v1+s28+$0x0], $0xffff  }
0x97e: {  	v5 =	vld.idx.msk [tilespmem:v2+s28+$0x0], $0xffff  }
0x97f: {  	v3 =	vld.idx.msk [tilespmem:v3+s28+$0x0], $0xffff  }
0x980: {  	v0 =	vld.idx.msk [tilespmem:v4+s28+$0x0], $0xffff  }
0x981: {  	s31 =	simm.s32 $0x1C740;
	v1 =	vld.idx.msk [tilespmem:v6+s28+$0x0], $0xffff  }
0x982: {  	v2 =	vld.idx.msk [tilespmem:v7+s28+$0x0], $0xffff;
	[tilespmem:s31+$0x30] =	vst v9  }
0x983: {  	s1 =	simm.s32 $0x1A7F0;
	s0 =	simm.s32 $0x0;
	v4 =	vld.idx.msk [tilespmem:v8+s28+$0x0], $0xffff;
	[tilespmem:s31+$0xFFFFFFD0] =	vst v10  }
.LBB2_102:
0x984: {  	v6 =	vld [tilespmem:s1+$0x0];
	s0 =	sadd.s32 $0x8, s0;
	[tilespmem:s31+$0xFFFFFFE0] =	vst v5  }
0x985: {  	v5 =	vld [tilespmem:s1+$0xFFFFFFA0];
	p5 =	slt.u32 s0, $0xF8;
	[tilespmem:s31+$0xFFFFFFF0] =	vst v3  }
0x986: {  	v3 =	vld [tilespmem:s1+$0xFFFFFFB0];
	[tilespmem:s31+$0x0] =	vst v0  }
0x987: {  	v0 =	vld [tilespmem:s1+$0xFFFFFFC0];
	[tilespmem:s31+$0x10] =	vst v1  }
0x988: {  	v1 =	vld [tilespmem:s1+$0xFFFFFFD0];
	[tilespmem:s31+$0x20] =	vst v2  }
0x989: {  	v2 =	vld [tilespmem:s1+$0xFFFFFFE0];
	[tilespmem:s31+$0xFFFFFFC0] =	vst v4  }
0x98a: {  	v4 =	vld [tilespmem:s1+$0xFFFFFFF0]  }
0x98b: {  	v7 =	vld [tilespmem:s1+$0xFFFFFF90]  }
0x98c: {  	v6 =	vld.idx.msk [tilespmem:v6+s28+$0x0], $0xffff  }
0x98d: {  	v8 =	vld.idx.msk [tilespmem:v5+s28+$0x0], $0xffff  }
0x98e: {  	v5 =	vld.idx.msk [tilespmem:v3+s28+$0x0], $0xffff  }
.Ltmp50:
0x98f: {  	v3 =	vld.idx.msk [tilespmem:v0+s28+$0x0], $0xffff;
	(pc) =	sbr.rel @p5 .LBB2_102-.Ltmp50, $4  }
0x990: {  	v0 =	vld.idx.msk [tilespmem:v1+s28+$0x0], $0xffff  }
0x991: {  	s31 =	sadd.s32 $0x80, s31;
	v1 =	vld.idx.msk [tilespmem:v2+s28+$0x0], $0xffff  }
0x992: {  	v2 =	vld.idx.msk [tilespmem:v4+s28+$0x0], $0xffff;
	[tilespmem:s31+$0x30] =	vst v6  }
0x993: {  	s1 =	sadd.s32 $0x80, s1;
	v4 =	vld.idx.msk [tilespmem:v7+s28+$0x0], $0xffff;
	[tilespmem:s31+$0xFFFFFFD0] =	vst v8  }
0x994: {  	[tilespmem:s31+$0xFFFFFFE0] =	vst v5  }
0x995: {  	[tilespmem:s31+$0xFFFFFFF0] =	vst v3  }
0x996: {  	[tilespmem:s31+$0x0] =	vst v0  }
0x997: {  	[tilespmem:s31+$0x10] =	vst v1  }
0x998: {  	[tilespmem:s31+$0x20] =	vst v2  }
0x999: {  	[tilespmem:s31+$0xFFFFFFC0] =	vst v4  }
0x99a: {  	[hbm4b:s17+s20] =	stream.strided.scatter [tilespmem:s24], [sflag:$0x3], $0x1000, s21, s20, $0x38;
	[tilespmem:$0x1E700] =	vst v63  }
0x99b: {  	_ =	swait.ge [sflag:s29], $0x1000  }
0x99c: {  	[sflag:s29] =	ssyncset.done $0x0  }
0x99d: {  	s0 =	simm.s32 $0x1B770;
	[sflag:s29] =	ssyncadd.s32 $0xFFFFF000  }
0x99e: {  	v0 =	vld [tilespmem:s0+$0x0]  }
0x99f: {  	v1 =	vld [tilespmem:s0+$0xFFFFFFA0]  }
0x9a0: {  	v2 =	vld [tilespmem:s0+$0xFFFFFFB0]  }
0x9a1: {  	v3 =	vld [tilespmem:s0+$0xFFFFFFC0]  }
0x9a2: {  	v4 =	vld [tilespmem:s0+$0xFFFFFFD0]  }
0x9a3: {  	v6 =	vld [tilespmem:s0+$0xFFFFFFE0]  }
0x9a4: {  	v7 =	vld [tilespmem:s0+$0xFFFFFFF0]  }
0x9a5: {  	v8 =	vld [tilespmem:s0+$0xFFFFFF90]  }
0x9a6: {  	v9 =	vld.idx.msk [tilespmem:v0+s28+$0x0], $0xffff  }
0x9a7: {  	v10 =	vld.idx.msk [tilespmem:v1+s28+$0x0], $0xffff  }
0x9a8: {  	v5 =	vld.idx.msk [tilespmem:v2+s28+$0x0], $0xffff  }
0x9a9: {  	v3 =	vld.idx.msk [tilespmem:v3+s28+$0x0], $0xffff  }
0x9aa: {  	v0 =	vld.idx.msk [tilespmem:v4+s28+$0x0], $0xffff  }
0x9ab: {  	s31 =	simm.s32 $0x1D740;
	v1 =	vld.idx.msk [tilespmem:v6+s28+$0x0], $0xffff  }
0x9ac: {  	v2 =	vld.idx.msk [tilespmem:v7+s28+$0x0], $0xffff;
	[tilespmem:s31+$0x30] =	vst v9  }
0x9ad: {  	s1 =	simm.s32 $0x1B7F0;
	s0 =	simm.s32 $0x0;
	v4 =	vld.idx.msk [tilespmem:v8+s28+$0x0], $0xffff;
	[tilespmem:s31+$0xFFFFFFD0] =	vst v10  }
.LBB2_104:
0x9ae: {  	v6 =	vld [tilespmem:s1+$0x0];
	s0 =	sadd.s32 $0x8, s0;
	[tilespmem:s31+$0xFFFFFFE0] =	vst v5  }
0x9af: {  	v5 =	vld [tilespmem:s1+$0xFFFFFFA0];
	p5 =	slt.u32 s0, $0xF8;
	[tilespmem:s31+$0xFFFFFFF0] =	vst v3  }
0x9b0: {  	v3 =	vld [tilespmem:s1+$0xFFFFFFB0];
	[tilespmem:s31+$0x0] =	vst v0  }
0x9b1: {  	v0 =	vld [tilespmem:s1+$0xFFFFFFC0];
	[tilespmem:s31+$0x10] =	vst v1  }
0x9b2: {  	v1 =	vld [tilespmem:s1+$0xFFFFFFD0];
	[tilespmem:s31+$0x20] =	vst v2  }
0x9b3: {  	v2 =	vld [tilespmem:s1+$0xFFFFFFE0];
	[tilespmem:s31+$0xFFFFFFC0] =	vst v4  }
0x9b4: {  	v4 =	vld [tilespmem:s1+$0xFFFFFFF0]  }
0x9b5: {  	v7 =	vld [tilespmem:s1+$0xFFFFFF90]  }
0x9b6: {  	v6 =	vld.idx.msk [tilespmem:v6+s28+$0x0], $0xffff  }
0x9b7: {  	v8 =	vld.idx.msk [tilespmem:v5+s28+$0x0], $0xffff  }
0x9b8: {  	v5 =	vld.idx.msk [tilespmem:v3+s28+$0x0], $0xffff  }
.Ltmp51:
0x9b9: {  	v3 =	vld.idx.msk [tilespmem:v0+s28+$0x0], $0xffff;
	(pc) =	sbr.rel @p5 .LBB2_104-.Ltmp51, $4  }
0x9ba: {  	v0 =	vld.idx.msk [tilespmem:v1+s28+$0x0], $0xffff  }
0x9bb: {  	s31 =	sadd.s32 $0x80, s31;
	v1 =	vld.idx.msk [tilespmem:v2+s28+$0x0], $0xffff  }
0x9bc: {  	v2 =	vld.idx.msk [tilespmem:v4+s28+$0x0], $0xffff;
	[tilespmem:s31+$0x30] =	vst v6  }
0x9bd: {  	s1 =	sadd.s32 $0x80, s1;
	v4 =	vld.idx.msk [tilespmem:v7+s28+$0x0], $0xffff;
	[tilespmem:s31+$0xFFFFFFD0] =	vst v8  }
0x9be: {  	[tilespmem:s31+$0xFFFFFFE0] =	vst v5  }
0x9bf: {  	[tilespmem:s31+$0xFFFFFFF0] =	vst v3  }
0x9c0: {  	[tilespmem:s31+$0x0] =	vst v0  }
0x9c1: {  	[tilespmem:s31+$0x10] =	vst v1  }
0x9c2: {  	[tilespmem:s31+$0x20] =	vst v2  }
0x9c3: {  	s30 =	sadd.s32 $0x1, s30;
	[tilespmem:s31+$0xFFFFFFC0] =	vst v4  }
0x9c4: {  	[hbm4b:s18+s20] =	stream.strided.scatter [tilespmem:s25], [sflag:$0x4], $0x1000, s21, s20, $0x38;
	[tilespmem:$0x1E700] =	vst v63  }
0x9c5: {  	p5 =	sne.s32 s30, s19;
	_ =	swait.ge [sflag:s26], $0x1000  }
.Ltmp52:
0x9c6: {  	[sflag:s26] =	ssyncset.done $0x0;
	(pc) =	sbr.rel @p5 .LBB2_1-.Ltmp52, $4  }
0x9c7: {  	[sflag:s26] =	ssyncadd.s32 $0xFFFFF000  }
0x9c8: {  	_ =	swait.ge [sflag:s29], $0x1000  }
0x9c9: {  	[sflag:s29] =	ssyncset.done $0x0  }
0x9ca: {  	[sflag:s29] =	ssyncadd.s32 $0xFFFFF000  }
0x9cb: {  	_ =	sfence.sel $0x180000  }
0x9cc: {  	[bflag:$0x0] =	sbarrier.arrive $0xFFFF  }
0x9cd: {  	_ =	strace $0x90000047  }
0x9ce: {  	s0 =	stileid.u32;
	[bflag:$0x2] =	sbarrier.arrive $0xFFFF  }
0x9cf: {  	p0 =	sne.s32 s0, $0x0;
	s0 =	rddreg [dreg:$0x3]  }
0x9d0: {  	s0 =	sadd.s32 @!p0 $0x100000, s0  }
0x9d1: {  	[sflag:s0] =	ssyncadd.tile.s32 @!p0 $0x1;
	_ =	shalt  }
.Lfunc_end2:
_tile_overlayer_lowered:
.L_overlay_start_2:
0x9d2: {  	(tag) =	ssettag $0x2  }
0x9d3: {  	s0 =	rddreg [dreg:$0x0];
	s2 =	stileid.u32  }
0x9d4: {  	s1 =	rddreg [dreg:$0x1];
	p0 =	sne.s32 s2, $0x0  }
0x9d5: {  	s3 =	rddreg [dreg:$0x2];
	[bflag:$0x3] =	sbarrier.arrive $0xFFFF;
	s2 =	simm.s32 @!p0 $0x1C05  }
0x9d6: {  	[timem:s3], [sflag:s2] =	dma.local @!p0 [hbm:s0], s1  }
0x9d7: {  	s0 =	simm.s32 @!p0 $0x5  }
0x9d8: {  	_ =	swait.ge @!p0 [sflag:s0], s1  }
0x9d9: {  	s1 =	ssub.s32 @!p0 $0x0, s1;
	[sflag:s0] =	ssyncset.done @!p0 $0x0  }
0x9da: {  	[sflag:s0] =	ssyncadd.s32 @!p0 s1  }
0x9db: {  	[bflag:$0x3] =	sbarrier.arrive $0xFFFF  }
0x9dc: {  	_ =	shalt  }

</sc_bundles>
